<compile_context>
chip_gen: v7x
topology: tpu7x:2x2x1
jax: 0.10.2.dev20260603
libtpu: 0.0.44.dev20260713+nightly
codegen_flags: <defaults>
</compile_context>

<pallas_src>
import functools

import jax
import jax.numpy as jnp
from jax import lax
from jax.experimental import pallas as pl
from jax.experimental.pallas import tpu as pltpu
from jax.experimental.pallas import tpu_sc as plsc

BATCH = 4
SEQ = 8192
DIM = 32
ORIG_PE = 4096
N = BATCH * SEQ
V = 135168
VG = V // 4

NUM_CORES = 2
NUM_SUBCORES = 16
LANES = 16

CHUNK = N // NUM_SUBCORES
PROWS = CHUNK // 128
GCH = 16
PSPAN = V // NUM_SUBCORES
SLABW = 384
NSLAB = PSPAN // SLABW
BROWS = SLABW // 4
TW = 256

_mesh = plsc.VectorSubcoreMesh(core_axis_name="c", subcore_axis_name="s")


def _transpose_table(tbl, scr, slabs, blocks, lane, lsems, ssems, s):
    p0 = pl.multiple_of(s * PSPAN, 128)
    r0 = pl.multiple_of(s * (PSPAN // 4), 8)

    def fire_slab(t, buf, lsem):
        src = pl.ds(pl.multiple_of(p0 + t * SLABW, 128), SLABW)
        for tr in range(4):
            pltpu.async_copy(tbl.at[pl.ds(8 * tr, 8), src],
                             buf.at[pl.ds(8 * tr, 8), pl.ds(0, SLABW)], lsem)

    for par in range(2):
        fire_slab(par, slabs[par], lsems[par])

    def body(u):
        for par in range(2):
            slab, block = slabs[par], blocks[par]
            lsem, ssem = lsems[par], ssems[par]
            t = 2 * u + par
            for tr in range(4):
                pltpu.make_async_copy(
                    tbl.at[pl.ds(8 * tr, 8), pl.ds(p0, SLABW)],
                    slab.at[pl.ds(8 * tr, 8), pl.ds(0, SLABW)], lsem).wait()

            @pl.when(u > 0)
            def _(block=block, ssem=ssem):
                pltpu.make_async_copy(
                    block, scr.at[pl.ds(r0, BROWS)], ssem).wait()

            @plsc.parallel_loop(0, SLABW * 2, unroll=4)
            def _(i, slab=slab, block=block):
                h = i & 1
                j = lax.shift_right_logical(i, 1)
                cb = lane + h * LANES
                jv = jnp.full((LANES,), j, jnp.int32)
                v = plsc.load_gather(slab, [cb, jv])
                block[lax.shift_right_logical(j, 2),
                      pl.ds((j & 3) * DIM + h * LANES, LANES)] = v

            pltpu.async_copy(
                block,
                scr.at[pl.ds(pl.multiple_of(r0 + t * BROWS, 8), BROWS)],
                ssem)

            @pl.when(u + 1 < NSLAB // 2)
            def _(slab=slab, lsem=lsem, t=t):
                fire_slab(t + 2, slab, lsem)

    pl.loop(0, NSLAB // 2)(body)
    for par in range(2):
        pltpu.make_async_copy(
            blocks[par], scr.at[pl.ds(r0, BROWS)], ssems[par]).wait()


def _gather_positions(scr, out, gidx, sub_v, gbufs, tbuf, gsem, tsem,
                      jbase, s):
    b = s // 4
    sb = pl.multiple_of((s % 4) * CHUNK, 128)

    def body(u):
        gds = [pltpu.async_copy(scr.at[gidx.at[2 * u + par]],
                                gbufs[par], gsem)
               for par in range(2)]

        @pl.when(u > 0)
        def _():
            pltpu.make_async_copy(
                tbuf, out.at[b, :, pl.ds(sb, TW)], tsem).wait()

        for par in range(2):
            gds[par].wait()
            gath = gbufs[par]
            col0 = par * 128

            @plsc.parallel_loop(0, DIM, unroll=2)
            def _(cc, gath=gath, par=par, col0=col0):
                r = 2 * u + par
                for q in range(8):
                    subq = sub_v[r, pl.ds(q * LANES, LANES)]
                    v = plsc.load_gather(gath, [jbase[q], subq + cc])
                    tbuf[cc, pl.ds(col0 + q * LANES, LANES)] = v

        pltpu.async_copy(
            tbuf,
            out.at[b, :, pl.ds(pl.multiple_of(sb + u * TW, 128), TW)],
            tsem)

    pl.loop(0, GCH // 2)(body)
    pltpu.make_async_copy(tbuf, out.at[b, :, pl.ds(sb, TW)], tsem).wait()


@functools.partial(
    pl.kernel,
    mesh=_mesh,
    compiler_params=pltpu.CompilerParams(needs_layout_passes=False,
                                         use_tc_tiling_on_sc=True),
    out_type=[
        jax.ShapeDtypeStruct((BATCH, DIM, SEQ), jnp.float32),
        jax.ShapeDtypeStruct((BATCH, DIM, SEQ), jnp.float32),
        jax.ShapeDtypeStruct((VG, 128), jnp.float32),
        jax.ShapeDtypeStruct((VG, 128), jnp.float32),
    ],
    scratch_types=[
        pltpu.VMEM((PROWS, 128), jnp.int32),
        pltpu.VMEM((PROWS, 128), jnp.int32),
        pltpu.VMEM((PROWS, 128), jnp.int32),
        pltpu.VMEM((DIM, SLABW + 1), jnp.float32),
        pltpu.VMEM((DIM, SLABW + 1), jnp.float32),
        pltpu.VMEM((BROWS, 128), jnp.float32),
        pltpu.VMEM((BROWS, 128), jnp.float32),
        pltpu.VMEM((128, 128), jnp.float32),
        pltpu.VMEM((128, 128), jnp.float32),
        pltpu.VMEM((DIM, TW), jnp.float32),
        pltpu.VMEM((LANES,), jnp.int32),
        pltpu.VMEM((NUM_SUBCORES, LANES), jnp.int32),
        pltpu.VMEM_SHARED((NUM_SUBCORES, LANES), jnp.int32),
        pltpu.SemaphoreType.DMA,
        pltpu.SemaphoreType.DMA,
        pltpu.SemaphoreType.DMA,
        pltpu.SemaphoreType.DMA,
        pltpu.SemaphoreType.DMA,
        pltpu.SemaphoreType.DMA,
    ],
)
def _rope_fused(pids_hbm, cosT, sinT, cos_out, sin_out, cos_scr, sin_scr,
                pids_v, gidx, sub_v, slab0, slab1, block0, block1, g0, g1,
                tbuf, maxv, allmax, shared_max,
                lsem0, lsem1, ssem0, ssem1, gsem, tsem):
    c = lax.axis_index("c")
    s = lax.axis_index("s")

    lane = lax.iota(jnp.int32, LANES)
    cbase = [(k * LANES + lane) & (DIM - 1) for k in range(8)]
    lbase = [lax.shift_right_logical(k * LANES + lane, 5) for k in range(8)]
    jbase = [q * LANES + lane for q in range(8)]

    pltpu.sync_copy(pids_hbm.at[pl.ds(pl.multiple_of(s * PROWS, 8), PROWS)],
                    pids_v)
    m = pids_v[0, pl.ds(0, LANES)]
    for r in range(PROWS):
        for k in range(8):
            m = jnp.maximum(m, pids_v[r, pl.ds(k * LANES, LANES)])
    maxv[...] = m
    pltpu.sync_copy(maxv, shared_max.at[s])

    @pl.when(c == 0)
    def _():
        _transpose_table(cosT, cos_scr, (slab0, slab1), (block0, block1),
                         lane, (lsem0, lsem1), (ssem0, ssem1), s)

    @pl.when(c == 1)
    def _():
        _transpose_table(sinT, sin_scr, (slab0, slab1), (block0, block1),
                         lane, (lsem0, lsem1), (ssem0, ssem1), s)

    plsc.subcore_barrier()

    pltpu.sync_copy(shared_max, allmax)
    g = allmax[0, pl.ds(0, LANES)]
    for r in range(1, NUM_SUBCORES):
        g = jnp.maximum(g, allmax[r, pl.ds(0, LANES)])
    for sh in (8, 4, 2, 1):
        maxv[...] = g
        g = jnp.maximum(g, plsc.load_gather(maxv, [(lane + sh) & (LANES - 1)]))
    off = jnp.where(g >= ORIG_PE, jnp.int32(ORIG_PE), jnp.int32(0))

    def idx_prep(r):
        for k in range(8):
            sl = pl.ds(k * LANES, LANES)
            p = pids_v[r, sl] + off
            gidx[r, sl] = lax.shift_right_logical(p, 2)
            sub_v[r, sl] = lax.shift_left(p & 3, 5)

    pl.loop(0, PROWS)(idx_prep)

    @pl.when(c == 0)
    def _():
        _gather_positions(cos_scr, cos_out, gidx, sub_v, (g0, g1), tbuf,
                          gsem, tsem, jbase, s)

    @pl.when(c == 1)
    def _():
        _gather_positions(sin_scr, sin_out, gidx, sub_v, (g0, g1), tbuf,
                          gsem, tsem, jbase, s)


def kernel(position_ids, cos_cache, sin_cache):
    pids = position_ids.reshape(N // 128, 128)
    cos_p, sin_p, _, _ = _rope_fused(pids, cos_cache.T, sin_cache.T)
    return (jnp.transpose(cos_p, (0, 2, 1)),
            jnp.transpose(sin_p, (0, 2, 1)))

# --- scband reference (transcript-rebuilt; emitter-appended) ---
"""Pipeline reference for scband-long-rope-28930899706036 (READ-ONLY COPY).

The authoritative reference and input builder live on the scoring server;
editing this copy changes nothing except your own understanding.
"""

import math
import jax, jax.numpy as jnp
import numpy as np

HEAD_DIM = 128
PARTIAL_ROTARY_FACTOR = 0.5
ROPE_THETA = 10000.0
MAX_PE = 131072
ORIG_PE = 4096
BATCH = 4
SEQ = 8192


def _build_caches():
    dim = int(HEAD_DIM * PARTIAL_ROTARY_FACTOR)  # 64
    inv_freq = 1.0 / (ROPE_THETA ** (np.arange(0, dim, 2, dtype=np.float64) / dim))  # [32]
    short_factor = np.ones(dim // 2, dtype=np.float64)
    long_factor = np.full(dim // 2, 4.0, dtype=np.float64)
    factor = MAX_PE / ORIG_PE
    if factor <= 1.0:
        attention_factor = 1.0
    else:
        attention_factor = math.sqrt(1.0 + math.log(factor) / math.log(ORIG_PE))
    # short cache over original max positions
    pos_s = np.arange(ORIG_PE, dtype=np.float64)
    ang_s = np.outer(pos_s, inv_freq / short_factor)
    # long cache over extended max positions
    pos_l = np.arange(MAX_PE, dtype=np.float64)
    ang_l = np.outer(pos_l, inv_freq / long_factor)
    cos = np.concatenate([np.cos(ang_s) * attention_factor, np.cos(ang_l) * attention_factor], axis=0).astype(np.float32)
    sin = np.concatenate([np.sin(ang_s) * attention_factor, np.sin(ang_l) * attention_factor], axis=0).astype(np.float32)
    return jnp.asarray(cos), jnp.asarray(sin)


def setup_inputs(seed: int = 0) -> dict:
    key = jax.random.key(seed)
    position_ids = jax.random.randint(key, (BATCH, SEQ), 0, MAX_PE, dtype=jnp.int32)
    cos_cache, sin_cache = _build_caches()
    return {"position_ids": position_ids, "cos_cache": cos_cache, "sin_cache": sin_cache}


def reference(position_ids, cos_cache, sin_cache):
    # has_long_cache path: if any position exceeds original max, shift indices into the long cache region
    use_long = (jnp.max(position_ids) >= ORIG_PE).astype(position_ids.dtype)
    pids = position_ids + use_long * ORIG_PE
    cos = jnp.take(cos_cache, pids, axis=0)  # [B, S, 32]
    sin = jnp.take(sin_cache, pids, axis=0)  # [B, S, 32]
    return cos, sin

if __name__ == "__main__":
    import jax
    _d = setup_inputs()
    print(jax.jit(kernel)(*tuple(_d.values())))

</pallas_src>

<mosaic_0001>
#map = affine_map<(d0, d1) -> (0, 0)>
#map1 = affine_map<(d0, d1) -> (0, 0, 0)>
module attributes {stable_mosaic.version = 14 : i64} {
  func.func @_rope_fused(%arg0: i32, %arg1: i32, %arg2: memref<256x128xi32, #tpu.memory_space<hbm>>, %arg3: memref<32x135168xf32, #tpu.memory_space<hbm>>, %arg4: memref<32x135168xf32, #tpu.memory_space<hbm>>, %arg5: memref<4x32x8192xf32, #tpu.memory_space<hbm>>, %arg6: memref<4x32x8192xf32, #tpu.memory_space<hbm>>, %arg7: memref<33792x128xf32, #tpu.memory_space<hbm>>, %arg8: memref<33792x128xf32, #tpu.memory_space<hbm>>, %arg9: memref<16x128xi32, #tpu.memory_space<vmem>>, %arg10: memref<16x128xi32, #tpu.memory_space<vmem>>, %arg11: memref<16x128xi32, #tpu.memory_space<vmem>>, %arg12: memref<32x385xf32, #tpu.memory_space<vmem>>, %arg13: memref<32x385xf32, #tpu.memory_space<vmem>>, %arg14: memref<96x128xf32, #tpu.memory_space<vmem>>, %arg15: memref<96x128xf32, #tpu.memory_space<vmem>>, %arg16: memref<128x128xf32, #tpu.memory_space<vmem>>, %arg17: memref<128x128xf32, #tpu.memory_space<vmem>>, %arg18: memref<32x256xf32, #tpu.memory_space<vmem>>, %arg19: memref<16xi32, #tpu.memory_space<vmem>>, %arg20: memref<16x16xi32, #tpu.memory_space<vmem>>, %arg21: memref<16x16xi32, #tpu.memory_space<vmem_shared>>, %arg22: memref<!tpu.dma_semaphore, #tpu.memory_space<semaphore_mem>>, %arg23: memref<!tpu.dma_semaphore, #tpu.memory_space<semaphore_mem>>, %arg24: memref<!tpu.dma_semaphore, #tpu.memory_space<semaphore_mem>>, %arg25: memref<!tpu.dma_semaphore, #tpu.memory_space<semaphore_mem>>, %arg26: memref<!tpu.dma_semaphore, #tpu.memory_space<semaphore_mem>>, %arg27: memref<!tpu.dma_semaphore, #tpu.memory_space<semaphore_mem>>) attributes {dimension_semantics = [#tpu.dimension_semantics<core_parallel>, #tpu.dimension_semantics<subcore_parallel>], iteration_bounds = array<i64: 2, 16>, scalar_prefetch = 0 : i64, scratch_operands = 19 : i64, tpu.core_type = #tpu.core_type<sc_vector_subcore>, window_params = [{transform_indices = #map}, {transform_indices = #map}, {transform_indices = #map}, {transform_indices = #map1}, {transform_indices = #map1}, {transform_indices = #map}, {transform_indices = #map}]} {
    %iota3A = tpu.iota {dimensions = array<i32: 0>} : vector<16xi32>
    %add3A = arith.constant 0 : i32
    %add3A_0 = vector.broadcast %add3A : i32 to vector<16xi32>
    %add3A_1 = arith.addi %add3A_0, %iota3A : vector<16xi32>
    %and3A = arith.constant 31 : i32
    %and3A_2 = vector.broadcast %and3A : i32 to vector<16xi32>
    %and3A_3 = arith.andi %add3A_1, %and3A_2 : vector<16xi32>
    %add3A_4 = arith.constant 16 : i32
    %add3A_5 = vector.broadcast %add3A_4 : i32 to vector<16xi32>
    %add3A_6 = arith.addi %add3A_5, %iota3A : vector<16xi32>
    %and3A_7 = arith.constant 31 : i32
    %and3A_8 = vector.broadcast %and3A_7 : i32 to vector<16xi32>
    %and3A_9 = arith.andi %add3A_6, %and3A_8 : vector<16xi32>
    %add3A_10 = arith.constant 32 : i32
    %add3A_11 = vector.broadcast %add3A_10 : i32 to vector<16xi32>
    %add3A_12 = arith.addi %add3A_11, %iota3A : vector<16xi32>
    %and3A_13 = arith.constant 31 : i32
    %and3A_14 = vector.broadcast %and3A_13 : i32 to vector<16xi32>
    %and3A_15 = arith.andi %add3A_12, %and3A_14 : vector<16xi32>
    %add3A_16 = arith.constant 48 : i32
    %add3A_17 = vector.broadcast %add3A_16 : i32 to vector<16xi32>
    %add3A_18 = arith.addi %add3A_17, %iota3A : vector<16xi32>
    %and3A_19 = arith.constant 31 : i32
    %and3A_20 = vector.broadcast %and3A_19 : i32 to vector<16xi32>
    %and3A_21 = arith.andi %add3A_18, %and3A_20 : vector<16xi32>
    %add3A_22 = arith.constant 64 : i32
    %add3A_23 = vector.broadcast %add3A_22 : i32 to vector<16xi32>
    %add3A_24 = arith.addi %add3A_23, %iota3A : vector<16xi32>
    %and3A_25 = arith.constant 31 : i32
    %and3A_26 = vector.broadcast %and3A_25 : i32 to vector<16xi32>
    %and3A_27 = arith.andi %add3A_24, %and3A_26 : vector<16xi32>
    %add3A_28 = arith.constant 80 : i32
    %add3A_29 = vector.broadcast %add3A_28 : i32 to vector<16xi32>
    %add3A_30 = arith.addi %add3A_29, %iota3A : vector<16xi32>
    %and3A_31 = arith.constant 31 : i32
    %and3A_32 = vector.broadcast %and3A_31 : i32 to vector<16xi32>
    %and3A_33 = arith.andi %add3A_30, %and3A_32 : vector<16xi32>
    %add3A_34 = arith.constant 96 : i32
    %add3A_35 = vector.broadcast %add3A_34 : i32 to vector<16xi32>
    %add3A_36 = arith.addi %add3A_35, %iota3A : vector<16xi32>
    %and3A_37 = arith.constant 31 : i32
    %and3A_38 = vector.broadcast %and3A_37 : i32 to vector<16xi32>
    %and3A_39 = arith.andi %add3A_36, %and3A_38 : vector<16xi32>
    %add3A_40 = arith.constant 112 : i32
    %add3A_41 = vector.broadcast %add3A_40 : i32 to vector<16xi32>
    %add3A_42 = arith.addi %add3A_41, %iota3A : vector<16xi32>
    %and3A_43 = arith.constant 31 : i32
    %and3A_44 = vector.broadcast %and3A_43 : i32 to vector<16xi32>
    %and3A_45 = arith.andi %add3A_42, %and3A_44 : vector<16xi32>
    %add3A_46 = arith.constant 0 : i32
    %add3A_47 = vector.broadcast %add3A_46 : i32 to vector<16xi32>
    %add3A_48 = arith.addi %add3A_47, %iota3A : vector<16xi32>
    %shift_right_logical3A = arith.constant 5 : i32
    %shift_right_logical3A_49 = vector.broadcast %shift_right_logical3A : i32 to vector<16xi32>
    %shift_right_logical3A_50 = arith.shrui %add3A_48, %shift_right_logical3A_49 : vector<16xi32>
    %add3A_51 = arith.constant 16 : i32
    %add3A_52 = vector.broadcast %add3A_51 : i32 to vector<16xi32>
    %add3A_53 = arith.addi %add3A_52, %iota3A : vector<16xi32>
    %shift_right_logical3A_54 = arith.constant 5 : i32
    %shift_right_logical3A_55 = vector.broadcast %shift_right_logical3A_54 : i32 to vector<16xi32>
    %shift_right_logical3A_56 = arith.shrui %add3A_53, %shift_right_logical3A_55 : vector<16xi32>
    %add3A_57 = arith.constant 32 : i32
    %add3A_58 = vector.broadcast %add3A_57 : i32 to vector<16xi32>
    %add3A_59 = arith.addi %add3A_58, %iota3A : vector<16xi32>
    %shift_right_logical3A_60 = arith.constant 5 : i32
    %shift_right_logical3A_61 = vector.broadcast %shift_right_logical3A_60 : i32 to vector<16xi32>
    %shift_right_logical3A_62 = arith.shrui %add3A_59, %shift_right_logical3A_61 : vector<16xi32>
    %add3A_63 = arith.constant 48 : i32
    %add3A_64 = vector.broadcast %add3A_63 : i32 to vector<16xi32>
    %add3A_65 = arith.addi %add3A_64, %iota3A : vector<16xi32>
    %shift_right_logical3A_66 = arith.constant 5 : i32
    %shift_right_logical3A_67 = vector.broadcast %shift_right_logical3A_66 : i32 to vector<16xi32>
    %shift_right_logical3A_68 = arith.shrui %add3A_65, %shift_right_logical3A_67 : vector<16xi32>
    %add3A_69 = arith.constant 64 : i32
    %add3A_70 = vector.broadcast %add3A_69 : i32 to vector<16xi32>
    %add3A_71 = arith.addi %add3A_70, %iota3A : vector<16xi32>
    %shift_right_logical3A_72 = arith.constant 5 : i32
    %shift_right_logical3A_73 = vector.broadcast %shift_right_logical3A_72 : i32 to vector<16xi32>
    %shift_right_logical3A_74 = arith.shrui %add3A_71, %shift_right_logical3A_73 : vector<16xi32>
    %add3A_75 = arith.constant 80 : i32
    %add3A_76 = vector.broadcast %add3A_75 : i32 to vector<16xi32>
    %add3A_77 = arith.addi %add3A_76, %iota3A : vector<16xi32>
    %shift_right_logical3A_78 = arith.constant 5 : i32
    %shift_right_logical3A_79 = vector.broadcast %shift_right_logical3A_78 : i32 to vector<16xi32>
    %shift_right_logical3A_80 = arith.shrui %add3A_77, %shift_right_logical3A_79 : vector<16xi32>
    %add3A_81 = arith.constant 96 : i32
    %add3A_82 = vector.broadcast %add3A_81 : i32 to vector<16xi32>
    %add3A_83 = arith.addi %add3A_82, %iota3A : vector<16xi32>
    %shift_right_logical3A_84 = arith.constant 5 : i32
    %shift_right_logical3A_85 = vector.broadcast %shift_right_logical3A_84 : i32 to vector<16xi32>
    %shift_right_logical3A_86 = arith.shrui %add3A_83, %shift_right_logical3A_85 : vector<16xi32>
    %add3A_87 = arith.constant 112 : i32
    %add3A_88 = vector.broadcast %add3A_87 : i32 to vector<16xi32>
    %add3A_89 = arith.addi %add3A_88, %iota3A : vector<16xi32>
    %shift_right_logical3A_90 = arith.constant 5 : i32
    %shift_right_logical3A_91 = vector.broadcast %shift_right_logical3A_90 : i32 to vector<16xi32>
    %shift_right_logical3A_92 = arith.shrui %add3A_89, %shift_right_logical3A_91 : vector<16xi32>
    %add3A_93 = arith.constant 0 : i32
    %add3A_94 = vector.broadcast %add3A_93 : i32 to vector<16xi32>
    %add3A_95 = arith.addi %add3A_94, %iota3A : vector<16xi32>
    %add3A_96 = arith.constant 16 : i32
    %add3A_97 = vector.broadcast %add3A_96 : i32 to vector<16xi32>
    %add3A_98 = arith.addi %add3A_97, %iota3A : vector<16xi32>
    %add3A_99 = arith.constant 32 : i32
    %add3A_100 = vector.broadcast %add3A_99 : i32 to vector<16xi32>
    %add3A_101 = arith.addi %add3A_100, %iota3A : vector<16xi32>
    %add3A_102 = arith.constant 48 : i32
    %add3A_103 = vector.broadcast %add3A_102 : i32 to vector<16xi32>
    %add3A_104 = arith.addi %add3A_103, %iota3A : vector<16xi32>
    %add3A_105 = arith.constant 64 : i32
    %add3A_106 = vector.broadcast %add3A_105 : i32 to vector<16xi32>
    %add3A_107 = arith.addi %add3A_106, %iota3A : vector<16xi32>
    %add3A_108 = arith.constant 80 : i32
    %add3A_109 = vector.broadcast %add3A_108 : i32 to vector<16xi32>
    %add3A_110 = arith.addi %add3A_109, %iota3A : vector<16xi32>
    %add3A_111 = arith.constant 96 : i32
    %add3A_112 = vector.broadcast %add3A_111 : i32 to vector<16xi32>
    %add3A_113 = arith.addi %add3A_112, %iota3A : vector<16xi32>
    %add3A_114 = arith.constant 112 : i32
    %add3A_115 = vector.broadcast %add3A_114 : i32 to vector<16xi32>
    %add3A_116 = arith.addi %add3A_115, %iota3A : vector<16xi32>
    %mul3A = arith.constant 16 : i32
    %mul3A_117 = arith.muli %arg1, %mul3A : i32
    %multiple_of3A = tpu.assume_multiple %mul3A_117, 8 : i32
    "tpu.region"() ({
      %run_scoped3A = tpu.sem_alloc : memref<!tpu.dma_semaphore, #tpu.memory_space<semaphore_mem>>
      %dma_start3A = arith.constant 0 : i32
      %dma_start3A_904 = tpu.memref_slice %arg2[%multiple_of3A, %dma_start3A] : memref<256x128xi32, #tpu.memory_space<hbm>> -> memref<16x128xi32, #tpu.memory_space<hbm>>
      %dma_start3A_905 = arith.constant 0 : i32
      %dma_start3A_906 = tpu.memref_slice %arg2[%multiple_of3A, %dma_start3A_905] : memref<256x128xi32, #tpu.memory_space<hbm>> -> memref<16x128xi32, #tpu.memory_space<hbm>>
      tpu.enqueue_dma source(%dma_start3A_906 : memref<16x128xi32, #tpu.memory_space<hbm>>) target(%arg9 : memref<16x128xi32, #tpu.memory_space<vmem>>) target_semaphore(%run_scoped3A : memref<!tpu.dma_semaphore, #tpu.memory_space<semaphore_mem>>)
      %dma_wait3A = arith.constant 0 : i32
      %dma_wait3A_907 = tpu.memref_slice %arg2[%multiple_of3A, %dma_wait3A] : memref<256x128xi32, #tpu.memory_space<hbm>> -> memref<16x128xi32, #tpu.memory_space<hbm>>
      %dma_wait3A_908 = arith.constant 0 : i32
      %dma_wait3A_909 = tpu.memref_slice %arg2[%multiple_of3A, %dma_wait3A_908] : memref<256x128xi32, #tpu.memory_space<hbm>> -> memref<16x128xi32, #tpu.memory_space<hbm>>
      tpu.wait_dma2 semaphore(%run_scoped3A : memref<!tpu.dma_semaphore, #tpu.memory_space<semaphore_mem>>) src(%dma_wait3A_909 : memref<16x128xi32, #tpu.memory_space<hbm>>) dst(%arg9 : memref<16x128xi32, #tpu.memory_space<vmem>>)
      tpu.yield
    }) : () -> ()
    %get3A = arith.constant 0 : i32
    %get3A_118 = arith.index_cast %get3A : i32 to index
    %get3A_119 = arith.constant 0 : index
    %get3A_120 = tpu.vector_load %arg9[%get3A_118, %get3A_119] {strides = array<i32>} : memref<16x128xi32, #tpu.memory_space<vmem>>, vector<16xi32>,
    %get3A_121 = arith.constant 0 : i32
    %get3A_122 = arith.index_cast %get3A_121 : i32 to index
    %get3A_123 = arith.constant 0 : index
    %get3A_124 = tpu.vector_load %arg9[%get3A_122, %get3A_123] {strides = array<i32>} : memref<16x128xi32, #tpu.memory_space<vmem>>, vector<16xi32>,
    %max3A = arith.maxsi %get3A_120, %get3A_124 : vector<16xi32>
    %get3A_125 = arith.constant 0 : i32
    %get3A_126 = arith.index_cast %get3A_125 : i32 to index
    %get3A_127 = arith.constant 16 : index
    %get3A_128 = tpu.vector_load %arg9[%get3A_126, %get3A_127] {strides = array<i32>} : memref<16x128xi32, #tpu.memory_space<vmem>>, vector<16xi32>,
    %max3A_129 = arith.maxsi %max3A, %get3A_128 : vector<16xi32>
    %get3A_130 = arith.constant 0 : i32
    %get3A_131 = arith.index_cast %get3A_130 : i32 to index
    %get3A_132 = arith.constant 32 : index
    %get3A_133 = tpu.vector_load %arg9[%get3A_131, %get3A_132] {strides = array<i32>} : memref<16x128xi32, #tpu.memory_space<vmem>>, vector<16xi32>,
    %max3A_134 = arith.maxsi %max3A_129, %get3A_133 : vector<16xi32>
    %get3A_135 = arith.constant 0 : i32
    %get3A_136 = arith.index_cast %get3A_135 : i32 to index
    %get3A_137 = arith.constant 48 : index
    %get3A_138 = tpu.vector_load %arg9[%get3A_136, %get3A_137] {strides = array<i32>} : memref<16x128xi32, #tpu.memory_space<vmem>>, vector<16xi32>,
    %max3A_139 = arith.maxsi %max3A_134, %get3A_138 : vector<16xi32>
    %get3A_140 = arith.constant 0 : i32
    %get3A_141 = arith.index_cast %get3A_140 : i32 to index
    %get3A_142 = arith.constant 64 : index
    %get3A_143 = tpu.vector_load %arg9[%get3A_141, %get3A_142] {strides = array<i32>} : memref<16x128xi32, #tpu.memory_space<vmem>>, vector<16xi32>,
    %max3A_144 = arith.maxsi %max3A_139, %get3A_143 : vector<16xi32>
    %get3A_145 = arith.constant 0 : i32
    %get3A_146 = arith.index_cast %get3A_145 : i32 to index
    %get3A_147 = arith.constant 80 : index
    %get3A_148 = tpu.vector_load %arg9[%get3A_146, %get3A_147] {strides = array<i32>} : memref<16x128xi32, #tpu.memory_space<vmem>>, vector<16xi32>,
    %max3A_149 = arith.maxsi %max3A_144, %get3A_148 : vector<16xi32>
    %get3A_150 = arith.constant 0 : i32
    %get3A_151 = arith.index_cast %get3A_150 : i32 to index
    %get3A_152 = arith.constant 96 : index
    %get3A_153 = tpu.vector_load %arg9[%get3A_151, %get3A_152] {strides = array<i32>} : memref<16x128xi32, #tpu.memory_space<vmem>>, vector<16xi32>,
    %max3A_154 = arith.maxsi %max3A_149, %get3A_153 : vector<16xi32>
    %get3A_155 = arith.constant 0 : i32
    %get3A_156 = arith.index_cast %get3A_155 : i32 to index
    %get3A_157 = arith.constant 112 : index
    %get3A_158 = tpu.vector_load %arg9[%get3A_156, %get3A_157] {strides = array<i32>} : memref<16x128xi32, #tpu.memory_space<vmem>>, vector<16xi32>,
    %max3A_159 = arith.maxsi %max3A_154, %get3A_158 : vector<16xi32>
    %get3A_160 = arith.constant 1 : i32
    %get3A_161 = arith.index_cast %get3A_160 : i32 to index
    %get3A_162 = arith.constant 0 : index
    %get3A_163 = tpu.vector_load %arg9[%get3A_161, %get3A_162] {strides = array<i32>} : memref<16x128xi32, #tpu.memory_space<vmem>>, vector<16xi32>,
    %max3A_164 = arith.maxsi %max3A_159, %get3A_163 : vector<16xi32>
    %get3A_165 = arith.constant 1 : i32
    %get3A_166 = arith.index_cast %get3A_165 : i32 to index
    %get3A_167 = arith.constant 16 : index
    %get3A_168 = tpu.vector_load %arg9[%get3A_166, %get3A_167] {strides = array<i32>} : memref<16x128xi32, #tpu.memory_space<vmem>>, vector<16xi32>,
    %max3A_169 = arith.maxsi %max3A_164, %get3A_168 : vector<16xi32>
    %get3A_170 = arith.constant 1 : i32
    %get3A_171 = arith.index_cast %get3A_170 : i32 to index
    %get3A_172 = arith.constant 32 : index
    %get3A_173 = tpu.vector_load %arg9[%get3A_171, %get3A_172] {strides = array<i32>} : memref<16x128xi32, #tpu.memory_space<vmem>>, vector<16xi32>,
    %max3A_174 = arith.maxsi %max3A_169, %get3A_173 : vector<16xi32>
    %get3A_175 = arith.constant 1 : i32
    %get3A_176 = arith.index_cast %get3A_175 : i32 to index
    %get3A_177 = arith.constant 48 : index
    %get3A_178 = tpu.vector_load %arg9[%get3A_176, %get3A_177] {strides = array<i32>} : memref<16x128xi32, #tpu.memory_space<vmem>>, vector<16xi32>,
    %max3A_179 = arith.maxsi %max3A_174, %get3A_178 : vector<16xi32>
    %get3A_180 = arith.constant 1 : i32
    %get3A_181 = arith.index_cast %get3A_180 : i32 to index
    %get3A_182 = arith.constant 64 : index
    %get3A_183 = tpu.vector_load %arg9[%get3A_181, %get3A_182] {strides = array<i32>} : memref<16x128xi32, #tpu.memory_space<vmem>>, vector<16xi32>,
    %max3A_184 = arith.maxsi %max3A_179, %get3A_183 : vector<16xi32>
    %get3A_185 = arith.constant 1 : i32
    %get3A_186 = arith.index_cast %get3A_185 : i32 to index
    %get3A_187 = arith.constant 80 : index
    %get3A_188 = tpu.vector_load %arg9[%get3A_186, %get3A_187] {strides = array<i32>} : memref<16x128xi32, #tpu.memory_space<vmem>>, vector<16xi32>,
    %max3A_189 = arith.maxsi %max3A_184, %get3A_188 : vector<16xi32>
    %get3A_190 = arith.constant 1 : i32
    %get3A_191 = arith.index_cast %get3A_190 : i32 to index
    %get3A_192 = arith.constant 96 : index
    %get3A_193 = tpu.vector_load %arg9[%get3A_191, %get3A_192] {strides = array<i32>} : memref<16x128xi32, #tpu.memory_space<vmem>>, vector<16xi32>,
    %max3A_194 = arith.maxsi %max3A_189, %get3A_193 : vector<16xi32>
    %get3A_195 = arith.constant 1 : i32
    %get3A_196 = arith.index_cast %get3A_195 : i32 to index
    %get3A_197 = arith.constant 112 : index
    %get3A_198 = tpu.vector_load %arg9[%get3A_196, %get3A_197] {strides = array<i32>} : memref<16x128xi32, #tpu.memory_space<vmem>>, vector<16xi32>,
    %max3A_199 = arith.maxsi %max3A_194, %get3A_198 : vector<16xi32>
    %get3A_200 = arith.constant 2 : i32
    %get3A_201 = arith.index_cast %get3A_200 : i32 to index
    %get3A_202 = arith.constant 0 : index
    %get3A_203 = tpu.vector_load %arg9[%get3A_201, %get3A_202] {strides = array<i32>} : memref<16x128xi32, #tpu.memory_space<vmem>>, vector<16xi32>,
    %max3A_204 = arith.maxsi %max3A_199, %get3A_203 : vector<16xi32>
    %get3A_205 = arith.constant 2 : i32
    %get3A_206 = arith.index_cast %get3A_205 : i32 to index
    %get3A_207 = arith.constant 16 : index
    %get3A_208 = tpu.vector_load %arg9[%get3A_206, %get3A_207] {strides = array<i32>} : memref<16x128xi32, #tpu.memory_space<vmem>>, vector<16xi32>,
    %max3A_209 = arith.maxsi %max3A_204, %get3A_208 : vector<16xi32>
    %get3A_210 = arith.constant 2 : i32
    %get3A_211 = arith.index_cast %get3A_210 : i32 to index
    %get3A_212 = arith.constant 32 : index
    %get3A_213 = tpu.vector_load %arg9[%get3A_211, %get3A_212] {strides = array<i32>} : memref<16x128xi32, #tpu.memory_space<vmem>>, vector<16xi32>,
    %max3A_214 = arith.maxsi %max3A_209, %get3A_213 : vector<16xi32>
    %get3A_215 = arith.constant 2 : i32
    %get3A_216 = arith.index_cast %get3A_215 : i32 to index
    %get3A_217 = arith.constant 48 : index
    %get3A_218 = tpu.vector_load %arg9[%get3A_216, %get3A_217] {strides = array<i32>} : memref<16x128xi32, #tpu.memory_space<vmem>>, vector<16xi32>,
    %max3A_219 = arith.maxsi %max3A_214, %get3A_218 : vector<16xi32>
    %get3A_220 = arith.constant 2 : i32
    %get3A_221 = arith.index_cast %get3A_220 : i32 to index
    %get3A_222 = arith.constant 64 : index
    %get3A_223 = tpu.vector_load %arg9[%get3A_221, %get3A_222] {strides = array<i32>} : memref<16x128xi32, #tpu.memory_space<vmem>>, vector<16xi32>,
    %max3A_224 = arith.maxsi %max3A_219, %get3A_223 : vector<16xi32>
    %get3A_225 = arith.constant 2 : i32
    %get3A_226 = arith.index_cast %get3A_225 : i32 to index
    %get3A_227 = arith.constant 80 : index
    %get3A_228 = tpu.vector_load %arg9[%get3A_226, %get3A_227] {strides = array<i32>} : memref<16x128xi32, #tpu.memory_space<vmem>>, vector<16xi32>,
    %max3A_229 = arith.maxsi %max3A_224, %get3A_228 : vector<16xi32>
    %get3A_230 = arith.constant 2 : i32
    %get3A_231 = arith.index_cast %get3A_230 : i32 to index
    %get3A_232 = arith.constant 96 : index
    %get3A_233 = tpu.vector_load %arg9[%get3A_231, %get3A_232] {strides = array<i32>} : memref<16x128xi32, #tpu.memory_space<vmem>>, vector<16xi32>,
    %max3A_234 = arith.maxsi %max3A_229, %get3A_233 : vector<16xi32>
    %get3A_235 = arith.constant 2 : i32
    %get3A_236 = arith.index_cast %get3A_235 : i32 to index
    %get3A_237 = arith.constant 112 : index
    %get3A_238 = tpu.vector_load %arg9[%get3A_236, %get3A_237] {strides = array<i32>} : memref<16x128xi32, #tpu.memory_space<vmem>>, vector<16xi32>,
    %max3A_239 = arith.maxsi %max3A_234, %get3A_238 : vector<16xi32>
    %get3A_240 = arith.constant 3 : i32
    %get3A_241 = arith.index_cast %get3A_240 : i32 to index
    %get3A_242 = arith.constant 0 : index
    %get3A_243 = tpu.vector_load %arg9[%get3A_241, %get3A_242] {strides = array<i32>} : memref<16x128xi32, #tpu.memory_space<vmem>>, vector<16xi32>,
    %max3A_244 = arith.maxsi %max3A_239, %get3A_243 : vector<16xi32>
    %get3A_245 = arith.constant 3 : i32
    %get3A_246 = arith.index_cast %get3A_245 : i32 to index
    %get3A_247 = arith.constant 16 : index
    %get3A_248 = tpu.vector_load %arg9[%get3A_246, %get3A_247] {strides = array<i32>} : memref<16x128xi32, #tpu.memory_space<vmem>>, vector<16xi32>,
    %max3A_249 = arith.maxsi %max3A_244, %get3A_248 : vector<16xi32>
    %get3A_250 = arith.constant 3 : i32
    %get3A_251 = arith.index_cast %get3A_250 : i32 to index
    %get3A_252 = arith.constant 32 : index
    %get3A_253 = tpu.vector_load %arg9[%get3A_251, %get3A_252] {strides = array<i32>} : memref<16x128xi32, #tpu.memory_space<vmem>>, vector<16xi32>,
    %max3A_254 = arith.maxsi %max3A_249, %get3A_253 : vector<16xi32>
    %get3A_255 = arith.constant 3 : i32
    %get3A_256 = arith.index_cast %get3A_255 : i32 to index
    %get3A_257 = arith.constant 48 : index
    %get3A_258 = tpu.vector_load %arg9[%get3A_256, %get3A_257] {strides = array<i32>} : memref<16x128xi32, #tpu.memory_space<vmem>>, vector<16xi32>,
    %max3A_259 = arith.maxsi %max3A_254, %get3A_258 : vector<16xi32>
    %get3A_260 = arith.constant 3 : i32
    %get3A_261 = arith.index_cast %get3A_260 : i32 to index
    %get3A_262 = arith.constant 64 : index
    %get3A_263 = tpu.vector_load %arg9[%get3A_261, %get3A_262] {strides = array<i32>} : memref<16x128xi32, #tpu.memory_space<vmem>>, vector<16xi32>,
    %max3A_264 = arith.maxsi %max3A_259, %get3A_263 : vector<16xi32>
    %get3A_265 = arith.constant 3 : i32
    %get3A_266 = arith.index_cast %get3A_265 : i32 to index
    %get3A_267 = arith.constant 80 : index
    %get3A_268 = tpu.vector_load %arg9[%get3A_266, %get3A_267] {strides = array<i32>} : memref<16x128xi32, #tpu.memory_space<vmem>>, vector<16xi32>,
    %max3A_269 = arith.maxsi %max3A_264, %get3A_268 : vector<16xi32>
    %get3A_270 = arith.constant 3 : i32
    %get3A_271 = arith.index_cast %get3A_270 : i32 to index
    %get3A_272 = arith.constant 96 : index
    %get3A_273 = tpu.vector_load %arg9[%get3A_271, %get3A_272] {strides = array<i32>} : memref<16x128xi32, #tpu.memory_space<vmem>>, vector<16xi32>,
    %max3A_274 = arith.maxsi %max3A_269, %get3A_273 : vector<16xi32>
    %get3A_275 = arith.constant 3 : i32
    %get3A_276 = arith.index_cast %get3A_275 : i32 to index
    %get3A_277 = arith.constant 112 : index
    %get3A_278 = tpu.vector_load %arg9[%get3A_276, %get3A_277] {strides = array<i32>} : memref<16x128xi32, #tpu.memory_space<vmem>>, vector<16xi32>,
    %max3A_279 = arith.maxsi %max3A_274, %get3A_278 : vector<16xi32>
    %get3A_280 = arith.constant 4 : i32
    %get3A_281 = arith.index_cast %get3A_280 : i32 to index
    %get3A_282 = arith.constant 0 : index
    %get3A_283 = tpu.vector_load %arg9[%get3A_281, %get3A_282] {strides = array<i32>} : memref<16x128xi32, #tpu.memory_space<vmem>>, vector<16xi32>,
    %max3A_284 = arith.maxsi %max3A_279, %get3A_283 : vector<16xi32>
    %get3A_285 = arith.constant 4 : i32
    %get3A_286 = arith.index_cast %get3A_285 : i32 to index
    %get3A_287 = arith.constant 16 : index
    %get3A_288 = tpu.vector_load %arg9[%get3A_286, %get3A_287] {strides = array<i32>} : memref<16x128xi32, #tpu.memory_space<vmem>>, vector<16xi32>,
    %max3A_289 = arith.maxsi %max3A_284, %get3A_288 : vector<16xi32>
    %get3A_290 = arith.constant 4 : i32
    %get3A_291 = arith.index_cast %get3A_290 : i32 to index
    %get3A_292 = arith.constant 32 : index
    %get3A_293 = tpu.vector_load %arg9[%get3A_291, %get3A_292] {strides = array<i32>} : memref<16x128xi32, #tpu.memory_space<vmem>>, vector<16xi32>,
    %max3A_294 = arith.maxsi %max3A_289, %get3A_293 : vector<16xi32>
    %get3A_295 = arith.constant 4 : i32
    %get3A_296 = arith.index_cast %get3A_295 : i32 to index
    %get3A_297 = arith.constant 48 : index
    %get3A_298 = tpu.vector_load %arg9[%get3A_296, %get3A_297] {strides = array<i32>} : memref<16x128xi32, #tpu.memory_space<vmem>>, vector<16xi32>,
    %max3A_299 = arith.maxsi %max3A_294, %get3A_298 : vector<16xi32>
    %get3A_300 = arith.constant 4 : i32
    %get3A_301 = arith.index_cast %get3A_300 : i32 to index
    %get3A_302 = arith.constant 64 : index
    %get3A_303 = tpu.vector_load %arg9[%get3A_301, %get3A_302] {strides = array<i32>} : memref<16x128xi32, #tpu.memory_space<vmem>>, vector<16xi32>,
    %max3A_304 = arith.maxsi %max3A_299, %get3A_303 : vector<16xi32>
    %get3A_305 = arith.constant 4 : i32
    %get3A_306 = arith.index_cast %get3A_305 : i32 to index
    %get3A_307 = arith.constant 80 : index
    %get3A_308 = tpu.vector_load %arg9[%get3A_306, %get3A_307] {strides = array<i32>} : memref<16x128xi32, #tpu.memory_space<vmem>>, vector<16xi32>,
    %max3A_309 = arith.maxsi %max3A_304, %get3A_308 : vector<16xi32>
    %get3A_310 = arith.constant 4 : i32
    %get3A_311 = arith.index_cast %get3A_310 : i32 to index
    %get3A_312 = arith.constant 96 : index
    %get3A_313 = tpu.vector_load %arg9[%get3A_311, %get3A_312] {strides = array<i32>} : memref<16x128xi32, #tpu.memory_space<vmem>>, vector<16xi32>,
    %max3A_314 = arith.maxsi %max3A_309, %get3A_313 : vector<16xi32>
    %get3A_315 = arith.constant 4 : i32
    %get3A_316 = arith.index_cast %get3A_315 : i32 to index
    %get3A_317 = arith.constant 112 : index
    %get3A_318 = tpu.vector_load %arg9[%get3A_316, %get3A_317] {strides = array<i32>} : memref<16x128xi32, #tpu.memory_space<vmem>>, vector<16xi32>,
    %max3A_319 = arith.maxsi %max3A_314, %get3A_318 : vector<16xi32>
    %get3A_320 = arith.constant 5 : i32
    %get3A_321 = arith.index_cast %get3A_320 : i32 to index
    %get3A_322 = arith.constant 0 : index
    %get3A_323 = tpu.vector_load %arg9[%get3A_321, %get3A_322] {strides = array<i32>} : memref<16x128xi32, #tpu.memory_space<vmem>>, vector<16xi32>,
    %max3A_324 = arith.maxsi %max3A_319, %get3A_323 : vector<16xi32>
    %get3A_325 = arith.constant 5 : i32
    %get3A_326 = arith.index_cast %get3A_325 : i32 to index
    %get3A_327 = arith.constant 16 : index
    %get3A_328 = tpu.vector_load %arg9[%get3A_326, %get3A_327] {strides = array<i32>} : memref<16x128xi32, #tpu.memory_space<vmem>>, vector<16xi32>,
    %max3A_329 = arith.maxsi %max3A_324, %get3A_328 : vector<16xi32>
    %get3A_330 = arith.constant 5 : i32
    %get3A_331 = arith.index_cast %get3A_330 : i32 to index
    %get3A_332 = arith.constant 32 : index
    %get3A_333 = tpu.vector_load %arg9[%get3A_331, %get3A_332] {strides = array<i32>} : memref<16x128xi32, #tpu.memory_space<vmem>>, vector<16xi32>,
    %max3A_334 = arith.maxsi %max3A_329, %get3A_333 : vector<16xi32>
    %get3A_335 = arith.constant 5 : i32
    %get3A_336 = arith.index_cast %get3A_335 : i32 to index
    %get3A_337 = arith.constant 48 : index
    %get3A_338 = tpu.vector_load %arg9[%get3A_336, %get3A_337] {strides = array<i32>} : memref<16x128xi32, #tpu.memory_space<vmem>>, vector<16xi32>,
    %max3A_339 = arith.maxsi %max3A_334, %get3A_338 : vector<16xi32>
    %get3A_340 = arith.constant 5 : i32
    %get3A_341 = arith.index_cast %get3A_340 : i32 to index
    %get3A_342 = arith.constant 64 : index
    %get3A_343 = tpu.vector_load %arg9[%get3A_341, %get3A_342] {strides = array<i32>} : memref<16x128xi32, #tpu.memory_space<vmem>>, vector<16xi32>,
    %max3A_344 = arith.maxsi %max3A_339, %get3A_343 : vector<16xi32>
    %get3A_345 = arith.constant 5 : i32
    %get3A_346 = arith.index_cast %get3A_345 : i32 to index
    %get3A_347 = arith.constant 80 : index
    %get3A_348 = tpu.vector_load %arg9[%get3A_346, %get3A_347] {strides = array<i32>} : memref<16x128xi32, #tpu.memory_space<vmem>>, vector<16xi32>,
    %max3A_349 = arith.maxsi %max3A_344, %get3A_348 : vector<16xi32>
    %get3A_350 = arith.constant 5 : i32
    %get3A_351 = arith.index_cast %get3A_350 : i32 to index
    %get3A_352 = arith.constant 96 : index
    %get3A_353 = tpu.vector_load %arg9[%get3A_351, %get3A_352] {strides = array<i32>} : memref<16x128xi32, #tpu.memory_space<vmem>>, vector<16xi32>,
    %max3A_354 = arith.maxsi %max3A_349, %get3A_353 : vector<16xi32>
    %get3A_355 = arith.constant 5 : i32
    %get3A_356 = arith.index_cast %get3A_355 : i32 to index
    %get3A_357 = arith.constant 112 : index
    %get3A_358 = tpu.vector_load %arg9[%get3A_356, %get3A_357] {strides = array<i32>} : memref<16x128xi32, #tpu.memory_space<vmem>>, vector<16xi32>,
    %max3A_359 = arith.maxsi %max3A_354, %get3A_358 : vector<16xi32>
    %get3A_360 = arith.constant 6 : i32
    %get3A_361 = arith.index_cast %get3A_360 : i32 to index
    %get3A_362 = arith.constant 0 : index
    %get3A_363 = tpu.vector_load %arg9[%get3A_361, %get3A_362] {strides = array<i32>} : memref<16x128xi32, #tpu.memory_space<vmem>>, vector<16xi32>,
    %max3A_364 = arith.maxsi %max3A_359, %get3A_363 : vector<16xi32>
    %get3A_365 = arith.constant 6 : i32
    %get3A_366 = arith.index_cast %get3A_365 : i32 to index
    %get3A_367 = arith.constant 16 : index
    %get3A_368 = tpu.vector_load %arg9[%get3A_366, %get3A_367] {strides = array<i32>} : memref<16x128xi32, #tpu.memory_space<vmem>>, vector<16xi32>,
    %max3A_369 = arith.maxsi %max3A_364, %get3A_368 : vector<16xi32>
    %get3A_370 = arith.constant 6 : i32
    %get3A_371 = arith.index_cast %get3A_370 : i32 to index
    %get3A_372 = arith.constant 32 : index
    %get3A_373 = tpu.vector_load %arg9[%get3A_371, %get3A_372] {strides = array<i32>} : memref<16x128xi32, #tpu.memory_space<vmem>>, vector<16xi32>,
    %max3A_374 = arith.maxsi %max3A_369, %get3A_373 : vector<16xi32>
    %get3A_375 = arith.constant 6 : i32
    %get3A_376 = arith.index_cast %get3A_375 : i32 to index
    %get3A_377 = arith.constant 48 : index
    %get3A_378 = tpu.vector_load %arg9[%get3A_376, %get3A_377] {strides = array<i32>} : memref<16x128xi32, #tpu.memory_space<vmem>>, vector<16xi32>,
    %max3A_379 = arith.maxsi %max3A_374, %get3A_378 : vector<16xi32>
    %get3A_380 = arith.constant 6 : i32
    %get3A_381 = arith.index_cast %get3A_380 : i32 to index
    %get3A_382 = arith.constant 64 : index
    %get3A_383 = tpu.vector_load %arg9[%get3A_381, %get3A_382] {strides = array<i32>} : memref<16x128xi32, #tpu.memory_space<vmem>>, vector<16xi32>,
    %max3A_384 = arith.maxsi %max3A_379, %get3A_383 : vector<16xi32>
    %get3A_385 = arith.constant 6 : i32
    %get3A_386 = arith.index_cast %get3A_385 : i32 to index
    %get3A_387 = arith.constant 80 : index
    %get3A_388 = tpu.vector_load %arg9[%get3A_386, %get3A_387] {strides = array<i32>} : memref<16x128xi32, #tpu.memory_space<vmem>>, vector<16xi32>,
    %max3A_389 = arith.maxsi %max3A_384, %get3A_388 : vector<16xi32>
    %get3A_390 = arith.constant 6 : i32
    %get3A_391 = arith.index_cast %get3A_390 : i32 to index
    %get3A_392 = arith.constant 96 : index
    %get3A_393 = tpu.vector_load %arg9[%get3A_391, %get3A_392] {strides = array<i32>} : memref<16x128xi32, #tpu.memory_space<vmem>>, vector<16xi32>,
    %max3A_394 = arith.maxsi %max3A_389, %get3A_393 : vector<16xi32>
    %get3A_395 = arith.constant 6 : i32
    %get3A_396 = arith.index_cast %get3A_395 : i32 to index
    %get3A_397 = arith.constant 112 : index
    %get3A_398 = tpu.vector_load %arg9[%get3A_396, %get3A_397] {strides = array<i32>} : memref<16x128xi32, #tpu.memory_space<vmem>>, vector<16xi32>,
    %max3A_399 = arith.maxsi %max3A_394, %get3A_398 : vector<16xi32>
    %get3A_400 = arith.constant 7 : i32
    %get3A_401 = arith.index_cast %get3A_400 : i32 to index
    %get3A_402 = arith.constant 0 : index
    %get3A_403 = tpu.vector_load %arg9[%get3A_401, %get3A_402] {strides = array<i32>} : memref<16x128xi32, #tpu.memory_space<vmem>>, vector<16xi32>,
    %max3A_404 = arith.maxsi %max3A_399, %get3A_403 : vector<16xi32>
    %get3A_405 = arith.constant 7 : i32
    %get3A_406 = arith.index_cast %get3A_405 : i32 to index
    %get3A_407 = arith.constant 16 : index
    %get3A_408 = tpu.vector_load %arg9[%get3A_406, %get3A_407] {strides = array<i32>} : memref<16x128xi32, #tpu.memory_space<vmem>>, vector<16xi32>,
    %max3A_409 = arith.maxsi %max3A_404, %get3A_408 : vector<16xi32>
    %get3A_410 = arith.constant 7 : i32
    %get3A_411 = arith.index_cast %get3A_410 : i32 to index
    %get3A_412 = arith.constant 32 : index
    %get3A_413 = tpu.vector_load %arg9[%get3A_411, %get3A_412] {strides = array<i32>} : memref<16x128xi32, #tpu.memory_space<vmem>>, vector<16xi32>,
    %max3A_414 = arith.maxsi %max3A_409, %get3A_413 : vector<16xi32>
    %get3A_415 = arith.constant 7 : i32
    %get3A_416 = arith.index_cast %get3A_415 : i32 to index
    %get3A_417 = arith.constant 48 : index
    %get3A_418 = tpu.vector_load %arg9[%get3A_416, %get3A_417] {strides = array<i32>} : memref<16x128xi32, #tpu.memory_space<vmem>>, vector<16xi32>,
    %max3A_419 = arith.maxsi %max3A_414, %get3A_418 : vector<16xi32>
    %get3A_420 = arith.constant 7 : i32
    %get3A_421 = arith.index_cast %get3A_420 : i32 to index
    %get3A_422 = arith.constant 64 : index
    %get3A_423 = tpu.vector_load %arg9[%get3A_421, %get3A_422] {strides = array<i32>} : memref<16x128xi32, #tpu.memory_space<vmem>>, vector<16xi32>,
    %max3A_424 = arith.maxsi %max3A_419, %get3A_423 : vector<16xi32>
    %get3A_425 = arith.constant 7 : i32
    %get3A_426 = arith.index_cast %get3A_425 : i32 to index
    %get3A_427 = arith.constant 80 : index
    %get3A_428 = tpu.vector_load %arg9[%get3A_426, %get3A_427] {strides = array<i32>} : memref<16x128xi32, #tpu.memory_space<vmem>>, vector<16xi32>,
    %max3A_429 = arith.maxsi %max3A_424, %get3A_428 : vector<16xi32>
    %get3A_430 = arith.constant 7 : i32
    %get3A_431 = arith.index_cast %get3A_430 : i32 to index
    %get3A_432 = arith.constant 96 : index
    %get3A_433 = tpu.vector_load %arg9[%get3A_431, %get3A_432] {strides = array<i32>} : memref<16x128xi32, #tpu.memory_space<vmem>>, vector<16xi32>,
    %max3A_434 = arith.maxsi %max3A_429, %get3A_433 : vector<16xi32>
    %get3A_435 = arith.constant 7 : i32
    %get3A_436 = arith.index_cast %get3A_435 : i32 to index
    %get3A_437 = arith.constant 112 : index
    %get3A_438 = tpu.vector_load %arg9[%get3A_436, %get3A_437] {strides = array<i32>} : memref<16x128xi32, #tpu.memory_space<vmem>>, vector<16xi32>,
    %max3A_439 = arith.maxsi %max3A_434, %get3A_438 : vector<16xi32>
    %get3A_440 = arith.constant 8 : i32
    %get3A_441 = arith.index_cast %get3A_440 : i32 to index
    %get3A_442 = arith.constant 0 : index
    %get3A_443 = tpu.vector_load %arg9[%get3A_441, %get3A_442] {strides = array<i32>} : memref<16x128xi32, #tpu.memory_space<vmem>>, vector<16xi32>,
    %max3A_444 = arith.maxsi %max3A_439, %get3A_443 : vector<16xi32>
    %get3A_445 = arith.constant 8 : i32
    %get3A_446 = arith.index_cast %get3A_445 : i32 to index
    %get3A_447 = arith.constant 16 : index
    %get3A_448 = tpu.vector_load %arg9[%get3A_446, %get3A_447] {strides = array<i32>} : memref<16x128xi32, #tpu.memory_space<vmem>>, vector<16xi32>,
    %max3A_449 = arith.maxsi %max3A_444, %get3A_448 : vector<16xi32>
    %get3A_450 = arith.constant 8 : i32
    %get3A_451 = arith.index_cast %get3A_450 : i32 to index
    %get3A_452 = arith.constant 32 : index
    %get3A_453 = tpu.vector_load %arg9[%get3A_451, %get3A_452] {strides = array<i32>} : memref<16x128xi32, #tpu.memory_space<vmem>>, vector<16xi32>,
    %max3A_454 = arith.maxsi %max3A_449, %get3A_453 : vector<16xi32>
    %get3A_455 = arith.constant 8 : i32
    %get3A_456 = arith.index_cast %get3A_455 : i32 to index
    %get3A_457 = arith.constant 48 : index
    %get3A_458 = tpu.vector_load %arg9[%get3A_456, %get3A_457] {strides = array<i32>} : memref<16x128xi32, #tpu.memory_space<vmem>>, vector<16xi32>,
    %max3A_459 = arith.maxsi %max3A_454, %get3A_458 : vector<16xi32>
    %get3A_460 = arith.constant 8 : i32
    %get3A_461 = arith.index_cast %get3A_460 : i32 to index
    %get3A_462 = arith.constant 64 : index
    %get3A_463 = tpu.vector_load %arg9[%get3A_461, %get3A_462] {strides = array<i32>} : memref<16x128xi32, #tpu.memory_space<vmem>>, vector<16xi32>,
    %max3A_464 = arith.maxsi %max3A_459, %get3A_463 : vector<16xi32>
    %get3A_465 = arith.constant 8 : i32
    %get3A_466 = arith.index_cast %get3A_465 : i32 to index
    %get3A_467 = arith.constant 80 : index
    %get3A_468 = tpu.vector_load %arg9[%get3A_466, %get3A_467] {strides = array<i32>} : memref<16x128xi32, #tpu.memory_space<vmem>>, vector<16xi32>,
    %max3A_469 = arith.maxsi %max3A_464, %get3A_468 : vector<16xi32>
    %get3A_470 = arith.constant 8 : i32
    %get3A_471 = arith.index_cast %get3A_470 : i32 to index
    %get3A_472 = arith.constant 96 : index
    %get3A_473 = tpu.vector_load %arg9[%get3A_471, %get3A_472] {strides = array<i32>} : memref<16x128xi32, #tpu.memory_space<vmem>>, vector<16xi32>,
    %max3A_474 = arith.maxsi %max3A_469, %get3A_473 : vector<16xi32>
    %get3A_475 = arith.constant 8 : i32
    %get3A_476 = arith.index_cast %get3A_475 : i32 to index
    %get3A_477 = arith.constant 112 : index
    %get3A_478 = tpu.vector_load %arg9[%get3A_476, %get3A_477] {strides = array<i32>} : memref<16x128xi32, #tpu.memory_space<vmem>>, vector<16xi32>,
    %max3A_479 = arith.maxsi %max3A_474, %get3A_478 : vector<16xi32>
    %get3A_480 = arith.constant 9 : i32
    %get3A_481 = arith.index_cast %get3A_480 : i32 to index
    %get3A_482 = arith.constant 0 : index
    %get3A_483 = tpu.vector_load %arg9[%get3A_481, %get3A_482] {strides = array<i32>} : memref<16x128xi32, #tpu.memory_space<vmem>>, vector<16xi32>,
    %max3A_484 = arith.maxsi %max3A_479, %get3A_483 : vector<16xi32>
    %get3A_485 = arith.constant 9 : i32
    %get3A_486 = arith.index_cast %get3A_485 : i32 to index
    %get3A_487 = arith.constant 16 : index
    %get3A_488 = tpu.vector_load %arg9[%get3A_486, %get3A_487] {strides = array<i32>} : memref<16x128xi32, #tpu.memory_space<vmem>>, vector<16xi32>,
    %max3A_489 = arith.maxsi %max3A_484, %get3A_488 : vector<16xi32>
    %get3A_490 = arith.constant 9 : i32
    %get3A_491 = arith.index_cast %get3A_490 : i32 to index
    %get3A_492 = arith.constant 32 : index
    %get3A_493 = tpu.vector_load %arg9[%get3A_491, %get3A_492] {strides = array<i32>} : memref<16x128xi32, #tpu.memory_space<vmem>>, vector<16xi32>,
    %max3A_494 = arith.maxsi %max3A_489, %get3A_493 : vector<16xi32>
    %get3A_495 = arith.constant 9 : i32
    %get3A_496 = arith.index_cast %get3A_495 : i32 to index
    %get3A_497 = arith.constant 48 : index
    %get3A_498 = tpu.vector_load %arg9[%get3A_496, %get3A_497] {strides = array<i32>} : memref<16x128xi32, #tpu.memory_space<vmem>>, vector<16xi32>,
    %max3A_499 = arith.maxsi %max3A_494, %get3A_498 : vector<16xi32>
    %get3A_500 = arith.constant 9 : i32
    %get3A_501 = arith.index_cast %get3A_500 : i32 to index
    %get3A_502 = arith.constant 64 : index
    %get3A_503 = tpu.vector_load %arg9[%get3A_501, %get3A_502] {strides = array<i32>} : memref<16x128xi32, #tpu.memory_space<vmem>>, vector<16xi32>,
    %max3A_504 = arith.maxsi %max3A_499, %get3A_503 : vector<16xi32>
    %get3A_505 = arith.constant 9 : i32
    %get3A_506 = arith.index_cast %get3A_505 : i32 to index
    %get3A_507 = arith.constant 80 : index
    %get3A_508 = tpu.vector_load %arg9[%get3A_506, %get3A_507] {strides = array<i32>} : memref<16x128xi32, #tpu.memory_space<vmem>>, vector<16xi32>,
    %max3A_509 = arith.maxsi %max3A_504, %get3A_508 : vector<16xi32>
    %get3A_510 = arith.constant 9 : i32
    %get3A_511 = arith.index_cast %get3A_510 : i32 to index
    %get3A_512 = arith.constant 96 : index
    %get3A_513 = tpu.vector_load %arg9[%get3A_511, %get3A_512] {strides = array<i32>} : memref<16x128xi32, #tpu.memory_space<vmem>>, vector<16xi32>,
    %max3A_514 = arith.maxsi %max3A_509, %get3A_513 : vector<16xi32>
    %get3A_515 = arith.constant 9 : i32
    %get3A_516 = arith.index_cast %get3A_515 : i32 to index
    %get3A_517 = arith.constant 112 : index
    %get3A_518 = tpu.vector_load %arg9[%get3A_516, %get3A_517] {strides = array<i32>} : memref<16x128xi32, #tpu.memory_space<vmem>>, vector<16xi32>,
    %max3A_519 = arith.maxsi %max3A_514, %get3A_518 : vector<16xi32>
    %get3A_520 = arith.constant 10 : i32
    %get3A_521 = arith.index_cast %get3A_520 : i32 to index
    %get3A_522 = arith.constant 0 : index
    %get3A_523 = tpu.vector_load %arg9[%get3A_521, %get3A_522] {strides = array<i32>} : memref<16x128xi32, #tpu.memory_space<vmem>>, vector<16xi32>,
    %max3A_524 = arith.maxsi %max3A_519, %get3A_523 : vector<16xi32>
    %get3A_525 = arith.constant 10 : i32
    %get3A_526 = arith.index_cast %get3A_525 : i32 to index
    %get3A_527 = arith.constant 16 : index
    %get3A_528 = tpu.vector_load %arg9[%get3A_526, %get3A_527] {strides = array<i32>} : memref<16x128xi32, #tpu.memory_space<vmem>>, vector<16xi32>,
    %max3A_529 = arith.maxsi %max3A_524, %get3A_528 : vector<16xi32>
    %get3A_530 = arith.constant 10 : i32
    %get3A_531 = arith.index_cast %get3A_530 : i32 to index
    %get3A_532 = arith.constant 32 : index
    %get3A_533 = tpu.vector_load %arg9[%get3A_531, %get3A_532] {strides = array<i32>} : memref<16x128xi32, #tpu.memory_space<vmem>>, vector<16xi32>,
    %max3A_534 = arith.maxsi %max3A_529, %get3A_533 : vector<16xi32>
    %get3A_535 = arith.constant 10 : i32
    %get3A_536 = arith.index_cast %get3A_535 : i32 to index
    %get3A_537 = arith.constant 48 : index
    %get3A_538 = tpu.vector_load %arg9[%get3A_536, %get3A_537] {strides = array<i32>} : memref<16x128xi32, #tpu.memory_space<vmem>>, vector<16xi32>,
    %max3A_539 = arith.maxsi %max3A_534, %get3A_538 : vector<16xi32>
    %get3A_540 = arith.constant 10 : i32
    %get3A_541 = arith.index_cast %get3A_540 : i32 to index
    %get3A_542 = arith.constant 64 : index
    %get3A_543 = tpu.vector_load %arg9[%get3A_541, %get3A_542] {strides = array<i32>} : memref<16x128xi32, #tpu.memory_space<vmem>>, vector<16xi32>,
    %max3A_544 = arith.maxsi %max3A_539, %get3A_543 : vector<16xi32>
    %get3A_545 = arith.constant 10 : i32
    %get3A_546 = arith.index_cast %get3A_545 : i32 to index
    %get3A_547 = arith.constant 80 : index
    %get3A_548 = tpu.vector_load %arg9[%get3A_546, %get3A_547] {strides = array<i32>} : memref<16x128xi32, #tpu.memory_space<vmem>>, vector<16xi32>,
    %max3A_549 = arith.maxsi %max3A_544, %get3A_548 : vector<16xi32>
    %get3A_550 = arith.constant 10 : i32
    %get3A_551 = arith.index_cast %get3A_550 : i32 to index
    %get3A_552 = arith.constant 96 : index
    %get3A_553 = tpu.vector_load %arg9[%get3A_551, %get3A_552] {strides = array<i32>} : memref<16x128xi32, #tpu.memory_space<vmem>>, vector<16xi32>,
    %max3A_554 = arith.maxsi %max3A_549, %get3A_553 : vector<16xi32>
    %get3A_555 = arith.constant 10 : i32
    %get3A_556 = arith.index_cast %get3A_555 : i32 to index
    %get3A_557 = arith.constant 112 : index
    %get3A_558 = tpu.vector_load %arg9[%get3A_556, %get3A_557] {strides = array<i32>} : memref<16x128xi32, #tpu.memory_space<vmem>>, vector<16xi32>,
    %max3A_559 = arith.maxsi %max3A_554, %get3A_558 : vector<16xi32>
    %get3A_560 = arith.constant 11 : i32
    %get3A_561 = arith.index_cast %get3A_560 : i32 to index
    %get3A_562 = arith.constant 0 : index
    %get3A_563 = tpu.vector_load %arg9[%get3A_561, %get3A_562] {strides = array<i32>} : memref<16x128xi32, #tpu.memory_space<vmem>>, vector<16xi32>,
    %max3A_564 = arith.maxsi %max3A_559, %get3A_563 : vector<16xi32>
    %get3A_565 = arith.constant 11 : i32
    %get3A_566 = arith.index_cast %get3A_565 : i32 to index
    %get3A_567 = arith.constant 16 : index
    %get3A_568 = tpu.vector_load %arg9[%get3A_566, %get3A_567] {strides = array<i32>} : memref<16x128xi32, #tpu.memory_space<vmem>>, vector<16xi32>,
    %max3A_569 = arith.maxsi %max3A_564, %get3A_568 : vector<16xi32>
    %get3A_570 = arith.constant 11 : i32
    %get3A_571 = arith.index_cast %get3A_570 : i32 to index
    %get3A_572 = arith.constant 32 : index
    %get3A_573 = tpu.vector_load %arg9[%get3A_571, %get3A_572] {strides = array<i32>} : memref<16x128xi32, #tpu.memory_space<vmem>>, vector<16xi32>,
    %max3A_574 = arith.maxsi %max3A_569, %get3A_573 : vector<16xi32>
    %get3A_575 = arith.constant 11 : i32
    %get3A_576 = arith.index_cast %get3A_575 : i32 to index
    %get3A_577 = arith.constant 48 : index
    %get3A_578 = tpu.vector_load %arg9[%get3A_576, %get3A_577] {strides = array<i32>} : memref<16x128xi32, #tpu.memory_space<vmem>>, vector<16xi32>,
    %max3A_579 = arith.maxsi %max3A_574, %get3A_578 : vector<16xi32>
    %get3A_580 = arith.constant 11 : i32
    %get3A_581 = arith.index_cast %get3A_580 : i32 to index
    %get3A_582 = arith.constant 64 : index
    %get3A_583 = tpu.vector_load %arg9[%get3A_581, %get3A_582] {strides = array<i32>} : memref<16x128xi32, #tpu.memory_space<vmem>>, vector<16xi32>,
    %max3A_584 = arith.maxsi %max3A_579, %get3A_583 : vector<16xi32>
    %get3A_585 = arith.constant 11 : i32
    %get3A_586 = arith.index_cast %get3A_585 : i32 to index
    %get3A_587 = arith.constant 80 : index
    %get3A_588 = tpu.vector_load %arg9[%get3A_586, %get3A_587] {strides = array<i32>} : memref<16x128xi32, #tpu.memory_space<vmem>>, vector<16xi32>,
    %max3A_589 = arith.maxsi %max3A_584, %get3A_588 : vector<16xi32>
    %get3A_590 = arith.constant 11 : i32
    %get3A_591 = arith.index_cast %get3A_590 : i32 to index
    %get3A_592 = arith.constant 96 : index
    %get3A_593 = tpu.vector_load %arg9[%get3A_591, %get3A_592] {strides = array<i32>} : memref<16x128xi32, #tpu.memory_space<vmem>>, vector<16xi32>,
    %max3A_594 = arith.maxsi %max3A_589, %get3A_593 : vector<16xi32>
    %get3A_595 = arith.constant 11 : i32
    %get3A_596 = arith.index_cast %get3A_595 : i32 to index
    %get3A_597 = arith.constant 112 : index
    %get3A_598 = tpu.vector_load %arg9[%get3A_596, %get3A_597] {strides = array<i32>} : memref<16x128xi32, #tpu.memory_space<vmem>>, vector<16xi32>,
    %max3A_599 = arith.maxsi %max3A_594, %get3A_598 : vector<16xi32>
    %get3A_600 = arith.constant 12 : i32
    %get3A_601 = arith.index_cast %get3A_600 : i32 to index
    %get3A_602 = arith.constant 0 : index
    %get3A_603 = tpu.vector_load %arg9[%get3A_601, %get3A_602] {strides = array<i32>} : memref<16x128xi32, #tpu.memory_space<vmem>>, vector<16xi32>,
    %max3A_604 = arith.maxsi %max3A_599, %get3A_603 : vector<16xi32>
    %get3A_605 = arith.constant 12 : i32
    %get3A_606 = arith.index_cast %get3A_605 : i32 to index
    %get3A_607 = arith.constant 16 : index
    %get3A_608 = tpu.vector_load %arg9[%get3A_606, %get3A_607] {strides = array<i32>} : memref<16x128xi32, #tpu.memory_space<vmem>>, vector<16xi32>,
    %max3A_609 = arith.maxsi %max3A_604, %get3A_608 : vector<16xi32>
    %get3A_610 = arith.constant 12 : i32
    %get3A_611 = arith.index_cast %get3A_610 : i32 to index
    %get3A_612 = arith.constant 32 : index
    %get3A_613 = tpu.vector_load %arg9[%get3A_611, %get3A_612] {strides = array<i32>} : memref<16x128xi32, #tpu.memory_space<vmem>>, vector<16xi32>,
    %max3A_614 = arith.maxsi %max3A_609, %get3A_613 : vector<16xi32>
    %get3A_615 = arith.constant 12 : i32
    %get3A_616 = arith.index_cast %get3A_615 : i32 to index
    %get3A_617 = arith.constant 48 : index
    %get3A_618 = tpu.vector_load %arg9[%get3A_616, %get3A_617] {strides = array<i32>} : memref<16x128xi32, #tpu.memory_space<vmem>>, vector<16xi32>,
    %max3A_619 = arith.maxsi %max3A_614, %get3A_618 : vector<16xi32>
    %get3A_620 = arith.constant 12 : i32
    %get3A_621 = arith.index_cast %get3A_620 : i32 to index
    %get3A_622 = arith.constant 64 : index
    %get3A_623 = tpu.vector_load %arg9[%get3A_621, %get3A_622] {strides = array<i32>} : memref<16x128xi32, #tpu.memory_space<vmem>>, vector<16xi32>,
    %max3A_624 = arith.maxsi %max3A_619, %get3A_623 : vector<16xi32>
    %get3A_625 = arith.constant 12 : i32
    %get3A_626 = arith.index_cast %get3A_625 : i32 to index
    %get3A_627 = arith.constant 80 : index
    %get3A_628 = tpu.vector_load %arg9[%get3A_626, %get3A_627] {strides = array<i32>} : memref<16x128xi32, #tpu.memory_space<vmem>>, vector<16xi32>,
    %max3A_629 = arith.maxsi %max3A_624, %get3A_628 : vector<16xi32>
    %get3A_630 = arith.constant 12 : i32
    %get3A_631 = arith.index_cast %get3A_630 : i32 to index
    %get3A_632 = arith.constant 96 : index
    %get3A_633 = tpu.vector_load %arg9[%get3A_631, %get3A_632] {strides = array<i32>} : memref<16x128xi32, #tpu.memory_space<vmem>>, vector<16xi32>,
    %max3A_634 = arith.maxsi %max3A_629, %get3A_633 : vector<16xi32>
    %get3A_635 = arith.constant 12 : i32
    %get3A_636 = arith.index_cast %get3A_635 : i32 to index
    %get3A_637 = arith.constant 112 : index
    %get3A_638 = tpu.vector_load %arg9[%get3A_636, %get3A_637] {strides = array<i32>} : memref<16x128xi32, #tpu.memory_space<vmem>>, vector<16xi32>,
    %max3A_639 = arith.maxsi %max3A_634, %get3A_638 : vector<16xi32>
    %get3A_640 = arith.constant 13 : i32
    %get3A_641 = arith.index_cast %get3A_640 : i32 to index
    %get3A_642 = arith.constant 0 : index
    %get3A_643 = tpu.vector_load %arg9[%get3A_641, %get3A_642] {strides = array<i32>} : memref<16x128xi32, #tpu.memory_space<vmem>>, vector<16xi32>,
    %max3A_644 = arith.maxsi %max3A_639, %get3A_643 : vector<16xi32>
    %get3A_645 = arith.constant 13 : i32
    %get3A_646 = arith.index_cast %get3A_645 : i32 to index
    %get3A_647 = arith.constant 16 : index
    %get3A_648 = tpu.vector_load %arg9[%get3A_646, %get3A_647] {strides = array<i32>} : memref<16x128xi32, #tpu.memory_space<vmem>>, vector<16xi32>,
    %max3A_649 = arith.maxsi %max3A_644, %get3A_648 : vector<16xi32>
    %get3A_650 = arith.constant 13 : i32
    %get3A_651 = arith.index_cast %get3A_650 : i32 to index
    %get3A_652 = arith.constant 32 : index
    %get3A_653 = tpu.vector_load %arg9[%get3A_651, %get3A_652] {strides = array<i32>} : memref<16x128xi32, #tpu.memory_space<vmem>>, vector<16xi32>,
    %max3A_654 = arith.maxsi %max3A_649, %get3A_653 : vector<16xi32>
    %get3A_655 = arith.constant 13 : i32
    %get3A_656 = arith.index_cast %get3A_655 : i32 to index
    %get3A_657 = arith.constant 48 : index
    %get3A_658 = tpu.vector_load %arg9[%get3A_656, %get3A_657] {strides = array<i32>} : memref<16x128xi32, #tpu.memory_space<vmem>>, vector<16xi32>,
    %max3A_659 = arith.maxsi %max3A_654, %get3A_658 : vector<16xi32>
    %get3A_660 = arith.constant 13 : i32
    %get3A_661 = arith.index_cast %get3A_660 : i32 to index
    %get3A_662 = arith.constant 64 : index
    %get3A_663 = tpu.vector_load %arg9[%get3A_661, %get3A_662] {strides = array<i32>} : memref<16x128xi32, #tpu.memory_space<vmem>>, vector<16xi32>,
    %max3A_664 = arith.maxsi %max3A_659, %get3A_663 : vector<16xi32>
    %get3A_665 = arith.constant 13 : i32
    %get3A_666 = arith.index_cast %get3A_665 : i32 to index
    %get3A_667 = arith.constant 80 : index
    %get3A_668 = tpu.vector_load %arg9[%get3A_666, %get3A_667] {strides = array<i32>} : memref<16x128xi32, #tpu.memory_space<vmem>>, vector<16xi32>,
    %max3A_669 = arith.maxsi %max3A_664, %get3A_668 : vector<16xi32>
    %get3A_670 = arith.constant 13 : i32
    %get3A_671 = arith.index_cast %get3A_670 : i32 to index
    %get3A_672 = arith.constant 96 : index
    %get3A_673 = tpu.vector_load %arg9[%get3A_671, %get3A_672] {strides = array<i32>} : memref<16x128xi32, #tpu.memory_space<vmem>>, vector<16xi32>,
    %max3A_674 = arith.maxsi %max3A_669, %get3A_673 : vector<16xi32>
    %get3A_675 = arith.constant 13 : i32
    %get3A_676 = arith.index_cast %get3A_675 : i32 to index
    %get3A_677 = arith.constant 112 : index
    %get3A_678 = tpu.vector_load %arg9[%get3A_676, %get3A_677] {strides = array<i32>} : memref<16x128xi32, #tpu.memory_space<vmem>>, vector<16xi32>,
    %max3A_679 = arith.maxsi %max3A_674, %get3A_678 : vector<16xi32>
    %get3A_680 = arith.constant 14 : i32
    %get3A_681 = arith.index_cast %get3A_680 : i32 to index
    %get3A_682 = arith.constant 0 : index
    %get3A_683 = tpu.vector_load %arg9[%get3A_681, %get3A_682] {strides = array<i32>} : memref<16x128xi32, #tpu.memory_space<vmem>>, vector<16xi32>,
    %max3A_684 = arith.maxsi %max3A_679, %get3A_683 : vector<16xi32>
    %get3A_685 = arith.constant 14 : i32
    %get3A_686 = arith.index_cast %get3A_685 : i32 to index
    %get3A_687 = arith.constant 16 : index
    %get3A_688 = tpu.vector_load %arg9[%get3A_686, %get3A_687] {strides = array<i32>} : memref<16x128xi32, #tpu.memory_space<vmem>>, vector<16xi32>,
    %max3A_689 = arith.maxsi %max3A_684, %get3A_688 : vector<16xi32>
    %get3A_690 = arith.constant 14 : i32
    %get3A_691 = arith.index_cast %get3A_690 : i32 to index
    %get3A_692 = arith.constant 32 : index
    %get3A_693 = tpu.vector_load %arg9[%get3A_691, %get3A_692] {strides = array<i32>} : memref<16x128xi32, #tpu.memory_space<vmem>>, vector<16xi32>,
    %max3A_694 = arith.maxsi %max3A_689, %get3A_693 : vector<16xi32>
    %get3A_695 = arith.constant 14 : i32
    %get3A_696 = arith.index_cast %get3A_695 : i32 to index
    %get3A_697 = arith.constant 48 : index
    %get3A_698 = tpu.vector_load %arg9[%get3A_696, %get3A_697] {strides = array<i32>} : memref<16x128xi32, #tpu.memory_space<vmem>>, vector<16xi32>,
    %max3A_699 = arith.maxsi %max3A_694, %get3A_698 : vector<16xi32>
    %get3A_700 = arith.constant 14 : i32
    %get3A_701 = arith.index_cast %get3A_700 : i32 to index
    %get3A_702 = arith.constant 64 : index
    %get3A_703 = tpu.vector_load %arg9[%get3A_701, %get3A_702] {strides = array<i32>} : memref<16x128xi32, #tpu.memory_space<vmem>>, vector<16xi32>,
    %max3A_704 = arith.maxsi %max3A_699, %get3A_703 : vector<16xi32>
    %get3A_705 = arith.constant 14 : i32
    %get3A_706 = arith.index_cast %get3A_705 : i32 to index
    %get3A_707 = arith.constant 80 : index
    %get3A_708 = tpu.vector_load %arg9[%get3A_706, %get3A_707] {strides = array<i32>} : memref<16x128xi32, #tpu.memory_space<vmem>>, vector<16xi32>,
    %max3A_709 = arith.maxsi %max3A_704, %get3A_708 : vector<16xi32>
    %get3A_710 = arith.constant 14 : i32
    %get3A_711 = arith.index_cast %get3A_710 : i32 to index
    %get3A_712 = arith.constant 96 : index
    %get3A_713 = tpu.vector_load %arg9[%get3A_711, %get3A_712] {strides = array<i32>} : memref<16x128xi32, #tpu.memory_space<vmem>>, vector<16xi32>,
    %max3A_714 = arith.maxsi %max3A_709, %get3A_713 : vector<16xi32>
    %get3A_715 = arith.constant 14 : i32
    %get3A_716 = arith.index_cast %get3A_715 : i32 to index
    %get3A_717 = arith.constant 112 : index
    %get3A_718 = tpu.vector_load %arg9[%get3A_716, %get3A_717] {strides = array<i32>} : memref<16x128xi32, #tpu.memory_space<vmem>>, vector<16xi32>,
    %max3A_719 = arith.maxsi %max3A_714, %get3A_718 : vector<16xi32>
    %get3A_720 = arith.constant 15 : i32
    %get3A_721 = arith.index_cast %get3A_720 : i32 to index
    %get3A_722 = arith.constant 0 : index
    %get3A_723 = tpu.vector_load %arg9[%get3A_721, %get3A_722] {strides = array<i32>} : memref<16x128xi32, #tpu.memory_space<vmem>>, vector<16xi32>,
    %max3A_724 = arith.maxsi %max3A_719, %get3A_723 : vector<16xi32>
    %get3A_725 = arith.constant 15 : i32
    %get3A_726 = arith.index_cast %get3A_725 : i32 to index
    %get3A_727 = arith.constant 16 : index
    %get3A_728 = tpu.vector_load %arg9[%get3A_726, %get3A_727] {strides = array<i32>} : memref<16x128xi32, #tpu.memory_space<vmem>>, vector<16xi32>,
    %max3A_729 = arith.maxsi %max3A_724, %get3A_728 : vector<16xi32>
    %get3A_730 = arith.constant 15 : i32
    %get3A_731 = arith.index_cast %get3A_730 : i32 to index
    %get3A_732 = arith.constant 32 : index
    %get3A_733 = tpu.vector_load %arg9[%get3A_731, %get3A_732] {strides = array<i32>} : memref<16x128xi32, #tpu.memory_space<vmem>>, vector<16xi32>,
    %max3A_734 = arith.maxsi %max3A_729, %get3A_733 : vector<16xi32>
    %get3A_735 = arith.constant 15 : i32
    %get3A_736 = arith.index_cast %get3A_735 : i32 to index
    %get3A_737 = arith.constant 48 : index
    %get3A_738 = tpu.vector_load %arg9[%get3A_736, %get3A_737] {strides = array<i32>} : memref<16x128xi32, #tpu.memory_space<vmem>>, vector<16xi32>,
    %max3A_739 = arith.maxsi %max3A_734, %get3A_738 : vector<16xi32>
    %get3A_740 = arith.constant 15 : i32
    %get3A_741 = arith.index_cast %get3A_740 : i32 to index
    %get3A_742 = arith.constant 64 : index
    %get3A_743 = tpu.vector_load %arg9[%get3A_741, %get3A_742] {strides = array<i32>} : memref<16x128xi32, #tpu.memory_space<vmem>>, vector<16xi32>,
    %max3A_744 = arith.maxsi %max3A_739, %get3A_743 : vector<16xi32>
    %get3A_745 = arith.constant 15 : i32
    %get3A_746 = arith.index_cast %get3A_745 : i32 to index
    %get3A_747 = arith.constant 80 : index
    %get3A_748 = tpu.vector_load %arg9[%get3A_746, %get3A_747] {strides = array<i32>} : memref<16x128xi32, #tpu.memory_space<vmem>>, vector<16xi32>,
    %max3A_749 = arith.maxsi %max3A_744, %get3A_748 : vector<16xi32>
    %get3A_750 = arith.constant 15 : i32
    %get3A_751 = arith.index_cast %get3A_750 : i32 to index
    %get3A_752 = arith.constant 96 : index
    %get3A_753 = tpu.vector_load %arg9[%get3A_751, %get3A_752] {strides = array<i32>} : memref<16x128xi32, #tpu.memory_space<vmem>>, vector<16xi32>,
    %max3A_754 = arith.maxsi %max3A_749, %get3A_753 : vector<16xi32>
    %get3A_755 = arith.constant 15 : i32
    %get3A_756 = arith.index_cast %get3A_755 : i32 to index
    %get3A_757 = arith.constant 112 : index
    %get3A_758 = tpu.vector_load %arg9[%get3A_756, %get3A_757] {strides = array<i32>} : memref<16x128xi32, #tpu.memory_space<vmem>>, vector<16xi32>,
    %max3A_759 = arith.maxsi %max3A_754, %get3A_758 : vector<16xi32>
    %swap3A = arith.constant 0 : index
    %swap3A_760 = tpu.vector_load %arg19[%swap3A] {strides = array<i32>} : memref<16xi32, #tpu.memory_space<vmem>>, vector<16xi32>,
    tpu.vector_store %arg19[%swap3A], %max3A_759 {strides = array<i32>} : memref<16xi32, #tpu.memory_space<vmem>>, vector<16xi32>,
    "tpu.region"() ({
      %run_scoped3A = tpu.sem_alloc : memref<!tpu.dma_semaphore, #tpu.memory_space<semaphore_mem>>
      %dma_start3A = arith.constant 0 : i32
      %dma_start3A_904 = tpu.memref_slice %arg21[%arg1, %dma_start3A] : memref<16x16xi32, #tpu.memory_space<vmem_shared>> -> memref<1x16xi32, #tpu.memory_space<vmem_shared>>
      %dma_start3A_905 = tpu.memref_squeeze %dma_start3A_904 : memref<1x16xi32, #tpu.memory_space<vmem_shared>> -> memref<16xi32, #tpu.memory_space<vmem_shared>>
      %dma_start3A_906 = arith.constant 0 : i32
      %dma_start3A_907 = tpu.memref_slice %arg21[%arg1, %dma_start3A_906] : memref<16x16xi32, #tpu.memory_space<vmem_shared>> -> memref<1x16xi32, #tpu.memory_space<vmem_shared>>
      %dma_start3A_908 = tpu.memref_squeeze %dma_start3A_907 : memref<1x16xi32, #tpu.memory_space<vmem_shared>> -> memref<16xi32, #tpu.memory_space<vmem_shared>>
      tpu.enqueue_dma source(%arg19 : memref<16xi32, #tpu.memory_space<vmem>>) target(%dma_start3A_908 : memref<16xi32, #tpu.memory_space<vmem_shared>>) target_semaphore(%run_scoped3A : memref<!tpu.dma_semaphore, #tpu.memory_space<semaphore_mem>>)
      %dma_wait3A = arith.constant 0 : i32
      %dma_wait3A_909 = tpu.memref_slice %arg21[%arg1, %dma_wait3A] : memref<16x16xi32, #tpu.memory_space<vmem_shared>> -> memref<1x16xi32, #tpu.memory_space<vmem_shared>>
      %dma_wait3A_910 = tpu.memref_squeeze %dma_wait3A_909 : memref<1x16xi32, #tpu.memory_space<vmem_shared>> -> memref<16xi32, #tpu.memory_space<vmem_shared>>
      %dma_wait3A_911 = arith.constant 0 : i32
      %dma_wait3A_912 = tpu.memref_slice %arg21[%arg1, %dma_wait3A_911] : memref<16x16xi32, #tpu.memory_space<vmem_shared>> -> memref<1x16xi32, #tpu.memory_space<vmem_shared>>
      %dma_wait3A_913 = tpu.memref_squeeze %dma_wait3A_912 : memref<1x16xi32, #tpu.memory_space<vmem_shared>> -> memref<16xi32, #tpu.memory_space<vmem_shared>>
      tpu.wait_dma2 semaphore(%run_scoped3A : memref<!tpu.dma_semaphore, #tpu.memory_space<semaphore_mem>>) src(%arg19 : memref<16xi32, #tpu.memory_space<vmem>>) dst(%dma_wait3A_913 : memref<16xi32, #tpu.memory_space<vmem_shared>>)
      tpu.yield
    }) : () -> ()
    %eq3A = arith.constant 0 : i32
    %eq3A_761 = arith.cmpi eq, %arg0, %eq3A : i32
    %convert_element_type3A = arith.extui %eq3A_761 : i1 to i32
    %cond3A = arith.constant 0 : i32
    %cond3A_762 = arith.cmpi ne, %convert_element_type3A, %cond3A : i32
    scf.if %cond3A_762 {
      %mul3A_904 = arith.constant 8448 : i32
      %mul3A_905 = arith.muli %arg1, %mul3A_904 : i32
      %multiple_of3A_906 = tpu.assume_multiple %mul3A_905, 128 : i32
      %mul3A_907 = arith.constant 2112 : i32
      %mul3A_908 = arith.muli %arg1, %mul3A_907 : i32
      %multiple_of3A_909 = tpu.assume_multiple %mul3A_908, 8 : i32
      %add3A_910 = arith.constant 0 : i32
      %add3A_911 = arith.addi %multiple_of3A_906, %add3A_910 : i32
      %multiple_of3A_912 = tpu.assume_multiple %add3A_911, 128 : i32
      %dma_start3A = arith.constant 0 : i32
      %dma_start3A_913 = arith.constant 0 : i32
      %dma_start3A_914 = tpu.memref_slice %arg12[%dma_start3A, %dma_start3A_913] : memref<32x385xf32, #tpu.memory_space<vmem>> -> memref<8x384xf32, #tpu.memory_space<vmem>>
      %dma_start3A_915 = arith.constant 0 : i32
      %dma_start3A_916 = tpu.memref_slice %arg3[%dma_start3A_915, %multiple_of3A_912] : memref<32x135168xf32, #tpu.memory_space<hbm>> -> memref<8x384xf32, #tpu.memory_space<hbm>>
      %dma_start3A_917 = arith.constant 0 : i32
      %dma_start3A_918 = arith.constant 0 : i32
      %dma_start3A_919 = tpu.memref_slice %arg12[%dma_start3A_917, %dma_start3A_918] : memref<32x385xf32, #tpu.memory_space<vmem>> -> memref<8x384xf32, #tpu.memory_space<vmem>>
      %dma_start3A_920 = arith.constant 0 : i32
      %dma_start3A_921 = tpu.memref_slice %arg3[%dma_start3A_920, %multiple_of3A_912] : memref<32x135168xf32, #tpu.memory_space<hbm>> -> memref<8x384xf32, #tpu.memory_space<hbm>>
      tpu.enqueue_dma source(%dma_start3A_921 : memref<8x384xf32, #tpu.memory_space<hbm>>) target(%dma_start3A_919 : memref<8x384xf32, #tpu.memory_space<vmem>>) target_semaphore(%arg22 : memref<!tpu.dma_semaphore, #tpu.memory_space<semaphore_mem>>)
      %dma_start3A_922 = arith.constant 8 : i32
      %dma_start3A_923 = arith.constant 0 : i32
      %dma_start3A_924 = tpu.memref_slice %arg12[%dma_start3A_922, %dma_start3A_923] : memref<32x385xf32, #tpu.memory_space<vmem>> -> memref<8x384xf32, #tpu.memory_space<vmem>>
      %dma_start3A_925 = arith.constant 8 : i32
      %dma_start3A_926 = tpu.memref_slice %arg3[%dma_start3A_925, %multiple_of3A_912] : memref<32x135168xf32, #tpu.memory_space<hbm>> -> memref<8x384xf32, #tpu.memory_space<hbm>>
      %dma_start3A_927 = arith.constant 8 : i32
      %dma_start3A_928 = arith.constant 0 : i32
      %dma_start3A_929 = tpu.memref_slice %arg12[%dma_start3A_927, %dma_start3A_928] : memref<32x385xf32, #tpu.memory_space<vmem>> -> memref<8x384xf32, #tpu.memory_space<vmem>>
      %dma_start3A_930 = arith.constant 8 : i32
      %dma_start3A_931 = tpu.memref_slice %arg3[%dma_start3A_930, %multiple_of3A_912] : memref<32x135168xf32, #tpu.memory_space<hbm>> -> memref<8x384xf32, #tpu.memory_space<hbm>>
      tpu.enqueue_dma source(%dma_start3A_931 : memref<8x384xf32, #tpu.memory_space<hbm>>) target(%dma_start3A_929 : memref<8x384xf32, #tpu.memory_space<vmem>>) target_semaphore(%arg22 : memref<!tpu.dma_semaphore, #tpu.memory_space<semaphore_mem>>)
      %dma_start3A_932 = arith.constant 16 : i32
      %dma_start3A_933 = arith.constant 0 : i32
      %dma_start3A_934 = tpu.memref_slice %arg12[%dma_start3A_932, %dma_start3A_933] : memref<32x385xf32, #tpu.memory_space<vmem>> -> memref<8x384xf32, #tpu.memory_space<vmem>>
      %dma_start3A_935 = arith.constant 16 : i32
      %dma_start3A_936 = tpu.memref_slice %arg3[%dma_start3A_935, %multiple_of3A_912] : memref<32x135168xf32, #tpu.memory_space<hbm>> -> memref<8x384xf32, #tpu.memory_space<hbm>>
      %dma_start3A_937 = arith.constant 16 : i32
      %dma_start3A_938 = arith.constant 0 : i32
      %dma_start3A_939 = tpu.memref_slice %arg12[%dma_start3A_937, %dma_start3A_938] : memref<32x385xf32, #tpu.memory_space<vmem>> -> memref<8x384xf32, #tpu.memory_space<vmem>>
      %dma_start3A_940 = arith.constant 16 : i32
      %dma_start3A_941 = tpu.memref_slice %arg3[%dma_start3A_940, %multiple_of3A_912] : memref<32x135168xf32, #tpu.memory_space<hbm>> -> memref<8x384xf32, #tpu.memory_space<hbm>>
      tpu.enqueue_dma source(%dma_start3A_941 : memref<8x384xf32, #tpu.memory_space<hbm>>) target(%dma_start3A_939 : memref<8x384xf32, #tpu.memory_space<vmem>>) target_semaphore(%arg22 : memref<!tpu.dma_semaphore, #tpu.memory_space<semaphore_mem>>)
      %dma_start3A_942 = arith.constant 24 : i32
      %dma_start3A_943 = arith.constant 0 : i32
      %dma_start3A_944 = tpu.memref_slice %arg12[%dma_start3A_942, %dma_start3A_943] : memref<32x385xf32, #tpu.memory_space<vmem>> -> memref<8x384xf32, #tpu.memory_space<vmem>>
      %dma_start3A_945 = arith.constant 24 : i32
      %dma_start3A_946 = tpu.memref_slice %arg3[%dma_start3A_945, %multiple_of3A_912] : memref<32x135168xf32, #tpu.memory_space<hbm>> -> memref<8x384xf32, #tpu.memory_space<hbm>>
      %dma_start3A_947 = arith.constant 24 : i32
      %dma_start3A_948 = arith.constant 0 : i32
      %dma_start3A_949 = tpu.memref_slice %arg12[%dma_start3A_947, %dma_start3A_948] : memref<32x385xf32, #tpu.memory_space<vmem>> -> memref<8x384xf32, #tpu.memory_space<vmem>>
      %dma_start3A_950 = arith.constant 24 : i32
      %dma_start3A_951 = tpu.memref_slice %arg3[%dma_start3A_950, %multiple_of3A_912] : memref<32x135168xf32, #tpu.memory_space<hbm>> -> memref<8x384xf32, #tpu.memory_space<hbm>>
      tpu.enqueue_dma source(%dma_start3A_951 : memref<8x384xf32, #tpu.memory_space<hbm>>) target(%dma_start3A_949 : memref<8x384xf32, #tpu.memory_space<vmem>>) target_semaphore(%arg22 : memref<!tpu.dma_semaphore, #tpu.memory_space<semaphore_mem>>)
      %add3A_952 = arith.constant 384 : i32
      %add3A_953 = arith.addi %multiple_of3A_906, %add3A_952 : i32
      %multiple_of3A_954 = tpu.assume_multiple %add3A_953, 128 : i32
      %dma_start3A_955 = arith.constant 0 : i32
      %dma_start3A_956 = arith.constant 0 : i32
      %dma_start3A_957 = tpu.memref_slice %arg13[%dma_start3A_955, %dma_start3A_956] : memref<32x385xf32, #tpu.memory_space<vmem>> -> memref<8x384xf32, #tpu.memory_space<vmem>>
      %dma_start3A_958 = arith.constant 0 : i32
      %dma_start3A_959 = tpu.memref_slice %arg3[%dma_start3A_958, %multiple_of3A_954] : memref<32x135168xf32, #tpu.memory_space<hbm>> -> memref<8x384xf32, #tpu.memory_space<hbm>>
      %dma_start3A_960 = arith.constant 0 : i32
      %dma_start3A_961 = arith.constant 0 : i32
      %dma_start3A_962 = tpu.memref_slice %arg13[%dma_start3A_960, %dma_start3A_961] : memref<32x385xf32, #tpu.memory_space<vmem>> -> memref<8x384xf32, #tpu.memory_space<vmem>>
      %dma_start3A_963 = arith.constant 0 : i32
      %dma_start3A_964 = tpu.memref_slice %arg3[%dma_start3A_963, %multiple_of3A_954] : memref<32x135168xf32, #tpu.memory_space<hbm>> -> memref<8x384xf32, #tpu.memory_space<hbm>>
      tpu.enqueue_dma source(%dma_start3A_964 : memref<8x384xf32, #tpu.memory_space<hbm>>) target(%dma_start3A_962 : memref<8x384xf32, #tpu.memory_space<vmem>>) target_semaphore(%arg23 : memref<!tpu.dma_semaphore, #tpu.memory_space<semaphore_mem>>)
      %dma_start3A_965 = arith.constant 8 : i32
      %dma_start3A_966 = arith.constant 0 : i32
      %dma_start3A_967 = tpu.memref_slice %arg13[%dma_start3A_965, %dma_start3A_966] : memref<32x385xf32, #tpu.memory_space<vmem>> -> memref<8x384xf32, #tpu.memory_space<vmem>>
      %dma_start3A_968 = arith.constant 8 : i32
      %dma_start3A_969 = tpu.memref_slice %arg3[%dma_start3A_968, %multiple_of3A_954] : memref<32x135168xf32, #tpu.memory_space<hbm>> -> memref<8x384xf32, #tpu.memory_space<hbm>>
      %dma_start3A_970 = arith.constant 8 : i32
      %dma_start3A_971 = arith.constant 0 : i32
      %dma_start3A_972 = tpu.memref_slice %arg13[%dma_start3A_970, %dma_start3A_971] : memref<32x385xf32, #tpu.memory_space<vmem>> -> memref<8x384xf32, #tpu.memory_space<vmem>>
      %dma_start3A_973 = arith.constant 8 : i32
      %dma_start3A_974 = tpu.memref_slice %arg3[%dma_start3A_973, %multiple_of3A_954] : memref<32x135168xf32, #tpu.memory_space<hbm>> -> memref<8x384xf32, #tpu.memory_space<hbm>>
      tpu.enqueue_dma source(%dma_start3A_974 : memref<8x384xf32, #tpu.memory_space<hbm>>) target(%dma_start3A_972 : memref<8x384xf32, #tpu.memory_space<vmem>>) target_semaphore(%arg23 : memref<!tpu.dma_semaphore, #tpu.memory_space<semaphore_mem>>)
      %dma_start3A_975 = arith.constant 16 : i32
      %dma_start3A_976 = arith.constant 0 : i32
      %dma_start3A_977 = tpu.memref_slice %arg13[%dma_start3A_975, %dma_start3A_976] : memref<32x385xf32, #tpu.memory_space<vmem>> -> memref<8x384xf32, #tpu.memory_space<vmem>>
      %dma_start3A_978 = arith.constant 16 : i32
      %dma_start3A_979 = tpu.memref_slice %arg3[%dma_start3A_978, %multiple_of3A_954] : memref<32x135168xf32, #tpu.memory_space<hbm>> -> memref<8x384xf32, #tpu.memory_space<hbm>>
      %dma_start3A_980 = arith.constant 16 : i32
      %dma_start3A_981 = arith.constant 0 : i32
      %dma_start3A_982 = tpu.memref_slice %arg13[%dma_start3A_980, %dma_start3A_981] : memref<32x385xf32, #tpu.memory_space<vmem>> -> memref<8x384xf32, #tpu.memory_space<vmem>>
      %dma_start3A_983 = arith.constant 16 : i32
      %dma_start3A_984 = tpu.memref_slice %arg3[%dma_start3A_983, %multiple_of3A_954] : memref<32x135168xf32, #tpu.memory_space<hbm>> -> memref<8x384xf32, #tpu.memory_space<hbm>>
      tpu.enqueue_dma source(%dma_start3A_984 : memref<8x384xf32, #tpu.memory_space<hbm>>) target(%dma_start3A_982 : memref<8x384xf32, #tpu.memory_space<vmem>>) target_semaphore(%arg23 : memref<!tpu.dma_semaphore, #tpu.memory_space<semaphore_mem>>)
      %dma_start3A_985 = arith.constant 24 : i32
      %dma_start3A_986 = arith.constant 0 : i32
      %dma_start3A_987 = tpu.memref_slice %arg13[%dma_start3A_985, %dma_start3A_986] : memref<32x385xf32, #tpu.memory_space<vmem>> -> memref<8x384xf32, #tpu.memory_space<vmem>>
      %dma_start3A_988 = arith.constant 24 : i32
      %dma_start3A_989 = tpu.memref_slice %arg3[%dma_start3A_988, %multiple_of3A_954] : memref<32x135168xf32, #tpu.memory_space<hbm>> -> memref<8x384xf32, #tpu.memory_space<hbm>>
      %dma_start3A_990 = arith.constant 24 : i32
      %dma_start3A_991 = arith.constant 0 : i32
      %dma_start3A_992 = tpu.memref_slice %arg13[%dma_start3A_990, %dma_start3A_991] : memref<32x385xf32, #tpu.memory_space<vmem>> -> memref<8x384xf32, #tpu.memory_space<vmem>>
      %dma_start3A_993 = arith.constant 24 : i32
      %dma_start3A_994 = tpu.memref_slice %arg3[%dma_start3A_993, %multiple_of3A_954] : memref<32x135168xf32, #tpu.memory_space<hbm>> -> memref<8x384xf32, #tpu.memory_space<hbm>>
      tpu.enqueue_dma source(%dma_start3A_994 : memref<8x384xf32, #tpu.memory_space<hbm>>) target(%dma_start3A_992 : memref<8x384xf32, #tpu.memory_space<vmem>>) target_semaphore(%arg23 : memref<!tpu.dma_semaphore, #tpu.memory_space<semaphore_mem>>)
      %scan3A_995 = arith.constant 0 : i32
      %scan3A_996 = arith.constant 11 : i32
      %scan3A_997 = arith.addi %scan3A_995, %scan3A_996 : i32
      %scan3A_998 = arith.constant 1 : i32
      scf.for %scan3A_1007 = %scan3A_995 to %scan3A_997 step %scan3A_998  : i32 {
        %mul3A_1008 = arith.constant 1 : i32
        %mul3A_1009 = arith.muli %scan3A_1007, %mul3A_1008 : i32
        %add3A_1010 = arith.constant 0 : i32
        %add3A_1011 = arith.addi %add3A_1010, %mul3A_1009 : i32
        %mul3A_1012 = arith.constant 2 : i32
        %mul3A_1013 = arith.muli %mul3A_1012, %add3A_1011 : i32
        %add3A_1014 = arith.constant 0 : i32
        %add3A_1015 = arith.addi %mul3A_1013, %add3A_1014 : i32
        %dma_wait3A_1016 = arith.constant 0 : i32
        %dma_wait3A_1017 = arith.constant 0 : i32
        %dma_wait3A_1018 = tpu.memref_slice %arg12[%dma_wait3A_1016, %dma_wait3A_1017] : memref<32x385xf32, #tpu.memory_space<vmem>> -> memref<8x384xf32, #tpu.memory_space<vmem>>
        %dma_wait3A_1019 = arith.constant 0 : i32
        %dma_wait3A_1020 = tpu.memref_slice %arg3[%dma_wait3A_1019, %multiple_of3A_906] : memref<32x135168xf32, #tpu.memory_space<hbm>> -> memref<8x384xf32, #tpu.memory_space<hbm>>
        %dma_wait3A_1021 = arith.constant 0 : i32
        %dma_wait3A_1022 = arith.constant 0 : i32
        %dma_wait3A_1023 = tpu.memref_slice %arg12[%dma_wait3A_1021, %dma_wait3A_1022] : memref<32x385xf32, #tpu.memory_space<vmem>> -> memref<8x384xf32, #tpu.memory_space<vmem>>
        %dma_wait3A_1024 = arith.constant 0 : i32
        %dma_wait3A_1025 = tpu.memref_slice %arg3[%dma_wait3A_1024, %multiple_of3A_906] : memref<32x135168xf32, #tpu.memory_space<hbm>> -> memref<8x384xf32, #tpu.memory_space<hbm>>
        tpu.wait_dma2 semaphore(%arg22 : memref<!tpu.dma_semaphore, #tpu.memory_space<semaphore_mem>>) src(%dma_wait3A_1025 : memref<8x384xf32, #tpu.memory_space<hbm>>) dst(%dma_wait3A_1023 : memref<8x384xf32, #tpu.memory_space<vmem>>)
        %dma_wait3A_1026 = arith.constant 8 : i32
        %dma_wait3A_1027 = arith.constant 0 : i32
        %dma_wait3A_1028 = tpu.memref_slice %arg12[%dma_wait3A_1026, %dma_wait3A_1027] : memref<32x385xf32, #tpu.memory_space<vmem>> -> memref<8x384xf32, #tpu.memory_space<vmem>>
        %dma_wait3A_1029 = arith.constant 8 : i32
        %dma_wait3A_1030 = tpu.memref_slice %arg3[%dma_wait3A_1029, %multiple_of3A_906] : memref<32x135168xf32, #tpu.memory_space<hbm>> -> memref<8x384xf32, #tpu.memory_space<hbm>>
        %dma_wait3A_1031 = arith.constant 8 : i32
        %dma_wait3A_1032 = arith.constant 0 : i32
        %dma_wait3A_1033 = tpu.memref_slice %arg12[%dma_wait3A_1031, %dma_wait3A_1032] : memref<32x385xf32, #tpu.memory_space<vmem>> -> memref<8x384xf32, #tpu.memory_space<vmem>>
        %dma_wait3A_1034 = arith.constant 8 : i32
        %dma_wait3A_1035 = tpu.memref_slice %arg3[%dma_wait3A_1034, %multiple_of3A_906] : memref<32x135168xf32, #tpu.memory_space<hbm>> -> memref<8x384xf32, #tpu.memory_space<hbm>>
        tpu.wait_dma2 semaphore(%arg22 : memref<!tpu.dma_semaphore, #tpu.memory_space<semaphore_mem>>) src(%dma_wait3A_1035 : memref<8x384xf32, #tpu.memory_space<hbm>>) dst(%dma_wait3A_1033 : memref<8x384xf32, #tpu.memory_space<vmem>>)
        %dma_wait3A_1036 = arith.constant 16 : i32
        %dma_wait3A_1037 = arith.constant 0 : i32
        %dma_wait3A_1038 = tpu.memref_slice %arg12[%dma_wait3A_1036, %dma_wait3A_1037] : memref<32x385xf32, #tpu.memory_space<vmem>> -> memref<8x384xf32, #tpu.memory_space<vmem>>
        %dma_wait3A_1039 = arith.constant 16 : i32
        %dma_wait3A_1040 = tpu.memref_slice %arg3[%dma_wait3A_1039, %multiple_of3A_906] : memref<32x135168xf32, #tpu.memory_space<hbm>> -> memref<8x384xf32, #tpu.memory_space<hbm>>
        %dma_wait3A_1041 = arith.constant 16 : i32
        %dma_wait3A_1042 = arith.constant 0 : i32
        %dma_wait3A_1043 = tpu.memref_slice %arg12[%dma_wait3A_1041, %dma_wait3A_1042] : memref<32x385xf32, #tpu.memory_space<vmem>> -> memref<8x384xf32, #tpu.memory_space<vmem>>
        %dma_wait3A_1044 = arith.constant 16 : i32
        %dma_wait3A_1045 = tpu.memref_slice %arg3[%dma_wait3A_1044, %multiple_of3A_906] : memref<32x135168xf32, #tpu.memory_space<hbm>> -> memref<8x384xf32, #tpu.memory_space<hbm>>
        tpu.wait_dma2 semaphore(%arg22 : memref<!tpu.dma_semaphore, #tpu.memory_space<semaphore_mem>>) src(%dma_wait3A_1045 : memref<8x384xf32, #tpu.memory_space<hbm>>) dst(%dma_wait3A_1043 : memref<8x384xf32, #tpu.memory_space<vmem>>)
        %dma_wait3A_1046 = arith.constant 24 : i32
        %dma_wait3A_1047 = arith.constant 0 : i32
        %dma_wait3A_1048 = tpu.memref_slice %arg12[%dma_wait3A_1046, %dma_wait3A_1047] : memref<32x385xf32, #tpu.memory_space<vmem>> -> memref<8x384xf32, #tpu.memory_space<vmem>>
        %dma_wait3A_1049 = arith.constant 24 : i32
        %dma_wait3A_1050 = tpu.memref_slice %arg3[%dma_wait3A_1049, %multiple_of3A_906] : memref<32x135168xf32, #tpu.memory_space<hbm>> -> memref<8x384xf32, #tpu.memory_space<hbm>>
        %dma_wait3A_1051 = arith.constant 24 : i32
        %dma_wait3A_1052 = arith.constant 0 : i32
        %dma_wait3A_1053 = tpu.memref_slice %arg12[%dma_wait3A_1051, %dma_wait3A_1052] : memref<32x385xf32, #tpu.memory_space<vmem>> -> memref<8x384xf32, #tpu.memory_space<vmem>>
        %dma_wait3A_1054 = arith.constant 24 : i32
        %dma_wait3A_1055 = tpu.memref_slice %arg3[%dma_wait3A_1054, %multiple_of3A_906] : memref<32x135168xf32, #tpu.memory_space<hbm>> -> memref<8x384xf32, #tpu.memory_space<hbm>>
        tpu.wait_dma2 semaphore(%arg22 : memref<!tpu.dma_semaphore, #tpu.memory_space<semaphore_mem>>) src(%dma_wait3A_1055 : memref<8x384xf32, #tpu.memory_space<hbm>>) dst(%dma_wait3A_1053 : memref<8x384xf32, #tpu.memory_space<vmem>>)
        %gt3A = arith.constant 0 : i32
        %gt3A_1056 = arith.cmpi sgt, %add3A_1011, %gt3A : i32
        %convert_element_type3A_1057 = arith.extui %gt3A_1056 : i1 to i32
        %cond3A_1058 = arith.constant 0 : i32
        %cond3A_1059 = arith.cmpi ne, %convert_element_type3A_1057, %cond3A_1058 : i32
        scf.if %cond3A_1059 {
          %dma_wait3A_1143 = arith.constant 0 : i32
          %dma_wait3A_1144 = tpu.memref_slice %arg7[%multiple_of3A_909, %dma_wait3A_1143] : memref<33792x128xf32, #tpu.memory_space<hbm>> -> memref<96x128xf32, #tpu.memory_space<hbm>>
          %dma_wait3A_1145 = arith.constant 0 : i32
          %dma_wait3A_1146 = tpu.memref_slice %arg7[%multiple_of3A_909, %dma_wait3A_1145] : memref<33792x128xf32, #tpu.memory_space<hbm>> -> memref<96x128xf32, #tpu.memory_space<hbm>>
          tpu.wait_dma2 semaphore(%arg24 : memref<!tpu.dma_semaphore, #tpu.memory_space<semaphore_mem>>) src(%arg14 : memref<96x128xf32, #tpu.memory_space<vmem>>) dst(%dma_wait3A_1146 : memref<96x128xf32, #tpu.memory_space<hbm>>)
        } else {
        }
        %parallel_loop3A = arith.constant 0 : i32
        %parallel_loop3A_1060 = arith.constant 768 : i32
        %parallel_loop3A_1061 = arith.constant 1 : i32
        scf.for %parallel_loop3A_1143 = %parallel_loop3A to %parallel_loop3A_1060 step %parallel_loop3A_1061  : i32 {
          %parallel_loop3A_1144 = arith.constant 1 : i32
          %parallel_loop3A_1145 = arith.andi %parallel_loop3A_1143, %parallel_loop3A_1144 : i32
          %parallel_loop3A_1146 = arith.constant 1 : i32
          %parallel_loop3A_1147 = arith.shrui %parallel_loop3A_1143, %parallel_loop3A_1146 : i32
          %parallel_loop3A_1148 = arith.constant 16 : i32
          %parallel_loop3A_1149 = arith.muli %parallel_loop3A_1145, %parallel_loop3A_1148 : i32
          %parallel_loop3A_1150 = vector.broadcast %parallel_loop3A_1149 : i32 to vector<16xi32>
          %parallel_loop3A_1151 = arith.addi %iota3A, %parallel_loop3A_1150 : vector<16xi32>
          %parallel_loop3A_1152 = vector.broadcast %parallel_loop3A_1147 : i32 to vector<16xi32>
          %parallel_loop3A_1153 = tpu.vector_load_idx %arg12[%parallel_loop3A_1151, %parallel_loop3A_1152] : memref<32x385xf32, #tpu.memory_space<vmem>>[vector<16xi32>, vector<16xi32>], vector<16xf32>,
          %parallel_loop3A_1154 = arith.constant 2 : i32
          %parallel_loop3A_1155 = arith.shrui %parallel_loop3A_1147, %parallel_loop3A_1154 : i32
          %parallel_loop3A_1156 = arith.constant 3 : i32
          %parallel_loop3A_1157 = arith.andi %parallel_loop3A_1147, %parallel_loop3A_1156 : i32
          %parallel_loop3A_1158 = arith.constant 32 : i32
          %parallel_loop3A_1159 = arith.muli %parallel_loop3A_1157, %parallel_loop3A_1158 : i32
          %parallel_loop3A_1160 = arith.constant 16 : i32
          %parallel_loop3A_1161 = arith.muli %parallel_loop3A_1145, %parallel_loop3A_1160 : i32
          %parallel_loop3A_1162 = arith.addi %parallel_loop3A_1159, %parallel_loop3A_1161 : i32
          %parallel_loop3A_1163 = arith.index_cast %parallel_loop3A_1155 : i32 to index
          %parallel_loop3A_1164 = arith.index_cast %parallel_loop3A_1162 : i32 to index
          %parallel_loop3A_1165 = tpu.vector_load %arg14[%parallel_loop3A_1163, %parallel_loop3A_1164] {strides = array<i32>} : memref<96x128xf32, #tpu.memory_space<vmem>>, vector<16xf32>,
          tpu.vector_store %arg14[%parallel_loop3A_1163, %parallel_loop3A_1164], %parallel_loop3A_1153 {strides = array<i32>} : memref<96x128xf32, #tpu.memory_space<vmem>>, vector<16xf32>,
        } {sc.loop_unroll_factor = 4 : i64, sc.parallel_access}
        %mul3A_1062 = arith.constant 96 : i32
        %mul3A_1063 = arith.muli %add3A_1015, %mul3A_1062 : i32
        %add3A_1064 = arith.addi %multiple_of3A_909, %mul3A_1063 : i32
        %multiple_of3A_1065 = tpu.assume_multiple %add3A_1064, 8 : i32
        %dma_start3A_1066 = arith.constant 0 : i32
        %dma_start3A_1067 = tpu.memref_slice %arg7[%multiple_of3A_1065, %dma_start3A_1066] : memref<33792x128xf32, #tpu.memory_space<hbm>> -> memref<96x128xf32, #tpu.memory_space<hbm>>
        %dma_start3A_1068 = arith.constant 0 : i32
        %dma_start3A_1069 = tpu.memref_slice %arg7[%multiple_of3A_1065, %dma_start3A_1068] : memref<33792x128xf32, #tpu.memory_space<hbm>> -> memref<96x128xf32, #tpu.memory_space<hbm>>
        tpu.enqueue_dma source(%arg14 : memref<96x128xf32, #tpu.memory_space<vmem>>) target(%dma_start3A_1069 : memref<96x128xf32, #tpu.memory_space<hbm>>) target_semaphore(%arg24 : memref<!tpu.dma_semaphore, #tpu.memory_space<semaphore_mem>>)
        %add3A_1070 = arith.constant 1 : i32
        %add3A_1071 = arith.addi %add3A_1011, %add3A_1070 : i32
        %lt3A = arith.constant 11 : i32
        %lt3A_1072 = arith.cmpi slt, %add3A_1071, %lt3A : i32
        %convert_element_type3A_1073 = arith.extui %lt3A_1072 : i1 to i32
        %cond3A_1074 = arith.constant 0 : i32
        %cond3A_1075 = arith.cmpi ne, %convert_element_type3A_1073, %cond3A_1074 : i32
        scf.if %cond3A_1075 {
          %add3A_1143 = arith.constant 2 : i32
          %add3A_1144 = arith.addi %add3A_1015, %add3A_1143 : i32
          %mul3A_1145 = arith.constant 384 : i32
          %mul3A_1146 = arith.muli %add3A_1144, %mul3A_1145 : i32
          %add3A_1147 = arith.addi %multiple_of3A_906, %mul3A_1146 : i32
          %multiple_of3A_1148 = tpu.assume_multiple %add3A_1147, 128 : i32
          %dma_start3A_1149 = arith.constant 0 : i32
          %dma_start3A_1150 = arith.constant 0 : i32
          %dma_start3A_1151 = tpu.memref_slice %arg12[%dma_start3A_1149, %dma_start3A_1150] : memref<32x385xf32, #tpu.memory_space<vmem>> -> memref<8x384xf32, #tpu.memory_space<vmem>>
          %dma_start3A_1152 = arith.constant 0 : i32
          %dma_start3A_1153 = tpu.memref_slice %arg3[%dma_start3A_1152, %multiple_of3A_1148] : memref<32x135168xf32, #tpu.memory_space<hbm>> -> memref<8x384xf32, #tpu.memory_space<hbm>>
          %dma_start3A_1154 = arith.constant 0 : i32
          %dma_start3A_1155 = arith.constant 0 : i32
          %dma_start3A_1156 = tpu.memref_slice %arg12[%dma_start3A_1154, %dma_start3A_1155] : memref<32x385xf32, #tpu.memory_space<vmem>> -> memref<8x384xf32, #tpu.memory_space<vmem>>
          %dma_start3A_1157 = arith.constant 0 : i32
          %dma_start3A_1158 = tpu.memref_slice %arg3[%dma_start3A_1157, %multiple_of3A_1148] : memref<32x135168xf32, #tpu.memory_space<hbm>> -> memref<8x384xf32, #tpu.memory_space<hbm>>
          tpu.enqueue_dma source(%dma_start3A_1158 : memref<8x384xf32, #tpu.memory_space<hbm>>) target(%dma_start3A_1156 : memref<8x384xf32, #tpu.memory_space<vmem>>) target_semaphore(%arg22 : memref<!tpu.dma_semaphore, #tpu.memory_space<semaphore_mem>>)
          %dma_start3A_1159 = arith.constant 8 : i32
          %dma_start3A_1160 = arith.constant 0 : i32
          %dma_start3A_1161 = tpu.memref_slice %arg12[%dma_start3A_1159, %dma_start3A_1160] : memref<32x385xf32, #tpu.memory_space<vmem>> -> memref<8x384xf32, #tpu.memory_space<vmem>>
          %dma_start3A_1162 = arith.constant 8 : i32
          %dma_start3A_1163 = tpu.memref_slice %arg3[%dma_start3A_1162, %multiple_of3A_1148] : memref<32x135168xf32, #tpu.memory_space<hbm>> -> memref<8x384xf32, #tpu.memory_space<hbm>>
          %dma_start3A_1164 = arith.constant 8 : i32
          %dma_start3A_1165 = arith.constant 0 : i32
          %dma_start3A_1166 = tpu.memref_slice %arg12[%dma_start3A_1164, %dma_start3A_1165] : memref<32x385xf32, #tpu.memory_space<vmem>> -> memref<8x384xf32, #tpu.memory_space<vmem>>
          %dma_start3A_1167 = arith.constant 8 : i32
          %dma_start3A_1168 = tpu.memref_slice %arg3[%dma_start3A_1167, %multiple_of3A_1148] : memref<32x135168xf32, #tpu.memory_space<hbm>> -> memref<8x384xf32, #tpu.memory_space<hbm>>
          tpu.enqueue_dma source(%dma_start3A_1168 : memref<8x384xf32, #tpu.memory_space<hbm>>) target(%dma_start3A_1166 : memref<8x384xf32, #tpu.memory_space<vmem>>) target_semaphore(%arg22 : memref<!tpu.dma_semaphore, #tpu.memory_space<semaphore_mem>>)
          %dma_start3A_1169 = arith.constant 16 : i32
          %dma_start3A_1170 = arith.constant 0 : i32
          %dma_start3A_1171 = tpu.memref_slice %arg12[%dma_start3A_1169, %dma_start3A_1170] : memref<32x385xf32, #tpu.memory_space<vmem>> -> memref<8x384xf32, #tpu.memory_space<vmem>>
          %dma_start3A_1172 = arith.constant 16 : i32
          %dma_start3A_1173 = tpu.memref_slice %arg3[%dma_start3A_1172, %multiple_of3A_1148] : memref<32x135168xf32, #tpu.memory_space<hbm>> -> memref<8x384xf32, #tpu.memory_space<hbm>>
          %dma_start3A_1174 = arith.constant 16 : i32
          %dma_start3A_1175 = arith.constant 0 : i32
          %dma_start3A_1176 = tpu.memref_slice %arg12[%dma_start3A_1174, %dma_start3A_1175] : memref<32x385xf32, #tpu.memory_space<vmem>> -> memref<8x384xf32, #tpu.memory_space<vmem>>
          %dma_start3A_1177 = arith.constant 16 : i32
          %dma_start3A_1178 = tpu.memref_slice %arg3[%dma_start3A_1177, %multiple_of3A_1148] : memref<32x135168xf32, #tpu.memory_space<hbm>> -> memref<8x384xf32, #tpu.memory_space<hbm>>
          tpu.enqueue_dma source(%dma_start3A_1178 : memref<8x384xf32, #tpu.memory_space<hbm>>) target(%dma_start3A_1176 : memref<8x384xf32, #tpu.memory_space<vmem>>) target_semaphore(%arg22 : memref<!tpu.dma_semaphore, #tpu.memory_space<semaphore_mem>>)
          %dma_start3A_1179 = arith.constant 24 : i32
          %dma_start3A_1180 = arith.constant 0 : i32
          %dma_start3A_1181 = tpu.memref_slice %arg12[%dma_start3A_1179, %dma_start3A_1180] : memref<32x385xf32, #tpu.memory_space<vmem>> -> memref<8x384xf32, #tpu.memory_space<vmem>>
          %dma_start3A_1182 = arith.constant 24 : i32
          %dma_start3A_1183 = tpu.memref_slice %arg3[%dma_start3A_1182, %multiple_of3A_1148] : memref<32x135168xf32, #tpu.memory_space<hbm>> -> memref<8x384xf32, #tpu.memory_space<hbm>>
          %dma_start3A_1184 = arith.constant 24 : i32
          %dma_start3A_1185 = arith.constant 0 : i32
          %dma_start3A_1186 = tpu.memref_slice %arg12[%dma_start3A_1184, %dma_start3A_1185] : memref<32x385xf32, #tpu.memory_space<vmem>> -> memref<8x384xf32, #tpu.memory_space<vmem>>
          %dma_start3A_1187 = arith.constant 24 : i32
          %dma_start3A_1188 = tpu.memref_slice %arg3[%dma_start3A_1187, %multiple_of3A_1148] : memref<32x135168xf32, #tpu.memory_space<hbm>> -> memref<8x384xf32, #tpu.memory_space<hbm>>
          tpu.enqueue_dma source(%dma_start3A_1188 : memref<8x384xf32, #tpu.memory_space<hbm>>) target(%dma_start3A_1186 : memref<8x384xf32, #tpu.memory_space<vmem>>) target_semaphore(%arg22 : memref<!tpu.dma_semaphore, #tpu.memory_space<semaphore_mem>>)
        } else {
        }
        %mul3A_1076 = arith.constant 2 : i32
        %mul3A_1077 = arith.muli %mul3A_1076, %add3A_1011 : i32
        %add3A_1078 = arith.constant 1 : i32
        %add3A_1079 = arith.addi %mul3A_1077, %add3A_1078 : i32
        %dma_wait3A_1080 = arith.constant 0 : i32
        %dma_wait3A_1081 = arith.constant 0 : i32
        %dma_wait3A_1082 = tpu.memref_slice %arg13[%dma_wait3A_1080, %dma_wait3A_1081] : memref<32x385xf32, #tpu.memory_space<vmem>> -> memref<8x384xf32, #tpu.memory_space<vmem>>
        %dma_wait3A_1083 = arith.constant 0 : i32
        %dma_wait3A_1084 = tpu.memref_slice %arg3[%dma_wait3A_1083, %multiple_of3A_906] : memref<32x135168xf32, #tpu.memory_space<hbm>> -> memref<8x384xf32, #tpu.memory_space<hbm>>
        %dma_wait3A_1085 = arith.constant 0 : i32
        %dma_wait3A_1086 = arith.constant 0 : i32
        %dma_wait3A_1087 = tpu.memref_slice %arg13[%dma_wait3A_1085, %dma_wait3A_1086] : memref<32x385xf32, #tpu.memory_space<vmem>> -> memref<8x384xf32, #tpu.memory_space<vmem>>
        %dma_wait3A_1088 = arith.constant 0 : i32
        %dma_wait3A_1089 = tpu.memref_slice %arg3[%dma_wait3A_1088, %multiple_of3A_906] : memref<32x135168xf32, #tpu.memory_space<hbm>> -> memref<8x384xf32, #tpu.memory_space<hbm>>
        tpu.wait_dma2 semaphore(%arg23 : memref<!tpu.dma_semaphore, #tpu.memory_space<semaphore_mem>>) src(%dma_wait3A_1089 : memref<8x384xf32, #tpu.memory_space<hbm>>) dst(%dma_wait3A_1087 : memref<8x384xf32, #tpu.memory_space<vmem>>)
        %dma_wait3A_1090 = arith.constant 8 : i32
        %dma_wait3A_1091 = arith.constant 0 : i32
        %dma_wait3A_1092 = tpu.memref_slice %arg13[%dma_wait3A_1090, %dma_wait3A_1091] : memref<32x385xf32, #tpu.memory_space<vmem>> -> memref<8x384xf32, #tpu.memory_space<vmem>>
        %dma_wait3A_1093 = arith.constant 8 : i32
        %dma_wait3A_1094 = tpu.memref_slice %arg3[%dma_wait3A_1093, %multiple_of3A_906] : memref<32x135168xf32, #tpu.memory_space<hbm>> -> memref<8x384xf32, #tpu.memory_space<hbm>>
        %dma_wait3A_1095 = arith.constant 8 : i32
        %dma_wait3A_1096 = arith.constant 0 : i32
        %dma_wait3A_1097 = tpu.memref_slice %arg13[%dma_wait3A_1095, %dma_wait3A_1096] : memref<32x385xf32, #tpu.memory_space<vmem>> -> memref<8x384xf32, #tpu.memory_space<vmem>>
        %dma_wait3A_1098 = arith.constant 8 : i32
        %dma_wait3A_1099 = tpu.memref_slice %arg3[%dma_wait3A_1098, %multiple_of3A_906] : memref<32x135168xf32, #tpu.memory_space<hbm>> -> memref<8x384xf32, #tpu.memory_space<hbm>>
        tpu.wait_dma2 semaphore(%arg23 : memref<!tpu.dma_semaphore, #tpu.memory_space<semaphore_mem>>) src(%dma_wait3A_1099 : memref<8x384xf32, #tpu.memory_space<hbm>>) dst(%dma_wait3A_1097 : memref<8x384xf32, #tpu.memory_space<vmem>>)
        %dma_wait3A_1100 = arith.constant 16 : i32
        %dma_wait3A_1101 = arith.constant 0 : i32
        %dma_wait3A_1102 = tpu.memref_slice %arg13[%dma_wait3A_1100, %dma_wait3A_1101] : memref<32x385xf32, #tpu.memory_space<vmem>> -> memref<8x384xf32, #tpu.memory_space<vmem>>
        %dma_wait3A_1103 = arith.constant 16 : i32
        %dma_wait3A_1104 = tpu.memref_slice %arg3[%dma_wait3A_1103, %multiple_of3A_906] : memref<32x135168xf32, #tpu.memory_space<hbm>> -> memref<8x384xf32, #tpu.memory_space<hbm>>
        %dma_wait3A_1105 = arith.constant 16 : i32
        %dma_wait3A_1106 = arith.constant 0 : i32
        %dma_wait3A_1107 = tpu.memref_slice %arg13[%dma_wait3A_1105, %dma_wait3A_1106] : memref<32x385xf32, #tpu.memory_space<vmem>> -> memref<8x384xf32, #tpu.memory_space<vmem>>
        %dma_wait3A_1108 = arith.constant 16 : i32
        %dma_wait3A_1109 = tpu.memref_slice %arg3[%dma_wait3A_1108, %multiple_of3A_906] : memref<32x135168xf32, #tpu.memory_space<hbm>> -> memref<8x384xf32, #tpu.memory_space<hbm>>
        tpu.wait_dma2 semaphore(%arg23 : memref<!tpu.dma_semaphore, #tpu.memory_space<semaphore_mem>>) src(%dma_wait3A_1109 : memref<8x384xf32, #tpu.memory_space<hbm>>) dst(%dma_wait3A_1107 : memref<8x384xf32, #tpu.memory_space<vmem>>)
        %dma_wait3A_1110 = arith.constant 24 : i32
        %dma_wait3A_1111 = arith.constant 0 : i32
        %dma_wait3A_1112 = tpu.memref_slice %arg13[%dma_wait3A_1110, %dma_wait3A_1111] : memref<32x385xf32, #tpu.memory_space<vmem>> -> memref<8x384xf32, #tpu.memory_space<vmem>>
        %dma_wait3A_1113 = arith.constant 24 : i32
        %dma_wait3A_1114 = tpu.memref_slice %arg3[%dma_wait3A_1113, %multiple_of3A_906] : memref<32x135168xf32, #tpu.memory_space<hbm>> -> memref<8x384xf32, #tpu.memory_space<hbm>>
        %dma_wait3A_1115 = arith.constant 24 : i32
        %dma_wait3A_1116 = arith.constant 0 : i32
        %dma_wait3A_1117 = tpu.memref_slice %arg13[%dma_wait3A_1115, %dma_wait3A_1116] : memref<32x385xf32, #tpu.memory_space<vmem>> -> memref<8x384xf32, #tpu.memory_space<vmem>>
        %dma_wait3A_1118 = arith.constant 24 : i32
        %dma_wait3A_1119 = tpu.memref_slice %arg3[%dma_wait3A_1118, %multiple_of3A_906] : memref<32x135168xf32, #tpu.memory_space<hbm>> -> memref<8x384xf32, #tpu.memory_space<hbm>>
        tpu.wait_dma2 semaphore(%arg23 : memref<!tpu.dma_semaphore, #tpu.memory_space<semaphore_mem>>) src(%dma_wait3A_1119 : memref<8x384xf32, #tpu.memory_space<hbm>>) dst(%dma_wait3A_1117 : memref<8x384xf32, #tpu.memory_space<vmem>>)
        %gt3A_1120 = arith.constant 0 : i32
        %gt3A_1121 = arith.cmpi sgt, %add3A_1011, %gt3A_1120 : i32
        %convert_element_type3A_1122 = arith.extui %gt3A_1121 : i1 to i32
        %cond3A_1123 = arith.constant 0 : i32
        %cond3A_1124 = arith.cmpi ne, %convert_element_type3A_1122, %cond3A_1123 : i32
        scf.if %cond3A_1124 {
          %dma_wait3A_1143 = arith.constant 0 : i32
          %dma_wait3A_1144 = tpu.memref_slice %arg7[%multiple_of3A_909, %dma_wait3A_1143] : memref<33792x128xf32, #tpu.memory_space<hbm>> -> memref<96x128xf32, #tpu.memory_space<hbm>>
          %dma_wait3A_1145 = arith.constant 0 : i32
          %dma_wait3A_1146 = tpu.memref_slice %arg7[%multiple_of3A_909, %dma_wait3A_1145] : memref<33792x128xf32, #tpu.memory_space<hbm>> -> memref<96x128xf32, #tpu.memory_space<hbm>>
          tpu.wait_dma2 semaphore(%arg25 : memref<!tpu.dma_semaphore, #tpu.memory_space<semaphore_mem>>) src(%arg15 : memref<96x128xf32, #tpu.memory_space<vmem>>) dst(%dma_wait3A_1146 : memref<96x128xf32, #tpu.memory_space<hbm>>)
        } else {
        }
        %parallel_loop3A_1125 = arith.constant 0 : i32
        %parallel_loop3A_1126 = arith.constant 768 : i32
        %parallel_loop3A_1127 = arith.constant 1 : i32
        scf.for %parallel_loop3A_1143 = %parallel_loop3A_1125 to %parallel_loop3A_1126 step %parallel_loop3A_1127  : i32 {
          %parallel_loop3A_1144 = arith.constant 1 : i32
          %parallel_loop3A_1145 = arith.andi %parallel_loop3A_1143, %parallel_loop3A_1144 : i32
          %parallel_loop3A_1146 = arith.constant 1 : i32
          %parallel_loop3A_1147 = arith.shrui %parallel_loop3A_1143, %parallel_loop3A_1146 : i32
          %parallel_loop3A_1148 = arith.constant 16 : i32
          %parallel_loop3A_1149 = arith.muli %parallel_loop3A_1145, %parallel_loop3A_1148 : i32
          %parallel_loop3A_1150 = vector.broadcast %parallel_loop3A_1149 : i32 to vector<16xi32>
          %parallel_loop3A_1151 = arith.addi %iota3A, %parallel_loop3A_1150 : vector<16xi32>
          %parallel_loop3A_1152 = vector.broadcast %parallel_loop3A_1147 : i32 to vector<16xi32>
          %parallel_loop3A_1153 = tpu.vector_load_idx %arg13[%parallel_loop3A_1151, %parallel_loop3A_1152] : memref<32x385xf32, #tpu.memory_space<vmem>>[vector<16xi32>, vector<16xi32>], vector<16xf32>,
          %parallel_loop3A_1154 = arith.constant 2 : i32
          %parallel_loop3A_1155 = arith.shrui %parallel_loop3A_1147, %parallel_loop3A_1154 : i32
          %parallel_loop3A_1156 = arith.constant 3 : i32
          %parallel_loop3A_1157 = arith.andi %parallel_loop3A_1147, %parallel_loop3A_1156 : i32
          %parallel_loop3A_1158 = arith.constant 32 : i32
          %parallel_loop3A_1159 = arith.muli %parallel_loop3A_1157, %parallel_loop3A_1158 : i32
          %parallel_loop3A_1160 = arith.constant 16 : i32
          %parallel_loop3A_1161 = arith.muli %parallel_loop3A_1145, %parallel_loop3A_1160 : i32
          %parallel_loop3A_1162 = arith.addi %parallel_loop3A_1159, %parallel_loop3A_1161 : i32
          %parallel_loop3A_1163 = arith.index_cast %parallel_loop3A_1155 : i32 to index
          %parallel_loop3A_1164 = arith.index_cast %parallel_loop3A_1162 : i32 to index
          %parallel_loop3A_1165 = tpu.vector_load %arg15[%parallel_loop3A_1163, %parallel_loop3A_1164] {strides = array<i32>} : memref<96x128xf32, #tpu.memory_space<vmem>>, vector<16xf32>,
          tpu.vector_store %arg15[%parallel_loop3A_1163, %parallel_loop3A_1164], %parallel_loop3A_1153 {strides = array<i32>} : memref<96x128xf32, #tpu.memory_space<vmem>>, vector<16xf32>,
        } {sc.loop_unroll_factor = 4 : i64, sc.parallel_access}
        %mul3A_1128 = arith.constant 96 : i32
        %mul3A_1129 = arith.muli %add3A_1079, %mul3A_1128 : i32
        %add3A_1130 = arith.addi %multiple_of3A_909, %mul3A_1129 : i32
        %multiple_of3A_1131 = tpu.assume_multiple %add3A_1130, 8 : i32
        %dma_start3A_1132 = arith.constant 0 : i32
        %dma_start3A_1133 = tpu.memref_slice %arg7[%multiple_of3A_1131, %dma_start3A_1132] : memref<33792x128xf32, #tpu.memory_space<hbm>> -> memref<96x128xf32, #tpu.memory_space<hbm>>
        %dma_start3A_1134 = arith.constant 0 : i32
        %dma_start3A_1135 = tpu.memref_slice %arg7[%multiple_of3A_1131, %dma_start3A_1134] : memref<33792x128xf32, #tpu.memory_space<hbm>> -> memref<96x128xf32, #tpu.memory_space<hbm>>
        tpu.enqueue_dma source(%arg15 : memref<96x128xf32, #tpu.memory_space<vmem>>) target(%dma_start3A_1135 : memref<96x128xf32, #tpu.memory_space<hbm>>) target_semaphore(%arg25 : memref<!tpu.dma_semaphore, #tpu.memory_space<semaphore_mem>>)
        %add3A_1136 = arith.constant 1 : i32
        %add3A_1137 = arith.addi %add3A_1011, %add3A_1136 : i32
        %lt3A_1138 = arith.constant 11 : i32
        %lt3A_1139 = arith.cmpi slt, %add3A_1137, %lt3A_1138 : i32
        %convert_element_type3A_1140 = arith.extui %lt3A_1139 : i1 to i32
        %cond3A_1141 = arith.constant 0 : i32
        %cond3A_1142 = arith.cmpi ne, %convert_element_type3A_1140, %cond3A_1141 : i32
        scf.if %cond3A_1142 {
          %add3A_1143 = arith.constant 2 : i32
          %add3A_1144 = arith.addi %add3A_1079, %add3A_1143 : i32
          %mul3A_1145 = arith.constant 384 : i32
          %mul3A_1146 = arith.muli %add3A_1144, %mul3A_1145 : i32
          %add3A_1147 = arith.addi %multiple_of3A_906, %mul3A_1146 : i32
          %multiple_of3A_1148 = tpu.assume_multiple %add3A_1147, 128 : i32
          %dma_start3A_1149 = arith.constant 0 : i32
          %dma_start3A_1150 = arith.constant 0 : i32
          %dma_start3A_1151 = tpu.memref_slice %arg13[%dma_start3A_1149, %dma_start3A_1150] : memref<32x385xf32, #tpu.memory_space<vmem>> -> memref<8x384xf32, #tpu.memory_space<vmem>>
          %dma_start3A_1152 = arith.constant 0 : i32
          %dma_start3A_1153 = tpu.memref_slice %arg3[%dma_start3A_1152, %multiple_of3A_1148] : memref<32x135168xf32, #tpu.memory_space<hbm>> -> memref<8x384xf32, #tpu.memory_space<hbm>>
          %dma_start3A_1154 = arith.constant 0 : i32
          %dma_start3A_1155 = arith.constant 0 : i32
          %dma_start3A_1156 = tpu.memref_slice %arg13[%dma_start3A_1154, %dma_start3A_1155] : memref<32x385xf32, #tpu.memory_space<vmem>> -> memref<8x384xf32, #tpu.memory_space<vmem>>
          %dma_start3A_1157 = arith.constant 0 : i32
          %dma_start3A_1158 = tpu.memref_slice %arg3[%dma_start3A_1157, %multiple_of3A_1148] : memref<32x135168xf32, #tpu.memory_space<hbm>> -> memref<8x384xf32, #tpu.memory_space<hbm>>
          tpu.enqueue_dma source(%dma_start3A_1158 : memref<8x384xf32, #tpu.memory_space<hbm>>) target(%dma_start3A_1156 : memref<8x384xf32, #tpu.memory_space<vmem>>) target_semaphore(%arg23 : memref<!tpu.dma_semaphore, #tpu.memory_space<semaphore_mem>>)
          %dma_start3A_1159 = arith.constant 8 : i32
          %dma_start3A_1160 = arith.constant 0 : i32
          %dma_start3A_1161 = tpu.memref_slice %arg13[%dma_start3A_1159, %dma_start3A_1160] : memref<32x385xf32, #tpu.memory_space<vmem>> -> memref<8x384xf32, #tpu.memory_space<vmem>>
          %dma_start3A_1162 = arith.constant 8 : i32
          %dma_start3A_1163 = tpu.memref_slice %arg3[%dma_start3A_1162, %multiple_of3A_1148] : memref<32x135168xf32, #tpu.memory_space<hbm>> -> memref<8x384xf32, #tpu.memory_space<hbm>>
          %dma_start3A_1164 = arith.constant 8 : i32
          %dma_start3A_1165 = arith.constant 0 : i32
          %dma_start3A_1166 = tpu.memref_slice %arg13[%dma_start3A_1164, %dma_start3A_1165] : memref<32x385xf32, #tpu.memory_space<vmem>> -> memref<8x384xf32, #tpu.memory_space<vmem>>
          %dma_start3A_1167 = arith.constant 8 : i32
          %dma_start3A_1168 = tpu.memref_slice %arg3[%dma_start3A_1167, %multiple_of3A_1148] : memref<32x135168xf32, #tpu.memory_space<hbm>> -> memref<8x384xf32, #tpu.memory_space<hbm>>
          tpu.enqueue_dma source(%dma_start3A_1168 : memref<8x384xf32, #tpu.memory_space<hbm>>) target(%dma_start3A_1166 : memref<8x384xf32, #tpu.memory_space<vmem>>) target_semaphore(%arg23 : memref<!tpu.dma_semaphore, #tpu.memory_space<semaphore_mem>>)
          %dma_start3A_1169 = arith.constant 16 : i32
          %dma_start3A_1170 = arith.constant 0 : i32
          %dma_start3A_1171 = tpu.memref_slice %arg13[%dma_start3A_1169, %dma_start3A_1170] : memref<32x385xf32, #tpu.memory_space<vmem>> -> memref<8x384xf32, #tpu.memory_space<vmem>>
          %dma_start3A_1172 = arith.constant 16 : i32
          %dma_start3A_1173 = tpu.memref_slice %arg3[%dma_start3A_1172, %multiple_of3A_1148] : memref<32x135168xf32, #tpu.memory_space<hbm>> -> memref<8x384xf32, #tpu.memory_space<hbm>>
          %dma_start3A_1174 = arith.constant 16 : i32
          %dma_start3A_1175 = arith.constant 0 : i32
          %dma_start3A_1176 = tpu.memref_slice %arg13[%dma_start3A_1174, %dma_start3A_1175] : memref<32x385xf32, #tpu.memory_space<vmem>> -> memref<8x384xf32, #tpu.memory_space<vmem>>
          %dma_start3A_1177 = arith.constant 16 : i32
          %dma_start3A_1178 = tpu.memref_slice %arg3[%dma_start3A_1177, %multiple_of3A_1148] : memref<32x135168xf32, #tpu.memory_space<hbm>> -> memref<8x384xf32, #tpu.memory_space<hbm>>
          tpu.enqueue_dma source(%dma_start3A_1178 : memref<8x384xf32, #tpu.memory_space<hbm>>) target(%dma_start3A_1176 : memref<8x384xf32, #tpu.memory_space<vmem>>) target_semaphore(%arg23 : memref<!tpu.dma_semaphore, #tpu.memory_space<semaphore_mem>>)
          %dma_start3A_1179 = arith.constant 24 : i32
          %dma_start3A_1180 = arith.constant 0 : i32
          %dma_start3A_1181 = tpu.memref_slice %arg13[%dma_start3A_1179, %dma_start3A_1180] : memref<32x385xf32, #tpu.memory_space<vmem>> -> memref<8x384xf32, #tpu.memory_space<vmem>>
          %dma_start3A_1182 = arith.constant 24 : i32
          %dma_start3A_1183 = tpu.memref_slice %arg3[%dma_start3A_1182, %multiple_of3A_1148] : memref<32x135168xf32, #tpu.memory_space<hbm>> -> memref<8x384xf32, #tpu.memory_space<hbm>>
          %dma_start3A_1184 = arith.constant 24 : i32
          %dma_start3A_1185 = arith.constant 0 : i32
          %dma_start3A_1186 = tpu.memref_slice %arg13[%dma_start3A_1184, %dma_start3A_1185] : memref<32x385xf32, #tpu.memory_space<vmem>> -> memref<8x384xf32, #tpu.memory_space<vmem>>
          %dma_start3A_1187 = arith.constant 24 : i32
          %dma_start3A_1188 = tpu.memref_slice %arg3[%dma_start3A_1187, %multiple_of3A_1148] : memref<32x135168xf32, #tpu.memory_space<hbm>> -> memref<8x384xf32, #tpu.memory_space<hbm>>
          tpu.enqueue_dma source(%dma_start3A_1188 : memref<8x384xf32, #tpu.memory_space<hbm>>) target(%dma_start3A_1186 : memref<8x384xf32, #tpu.memory_space<vmem>>) target_semaphore(%arg23 : memref<!tpu.dma_semaphore, #tpu.memory_space<semaphore_mem>>)
        } else {
        }
      }
      %scan3A_999 = arith.constant 11 : i32
      %dma_wait3A = arith.constant 0 : i32
      %dma_wait3A_1000 = tpu.memref_slice %arg7[%multiple_of3A_909, %dma_wait3A] : memref<33792x128xf32, #tpu.memory_space<hbm>> -> memref<96x128xf32, #tpu.memory_space<hbm>>
      %dma_wait3A_1001 = arith.constant 0 : i32
      %dma_wait3A_1002 = tpu.memref_slice %arg7[%multiple_of3A_909, %dma_wait3A_1001] : memref<33792x128xf32, #tpu.memory_space<hbm>> -> memref<96x128xf32, #tpu.memory_space<hbm>>
      tpu.wait_dma2 semaphore(%arg24 : memref<!tpu.dma_semaphore, #tpu.memory_space<semaphore_mem>>) src(%arg14 : memref<96x128xf32, #tpu.memory_space<vmem>>) dst(%dma_wait3A_1002 : memref<96x128xf32, #tpu.memory_space<hbm>>)
      %dma_wait3A_1003 = arith.constant 0 : i32
      %dma_wait3A_1004 = tpu.memref_slice %arg7[%multiple_of3A_909, %dma_wait3A_1003] : memref<33792x128xf32, #tpu.memory_space<hbm>> -> memref<96x128xf32, #tpu.memory_space<hbm>>
      %dma_wait3A_1005 = arith.constant 0 : i32
      %dma_wait3A_1006 = tpu.memref_slice %arg7[%multiple_of3A_909, %dma_wait3A_1005] : memref<33792x128xf32, #tpu.memory_space<hbm>> -> memref<96x128xf32, #tpu.memory_space<hbm>>
      tpu.wait_dma2 semaphore(%arg25 : memref<!tpu.dma_semaphore, #tpu.memory_space<semaphore_mem>>) src(%arg15 : memref<96x128xf32, #tpu.memory_space<vmem>>) dst(%dma_wait3A_1006 : memref<96x128xf32, #tpu.memory_space<hbm>>)
    } else {
    }
    %eq3A_763 = arith.constant 1 : i32
    %eq3A_764 = arith.cmpi eq, %arg0, %eq3A_763 : i32
    %convert_element_type3A_765 = arith.extui %eq3A_764 : i1 to i32
    %cond3A_766 = arith.constant 0 : i32
    %cond3A_767 = arith.cmpi ne, %convert_element_type3A_765, %cond3A_766 : i32
    scf.if %cond3A_767 {
      %mul3A_904 = arith.constant 8448 : i32
      %mul3A_905 = arith.muli %arg1, %mul3A_904 : i32
      %multiple_of3A_906 = tpu.assume_multiple %mul3A_905, 128 : i32
      %mul3A_907 = arith.constant 2112 : i32
      %mul3A_908 = arith.muli %arg1, %mul3A_907 : i32
      %multiple_of3A_909 = tpu.assume_multiple %mul3A_908, 8 : i32
      %add3A_910 = arith.constant 0 : i32
      %add3A_911 = arith.addi %multiple_of3A_906, %add3A_910 : i32
      %multiple_of3A_912 = tpu.assume_multiple %add3A_911, 128 : i32
      %dma_start3A = arith.constant 0 : i32
      %dma_start3A_913 = arith.constant 0 : i32
      %dma_start3A_914 = tpu.memref_slice %arg12[%dma_start3A, %dma_start3A_913] : memref<32x385xf32, #tpu.memory_space<vmem>> -> memref<8x384xf32, #tpu.memory_space<vmem>>
      %dma_start3A_915 = arith.constant 0 : i32
      %dma_start3A_916 = tpu.memref_slice %arg4[%dma_start3A_915, %multiple_of3A_912] : memref<32x135168xf32, #tpu.memory_space<hbm>> -> memref<8x384xf32, #tpu.memory_space<hbm>>
      %dma_start3A_917 = arith.constant 0 : i32
      %dma_start3A_918 = arith.constant 0 : i32
      %dma_start3A_919 = tpu.memref_slice %arg12[%dma_start3A_917, %dma_start3A_918] : memref<32x385xf32, #tpu.memory_space<vmem>> -> memref<8x384xf32, #tpu.memory_space<vmem>>
      %dma_start3A_920 = arith.constant 0 : i32
      %dma_start3A_921 = tpu.memref_slice %arg4[%dma_start3A_920, %multiple_of3A_912] : memref<32x135168xf32, #tpu.memory_space<hbm>> -> memref<8x384xf32, #tpu.memory_space<hbm>>
      tpu.enqueue_dma source(%dma_start3A_921 : memref<8x384xf32, #tpu.memory_space<hbm>>) target(%dma_start3A_919 : memref<8x384xf32, #tpu.memory_space<vmem>>) target_semaphore(%arg22 : memref<!tpu.dma_semaphore, #tpu.memory_space<semaphore_mem>>)
      %dma_start3A_922 = arith.constant 8 : i32
      %dma_start3A_923 = arith.constant 0 : i32
      %dma_start3A_924 = tpu.memref_slice %arg12[%dma_start3A_922, %dma_start3A_923] : memref<32x385xf32, #tpu.memory_space<vmem>> -> memref<8x384xf32, #tpu.memory_space<vmem>>
      %dma_start3A_925 = arith.constant 8 : i32
      %dma_start3A_926 = tpu.memref_slice %arg4[%dma_start3A_925, %multiple_of3A_912] : memref<32x135168xf32, #tpu.memory_space<hbm>> -> memref<8x384xf32, #tpu.memory_space<hbm>>
      %dma_start3A_927 = arith.constant 8 : i32
      %dma_start3A_928 = arith.constant 0 : i32
      %dma_start3A_929 = tpu.memref_slice %arg12[%dma_start3A_927, %dma_start3A_928] : memref<32x385xf32, #tpu.memory_space<vmem>> -> memref<8x384xf32, #tpu.memory_space<vmem>>
      %dma_start3A_930 = arith.constant 8 : i32
      %dma_start3A_931 = tpu.memref_slice %arg4[%dma_start3A_930, %multiple_of3A_912] : memref<32x135168xf32, #tpu.memory_space<hbm>> -> memref<8x384xf32, #tpu.memory_space<hbm>>
      tpu.enqueue_dma source(%dma_start3A_931 : memref<8x384xf32, #tpu.memory_space<hbm>>) target(%dma_start3A_929 : memref<8x384xf32, #tpu.memory_space<vmem>>) target_semaphore(%arg22 : memref<!tpu.dma_semaphore, #tpu.memory_space<semaphore_mem>>)
      %dma_start3A_932 = arith.constant 16 : i32
      %dma_start3A_933 = arith.constant 0 : i32
      %dma_start3A_934 = tpu.memref_slice %arg12[%dma_start3A_932, %dma_start3A_933] : memref<32x385xf32, #tpu.memory_space<vmem>> -> memref<8x384xf32, #tpu.memory_space<vmem>>
      %dma_start3A_935 = arith.constant 16 : i32
      %dma_start3A_936 = tpu.memref_slice %arg4[%dma_start3A_935, %multiple_of3A_912] : memref<32x135168xf32, #tpu.memory_space<hbm>> -> memref<8x384xf32, #tpu.memory_space<hbm>>
      %dma_start3A_937 = arith.constant 16 : i32
      %dma_start3A_938 = arith.constant 0 : i32
      %dma_start3A_939 = tpu.memref_slice %arg12[%dma_start3A_937, %dma_start3A_938] : memref<32x385xf32, #tpu.memory_space<vmem>> -> memref<8x384xf32, #tpu.memory_space<vmem>>
      %dma_start3A_940 = arith.constant 16 : i32
      %dma_start3A_941 = tpu.memref_slice %arg4[%dma_start3A_940, %multiple_of3A_912] : memref<32x135168xf32, #tpu.memory_space<hbm>> -> memref<8x384xf32, #tpu.memory_space<hbm>>
      tpu.enqueue_dma source(%dma_start3A_941 : memref<8x384xf32, #tpu.memory_space<hbm>>) target(%dma_start3A_939 : memref<8x384xf32, #tpu.memory_space<vmem>>) target_semaphore(%arg22 : memref<!tpu.dma_semaphore, #tpu.memory_space<semaphore_mem>>)
      %dma_start3A_942 = arith.constant 24 : i32
      %dma_start3A_943 = arith.constant 0 : i32
      %dma_start3A_944 = tpu.memref_slice %arg12[%dma_start3A_942, %dma_start3A_943] : memref<32x385xf32, #tpu.memory_space<vmem>> -> memref<8x384xf32, #tpu.memory_space<vmem>>
      %dma_start3A_945 = arith.constant 24 : i32
      %dma_start3A_946 = tpu.memref_slice %arg4[%dma_start3A_945, %multiple_of3A_912] : memref<32x135168xf32, #tpu.memory_space<hbm>> -> memref<8x384xf32, #tpu.memory_space<hbm>>
      %dma_start3A_947 = arith.constant 24 : i32
      %dma_start3A_948 = arith.constant 0 : i32
      %dma_start3A_949 = tpu.memref_slice %arg12[%dma_start3A_947, %dma_start3A_948] : memref<32x385xf32, #tpu.memory_space<vmem>> -> memref<8x384xf32, #tpu.memory_space<vmem>>
      %dma_start3A_950 = arith.constant 24 : i32
      %dma_start3A_951 = tpu.memref_slice %arg4[%dma_start3A_950, %multiple_of3A_912] : memref<32x135168xf32, #tpu.memory_space<hbm>> -> memref<8x384xf32, #tpu.memory_space<hbm>>
      tpu.enqueue_dma source(%dma_start3A_951 : memref<8x384xf32, #tpu.memory_space<hbm>>) target(%dma_start3A_949 : memref<8x384xf32, #tpu.memory_space<vmem>>) target_semaphore(%arg22 : memref<!tpu.dma_semaphore, #tpu.memory_space<semaphore_mem>>)
      %add3A_952 = arith.constant 384 : i32
      %add3A_953 = arith.addi %multiple_of3A_906, %add3A_952 : i32
      %multiple_of3A_954 = tpu.assume_multiple %add3A_953, 128 : i32
      %dma_start3A_955 = arith.constant 0 : i32
      %dma_start3A_956 = arith.constant 0 : i32
      %dma_start3A_957 = tpu.memref_slice %arg13[%dma_start3A_955, %dma_start3A_956] : memref<32x385xf32, #tpu.memory_space<vmem>> -> memref<8x384xf32, #tpu.memory_space<vmem>>
      %dma_start3A_958 = arith.constant 0 : i32
      %dma_start3A_959 = tpu.memref_slice %arg4[%dma_start3A_958, %multiple_of3A_954] : memref<32x135168xf32, #tpu.memory_space<hbm>> -> memref<8x384xf32, #tpu.memory_space<hbm>>
      %dma_start3A_960 = arith.constant 0 : i32
      %dma_start3A_961 = arith.constant 0 : i32
      %dma_start3A_962 = tpu.memref_slice %arg13[%dma_start3A_960, %dma_start3A_961] : memref<32x385xf32, #tpu.memory_space<vmem>> -> memref<8x384xf32, #tpu.memory_space<vmem>>
      %dma_start3A_963 = arith.constant 0 : i32
      %dma_start3A_964 = tpu.memref_slice %arg4[%dma_start3A_963, %multiple_of3A_954] : memref<32x135168xf32, #tpu.memory_space<hbm>> -> memref<8x384xf32, #tpu.memory_space<hbm>>
      tpu.enqueue_dma source(%dma_start3A_964 : memref<8x384xf32, #tpu.memory_space<hbm>>) target(%dma_start3A_962 : memref<8x384xf32, #tpu.memory_space<vmem>>) target_semaphore(%arg23 : memref<!tpu.dma_semaphore, #tpu.memory_space<semaphore_mem>>)
      %dma_start3A_965 = arith.constant 8 : i32
      %dma_start3A_966 = arith.constant 0 : i32
      %dma_start3A_967 = tpu.memref_slice %arg13[%dma_start3A_965, %dma_start3A_966] : memref<32x385xf32, #tpu.memory_space<vmem>> -> memref<8x384xf32, #tpu.memory_space<vmem>>
      %dma_start3A_968 = arith.constant 8 : i32
      %dma_start3A_969 = tpu.memref_slice %arg4[%dma_start3A_968, %multiple_of3A_954] : memref<32x135168xf32, #tpu.memory_space<hbm>> -> memref<8x384xf32, #tpu.memory_space<hbm>>
      %dma_start3A_970 = arith.constant 8 : i32
      %dma_start3A_971 = arith.constant 0 : i32
      %dma_start3A_972 = tpu.memref_slice %arg13[%dma_start3A_970, %dma_start3A_971] : memref<32x385xf32, #tpu.memory_space<vmem>> -> memref<8x384xf32, #tpu.memory_space<vmem>>
      %dma_start3A_973 = arith.constant 8 : i32
      %dma_start3A_974 = tpu.memref_slice %arg4[%dma_start3A_973, %multiple_of3A_954] : memref<32x135168xf32, #tpu.memory_space<hbm>> -> memref<8x384xf32, #tpu.memory_space<hbm>>
      tpu.enqueue_dma source(%dma_start3A_974 : memref<8x384xf32, #tpu.memory_space<hbm>>) target(%dma_start3A_972 : memref<8x384xf32, #tpu.memory_space<vmem>>) target_semaphore(%arg23 : memref<!tpu.dma_semaphore, #tpu.memory_space<semaphore_mem>>)
      %dma_start3A_975 = arith.constant 16 : i32
      %dma_start3A_976 = arith.constant 0 : i32
      %dma_start3A_977 = tpu.memref_slice %arg13[%dma_start3A_975, %dma_start3A_976] : memref<32x385xf32, #tpu.memory_space<vmem>> -> memref<8x384xf32, #tpu.memory_space<vmem>>
      %dma_start3A_978 = arith.constant 16 : i32
      %dma_start3A_979 = tpu.memref_slice %arg4[%dma_start3A_978, %multiple_of3A_954] : memref<32x135168xf32, #tpu.memory_space<hbm>> -> memref<8x384xf32, #tpu.memory_space<hbm>>
      %dma_start3A_980 = arith.constant 16 : i32
      %dma_start3A_981 = arith.constant 0 : i32
      %dma_start3A_982 = tpu.memref_slice %arg13[%dma_start3A_980, %dma_start3A_981] : memref<32x385xf32, #tpu.memory_space<vmem>> -> memref<8x384xf32, #tpu.memory_space<vmem>>
      %dma_start3A_983 = arith.constant 16 : i32
      %dma_start3A_984 = tpu.memref_slice %arg4[%dma_start3A_983, %multiple_of3A_954] : memref<32x135168xf32, #tpu.memory_space<hbm>> -> memref<8x384xf32, #tpu.memory_space<hbm>>
      tpu.enqueue_dma source(%dma_start3A_984 : memref<8x384xf32, #tpu.memory_space<hbm>>) target(%dma_start3A_982 : memref<8x384xf32, #tpu.memory_space<vmem>>) target_semaphore(%arg23 : memref<!tpu.dma_semaphore, #tpu.memory_space<semaphore_mem>>)
      %dma_start3A_985 = arith.constant 24 : i32
      %dma_start3A_986 = arith.constant 0 : i32
      %dma_start3A_987 = tpu.memref_slice %arg13[%dma_start3A_985, %dma_start3A_986] : memref<32x385xf32, #tpu.memory_space<vmem>> -> memref<8x384xf32, #tpu.memory_space<vmem>>
      %dma_start3A_988 = arith.constant 24 : i32
      %dma_start3A_989 = tpu.memref_slice %arg4[%dma_start3A_988, %multiple_of3A_954] : memref<32x135168xf32, #tpu.memory_space<hbm>> -> memref<8x384xf32, #tpu.memory_space<hbm>>
      %dma_start3A_990 = arith.constant 24 : i32
      %dma_start3A_991 = arith.constant 0 : i32
      %dma_start3A_992 = tpu.memref_slice %arg13[%dma_start3A_990, %dma_start3A_991] : memref<32x385xf32, #tpu.memory_space<vmem>> -> memref<8x384xf32, #tpu.memory_space<vmem>>
      %dma_start3A_993 = arith.constant 24 : i32
      %dma_start3A_994 = tpu.memref_slice %arg4[%dma_start3A_993, %multiple_of3A_954] : memref<32x135168xf32, #tpu.memory_space<hbm>> -> memref<8x384xf32, #tpu.memory_space<hbm>>
      tpu.enqueue_dma source(%dma_start3A_994 : memref<8x384xf32, #tpu.memory_space<hbm>>) target(%dma_start3A_992 : memref<8x384xf32, #tpu.memory_space<vmem>>) target_semaphore(%arg23 : memref<!tpu.dma_semaphore, #tpu.memory_space<semaphore_mem>>)
      %scan3A_995 = arith.constant 0 : i32
      %scan3A_996 = arith.constant 11 : i32
      %scan3A_997 = arith.addi %scan3A_995, %scan3A_996 : i32
      %scan3A_998 = arith.constant 1 : i32
      scf.for %scan3A_1007 = %scan3A_995 to %scan3A_997 step %scan3A_998  : i32 {
        %mul3A_1008 = arith.constant 1 : i32
        %mul3A_1009 = arith.muli %scan3A_1007, %mul3A_1008 : i32
        %add3A_1010 = arith.constant 0 : i32
        %add3A_1011 = arith.addi %add3A_1010, %mul3A_1009 : i32
        %mul3A_1012 = arith.constant 2 : i32
        %mul3A_1013 = arith.muli %mul3A_1012, %add3A_1011 : i32
        %add3A_1014 = arith.constant 0 : i32
        %add3A_1015 = arith.addi %mul3A_1013, %add3A_1014 : i32
        %dma_wait3A_1016 = arith.constant 0 : i32
        %dma_wait3A_1017 = arith.constant 0 : i32
        %dma_wait3A_1018 = tpu.memref_slice %arg12[%dma_wait3A_1016, %dma_wait3A_1017] : memref<32x385xf32, #tpu.memory_space<vmem>> -> memref<8x384xf32, #tpu.memory_space<vmem>>
        %dma_wait3A_1019 = arith.constant 0 : i32
        %dma_wait3A_1020 = tpu.memref_slice %arg4[%dma_wait3A_1019, %multiple_of3A_906] : memref<32x135168xf32, #tpu.memory_space<hbm>> -> memref<8x384xf32, #tpu.memory_space<hbm>>
        %dma_wait3A_1021 = arith.constant 0 : i32
        %dma_wait3A_1022 = arith.constant 0 : i32
        %dma_wait3A_1023 = tpu.memref_slice %arg12[%dma_wait3A_1021, %dma_wait3A_1022] : memref<32x385xf32, #tpu.memory_space<vmem>> -> memref<8x384xf32, #tpu.memory_space<vmem>>
        %dma_wait3A_1024 = arith.constant 0 : i32
        %dma_wait3A_1025 = tpu.memref_slice %arg4[%dma_wait3A_1024, %multiple_of3A_906] : memref<32x135168xf32, #tpu.memory_space<hbm>> -> memref<8x384xf32, #tpu.memory_space<hbm>>
        tpu.wait_dma2 semaphore(%arg22 : memref<!tpu.dma_semaphore, #tpu.memory_space<semaphore_mem>>) src(%dma_wait3A_1025 : memref<8x384xf32, #tpu.memory_space<hbm>>) dst(%dma_wait3A_1023 : memref<8x384xf32, #tpu.memory_space<vmem>>)
        %dma_wait3A_1026 = arith.constant 8 : i32
        %dma_wait3A_1027 = arith.constant 0 : i32
        %dma_wait3A_1028 = tpu.memref_slice %arg12[%dma_wait3A_1026, %dma_wait3A_1027] : memref<32x385xf32, #tpu.memory_space<vmem>> -> memref<8x384xf32, #tpu.memory_space<vmem>>
        %dma_wait3A_1029 = arith.constant 8 : i32
        %dma_wait3A_1030 = tpu.memref_slice %arg4[%dma_wait3A_1029, %multiple_of3A_906] : memref<32x135168xf32, #tpu.memory_space<hbm>> -> memref<8x384xf32, #tpu.memory_space<hbm>>
        %dma_wait3A_1031 = arith.constant 8 : i32
        %dma_wait3A_1032 = arith.constant 0 : i32
        %dma_wait3A_1033 = tpu.memref_slice %arg12[%dma_wait3A_1031, %dma_wait3A_1032] : memref<32x385xf32, #tpu.memory_space<vmem>> -> memref<8x384xf32, #tpu.memory_space<vmem>>
        %dma_wait3A_1034 = arith.constant 8 : i32
        %dma_wait3A_1035 = tpu.memref_slice %arg4[%dma_wait3A_1034, %multiple_of3A_906] : memref<32x135168xf32, #tpu.memory_space<hbm>> -> memref<8x384xf32, #tpu.memory_space<hbm>>
        tpu.wait_dma2 semaphore(%arg22 : memref<!tpu.dma_semaphore, #tpu.memory_space<semaphore_mem>>) src(%dma_wait3A_1035 : memref<8x384xf32, #tpu.memory_space<hbm>>) dst(%dma_wait3A_1033 : memref<8x384xf32, #tpu.memory_space<vmem>>)
        %dma_wait3A_1036 = arith.constant 16 : i32
        %dma_wait3A_1037 = arith.constant 0 : i32
        %dma_wait3A_1038 = tpu.memref_slice %arg12[%dma_wait3A_1036, %dma_wait3A_1037] : memref<32x385xf32, #tpu.memory_space<vmem>> -> memref<8x384xf32, #tpu.memory_space<vmem>>
        %dma_wait3A_1039 = arith.constant 16 : i32
        %dma_wait3A_1040 = tpu.memref_slice %arg4[%dma_wait3A_1039, %multiple_of3A_906] : memref<32x135168xf32, #tpu.memory_space<hbm>> -> memref<8x384xf32, #tpu.memory_space<hbm>>
        %dma_wait3A_1041 = arith.constant 16 : i32
        %dma_wait3A_1042 = arith.constant 0 : i32
        %dma_wait3A_1043 = tpu.memref_slice %arg12[%dma_wait3A_1041, %dma_wait3A_1042] : memref<32x385xf32, #tpu.memory_space<vmem>> -> memref<8x384xf32, #tpu.memory_space<vmem>>
        %dma_wait3A_1044 = arith.constant 16 : i32
        %dma_wait3A_1045 = tpu.memref_slice %arg4[%dma_wait3A_1044, %multiple_of3A_906] : memref<32x135168xf32, #tpu.memory_space<hbm>> -> memref<8x384xf32, #tpu.memory_space<hbm>>
        tpu.wait_dma2 semaphore(%arg22 : memref<!tpu.dma_semaphore, #tpu.memory_space<semaphore_mem>>) src(%dma_wait3A_1045 : memref<8x384xf32, #tpu.memory_space<hbm>>) dst(%dma_wait3A_1043 : memref<8x384xf32, #tpu.memory_space<vmem>>)
        %dma_wait3A_1046 = arith.constant 24 : i32
        %dma_wait3A_1047 = arith.constant 0 : i32
        %dma_wait3A_1048 = tpu.memref_slice %arg12[%dma_wait3A_1046, %dma_wait3A_1047] : memref<32x385xf32, #tpu.memory_space<vmem>> -> memref<8x384xf32, #tpu.memory_space<vmem>>
        %dma_wait3A_1049 = arith.constant 24 : i32
        %dma_wait3A_1050 = tpu.memref_slice %arg4[%dma_wait3A_1049, %multiple_of3A_906] : memref<32x135168xf32, #tpu.memory_space<hbm>> -> memref<8x384xf32, #tpu.memory_space<hbm>>
        %dma_wait3A_1051 = arith.constant 24 : i32
        %dma_wait3A_1052 = arith.constant 0 : i32
        %dma_wait3A_1053 = tpu.memref_slice %arg12[%dma_wait3A_1051, %dma_wait3A_1052] : memref<32x385xf32, #tpu.memory_space<vmem>> -> memref<8x384xf32, #tpu.memory_space<vmem>>
        %dma_wait3A_1054 = arith.constant 24 : i32
        %dma_wait3A_1055 = tpu.memref_slice %arg4[%dma_wait3A_1054, %multiple_of3A_906] : memref<32x135168xf32, #tpu.memory_space<hbm>> -> memref<8x384xf32, #tpu.memory_space<hbm>>
        tpu.wait_dma2 semaphore(%arg22 : memref<!tpu.dma_semaphore, #tpu.memory_space<semaphore_mem>>) src(%dma_wait3A_1055 : memref<8x384xf32, #tpu.memory_space<hbm>>) dst(%dma_wait3A_1053 : memref<8x384xf32, #tpu.memory_space<vmem>>)
        %gt3A = arith.constant 0 : i32
        %gt3A_1056 = arith.cmpi sgt, %add3A_1011, %gt3A : i32
        %convert_element_type3A_1057 = arith.extui %gt3A_1056 : i1 to i32
        %cond3A_1058 = arith.constant 0 : i32
        %cond3A_1059 = arith.cmpi ne, %convert_element_type3A_1057, %cond3A_1058 : i32
        scf.if %cond3A_1059 {
          %dma_wait3A_1143 = arith.constant 0 : i32
          %dma_wait3A_1144 = tpu.memref_slice %arg8[%multiple_of3A_909, %dma_wait3A_1143] : memref<33792x128xf32, #tpu.memory_space<hbm>> -> memref<96x128xf32, #tpu.memory_space<hbm>>
          %dma_wait3A_1145 = arith.constant 0 : i32
          %dma_wait3A_1146 = tpu.memref_slice %arg8[%multiple_of3A_909, %dma_wait3A_1145] : memref<33792x128xf32, #tpu.memory_space<hbm>> -> memref<96x128xf32, #tpu.memory_space<hbm>>
          tpu.wait_dma2 semaphore(%arg24 : memref<!tpu.dma_semaphore, #tpu.memory_space<semaphore_mem>>) src(%arg14 : memref<96x128xf32, #tpu.memory_space<vmem>>) dst(%dma_wait3A_1146 : memref<96x128xf32, #tpu.memory_space<hbm>>)
        } else {
        }
        %parallel_loop3A = arith.constant 0 : i32
        %parallel_loop3A_1060 = arith.constant 768 : i32
        %parallel_loop3A_1061 = arith.constant 1 : i32
        scf.for %parallel_loop3A_1143 = %parallel_loop3A to %parallel_loop3A_1060 step %parallel_loop3A_1061  : i32 {
          %parallel_loop3A_1144 = arith.constant 1 : i32
          %parallel_loop3A_1145 = arith.andi %parallel_loop3A_1143, %parallel_loop3A_1144 : i32
          %parallel_loop3A_1146 = arith.constant 1 : i32
          %parallel_loop3A_1147 = arith.shrui %parallel_loop3A_1143, %parallel_loop3A_1146 : i32
          %parallel_loop3A_1148 = arith.constant 16 : i32
          %parallel_loop3A_1149 = arith.muli %parallel_loop3A_1145, %parallel_loop3A_1148 : i32
          %parallel_loop3A_1150 = vector.broadcast %parallel_loop3A_1149 : i32 to vector<16xi32>
          %parallel_loop3A_1151 = arith.addi %iota3A, %parallel_loop3A_1150 : vector<16xi32>
          %parallel_loop3A_1152 = vector.broadcast %parallel_loop3A_1147 : i32 to vector<16xi32>
          %parallel_loop3A_1153 = tpu.vector_load_idx %arg12[%parallel_loop3A_1151, %parallel_loop3A_1152] : memref<32x385xf32, #tpu.memory_space<vmem>>[vector<16xi32>, vector<16xi32>], vector<16xf32>,
          %parallel_loop3A_1154 = arith.constant 2 : i32
          %parallel_loop3A_1155 = arith.shrui %parallel_loop3A_1147, %parallel_loop3A_1154 : i32
          %parallel_loop3A_1156 = arith.constant 3 : i32
          %parallel_loop3A_1157 = arith.andi %parallel_loop3A_1147, %parallel_loop3A_1156 : i32
          %parallel_loop3A_1158 = arith.constant 32 : i32
          %parallel_loop3A_1159 = arith.muli %parallel_loop3A_1157, %parallel_loop3A_1158 : i32
          %parallel_loop3A_1160 = arith.constant 16 : i32
          %parallel_loop3A_1161 = arith.muli %parallel_loop3A_1145, %parallel_loop3A_1160 : i32
          %parallel_loop3A_1162 = arith.addi %parallel_loop3A_1159, %parallel_loop3A_1161 : i32
          %parallel_loop3A_1163 = arith.index_cast %parallel_loop3A_1155 : i32 to index
          %parallel_loop3A_1164 = arith.index_cast %parallel_loop3A_1162 : i32 to index
          %parallel_loop3A_1165 = tpu.vector_load %arg14[%parallel_loop3A_1163, %parallel_loop3A_1164] {strides = array<i32>} : memref<96x128xf32, #tpu.memory_space<vmem>>, vector<16xf32>,
          tpu.vector_store %arg14[%parallel_loop3A_1163, %parallel_loop3A_1164], %parallel_loop3A_1153 {strides = array<i32>} : memref<96x128xf32, #tpu.memory_space<vmem>>, vector<16xf32>,
        } {sc.loop_unroll_factor = 4 : i64, sc.parallel_access}
        %mul3A_1062 = arith.constant 96 : i32
        %mul3A_1063 = arith.muli %add3A_1015, %mul3A_1062 : i32
        %add3A_1064 = arith.addi %multiple_of3A_909, %mul3A_1063 : i32
        %multiple_of3A_1065 = tpu.assume_multiple %add3A_1064, 8 : i32
        %dma_start3A_1066 = arith.constant 0 : i32
        %dma_start3A_1067 = tpu.memref_slice %arg8[%multiple_of3A_1065, %dma_start3A_1066] : memref<33792x128xf32, #tpu.memory_space<hbm>> -> memref<96x128xf32, #tpu.memory_space<hbm>>
        %dma_start3A_1068 = arith.constant 0 : i32
        %dma_start3A_1069 = tpu.memref_slice %arg8[%multiple_of3A_1065, %dma_start3A_1068] : memref<33792x128xf32, #tpu.memory_space<hbm>> -> memref<96x128xf32, #tpu.memory_space<hbm>>
        tpu.enqueue_dma source(%arg14 : memref<96x128xf32, #tpu.memory_space<vmem>>) target(%dma_start3A_1069 : memref<96x128xf32, #tpu.memory_space<hbm>>) target_semaphore(%arg24 : memref<!tpu.dma_semaphore, #tpu.memory_space<semaphore_mem>>)
        %add3A_1070 = arith.constant 1 : i32
        %add3A_1071 = arith.addi %add3A_1011, %add3A_1070 : i32
        %lt3A = arith.constant 11 : i32
        %lt3A_1072 = arith.cmpi slt, %add3A_1071, %lt3A : i32
        %convert_element_type3A_1073 = arith.extui %lt3A_1072 : i1 to i32
        %cond3A_1074 = arith.constant 0 : i32
        %cond3A_1075 = arith.cmpi ne, %convert_element_type3A_1073, %cond3A_1074 : i32
        scf.if %cond3A_1075 {
          %add3A_1143 = arith.constant 2 : i32
          %add3A_1144 = arith.addi %add3A_1015, %add3A_1143 : i32
          %mul3A_1145 = arith.constant 384 : i32
          %mul3A_1146 = arith.muli %add3A_1144, %mul3A_1145 : i32
          %add3A_1147 = arith.addi %multiple_of3A_906, %mul3A_1146 : i32
          %multiple_of3A_1148 = tpu.assume_multiple %add3A_1147, 128 : i32
          %dma_start3A_1149 = arith.constant 0 : i32
          %dma_start3A_1150 = arith.constant 0 : i32
          %dma_start3A_1151 = tpu.memref_slice %arg12[%dma_start3A_1149, %dma_start3A_1150] : memref<32x385xf32, #tpu.memory_space<vmem>> -> memref<8x384xf32, #tpu.memory_space<vmem>>
          %dma_start3A_1152 = arith.constant 0 : i32
          %dma_start3A_1153 = tpu.memref_slice %arg4[%dma_start3A_1152, %multiple_of3A_1148] : memref<32x135168xf32, #tpu.memory_space<hbm>> -> memref<8x384xf32, #tpu.memory_space<hbm>>
          %dma_start3A_1154 = arith.constant 0 : i32
          %dma_start3A_1155 = arith.constant 0 : i32
          %dma_start3A_1156 = tpu.memref_slice %arg12[%dma_start3A_1154, %dma_start3A_1155] : memref<32x385xf32, #tpu.memory_space<vmem>> -> memref<8x384xf32, #tpu.memory_space<vmem>>
          %dma_start3A_1157 = arith.constant 0 : i32
          %dma_start3A_1158 = tpu.memref_slice %arg4[%dma_start3A_1157, %multiple_of3A_1148] : memref<32x135168xf32, #tpu.memory_space<hbm>> -> memref<8x384xf32, #tpu.memory_space<hbm>>
          tpu.enqueue_dma source(%dma_start3A_1158 : memref<8x384xf32, #tpu.memory_space<hbm>>) target(%dma_start3A_1156 : memref<8x384xf32, #tpu.memory_space<vmem>>) target_semaphore(%arg22 : memref<!tpu.dma_semaphore, #tpu.memory_space<semaphore_mem>>)
          %dma_start3A_1159 = arith.constant 8 : i32
          %dma_start3A_1160 = arith.constant 0 : i32
          %dma_start3A_1161 = tpu.memref_slice %arg12[%dma_start3A_1159, %dma_start3A_1160] : memref<32x385xf32, #tpu.memory_space<vmem>> -> memref<8x384xf32, #tpu.memory_space<vmem>>
          %dma_start3A_1162 = arith.constant 8 : i32
          %dma_start3A_1163 = tpu.memref_slice %arg4[%dma_start3A_1162, %multiple_of3A_1148] : memref<32x135168xf32, #tpu.memory_space<hbm>> -> memref<8x384xf32, #tpu.memory_space<hbm>>
          %dma_start3A_1164 = arith.constant 8 : i32
          %dma_start3A_1165 = arith.constant 0 : i32
          %dma_start3A_1166 = tpu.memref_slice %arg12[%dma_start3A_1164, %dma_start3A_1165] : memref<32x385xf32, #tpu.memory_space<vmem>> -> memref<8x384xf32, #tpu.memory_space<vmem>>
          %dma_start3A_1167 = arith.constant 8 : i32
          %dma_start3A_1168 = tpu.memref_slice %arg4[%dma_start3A_1167, %multiple_of3A_1148] : memref<32x135168xf32, #tpu.memory_space<hbm>> -> memref<8x384xf32, #tpu.memory_space<hbm>>
          tpu.enqueue_dma source(%dma_start3A_1168 : memref<8x384xf32, #tpu.memory_space<hbm>>) target(%dma_start3A_1166 : memref<8x384xf32, #tpu.memory_space<vmem>>) target_semaphore(%arg22 : memref<!tpu.dma_semaphore, #tpu.memory_space<semaphore_mem>>)
          %dma_start3A_1169 = arith.constant 16 : i32
          %dma_start3A_1170 = arith.constant 0 : i32
          %dma_start3A_1171 = tpu.memref_slice %arg12[%dma_start3A_1169, %dma_start3A_1170] : memref<32x385xf32, #tpu.memory_space<vmem>> -> memref<8x384xf32, #tpu.memory_space<vmem>>
          %dma_start3A_1172 = arith.constant 16 : i32
          %dma_start3A_1173 = tpu.memref_slice %arg4[%dma_start3A_1172, %multiple_of3A_1148] : memref<32x135168xf32, #tpu.memory_space<hbm>> -> memref<8x384xf32, #tpu.memory_space<hbm>>
          %dma_start3A_1174 = arith.constant 16 : i32
          %dma_start3A_1175 = arith.constant 0 : i32
          %dma_start3A_1176 = tpu.memref_slice %arg12[%dma_start3A_1174, %dma_start3A_1175] : memref<32x385xf32, #tpu.memory_space<vmem>> -> memref<8x384xf32, #tpu.memory_space<vmem>>
          %dma_start3A_1177 = arith.constant 16 : i32
          %dma_start3A_1178 = tpu.memref_slice %arg4[%dma_start3A_1177, %multiple_of3A_1148] : memref<32x135168xf32, #tpu.memory_space<hbm>> -> memref<8x384xf32, #tpu.memory_space<hbm>>
          tpu.enqueue_dma source(%dma_start3A_1178 : memref<8x384xf32, #tpu.memory_space<hbm>>) target(%dma_start3A_1176 : memref<8x384xf32, #tpu.memory_space<vmem>>) target_semaphore(%arg22 : memref<!tpu.dma_semaphore, #tpu.memory_space<semaphore_mem>>)
          %dma_start3A_1179 = arith.constant 24 : i32
          %dma_start3A_1180 = arith.constant 0 : i32
          %dma_start3A_1181 = tpu.memref_slice %arg12[%dma_start3A_1179, %dma_start3A_1180] : memref<32x385xf32, #tpu.memory_space<vmem>> -> memref<8x384xf32, #tpu.memory_space<vmem>>
          %dma_start3A_1182 = arith.constant 24 : i32
          %dma_start3A_1183 = tpu.memref_slice %arg4[%dma_start3A_1182, %multiple_of3A_1148] : memref<32x135168xf32, #tpu.memory_space<hbm>> -> memref<8x384xf32, #tpu.memory_space<hbm>>
          %dma_start3A_1184 = arith.constant 24 : i32
          %dma_start3A_1185 = arith.constant 0 : i32
          %dma_start3A_1186 = tpu.memref_slice %arg12[%dma_start3A_1184, %dma_start3A_1185] : memref<32x385xf32, #tpu.memory_space<vmem>> -> memref<8x384xf32, #tpu.memory_space<vmem>>
          %dma_start3A_1187 = arith.constant 24 : i32
          %dma_start3A_1188 = tpu.memref_slice %arg4[%dma_start3A_1187, %multiple_of3A_1148] : memref<32x135168xf32, #tpu.memory_space<hbm>> -> memref<8x384xf32, #tpu.memory_space<hbm>>
          tpu.enqueue_dma source(%dma_start3A_1188 : memref<8x384xf32, #tpu.memory_space<hbm>>) target(%dma_start3A_1186 : memref<8x384xf32, #tpu.memory_space<vmem>>) target_semaphore(%arg22 : memref<!tpu.dma_semaphore, #tpu.memory_space<semaphore_mem>>)
        } else {
        }
        %mul3A_1076 = arith.constant 2 : i32
        %mul3A_1077 = arith.muli %mul3A_1076, %add3A_1011 : i32
        %add3A_1078 = arith.constant 1 : i32
        %add3A_1079 = arith.addi %mul3A_1077, %add3A_1078 : i32
        %dma_wait3A_1080 = arith.constant 0 : i32
        %dma_wait3A_1081 = arith.constant 0 : i32
        %dma_wait3A_1082 = tpu.memref_slice %arg13[%dma_wait3A_1080, %dma_wait3A_1081] : memref<32x385xf32, #tpu.memory_space<vmem>> -> memref<8x384xf32, #tpu.memory_space<vmem>>
        %dma_wait3A_1083 = arith.constant 0 : i32
        %dma_wait3A_1084 = tpu.memref_slice %arg4[%dma_wait3A_1083, %multiple_of3A_906] : memref<32x135168xf32, #tpu.memory_space<hbm>> -> memref<8x384xf32, #tpu.memory_space<hbm>>
        %dma_wait3A_1085 = arith.constant 0 : i32
        %dma_wait3A_1086 = arith.constant 0 : i32
        %dma_wait3A_1087 = tpu.memref_slice %arg13[%dma_wait3A_1085, %dma_wait3A_1086] : memref<32x385xf32, #tpu.memory_space<vmem>> -> memref<8x384xf32, #tpu.memory_space<vmem>>
        %dma_wait3A_1088 = arith.constant 0 : i32
        %dma_wait3A_1089 = tpu.memref_slice %arg4[%dma_wait3A_1088, %multiple_of3A_906] : memref<32x135168xf32, #tpu.memory_space<hbm>> -> memref<8x384xf32, #tpu.memory_space<hbm>>
        tpu.wait_dma2 semaphore(%arg23 : memref<!tpu.dma_semaphore, #tpu.memory_space<semaphore_mem>>) src(%dma_wait3A_1089 : memref<8x384xf32, #tpu.memory_space<hbm>>) dst(%dma_wait3A_1087 : memref<8x384xf32, #tpu.memory_space<vmem>>)
        %dma_wait3A_1090 = arith.constant 8 : i32
        %dma_wait3A_1091 = arith.constant 0 : i32
        %dma_wait3A_1092 = tpu.memref_slice %arg13[%dma_wait3A_1090, %dma_wait3A_1091] : memref<32x385xf32, #tpu.memory_space<vmem>> -> memref<8x384xf32, #tpu.memory_space<vmem>>
        %dma_wait3A_1093 = arith.constant 8 : i32
        %dma_wait3A_1094 = tpu.memref_slice %arg4[%dma_wait3A_1093, %multiple_of3A_906] : memref<32x135168xf32, #tpu.memory_space<hbm>> -> memref<8x384xf32, #tpu.memory_space<hbm>>
        %dma_wait3A_1095 = arith.constant 8 : i32
        %dma_wait3A_1096 = arith.constant 0 : i32
        %dma_wait3A_1097 = tpu.memref_slice %arg13[%dma_wait3A_1095, %dma_wait3A_1096] : memref<32x385xf32, #tpu.memory_space<vmem>> -> memref<8x384xf32, #tpu.memory_space<vmem>>
        %dma_wait3A_1098 = arith.constant 8 : i32
        %dma_wait3A_1099 = tpu.memref_slice %arg4[%dma_wait3A_1098, %multiple_of3A_906] : memref<32x135168xf32, #tpu.memory_space<hbm>> -> memref<8x384xf32, #tpu.memory_space<hbm>>
        tpu.wait_dma2 semaphore(%arg23 : memref<!tpu.dma_semaphore, #tpu.memory_space<semaphore_mem>>) src(%dma_wait3A_1099 : memref<8x384xf32, #tpu.memory_space<hbm>>) dst(%dma_wait3A_1097 : memref<8x384xf32, #tpu.memory_space<vmem>>)
        %dma_wait3A_1100 = arith.constant 16 : i32
        %dma_wait3A_1101 = arith.constant 0 : i32
        %dma_wait3A_1102 = tpu.memref_slice %arg13[%dma_wait3A_1100, %dma_wait3A_1101] : memref<32x385xf32, #tpu.memory_space<vmem>> -> memref<8x384xf32, #tpu.memory_space<vmem>>
        %dma_wait3A_1103 = arith.constant 16 : i32
        %dma_wait3A_1104 = tpu.memref_slice %arg4[%dma_wait3A_1103, %multiple_of3A_906] : memref<32x135168xf32, #tpu.memory_space<hbm>> -> memref<8x384xf32, #tpu.memory_space<hbm>>
        %dma_wait3A_1105 = arith.constant 16 : i32
        %dma_wait3A_1106 = arith.constant 0 : i32
        %dma_wait3A_1107 = tpu.memref_slice %arg13[%dma_wait3A_1105, %dma_wait3A_1106] : memref<32x385xf32, #tpu.memory_space<vmem>> -> memref<8x384xf32, #tpu.memory_space<vmem>>
        %dma_wait3A_1108 = arith.constant 16 : i32
        %dma_wait3A_1109 = tpu.memref_slice %arg4[%dma_wait3A_1108, %multiple_of3A_906] : memref<32x135168xf32, #tpu.memory_space<hbm>> -> memref<8x384xf32, #tpu.memory_space<hbm>>
        tpu.wait_dma2 semaphore(%arg23 : memref<!tpu.dma_semaphore, #tpu.memory_space<semaphore_mem>>) src(%dma_wait3A_1109 : memref<8x384xf32, #tpu.memory_space<hbm>>) dst(%dma_wait3A_1107 : memref<8x384xf32, #tpu.memory_space<vmem>>)
        %dma_wait3A_1110 = arith.constant 24 : i32
        %dma_wait3A_1111 = arith.constant 0 : i32
        %dma_wait3A_1112 = tpu.memref_slice %arg13[%dma_wait3A_1110, %dma_wait3A_1111] : memref<32x385xf32, #tpu.memory_space<vmem>> -> memref<8x384xf32, #tpu.memory_space<vmem>>
        %dma_wait3A_1113 = arith.constant 24 : i32
        %dma_wait3A_1114 = tpu.memref_slice %arg4[%dma_wait3A_1113, %multiple_of3A_906] : memref<32x135168xf32, #tpu.memory_space<hbm>> -> memref<8x384xf32, #tpu.memory_space<hbm>>
        %dma_wait3A_1115 = arith.constant 24 : i32
        %dma_wait3A_1116 = arith.constant 0 : i32
        %dma_wait3A_1117 = tpu.memref_slice %arg13[%dma_wait3A_1115, %dma_wait3A_1116] : memref<32x385xf32, #tpu.memory_space<vmem>> -> memref<8x384xf32, #tpu.memory_space<vmem>>
        %dma_wait3A_1118 = arith.constant 24 : i32
        %dma_wait3A_1119 = tpu.memref_slice %arg4[%dma_wait3A_1118, %multiple_of3A_906] : memref<32x135168xf32, #tpu.memory_space<hbm>> -> memref<8x384xf32, #tpu.memory_space<hbm>>
        tpu.wait_dma2 semaphore(%arg23 : memref<!tpu.dma_semaphore, #tpu.memory_space<semaphore_mem>>) src(%dma_wait3A_1119 : memref<8x384xf32, #tpu.memory_space<hbm>>) dst(%dma_wait3A_1117 : memref<8x384xf32, #tpu.memory_space<vmem>>)
        %gt3A_1120 = arith.constant 0 : i32
        %gt3A_1121 = arith.cmpi sgt, %add3A_1011, %gt3A_1120 : i32
        %convert_element_type3A_1122 = arith.extui %gt3A_1121 : i1 to i32
        %cond3A_1123 = arith.constant 0 : i32
        %cond3A_1124 = arith.cmpi ne, %convert_element_type3A_1122, %cond3A_1123 : i32
        scf.if %cond3A_1124 {
          %dma_wait3A_1143 = arith.constant 0 : i32
          %dma_wait3A_1144 = tpu.memref_slice %arg8[%multiple_of3A_909, %dma_wait3A_1143] : memref<33792x128xf32, #tpu.memory_space<hbm>> -> memref<96x128xf32, #tpu.memory_space<hbm>>
          %dma_wait3A_1145 = arith.constant 0 : i32
          %dma_wait3A_1146 = tpu.memref_slice %arg8[%multiple_of3A_909, %dma_wait3A_1145] : memref<33792x128xf32, #tpu.memory_space<hbm>> -> memref<96x128xf32, #tpu.memory_space<hbm>>
          tpu.wait_dma2 semaphore(%arg25 : memref<!tpu.dma_semaphore, #tpu.memory_space<semaphore_mem>>) src(%arg15 : memref<96x128xf32, #tpu.memory_space<vmem>>) dst(%dma_wait3A_1146 : memref<96x128xf32, #tpu.memory_space<hbm>>)
        } else {
        }
        %parallel_loop3A_1125 = arith.constant 0 : i32
        %parallel_loop3A_1126 = arith.constant 768 : i32
        %parallel_loop3A_1127 = arith.constant 1 : i32
        scf.for %parallel_loop3A_1143 = %parallel_loop3A_1125 to %parallel_loop3A_1126 step %parallel_loop3A_1127  : i32 {
          %parallel_loop3A_1144 = arith.constant 1 : i32
          %parallel_loop3A_1145 = arith.andi %parallel_loop3A_1143, %parallel_loop3A_1144 : i32
          %parallel_loop3A_1146 = arith.constant 1 : i32
          %parallel_loop3A_1147 = arith.shrui %parallel_loop3A_1143, %parallel_loop3A_1146 : i32
          %parallel_loop3A_1148 = arith.constant 16 : i32
          %parallel_loop3A_1149 = arith.muli %parallel_loop3A_1145, %parallel_loop3A_1148 : i32
          %parallel_loop3A_1150 = vector.broadcast %parallel_loop3A_1149 : i32 to vector<16xi32>
          %parallel_loop3A_1151 = arith.addi %iota3A, %parallel_loop3A_1150 : vector<16xi32>
          %parallel_loop3A_1152 = vector.broadcast %parallel_loop3A_1147 : i32 to vector<16xi32>
          %parallel_loop3A_1153 = tpu.vector_load_idx %arg13[%parallel_loop3A_1151, %parallel_loop3A_1152] : memref<32x385xf32, #tpu.memory_space<vmem>>[vector<16xi32>, vector<16xi32>], vector<16xf32>,
          %parallel_loop3A_1154 = arith.constant 2 : i32
          %parallel_loop3A_1155 = arith.shrui %parallel_loop3A_1147, %parallel_loop3A_1154 : i32
          %parallel_loop3A_1156 = arith.constant 3 : i32
          %parallel_loop3A_1157 = arith.andi %parallel_loop3A_1147, %parallel_loop3A_1156 : i32
          %parallel_loop3A_1158 = arith.constant 32 : i32
          %parallel_loop3A_1159 = arith.muli %parallel_loop3A_1157, %parallel_loop3A_1158 : i32
          %parallel_loop3A_1160 = arith.constant 16 : i32
          %parallel_loop3A_1161 = arith.muli %parallel_loop3A_1145, %parallel_loop3A_1160 : i32
          %parallel_loop3A_1162 = arith.addi %parallel_loop3A_1159, %parallel_loop3A_1161 : i32
          %parallel_loop3A_1163 = arith.index_cast %parallel_loop3A_1155 : i32 to index
          %parallel_loop3A_1164 = arith.index_cast %parallel_loop3A_1162 : i32 to index
          %parallel_loop3A_1165 = tpu.vector_load %arg15[%parallel_loop3A_1163, %parallel_loop3A_1164] {strides = array<i32>} : memref<96x128xf32, #tpu.memory_space<vmem>>, vector<16xf32>,
          tpu.vector_store %arg15[%parallel_loop3A_1163, %parallel_loop3A_1164], %parallel_loop3A_1153 {strides = array<i32>} : memref<96x128xf32, #tpu.memory_space<vmem>>, vector<16xf32>,
        } {sc.loop_unroll_factor = 4 : i64, sc.parallel_access}
        %mul3A_1128 = arith.constant 96 : i32
        %mul3A_1129 = arith.muli %add3A_1079, %mul3A_1128 : i32
        %add3A_1130 = arith.addi %multiple_of3A_909, %mul3A_1129 : i32
        %multiple_of3A_1131 = tpu.assume_multiple %add3A_1130, 8 : i32
        %dma_start3A_1132 = arith.constant 0 : i32
        %dma_start3A_1133 = tpu.memref_slice %arg8[%multiple_of3A_1131, %dma_start3A_1132] : memref<33792x128xf32, #tpu.memory_space<hbm>> -> memref<96x128xf32, #tpu.memory_space<hbm>>
        %dma_start3A_1134 = arith.constant 0 : i32
        %dma_start3A_1135 = tpu.memref_slice %arg8[%multiple_of3A_1131, %dma_start3A_1134] : memref<33792x128xf32, #tpu.memory_space<hbm>> -> memref<96x128xf32, #tpu.memory_space<hbm>>
        tpu.enqueue_dma source(%arg15 : memref<96x128xf32, #tpu.memory_space<vmem>>) target(%dma_start3A_1135 : memref<96x128xf32, #tpu.memory_space<hbm>>) target_semaphore(%arg25 : memref<!tpu.dma_semaphore, #tpu.memory_space<semaphore_mem>>)
        %add3A_1136 = arith.constant 1 : i32
        %add3A_1137 = arith.addi %add3A_1011, %add3A_1136 : i32
        %lt3A_1138 = arith.constant 11 : i32
        %lt3A_1139 = arith.cmpi slt, %add3A_1137, %lt3A_1138 : i32
        %convert_element_type3A_1140 = arith.extui %lt3A_1139 : i1 to i32
        %cond3A_1141 = arith.constant 0 : i32
        %cond3A_1142 = arith.cmpi ne, %convert_element_type3A_1140, %cond3A_1141 : i32
        scf.if %cond3A_1142 {
          %add3A_1143 = arith.constant 2 : i32
          %add3A_1144 = arith.addi %add3A_1079, %add3A_1143 : i32
          %mul3A_1145 = arith.constant 384 : i32
          %mul3A_1146 = arith.muli %add3A_1144, %mul3A_1145 : i32
          %add3A_1147 = arith.addi %multiple_of3A_906, %mul3A_1146 : i32
          %multiple_of3A_1148 = tpu.assume_multiple %add3A_1147, 128 : i32
          %dma_start3A_1149 = arith.constant 0 : i32
          %dma_start3A_1150 = arith.constant 0 : i32
          %dma_start3A_1151 = tpu.memref_slice %arg13[%dma_start3A_1149, %dma_start3A_1150] : memref<32x385xf32, #tpu.memory_space<vmem>> -> memref<8x384xf32, #tpu.memory_space<vmem>>
          %dma_start3A_1152 = arith.constant 0 : i32
          %dma_start3A_1153 = tpu.memref_slice %arg4[%dma_start3A_1152, %multiple_of3A_1148] : memref<32x135168xf32, #tpu.memory_space<hbm>> -> memref<8x384xf32, #tpu.memory_space<hbm>>
          %dma_start3A_1154 = arith.constant 0 : i32
          %dma_start3A_1155 = arith.constant 0 : i32
          %dma_start3A_1156 = tpu.memref_slice %arg13[%dma_start3A_1154, %dma_start3A_1155] : memref<32x385xf32, #tpu.memory_space<vmem>> -> memref<8x384xf32, #tpu.memory_space<vmem>>
          %dma_start3A_1157 = arith.constant 0 : i32
          %dma_start3A_1158 = tpu.memref_slice %arg4[%dma_start3A_1157, %multiple_of3A_1148] : memref<32x135168xf32, #tpu.memory_space<hbm>> -> memref<8x384xf32, #tpu.memory_space<hbm>>
          tpu.enqueue_dma source(%dma_start3A_1158 : memref<8x384xf32, #tpu.memory_space<hbm>>) target(%dma_start3A_1156 : memref<8x384xf32, #tpu.memory_space<vmem>>) target_semaphore(%arg23 : memref<!tpu.dma_semaphore, #tpu.memory_space<semaphore_mem>>)
          %dma_start3A_1159 = arith.constant 8 : i32
          %dma_start3A_1160 = arith.constant 0 : i32
          %dma_start3A_1161 = tpu.memref_slice %arg13[%dma_start3A_1159, %dma_start3A_1160] : memref<32x385xf32, #tpu.memory_space<vmem>> -> memref<8x384xf32, #tpu.memory_space<vmem>>
          %dma_start3A_1162 = arith.constant 8 : i32
          %dma_start3A_1163 = tpu.memref_slice %arg4[%dma_start3A_1162, %multiple_of3A_1148] : memref<32x135168xf32, #tpu.memory_space<hbm>> -> memref<8x384xf32, #tpu.memory_space<hbm>>
          %dma_start3A_1164 = arith.constant 8 : i32
          %dma_start3A_1165 = arith.constant 0 : i32
          %dma_start3A_1166 = tpu.memref_slice %arg13[%dma_start3A_1164, %dma_start3A_1165] : memref<32x385xf32, #tpu.memory_space<vmem>> -> memref<8x384xf32, #tpu.memory_space<vmem>>
          %dma_start3A_1167 = arith.constant 8 : i32
          %dma_start3A_1168 = tpu.memref_slice %arg4[%dma_start3A_1167, %multiple_of3A_1148] : memref<32x135168xf32, #tpu.memory_space<hbm>> -> memref<8x384xf32, #tpu.memory_space<hbm>>
          tpu.enqueue_dma source(%dma_start3A_1168 : memref<8x384xf32, #tpu.memory_space<hbm>>) target(%dma_start3A_1166 : memref<8x384xf32, #tpu.memory_space<vmem>>) target_semaphore(%arg23 : memref<!tpu.dma_semaphore, #tpu.memory_space<semaphore_mem>>)
          %dma_start3A_1169 = arith.constant 16 : i32
          %dma_start3A_1170 = arith.constant 0 : i32
          %dma_start3A_1171 = tpu.memref_slice %arg13[%dma_start3A_1169, %dma_start3A_1170] : memref<32x385xf32, #tpu.memory_space<vmem>> -> memref<8x384xf32, #tpu.memory_space<vmem>>
          %dma_start3A_1172 = arith.constant 16 : i32
          %dma_start3A_1173 = tpu.memref_slice %arg4[%dma_start3A_1172, %multiple_of3A_1148] : memref<32x135168xf32, #tpu.memory_space<hbm>> -> memref<8x384xf32, #tpu.memory_space<hbm>>
          %dma_start3A_1174 = arith.constant 16 : i32
          %dma_start3A_1175 = arith.constant 0 : i32
          %dma_start3A_1176 = tpu.memref_slice %arg13[%dma_start3A_1174, %dma_start3A_1175] : memref<32x385xf32, #tpu.memory_space<vmem>> -> memref<8x384xf32, #tpu.memory_space<vmem>>
          %dma_start3A_1177 = arith.constant 16 : i32
          %dma_start3A_1178 = tpu.memref_slice %arg4[%dma_start3A_1177, %multiple_of3A_1148] : memref<32x135168xf32, #tpu.memory_space<hbm>> -> memref<8x384xf32, #tpu.memory_space<hbm>>
          tpu.enqueue_dma source(%dma_start3A_1178 : memref<8x384xf32, #tpu.memory_space<hbm>>) target(%dma_start3A_1176 : memref<8x384xf32, #tpu.memory_space<vmem>>) target_semaphore(%arg23 : memref<!tpu.dma_semaphore, #tpu.memory_space<semaphore_mem>>)
          %dma_start3A_1179 = arith.constant 24 : i32
          %dma_start3A_1180 = arith.constant 0 : i32
          %dma_start3A_1181 = tpu.memref_slice %arg13[%dma_start3A_1179, %dma_start3A_1180] : memref<32x385xf32, #tpu.memory_space<vmem>> -> memref<8x384xf32, #tpu.memory_space<vmem>>
          %dma_start3A_1182 = arith.constant 24 : i32
          %dma_start3A_1183 = tpu.memref_slice %arg4[%dma_start3A_1182, %multiple_of3A_1148] : memref<32x135168xf32, #tpu.memory_space<hbm>> -> memref<8x384xf32, #tpu.memory_space<hbm>>
          %dma_start3A_1184 = arith.constant 24 : i32
          %dma_start3A_1185 = arith.constant 0 : i32
          %dma_start3A_1186 = tpu.memref_slice %arg13[%dma_start3A_1184, %dma_start3A_1185] : memref<32x385xf32, #tpu.memory_space<vmem>> -> memref<8x384xf32, #tpu.memory_space<vmem>>
          %dma_start3A_1187 = arith.constant 24 : i32
          %dma_start3A_1188 = tpu.memref_slice %arg4[%dma_start3A_1187, %multiple_of3A_1148] : memref<32x135168xf32, #tpu.memory_space<hbm>> -> memref<8x384xf32, #tpu.memory_space<hbm>>
          tpu.enqueue_dma source(%dma_start3A_1188 : memref<8x384xf32, #tpu.memory_space<hbm>>) target(%dma_start3A_1186 : memref<8x384xf32, #tpu.memory_space<vmem>>) target_semaphore(%arg23 : memref<!tpu.dma_semaphore, #tpu.memory_space<semaphore_mem>>)
        } else {
        }
      }
      %scan3A_999 = arith.constant 11 : i32
      %dma_wait3A = arith.constant 0 : i32
      %dma_wait3A_1000 = tpu.memref_slice %arg8[%multiple_of3A_909, %dma_wait3A] : memref<33792x128xf32, #tpu.memory_space<hbm>> -> memref<96x128xf32, #tpu.memory_space<hbm>>
      %dma_wait3A_1001 = arith.constant 0 : i32
      %dma_wait3A_1002 = tpu.memref_slice %arg8[%multiple_of3A_909, %dma_wait3A_1001] : memref<33792x128xf32, #tpu.memory_space<hbm>> -> memref<96x128xf32, #tpu.memory_space<hbm>>
      tpu.wait_dma2 semaphore(%arg24 : memref<!tpu.dma_semaphore, #tpu.memory_space<semaphore_mem>>) src(%arg14 : memref<96x128xf32, #tpu.memory_space<vmem>>) dst(%dma_wait3A_1002 : memref<96x128xf32, #tpu.memory_space<hbm>>)
      %dma_wait3A_1003 = arith.constant 0 : i32
      %dma_wait3A_1004 = tpu.memref_slice %arg8[%multiple_of3A_909, %dma_wait3A_1003] : memref<33792x128xf32, #tpu.memory_space<hbm>> -> memref<96x128xf32, #tpu.memory_space<hbm>>
      %dma_wait3A_1005 = arith.constant 0 : i32
      %dma_wait3A_1006 = tpu.memref_slice %arg8[%multiple_of3A_909, %dma_wait3A_1005] : memref<33792x128xf32, #tpu.memory_space<hbm>> -> memref<96x128xf32, #tpu.memory_space<hbm>>
      tpu.wait_dma2 semaphore(%arg25 : memref<!tpu.dma_semaphore, #tpu.memory_space<semaphore_mem>>) src(%arg15 : memref<96x128xf32, #tpu.memory_space<vmem>>) dst(%dma_wait3A_1006 : memref<96x128xf32, #tpu.memory_space<hbm>>)
    } else {
    }
    %barrier3A = arith.constant 0 : index
    tpu.barrier barrier_id(%barrier3A)
    "tpu.region"() ({
      %run_scoped3A = tpu.sem_alloc : memref<!tpu.dma_semaphore, #tpu.memory_space<semaphore_mem>>
      tpu.enqueue_dma source(%arg21 : memref<16x16xi32, #tpu.memory_space<vmem_shared>>) target(%arg20 : memref<16x16xi32, #tpu.memory_space<vmem>>) target_semaphore(%run_scoped3A : memref<!tpu.dma_semaphore, #tpu.memory_space<semaphore_mem>>)
      tpu.wait_dma2 semaphore(%run_scoped3A : memref<!tpu.dma_semaphore, #tpu.memory_space<semaphore_mem>>) src(%arg21 : memref<16x16xi32, #tpu.memory_space<vmem_shared>>) dst(%arg20 : memref<16x16xi32, #tpu.memory_space<vmem>>)
      tpu.yield
    }) : () -> ()
    %get3A_768 = arith.constant 0 : i32
    %get3A_769 = arith.index_cast %get3A_768 : i32 to index
    %get3A_770 = arith.constant 0 : index
    %get3A_771 = tpu.vector_load %arg20[%get3A_769, %get3A_770] {strides = array<i32>} : memref<16x16xi32, #tpu.memory_space<vmem>>, vector<16xi32>,
    %get3A_772 = arith.constant 1 : i32
    %get3A_773 = arith.index_cast %get3A_772 : i32 to index
    %get3A_774 = arith.constant 0 : index
    %get3A_775 = tpu.vector_load %arg20[%get3A_773, %get3A_774] {strides = array<i32>} : memref<16x16xi32, #tpu.memory_space<vmem>>, vector<16xi32>,
    %max3A_776 = arith.maxsi %get3A_771, %get3A_775 : vector<16xi32>
    %get3A_777 = arith.constant 2 : i32
    %get3A_778 = arith.index_cast %get3A_777 : i32 to index
    %get3A_779 = arith.constant 0 : index
    %get3A_780 = tpu.vector_load %arg20[%get3A_778, %get3A_779] {strides = array<i32>} : memref<16x16xi32, #tpu.memory_space<vmem>>, vector<16xi32>,
    %max3A_781 = arith.maxsi %max3A_776, %get3A_780 : vector<16xi32>
    %get3A_782 = arith.constant 3 : i32
    %get3A_783 = arith.index_cast %get3A_782 : i32 to index
    %get3A_784 = arith.constant 0 : index
    %get3A_785 = tpu.vector_load %arg20[%get3A_783, %get3A_784] {strides = array<i32>} : memref<16x16xi32, #tpu.memory_space<vmem>>, vector<16xi32>,
    %max3A_786 = arith.maxsi %max3A_781, %get3A_785 : vector<16xi32>
    %get3A_787 = arith.constant 4 : i32
    %get3A_788 = arith.index_cast %get3A_787 : i32 to index
    %get3A_789 = arith.constant 0 : index
    %get3A_790 = tpu.vector_load %arg20[%get3A_788, %get3A_789] {strides = array<i32>} : memref<16x16xi32, #tpu.memory_space<vmem>>, vector<16xi32>,
    %max3A_791 = arith.maxsi %max3A_786, %get3A_790 : vector<16xi32>
    %get3A_792 = arith.constant 5 : i32
    %get3A_793 = arith.index_cast %get3A_792 : i32 to index
    %get3A_794 = arith.constant 0 : index
    %get3A_795 = tpu.vector_load %arg20[%get3A_793, %get3A_794] {strides = array<i32>} : memref<16x16xi32, #tpu.memory_space<vmem>>, vector<16xi32>,
    %max3A_796 = arith.maxsi %max3A_791, %get3A_795 : vector<16xi32>
    %get3A_797 = arith.constant 6 : i32
    %get3A_798 = arith.index_cast %get3A_797 : i32 to index
    %get3A_799 = arith.constant 0 : index
    %get3A_800 = tpu.vector_load %arg20[%get3A_798, %get3A_799] {strides = array<i32>} : memref<16x16xi32, #tpu.memory_space<vmem>>, vector<16xi32>,
    %max3A_801 = arith.maxsi %max3A_796, %get3A_800 : vector<16xi32>
    %get3A_802 = arith.constant 7 : i32
    %get3A_803 = arith.index_cast %get3A_802 : i32 to index
    %get3A_804 = arith.constant 0 : index
    %get3A_805 = tpu.vector_load %arg20[%get3A_803, %get3A_804] {strides = array<i32>} : memref<16x16xi32, #tpu.memory_space<vmem>>, vector<16xi32>,
    %max3A_806 = arith.maxsi %max3A_801, %get3A_805 : vector<16xi32>
    %get3A_807 = arith.constant 8 : i32
    %get3A_808 = arith.index_cast %get3A_807 : i32 to index
    %get3A_809 = arith.constant 0 : index
    %get3A_810 = tpu.vector_load %arg20[%get3A_808, %get3A_809] {strides = array<i32>} : memref<16x16xi32, #tpu.memory_space<vmem>>, vector<16xi32>,
    %max3A_811 = arith.maxsi %max3A_806, %get3A_810 : vector<16xi32>
    %get3A_812 = arith.constant 9 : i32
    %get3A_813 = arith.index_cast %get3A_812 : i32 to index
    %get3A_814 = arith.constant 0 : index
    %get3A_815 = tpu.vector_load %arg20[%get3A_813, %get3A_814] {strides = array<i32>} : memref<16x16xi32, #tpu.memory_space<vmem>>, vector<16xi32>,
    %max3A_816 = arith.maxsi %max3A_811, %get3A_815 : vector<16xi32>
    %get3A_817 = arith.constant 10 : i32
    %get3A_818 = arith.index_cast %get3A_817 : i32 to index
    %get3A_819 = arith.constant 0 : index
    %get3A_820 = tpu.vector_load %arg20[%get3A_818, %get3A_819] {strides = array<i32>} : memref<16x16xi32, #tpu.memory_space<vmem>>, vector<16xi32>,
    %max3A_821 = arith.maxsi %max3A_816, %get3A_820 : vector<16xi32>
    %get3A_822 = arith.constant 11 : i32
    %get3A_823 = arith.index_cast %get3A_822 : i32 to index
    %get3A_824 = arith.constant 0 : index
    %get3A_825 = tpu.vector_load %arg20[%get3A_823, %get3A_824] {strides = array<i32>} : memref<16x16xi32, #tpu.memory_space<vmem>>, vector<16xi32>,
    %max3A_826 = arith.maxsi %max3A_821, %get3A_825 : vector<16xi32>
    %get3A_827 = arith.constant 12 : i32
    %get3A_828 = arith.index_cast %get3A_827 : i32 to index
    %get3A_829 = arith.constant 0 : index
    %get3A_830 = tpu.vector_load %arg20[%get3A_828, %get3A_829] {strides = array<i32>} : memref<16x16xi32, #tpu.memory_space<vmem>>, vector<16xi32>,
    %max3A_831 = arith.maxsi %max3A_826, %get3A_830 : vector<16xi32>
    %get3A_832 = arith.constant 13 : i32
    %get3A_833 = arith.index_cast %get3A_832 : i32 to index
    %get3A_834 = arith.constant 0 : index
    %get3A_835 = tpu.vector_load %arg20[%get3A_833, %get3A_834] {strides = array<i32>} : memref<16x16xi32, #tpu.memory_space<vmem>>, vector<16xi32>,
    %max3A_836 = arith.maxsi %max3A_831, %get3A_835 : vector<16xi32>
    %get3A_837 = arith.constant 14 : i32
    %get3A_838 = arith.index_cast %get3A_837 : i32 to index
    %get3A_839 = arith.constant 0 : index
    %get3A_840 = tpu.vector_load %arg20[%get3A_838, %get3A_839] {strides = array<i32>} : memref<16x16xi32, #tpu.memory_space<vmem>>, vector<16xi32>,
    %max3A_841 = arith.maxsi %max3A_836, %get3A_840 : vector<16xi32>
    %get3A_842 = arith.constant 15 : i32
    %get3A_843 = arith.index_cast %get3A_842 : i32 to index
    %get3A_844 = arith.constant 0 : index
    %get3A_845 = tpu.vector_load %arg20[%get3A_843, %get3A_844] {strides = array<i32>} : memref<16x16xi32, #tpu.memory_space<vmem>>, vector<16xi32>,
    %max3A_846 = arith.maxsi %max3A_841, %get3A_845 : vector<16xi32>
    %swap3A_847 = arith.constant 0 : index
    %swap3A_848 = tpu.vector_load %arg19[%swap3A_847] {strides = array<i32>} : memref<16xi32, #tpu.memory_space<vmem>>, vector<16xi32>,
    tpu.vector_store %arg19[%swap3A_847], %max3A_846 {strides = array<i32>} : memref<16xi32, #tpu.memory_space<vmem>>, vector<16xi32>,
    %add3A_849 = arith.constant 8 : i32
    %add3A_850 = vector.broadcast %add3A_849 : i32 to vector<16xi32>
    %add3A_851 = arith.addi %iota3A, %add3A_850 : vector<16xi32>
    %and3A_852 = arith.constant 15 : i32
    %and3A_853 = vector.broadcast %and3A_852 : i32 to vector<16xi32>
    %and3A_854 = arith.andi %add3A_851, %and3A_853 : vector<16xi32>
    %gather3A = tpu.vector_load_idx %arg19[%and3A_854] : memref<16xi32, #tpu.memory_space<vmem>>[vector<16xi32>], vector<16xi32>,
    %max3A_855 = arith.maxsi %max3A_846, %gather3A : vector<16xi32>
    %swap3A_856 = arith.constant 0 : index
    %swap3A_857 = tpu.vector_load %arg19[%swap3A_856] {strides = array<i32>} : memref<16xi32, #tpu.memory_space<vmem>>, vector<16xi32>,
    tpu.vector_store %arg19[%swap3A_856], %max3A_855 {strides = array<i32>} : memref<16xi32, #tpu.memory_space<vmem>>, vector<16xi32>,
    %add3A_858 = arith.constant 4 : i32
    %add3A_859 = vector.broadcast %add3A_858 : i32 to vector<16xi32>
    %add3A_860 = arith.addi %iota3A, %add3A_859 : vector<16xi32>
    %and3A_861 = arith.constant 15 : i32
    %and3A_862 = vector.broadcast %and3A_861 : i32 to vector<16xi32>
    %and3A_863 = arith.andi %add3A_860, %and3A_862 : vector<16xi32>
    %gather3A_864 = tpu.vector_load_idx %arg19[%and3A_863] : memref<16xi32, #tpu.memory_space<vmem>>[vector<16xi32>], vector<16xi32>,
    %max3A_865 = arith.maxsi %max3A_855, %gather3A_864 : vector<16xi32>
    %swap3A_866 = arith.constant 0 : index
    %swap3A_867 = tpu.vector_load %arg19[%swap3A_866] {strides = array<i32>} : memref<16xi32, #tpu.memory_space<vmem>>, vector<16xi32>,
    tpu.vector_store %arg19[%swap3A_866], %max3A_865 {strides = array<i32>} : memref<16xi32, #tpu.memory_space<vmem>>, vector<16xi32>,
    %add3A_868 = arith.constant 2 : i32
    %add3A_869 = vector.broadcast %add3A_868 : i32 to vector<16xi32>
    %add3A_870 = arith.addi %iota3A, %add3A_869 : vector<16xi32>
    %and3A_871 = arith.constant 15 : i32
    %and3A_872 = vector.broadcast %and3A_871 : i32 to vector<16xi32>
    %and3A_873 = arith.andi %add3A_870, %and3A_872 : vector<16xi32>
    %gather3A_874 = tpu.vector_load_idx %arg19[%and3A_873] : memref<16xi32, #tpu.memory_space<vmem>>[vector<16xi32>], vector<16xi32>,
    %max3A_875 = arith.maxsi %max3A_865, %gather3A_874 : vector<16xi32>
    %swap3A_876 = arith.constant 0 : index
    %swap3A_877 = tpu.vector_load %arg19[%swap3A_876] {strides = array<i32>} : memref<16xi32, #tpu.memory_space<vmem>>, vector<16xi32>,
    tpu.vector_store %arg19[%swap3A_876], %max3A_875 {strides = array<i32>} : memref<16xi32, #tpu.memory_space<vmem>>, vector<16xi32>,
    %add3A_878 = arith.constant 1 : i32
    %add3A_879 = vector.broadcast %add3A_878 : i32 to vector<16xi32>
    %add3A_880 = arith.addi %iota3A, %add3A_879 : vector<16xi32>
    %and3A_881 = arith.constant 15 : i32
    %and3A_882 = vector.broadcast %and3A_881 : i32 to vector<16xi32>
    %and3A_883 = arith.andi %add3A_880, %and3A_882 : vector<16xi32>
    %gather3A_884 = tpu.vector_load_idx %arg19[%and3A_883] : memref<16xi32, #tpu.memory_space<vmem>>[vector<16xi32>], vector<16xi32>,
    %max3A_885 = arith.maxsi %max3A_875, %gather3A_884 : vector<16xi32>
    %ge3A = arith.constant 4096 : i32
    %ge3A_886 = vector.broadcast %ge3A : i32 to vector<16xi32>
    %ge3A_887 = arith.cmpi sge, %max3A_885, %ge3A_886 : vector<16xi32>
    %jit3A = arith.constant 4096 : i32
    %jit3A_888 = arith.constant 0 : i32
    %broadcast_in_dim3A = vector.broadcast %jit3A : i32 to vector<16xi32>
    %broadcast_in_dim3A_889 = vector.broadcast %jit3A_888 : i32 to vector<16xi32>
    %select_n3A = arith.select %ge3A_887, %broadcast_in_dim3A, %broadcast_in_dim3A_889 : vector<16xi1>, vector<16xi32>
    %scan3A = arith.constant 0 : i32
    %scan3A_890 = arith.constant 16 : i32
    %scan3A_891 = arith.addi %scan3A, %scan3A_890 : i32
    %scan3A_892 = arith.constant 1 : i32
    scf.for %scan3A_904 = %scan3A to %scan3A_891 step %scan3A_892  : i32 {
      %mul3A_905 = arith.constant 1 : i32
      %mul3A_906 = arith.muli %scan3A_904, %mul3A_905 : i32
      %add3A_907 = arith.constant 0 : i32
      %add3A_908 = arith.addi %add3A_907, %mul3A_906 : i32
      %get3A_909 = arith.index_cast %add3A_908 : i32 to index
      %get3A_910 = arith.constant 0 : index
      %get3A_911 = tpu.vector_load %arg9[%get3A_909, %get3A_910] {strides = array<i32>} : memref<16x128xi32, #tpu.memory_space<vmem>>, vector<16xi32>,
      %add3A_912 = arith.addi %get3A_911, %select_n3A : vector<16xi32>
      %shift_right_logical3A_913 = arith.constant 2 : i32
      %shift_right_logical3A_914 = vector.broadcast %shift_right_logical3A_913 : i32 to vector<16xi32>
      %shift_right_logical3A_915 = arith.shrui %add3A_912, %shift_right_logical3A_914 : vector<16xi32>
      %swap3A_916 = arith.index_cast %add3A_908 : i32 to index
      %swap3A_917 = arith.constant 0 : index
      %swap3A_918 = tpu.vector_load %arg10[%swap3A_916, %swap3A_917] {strides = array<i32>} : memref<16x128xi32, #tpu.memory_space<vmem>>, vector<16xi32>,
      tpu.vector_store %arg10[%swap3A_916, %swap3A_917], %shift_right_logical3A_915 {strides = array<i32>} : memref<16x128xi32, #tpu.memory_space<vmem>>, vector<16xi32>,
      %and3A_919 = arith.constant 3 : i32
      %and3A_920 = vector.broadcast %and3A_919 : i32 to vector<16xi32>
      %and3A_921 = arith.andi %add3A_912, %and3A_920 : vector<16xi32>
      %shift_left3A = arith.constant 5 : i32
      %shift_left3A_922 = vector.broadcast %shift_left3A : i32 to vector<16xi32>
      %shift_left3A_923 = arith.shli %and3A_921, %shift_left3A_922 : vector<16xi32>
      %swap3A_924 = arith.index_cast %add3A_908 : i32 to index
      %swap3A_925 = arith.constant 0 : index
      %swap3A_926 = tpu.vector_load %arg11[%swap3A_924, %swap3A_925] {strides = array<i32>} : memref<16x128xi32, #tpu.memory_space<vmem>>, vector<16xi32>,
      tpu.vector_store %arg11[%swap3A_924, %swap3A_925], %shift_left3A_923 {strides = array<i32>} : memref<16x128xi32, #tpu.memory_space<vmem>>, vector<16xi32>,
      %get3A_927 = arith.index_cast %add3A_908 : i32 to index
      %get3A_928 = arith.constant 16 : index
      %get3A_929 = tpu.vector_load %arg9[%get3A_927, %get3A_928] {strides = array<i32>} : memref<16x128xi32, #tpu.memory_space<vmem>>, vector<16xi32>,
      %add3A_930 = arith.addi %get3A_929, %select_n3A : vector<16xi32>
      %shift_right_logical3A_931 = arith.constant 2 : i32
      %shift_right_logical3A_932 = vector.broadcast %shift_right_logical3A_931 : i32 to vector<16xi32>
      %shift_right_logical3A_933 = arith.shrui %add3A_930, %shift_right_logical3A_932 : vector<16xi32>
      %swap3A_934 = arith.index_cast %add3A_908 : i32 to index
      %swap3A_935 = arith.constant 16 : index
      %swap3A_936 = tpu.vector_load %arg10[%swap3A_934, %swap3A_935] {strides = array<i32>} : memref<16x128xi32, #tpu.memory_space<vmem>>, vector<16xi32>,
      tpu.vector_store %arg10[%swap3A_934, %swap3A_935], %shift_right_logical3A_933 {strides = array<i32>} : memref<16x128xi32, #tpu.memory_space<vmem>>, vector<16xi32>,
      %and3A_937 = arith.constant 3 : i32
      %and3A_938 = vector.broadcast %and3A_937 : i32 to vector<16xi32>
      %and3A_939 = arith.andi %add3A_930, %and3A_938 : vector<16xi32>
      %shift_left3A_940 = arith.constant 5 : i32
      %shift_left3A_941 = vector.broadcast %shift_left3A_940 : i32 to vector<16xi32>
      %shift_left3A_942 = arith.shli %and3A_939, %shift_left3A_941 : vector<16xi32>
      %swap3A_943 = arith.index_cast %add3A_908 : i32 to index
      %swap3A_944 = arith.constant 16 : index
      %swap3A_945 = tpu.vector_load %arg11[%swap3A_943, %swap3A_944] {strides = array<i32>} : memref<16x128xi32, #tpu.memory_space<vmem>>, vector<16xi32>,
      tpu.vector_store %arg11[%swap3A_943, %swap3A_944], %shift_left3A_942 {strides = array<i32>} : memref<16x128xi32, #tpu.memory_space<vmem>>, vector<16xi32>,
      %get3A_946 = arith.index_cast %add3A_908 : i32 to index
      %get3A_947 = arith.constant 32 : index
      %get3A_948 = tpu.vector_load %arg9[%get3A_946, %get3A_947] {strides = array<i32>} : memref<16x128xi32, #tpu.memory_space<vmem>>, vector<16xi32>,
      %add3A_949 = arith.addi %get3A_948, %select_n3A : vector<16xi32>
      %shift_right_logical3A_950 = arith.constant 2 : i32
      %shift_right_logical3A_951 = vector.broadcast %shift_right_logical3A_950 : i32 to vector<16xi32>
      %shift_right_logical3A_952 = arith.shrui %add3A_949, %shift_right_logical3A_951 : vector<16xi32>
      %swap3A_953 = arith.index_cast %add3A_908 : i32 to index
      %swap3A_954 = arith.constant 32 : index
      %swap3A_955 = tpu.vector_load %arg10[%swap3A_953, %swap3A_954] {strides = array<i32>} : memref<16x128xi32, #tpu.memory_space<vmem>>, vector<16xi32>,
      tpu.vector_store %arg10[%swap3A_953, %swap3A_954], %shift_right_logical3A_952 {strides = array<i32>} : memref<16x128xi32, #tpu.memory_space<vmem>>, vector<16xi32>,
      %and3A_956 = arith.constant 3 : i32
      %and3A_957 = vector.broadcast %and3A_956 : i32 to vector<16xi32>
      %and3A_958 = arith.andi %add3A_949, %and3A_957 : vector<16xi32>
      %shift_left3A_959 = arith.constant 5 : i32
      %shift_left3A_960 = vector.broadcast %shift_left3A_959 : i32 to vector<16xi32>
      %shift_left3A_961 = arith.shli %and3A_958, %shift_left3A_960 : vector<16xi32>
      %swap3A_962 = arith.index_cast %add3A_908 : i32 to index
      %swap3A_963 = arith.constant 32 : index
      %swap3A_964 = tpu.vector_load %arg11[%swap3A_962, %swap3A_963] {strides = array<i32>} : memref<16x128xi32, #tpu.memory_space<vmem>>, vector<16xi32>,
      tpu.vector_store %arg11[%swap3A_962, %swap3A_963], %shift_left3A_961 {strides = array<i32>} : memref<16x128xi32, #tpu.memory_space<vmem>>, vector<16xi32>,
      %get3A_965 = arith.index_cast %add3A_908 : i32 to index
      %get3A_966 = arith.constant 48 : index
      %get3A_967 = tpu.vector_load %arg9[%get3A_965, %get3A_966] {strides = array<i32>} : memref<16x128xi32, #tpu.memory_space<vmem>>, vector<16xi32>,
      %add3A_968 = arith.addi %get3A_967, %select_n3A : vector<16xi32>
      %shift_right_logical3A_969 = arith.constant 2 : i32
      %shift_right_logical3A_970 = vector.broadcast %shift_right_logical3A_969 : i32 to vector<16xi32>
      %shift_right_logical3A_971 = arith.shrui %add3A_968, %shift_right_logical3A_970 : vector<16xi32>
      %swap3A_972 = arith.index_cast %add3A_908 : i32 to index
      %swap3A_973 = arith.constant 48 : index
      %swap3A_974 = tpu.vector_load %arg10[%swap3A_972, %swap3A_973] {strides = array<i32>} : memref<16x128xi32, #tpu.memory_space<vmem>>, vector<16xi32>,
      tpu.vector_store %arg10[%swap3A_972, %swap3A_973], %shift_right_logical3A_971 {strides = array<i32>} : memref<16x128xi32, #tpu.memory_space<vmem>>, vector<16xi32>,
      %and3A_975 = arith.constant 3 : i32
      %and3A_976 = vector.broadcast %and3A_975 : i32 to vector<16xi32>
      %and3A_977 = arith.andi %add3A_968, %and3A_976 : vector<16xi32>
      %shift_left3A_978 = arith.constant 5 : i32
      %shift_left3A_979 = vector.broadcast %shift_left3A_978 : i32 to vector<16xi32>
      %shift_left3A_980 = arith.shli %and3A_977, %shift_left3A_979 : vector<16xi32>
      %swap3A_981 = arith.index_cast %add3A_908 : i32 to index
      %swap3A_982 = arith.constant 48 : index
      %swap3A_983 = tpu.vector_load %arg11[%swap3A_981, %swap3A_982] {strides = array<i32>} : memref<16x128xi32, #tpu.memory_space<vmem>>, vector<16xi32>,
      tpu.vector_store %arg11[%swap3A_981, %swap3A_982], %shift_left3A_980 {strides = array<i32>} : memref<16x128xi32, #tpu.memory_space<vmem>>, vector<16xi32>,
      %get3A_984 = arith.index_cast %add3A_908 : i32 to index
      %get3A_985 = arith.constant 64 : index
      %get3A_986 = tpu.vector_load %arg9[%get3A_984, %get3A_985] {strides = array<i32>} : memref<16x128xi32, #tpu.memory_space<vmem>>, vector<16xi32>,
      %add3A_987 = arith.addi %get3A_986, %select_n3A : vector<16xi32>
      %shift_right_logical3A_988 = arith.constant 2 : i32
      %shift_right_logical3A_989 = vector.broadcast %shift_right_logical3A_988 : i32 to vector<16xi32>
      %shift_right_logical3A_990 = arith.shrui %add3A_987, %shift_right_logical3A_989 : vector<16xi32>
      %swap3A_991 = arith.index_cast %add3A_908 : i32 to index
      %swap3A_992 = arith.constant 64 : index
      %swap3A_993 = tpu.vector_load %arg10[%swap3A_991, %swap3A_992] {strides = array<i32>} : memref<16x128xi32, #tpu.memory_space<vmem>>, vector<16xi32>,
      tpu.vector_store %arg10[%swap3A_991, %swap3A_992], %shift_right_logical3A_990 {strides = array<i32>} : memref<16x128xi32, #tpu.memory_space<vmem>>, vector<16xi32>,
      %and3A_994 = arith.constant 3 : i32
      %and3A_995 = vector.broadcast %and3A_994 : i32 to vector<16xi32>
      %and3A_996 = arith.andi %add3A_987, %and3A_995 : vector<16xi32>
      %shift_left3A_997 = arith.constant 5 : i32
      %shift_left3A_998 = vector.broadcast %shift_left3A_997 : i32 to vector<16xi32>
      %shift_left3A_999 = arith.shli %and3A_996, %shift_left3A_998 : vector<16xi32>
      %swap3A_1000 = arith.index_cast %add3A_908 : i32 to index
      %swap3A_1001 = arith.constant 64 : index
      %swap3A_1002 = tpu.vector_load %arg11[%swap3A_1000, %swap3A_1001] {strides = array<i32>} : memref<16x128xi32, #tpu.memory_space<vmem>>, vector<16xi32>,
      tpu.vector_store %arg11[%swap3A_1000, %swap3A_1001], %shift_left3A_999 {strides = array<i32>} : memref<16x128xi32, #tpu.memory_space<vmem>>, vector<16xi32>,
      %get3A_1003 = arith.index_cast %add3A_908 : i32 to index
      %get3A_1004 = arith.constant 80 : index
      %get3A_1005 = tpu.vector_load %arg9[%get3A_1003, %get3A_1004] {strides = array<i32>} : memref<16x128xi32, #tpu.memory_space<vmem>>, vector<16xi32>,
      %add3A_1006 = arith.addi %get3A_1005, %select_n3A : vector<16xi32>
      %shift_right_logical3A_1007 = arith.constant 2 : i32
      %shift_right_logical3A_1008 = vector.broadcast %shift_right_logical3A_1007 : i32 to vector<16xi32>
      %shift_right_logical3A_1009 = arith.shrui %add3A_1006, %shift_right_logical3A_1008 : vector<16xi32>
      %swap3A_1010 = arith.index_cast %add3A_908 : i32 to index
      %swap3A_1011 = arith.constant 80 : index
      %swap3A_1012 = tpu.vector_load %arg10[%swap3A_1010, %swap3A_1011] {strides = array<i32>} : memref<16x128xi32, #tpu.memory_space<vmem>>, vector<16xi32>,
      tpu.vector_store %arg10[%swap3A_1010, %swap3A_1011], %shift_right_logical3A_1009 {strides = array<i32>} : memref<16x128xi32, #tpu.memory_space<vmem>>, vector<16xi32>,
      %and3A_1013 = arith.constant 3 : i32
      %and3A_1014 = vector.broadcast %and3A_1013 : i32 to vector<16xi32>
      %and3A_1015 = arith.andi %add3A_1006, %and3A_1014 : vector<16xi32>
      %shift_left3A_1016 = arith.constant 5 : i32
      %shift_left3A_1017 = vector.broadcast %shift_left3A_1016 : i32 to vector<16xi32>
      %shift_left3A_1018 = arith.shli %and3A_1015, %shift_left3A_1017 : vector<16xi32>
      %swap3A_1019 = arith.index_cast %add3A_908 : i32 to index
      %swap3A_1020 = arith.constant 80 : index
      %swap3A_1021 = tpu.vector_load %arg11[%swap3A_1019, %swap3A_1020] {strides = array<i32>} : memref<16x128xi32, #tpu.memory_space<vmem>>, vector<16xi32>,
      tpu.vector_store %arg11[%swap3A_1019, %swap3A_1020], %shift_left3A_1018 {strides = array<i32>} : memref<16x128xi32, #tpu.memory_space<vmem>>, vector<16xi32>,
      %get3A_1022 = arith.index_cast %add3A_908 : i32 to index
      %get3A_1023 = arith.constant 96 : index
      %get3A_1024 = tpu.vector_load %arg9[%get3A_1022, %get3A_1023] {strides = array<i32>} : memref<16x128xi32, #tpu.memory_space<vmem>>, vector<16xi32>,
      %add3A_1025 = arith.addi %get3A_1024, %select_n3A : vector<16xi32>
      %shift_right_logical3A_1026 = arith.constant 2 : i32
      %shift_right_logical3A_1027 = vector.broadcast %shift_right_logical3A_1026 : i32 to vector<16xi32>
      %shift_right_logical3A_1028 = arith.shrui %add3A_1025, %shift_right_logical3A_1027 : vector<16xi32>
      %swap3A_1029 = arith.index_cast %add3A_908 : i32 to index
      %swap3A_1030 = arith.constant 96 : index
      %swap3A_1031 = tpu.vector_load %arg10[%swap3A_1029, %swap3A_1030] {strides = array<i32>} : memref<16x128xi32, #tpu.memory_space<vmem>>, vector<16xi32>,
      tpu.vector_store %arg10[%swap3A_1029, %swap3A_1030], %shift_right_logical3A_1028 {strides = array<i32>} : memref<16x128xi32, #tpu.memory_space<vmem>>, vector<16xi32>,
      %and3A_1032 = arith.constant 3 : i32
      %and3A_1033 = vector.broadcast %and3A_1032 : i32 to vector<16xi32>
      %and3A_1034 = arith.andi %add3A_1025, %and3A_1033 : vector<16xi32>
      %shift_left3A_1035 = arith.constant 5 : i32
      %shift_left3A_1036 = vector.broadcast %shift_left3A_1035 : i32 to vector<16xi32>
      %shift_left3A_1037 = arith.shli %and3A_1034, %shift_left3A_1036 : vector<16xi32>
      %swap3A_1038 = arith.index_cast %add3A_908 : i32 to index
      %swap3A_1039 = arith.constant 96 : index
      %swap3A_1040 = tpu.vector_load %arg11[%swap3A_1038, %swap3A_1039] {strides = array<i32>} : memref<16x128xi32, #tpu.memory_space<vmem>>, vector<16xi32>,
      tpu.vector_store %arg11[%swap3A_1038, %swap3A_1039], %shift_left3A_1037 {strides = array<i32>} : memref<16x128xi32, #tpu.memory_space<vmem>>, vector<16xi32>,
      %get3A_1041 = arith.index_cast %add3A_908 : i32 to index
      %get3A_1042 = arith.constant 112 : index
      %get3A_1043 = tpu.vector_load %arg9[%get3A_1041, %get3A_1042] {strides = array<i32>} : memref<16x128xi32, #tpu.memory_space<vmem>>, vector<16xi32>,
      %add3A_1044 = arith.addi %get3A_1043, %select_n3A : vector<16xi32>
      %shift_right_logical3A_1045 = arith.constant 2 : i32
      %shift_right_logical3A_1046 = vector.broadcast %shift_right_logical3A_1045 : i32 to vector<16xi32>
      %shift_right_logical3A_1047 = arith.shrui %add3A_1044, %shift_right_logical3A_1046 : vector<16xi32>
      %swap3A_1048 = arith.index_cast %add3A_908 : i32 to index
      %swap3A_1049 = arith.constant 112 : index
      %swap3A_1050 = tpu.vector_load %arg10[%swap3A_1048, %swap3A_1049] {strides = array<i32>} : memref<16x128xi32, #tpu.memory_space<vmem>>, vector<16xi32>,
      tpu.vector_store %arg10[%swap3A_1048, %swap3A_1049], %shift_right_logical3A_1047 {strides = array<i32>} : memref<16x128xi32, #tpu.memory_space<vmem>>, vector<16xi32>,
      %and3A_1051 = arith.constant 3 : i32
      %and3A_1052 = vector.broadcast %and3A_1051 : i32 to vector<16xi32>
      %and3A_1053 = arith.andi %add3A_1044, %and3A_1052 : vector<16xi32>
      %shift_left3A_1054 = arith.constant 5 : i32
      %shift_left3A_1055 = vector.broadcast %shift_left3A_1054 : i32 to vector<16xi32>
      %shift_left3A_1056 = arith.shli %and3A_1053, %shift_left3A_1055 : vector<16xi32>
      %swap3A_1057 = arith.index_cast %add3A_908 : i32 to index
      %swap3A_1058 = arith.constant 112 : index
      %swap3A_1059 = tpu.vector_load %arg11[%swap3A_1057, %swap3A_1058] {strides = array<i32>} : memref<16x128xi32, #tpu.memory_space<vmem>>, vector<16xi32>,
      tpu.vector_store %arg11[%swap3A_1057, %swap3A_1058], %shift_left3A_1056 {strides = array<i32>} : memref<16x128xi32, #tpu.memory_space<vmem>>, vector<16xi32>,
    }
    %scan3A_893 = arith.constant 16 : i32
    %eq3A_894 = arith.constant 0 : i32
    %eq3A_895 = arith.cmpi eq, %arg0, %eq3A_894 : i32
    %convert_element_type3A_896 = arith.extui %eq3A_895 : i1 to i32
    %cond3A_897 = arith.constant 0 : i32
    %cond3A_898 = arith.cmpi ne, %convert_element_type3A_896, %cond3A_897 : i32
    scf.if %cond3A_898 {
      %jit3A_904 = arith.constant 4 : i32
      %div3A = arith.divsi %arg1, %jit3A_904 : i32
      %sign3A = arith.constant 0 : i32
      %sign3A_905 = arith.cmpi sgt, %arg1, %sign3A : i32
      %sign3A_906 = arith.extui %sign3A_905 : i1 to i32
      %sign3A_907 = arith.constant 0 : i32
      %sign3A_908 = arith.cmpi slt, %arg1, %sign3A_907 : i32
      %sign3A_909 = arith.extui %sign3A_908 : i1 to i32
      %sign3A_910 = arith.subi %sign3A_906, %sign3A_909 : i32
      %sign3A_911 = arith.constant 0 : i32
      %sign3A_912 = arith.cmpi sgt, %jit3A_904, %sign3A_911 : i32
      %sign3A_913 = arith.extui %sign3A_912 : i1 to i32
      %sign3A_914 = arith.constant 0 : i32
      %sign3A_915 = arith.cmpi slt, %jit3A_904, %sign3A_914 : i32
      %sign3A_916 = arith.extui %sign3A_915 : i1 to i32
      %sign3A_917 = arith.subi %sign3A_913, %sign3A_916 : i32
      %ne3A = arith.cmpi ne, %sign3A_910, %sign3A_917 : i32
      %rem3A = arith.remsi %arg1, %jit3A_904 : i32
      %ne3A_918 = arith.constant 0 : i32
      %ne3A_919 = arith.cmpi ne, %rem3A, %ne3A_918 : i32
      %and3A_920 = arith.andi %ne3A, %ne3A_919 : i1
      %sub3A = arith.constant 1 : i32
      %sub3A_921 = arith.subi %div3A, %sub3A : i32
      %select_n3A_922 = arith.select %and3A_920, %sub3A_921, %div3A : i32
      %jit3A_923 = arith.constant 4 : i32
      %eq3A_924 = arith.constant 0 : i32
      %eq3A_925 = arith.cmpi eq, %jit3A_923, %eq3A_924 : i32
      %jit3A_926 = arith.constant 1 : i32
      %select_n3A_927 = arith.select %eq3A_925, %jit3A_926, %jit3A_923 : i32
      %rem3A_928 = arith.remsi %arg1, %select_n3A_927 : i32
      %ne3A_929 = arith.constant 0 : i32
      %ne3A_930 = arith.cmpi ne, %rem3A_928, %ne3A_929 : i32
      %lt3A = arith.constant 0 : i32
      %lt3A_931 = arith.cmpi slt, %rem3A_928, %lt3A : i32
      %lt3A_932 = arith.constant 0 : i32
      %lt3A_933 = arith.cmpi slt, %select_n3A_927, %lt3A_932 : i32
      %ne3A_934 = arith.xori %lt3A_931, %lt3A_933 : i1
      %and3A_935 = arith.andi %ne3A_934, %ne3A_930 : i1
      %add3A_936 = arith.addi %rem3A_928, %select_n3A_927 : i32
      %select_n3A_937 = arith.select %and3A_935, %add3A_936, %rem3A_928 : i32
      %mul3A_938 = arith.constant 2048 : i32
      %mul3A_939 = arith.muli %select_n3A_937, %mul3A_938 : i32
      %multiple_of3A_940 = tpu.assume_multiple %mul3A_939, 128 : i32
      %scan3A_941 = arith.constant 0 : i32
      %scan3A_942 = arith.constant 8 : i32
      %scan3A_943 = arith.addi %scan3A_941, %scan3A_942 : i32
      %scan3A_944 = arith.constant 1 : i32
      scf.for %scan3A_951 = %scan3A_941 to %scan3A_943 step %scan3A_944  : i32 {
        %mul3A_952 = arith.constant 1 : i32
        %mul3A_953 = arith.muli %scan3A_951, %mul3A_952 : i32
        %add3A_954 = arith.constant 0 : i32
        %add3A_955 = arith.addi %add3A_954, %mul3A_953 : i32
        %mul3A_956 = arith.constant 2 : i32
        %mul3A_957 = arith.muli %mul3A_956, %add3A_955 : i32
        %add3A_958 = arith.constant 0 : i32
        %add3A_959 = arith.addi %mul3A_957, %add3A_958 : i32
        %dma_start3A = arith.constant 0 : i32
        %dma_start3A_960 = tpu.memref_slice %arg10[%add3A_959, %dma_start3A] : memref<16x128xi32, #tpu.memory_space<vmem>> -> memref<1x128xi32, #tpu.memory_space<vmem>>
        %dma_start3A_961 = tpu.memref_squeeze %dma_start3A_960 : memref<1x128xi32, #tpu.memory_space<vmem>> -> memref<128xi32, #tpu.memory_space<vmem>>
        %dma_start3A_962 = arith.constant 0 : i32
        %dma_start3A_963 = arith.constant 0 : i32
        %dma_start3A_964 = tpu.memref_slice %arg7[%dma_start3A_962, %dma_start3A_963] : memref<33792x128xf32, #tpu.memory_space<hbm>> -> memref<33792x128xf32, #tpu.memory_space<hbm>>
        tpu.enqueue_indirect_dma source(%dma_start3A_964 : memref<33792x128xf32, #tpu.memory_space<hbm>>) target(%arg16 : memref<128x128xf32, #tpu.memory_space<vmem>>) offsets(%dma_start3A_961 : memref<128xi32, #tpu.memory_space<vmem>>) semaphore(%arg26 : memref<!tpu.dma_semaphore, #tpu.memory_space<semaphore_mem>>)
        %mul3A_965 = arith.constant 2 : i32
        %mul3A_966 = arith.muli %mul3A_965, %add3A_955 : i32
        %add3A_967 = arith.constant 1 : i32
        %add3A_968 = arith.addi %mul3A_966, %add3A_967 : i32
        %dma_start3A_969 = arith.constant 0 : i32
        %dma_start3A_970 = tpu.memref_slice %arg10[%add3A_968, %dma_start3A_969] : memref<16x128xi32, #tpu.memory_space<vmem>> -> memref<1x128xi32, #tpu.memory_space<vmem>>
        %dma_start3A_971 = tpu.memref_squeeze %dma_start3A_970 : memref<1x128xi32, #tpu.memory_space<vmem>> -> memref<128xi32, #tpu.memory_space<vmem>>
        %dma_start3A_972 = arith.constant 0 : i32
        %dma_start3A_973 = arith.constant 0 : i32
        %dma_start3A_974 = tpu.memref_slice %arg7[%dma_start3A_972, %dma_start3A_973] : memref<33792x128xf32, #tpu.memory_space<hbm>> -> memref<33792x128xf32, #tpu.memory_space<hbm>>
        tpu.enqueue_indirect_dma source(%dma_start3A_974 : memref<33792x128xf32, #tpu.memory_space<hbm>>) target(%arg17 : memref<128x128xf32, #tpu.memory_space<vmem>>) offsets(%dma_start3A_971 : memref<128xi32, #tpu.memory_space<vmem>>) semaphore(%arg26 : memref<!tpu.dma_semaphore, #tpu.memory_space<semaphore_mem>>)
        %gt3A = arith.constant 0 : i32
        %gt3A_975 = arith.cmpi sgt, %add3A_955, %gt3A : i32
        %convert_element_type3A_976 = arith.extui %gt3A_975 : i1 to i32
        %cond3A_977 = arith.constant 0 : i32
        %cond3A_978 = arith.cmpi ne, %convert_element_type3A_976, %cond3A_977 : i32
        scf.if %cond3A_978 {
          %dma_wait3A_1006 = arith.constant 0 : i32
          %dma_wait3A_1007 = tpu.memref_slice %arg5[%select_n3A_922, %dma_wait3A_1006, %multiple_of3A_940] : memref<4x32x8192xf32, #tpu.memory_space<hbm>> -> memref<1x32x256xf32, #tpu.memory_space<hbm>>
          %dma_wait3A_1008 = tpu.memref_squeeze %dma_wait3A_1007 : memref<1x32x256xf32, #tpu.memory_space<hbm>> -> memref<32x256xf32, #tpu.memory_space<hbm>>
          %dma_wait3A_1009 = arith.constant 0 : i32
          %dma_wait3A_1010 = tpu.memref_slice %arg5[%select_n3A_922, %dma_wait3A_1009, %multiple_of3A_940] : memref<4x32x8192xf32, #tpu.memory_space<hbm>> -> memref<1x32x256xf32, #tpu.memory_space<hbm>>
          %dma_wait3A_1011 = tpu.memref_squeeze %dma_wait3A_1010 : memref<1x32x256xf32, #tpu.memory_space<hbm>> -> memref<32x256xf32, #tpu.memory_space<hbm>>
          tpu.wait_dma2 semaphore(%arg27 : memref<!tpu.dma_semaphore, #tpu.memory_space<semaphore_mem>>) src(%arg18 : memref<32x256xf32, #tpu.memory_space<vmem>>) dst(%dma_wait3A_1011 : memref<32x256xf32, #tpu.memory_space<hbm>>)
        } else {
        }
        %dma_wait3A_979 = arith.constant 0 : i32
        %dma_wait3A_980 = tpu.memref_slice %arg10[%add3A_959, %dma_wait3A_979] : memref<16x128xi32, #tpu.memory_space<vmem>> -> memref<1x128xi32, #tpu.memory_space<vmem>>
        %dma_wait3A_981 = tpu.memref_squeeze %dma_wait3A_980 : memref<1x128xi32, #tpu.memory_space<vmem>> -> memref<128xi32, #tpu.memory_space<vmem>>
        %dma_wait3A_982 = arith.constant 0 : i32
        %dma_wait3A_983 = arith.constant 0 : i32
        %dma_wait3A_984 = tpu.memref_slice %arg7[%dma_wait3A_982, %dma_wait3A_983] : memref<33792x128xf32, #tpu.memory_space<hbm>> -> memref<33792x128xf32, #tpu.memory_space<hbm>>
        tpu.wait_indirect_dma semaphore(%arg26 : memref<!tpu.dma_semaphore, #tpu.memory_space<semaphore_mem>>) src(%dma_wait3A_984 : memref<33792x128xf32, #tpu.memory_space<hbm>>) dst(%arg16 : memref<128x128xf32, #tpu.memory_space<vmem>>)
        %parallel_loop3A = arith.constant 0 : i32
        %parallel_loop3A_985 = arith.constant 32 : i32
        %parallel_loop3A_986 = arith.constant 1 : i32
        scf.for %parallel_loop3A_1006 = %parallel_loop3A to %parallel_loop3A_985 step %parallel_loop3A_986  : i32 {
          %parallel_loop3A_1007 = arith.constant 2 : i32
          %parallel_loop3A_1008 = arith.muli %parallel_loop3A_1007, %add3A_955 : i32
          %parallel_loop3A_1009 = arith.constant 0 : i32
          %parallel_loop3A_1010 = arith.addi %parallel_loop3A_1008, %parallel_loop3A_1009 : i32
          %parallel_loop3A_1011 = arith.index_cast %parallel_loop3A_1010 : i32 to index
          %parallel_loop3A_1012 = arith.constant 0 : index
          %parallel_loop3A_1013 = tpu.vector_load %arg11[%parallel_loop3A_1011, %parallel_loop3A_1012] {strides = array<i32>} : memref<16x128xi32, #tpu.memory_space<vmem>>, vector<16xi32>,
          %parallel_loop3A_1014 = vector.broadcast %parallel_loop3A_1006 : i32 to vector<16xi32>
          %parallel_loop3A_1015 = arith.addi %parallel_loop3A_1013, %parallel_loop3A_1014 : vector<16xi32>
          %parallel_loop3A_1016 = tpu.vector_load_idx %arg16[%add3A_95, %parallel_loop3A_1015] : memref<128x128xf32, #tpu.memory_space<vmem>>[vector<16xi32>, vector<16xi32>], vector<16xf32>,
          %parallel_loop3A_1017 = arith.index_cast %parallel_loop3A_1006 : i32 to index
          %parallel_loop3A_1018 = arith.constant 0 : index
          %parallel_loop3A_1019 = tpu.vector_load %arg18[%parallel_loop3A_1017, %parallel_loop3A_1018] {strides = array<i32>} : memref<32x256xf32, #tpu.memory_space<vmem>>, vector<16xf32>,
          tpu.vector_store %arg18[%parallel_loop3A_1017, %parallel_loop3A_1018], %parallel_loop3A_1016 {strides = array<i32>} : memref<32x256xf32, #tpu.memory_space<vmem>>, vector<16xf32>,
          %parallel_loop3A_1020 = arith.index_cast %parallel_loop3A_1010 : i32 to index
          %parallel_loop3A_1021 = arith.constant 16 : index
          %parallel_loop3A_1022 = tpu.vector_load %arg11[%parallel_loop3A_1020, %parallel_loop3A_1021] {strides = array<i32>} : memref<16x128xi32, #tpu.memory_space<vmem>>, vector<16xi32>,
          %parallel_loop3A_1023 = vector.broadcast %parallel_loop3A_1006 : i32 to vector<16xi32>
          %parallel_loop3A_1024 = arith.addi %parallel_loop3A_1022, %parallel_loop3A_1023 : vector<16xi32>
          %parallel_loop3A_1025 = tpu.vector_load_idx %arg16[%add3A_98, %parallel_loop3A_1024] : memref<128x128xf32, #tpu.memory_space<vmem>>[vector<16xi32>, vector<16xi32>], vector<16xf32>,
          %parallel_loop3A_1026 = arith.index_cast %parallel_loop3A_1006 : i32 to index
          %parallel_loop3A_1027 = arith.constant 16 : index
          %parallel_loop3A_1028 = tpu.vector_load %arg18[%parallel_loop3A_1026, %parallel_loop3A_1027] {strides = array<i32>} : memref<32x256xf32, #tpu.memory_space<vmem>>, vector<16xf32>,
          tpu.vector_store %arg18[%parallel_loop3A_1026, %parallel_loop3A_1027], %parallel_loop3A_1025 {strides = array<i32>} : memref<32x256xf32, #tpu.memory_space<vmem>>, vector<16xf32>,
          %parallel_loop3A_1029 = arith.index_cast %parallel_loop3A_1010 : i32 to index
          %parallel_loop3A_1030 = arith.constant 32 : index
          %parallel_loop3A_1031 = tpu.vector_load %arg11[%parallel_loop3A_1029, %parallel_loop3A_1030] {strides = array<i32>} : memref<16x128xi32, #tpu.memory_space<vmem>>, vector<16xi32>,
          %parallel_loop3A_1032 = vector.broadcast %parallel_loop3A_1006 : i32 to vector<16xi32>
          %parallel_loop3A_1033 = arith.addi %parallel_loop3A_1031, %parallel_loop3A_1032 : vector<16xi32>
          %parallel_loop3A_1034 = tpu.vector_load_idx %arg16[%add3A_101, %parallel_loop3A_1033] : memref<128x128xf32, #tpu.memory_space<vmem>>[vector<16xi32>, vector<16xi32>], vector<16xf32>,
          %parallel_loop3A_1035 = arith.index_cast %parallel_loop3A_1006 : i32 to index
          %parallel_loop3A_1036 = arith.constant 32 : index
          %parallel_loop3A_1037 = tpu.vector_load %arg18[%parallel_loop3A_1035, %parallel_loop3A_1036] {strides = array<i32>} : memref<32x256xf32, #tpu.memory_space<vmem>>, vector<16xf32>,
          tpu.vector_store %arg18[%parallel_loop3A_1035, %parallel_loop3A_1036], %parallel_loop3A_1034 {strides = array<i32>} : memref<32x256xf32, #tpu.memory_space<vmem>>, vector<16xf32>,
          %parallel_loop3A_1038 = arith.index_cast %parallel_loop3A_1010 : i32 to index
          %parallel_loop3A_1039 = arith.constant 48 : index
          %parallel_loop3A_1040 = tpu.vector_load %arg11[%parallel_loop3A_1038, %parallel_loop3A_1039] {strides = array<i32>} : memref<16x128xi32, #tpu.memory_space<vmem>>, vector<16xi32>,
          %parallel_loop3A_1041 = vector.broadcast %parallel_loop3A_1006 : i32 to vector<16xi32>
          %parallel_loop3A_1042 = arith.addi %parallel_loop3A_1040, %parallel_loop3A_1041 : vector<16xi32>
          %parallel_loop3A_1043 = tpu.vector_load_idx %arg16[%add3A_104, %parallel_loop3A_1042] : memref<128x128xf32, #tpu.memory_space<vmem>>[vector<16xi32>, vector<16xi32>], vector<16xf32>,
          %parallel_loop3A_1044 = arith.index_cast %parallel_loop3A_1006 : i32 to index
          %parallel_loop3A_1045 = arith.constant 48 : index
          %parallel_loop3A_1046 = tpu.vector_load %arg18[%parallel_loop3A_1044, %parallel_loop3A_1045] {strides = array<i32>} : memref<32x256xf32, #tpu.memory_space<vmem>>, vector<16xf32>,
          tpu.vector_store %arg18[%parallel_loop3A_1044, %parallel_loop3A_1045], %parallel_loop3A_1043 {strides = array<i32>} : memref<32x256xf32, #tpu.memory_space<vmem>>, vector<16xf32>,
          %parallel_loop3A_1047 = arith.index_cast %parallel_loop3A_1010 : i32 to index
          %parallel_loop3A_1048 = arith.constant 64 : index
          %parallel_loop3A_1049 = tpu.vector_load %arg11[%parallel_loop3A_1047, %parallel_loop3A_1048] {strides = array<i32>} : memref<16x128xi32, #tpu.memory_space<vmem>>, vector<16xi32>,
          %parallel_loop3A_1050 = vector.broadcast %parallel_loop3A_1006 : i32 to vector<16xi32>
          %parallel_loop3A_1051 = arith.addi %parallel_loop3A_1049, %parallel_loop3A_1050 : vector<16xi32>
          %parallel_loop3A_1052 = tpu.vector_load_idx %arg16[%add3A_107, %parallel_loop3A_1051] : memref<128x128xf32, #tpu.memory_space<vmem>>[vector<16xi32>, vector<16xi32>], vector<16xf32>,
          %parallel_loop3A_1053 = arith.index_cast %parallel_loop3A_1006 : i32 to index
          %parallel_loop3A_1054 = arith.constant 64 : index
          %parallel_loop3A_1055 = tpu.vector_load %arg18[%parallel_loop3A_1053, %parallel_loop3A_1054] {strides = array<i32>} : memref<32x256xf32, #tpu.memory_space<vmem>>, vector<16xf32>,
          tpu.vector_store %arg18[%parallel_loop3A_1053, %parallel_loop3A_1054], %parallel_loop3A_1052 {strides = array<i32>} : memref<32x256xf32, #tpu.memory_space<vmem>>, vector<16xf32>,
          %parallel_loop3A_1056 = arith.index_cast %parallel_loop3A_1010 : i32 to index
          %parallel_loop3A_1057 = arith.constant 80 : index
          %parallel_loop3A_1058 = tpu.vector_load %arg11[%parallel_loop3A_1056, %parallel_loop3A_1057] {strides = array<i32>} : memref<16x128xi32, #tpu.memory_space<vmem>>, vector<16xi32>,
          %parallel_loop3A_1059 = vector.broadcast %parallel_loop3A_1006 : i32 to vector<16xi32>
          %parallel_loop3A_1060 = arith.addi %parallel_loop3A_1058, %parallel_loop3A_1059 : vector<16xi32>
          %parallel_loop3A_1061 = tpu.vector_load_idx %arg16[%add3A_110, %parallel_loop3A_1060] : memref<128x128xf32, #tpu.memory_space<vmem>>[vector<16xi32>, vector<16xi32>], vector<16xf32>,
          %parallel_loop3A_1062 = arith.index_cast %parallel_loop3A_1006 : i32 to index
          %parallel_loop3A_1063 = arith.constant 80 : index
          %parallel_loop3A_1064 = tpu.vector_load %arg18[%parallel_loop3A_1062, %parallel_loop3A_1063] {strides = array<i32>} : memref<32x256xf32, #tpu.memory_space<vmem>>, vector<16xf32>,
          tpu.vector_store %arg18[%parallel_loop3A_1062, %parallel_loop3A_1063], %parallel_loop3A_1061 {strides = array<i32>} : memref<32x256xf32, #tpu.memory_space<vmem>>, vector<16xf32>,
          %parallel_loop3A_1065 = arith.index_cast %parallel_loop3A_1010 : i32 to index
          %parallel_loop3A_1066 = arith.constant 96 : index
          %parallel_loop3A_1067 = tpu.vector_load %arg11[%parallel_loop3A_1065, %parallel_loop3A_1066] {strides = array<i32>} : memref<16x128xi32, #tpu.memory_space<vmem>>, vector<16xi32>,
          %parallel_loop3A_1068 = vector.broadcast %parallel_loop3A_1006 : i32 to vector<16xi32>
          %parallel_loop3A_1069 = arith.addi %parallel_loop3A_1067, %parallel_loop3A_1068 : vector<16xi32>
          %parallel_loop3A_1070 = tpu.vector_load_idx %arg16[%add3A_113, %parallel_loop3A_1069] : memref<128x128xf32, #tpu.memory_space<vmem>>[vector<16xi32>, vector<16xi32>], vector<16xf32>,
          %parallel_loop3A_1071 = arith.index_cast %parallel_loop3A_1006 : i32 to index
          %parallel_loop3A_1072 = arith.constant 96 : index
          %parallel_loop3A_1073 = tpu.vector_load %arg18[%parallel_loop3A_1071, %parallel_loop3A_1072] {strides = array<i32>} : memref<32x256xf32, #tpu.memory_space<vmem>>, vector<16xf32>,
          tpu.vector_store %arg18[%parallel_loop3A_1071, %parallel_loop3A_1072], %parallel_loop3A_1070 {strides = array<i32>} : memref<32x256xf32, #tpu.memory_space<vmem>>, vector<16xf32>,
          %parallel_loop3A_1074 = arith.index_cast %parallel_loop3A_1010 : i32 to index
          %parallel_loop3A_1075 = arith.constant 112 : index
          %parallel_loop3A_1076 = tpu.vector_load %arg11[%parallel_loop3A_1074, %parallel_loop3A_1075] {strides = array<i32>} : memref<16x128xi32, #tpu.memory_space<vmem>>, vector<16xi32>,
          %parallel_loop3A_1077 = vector.broadcast %parallel_loop3A_1006 : i32 to vector<16xi32>
          %parallel_loop3A_1078 = arith.addi %parallel_loop3A_1076, %parallel_loop3A_1077 : vector<16xi32>
          %parallel_loop3A_1079 = tpu.vector_load_idx %arg16[%add3A_116, %parallel_loop3A_1078] : memref<128x128xf32, #tpu.memory_space<vmem>>[vector<16xi32>, vector<16xi32>], vector<16xf32>,
          %parallel_loop3A_1080 = arith.index_cast %parallel_loop3A_1006 : i32 to index
          %parallel_loop3A_1081 = arith.constant 112 : index
          %parallel_loop3A_1082 = tpu.vector_load %arg18[%parallel_loop3A_1080, %parallel_loop3A_1081] {strides = array<i32>} : memref<32x256xf32, #tpu.memory_space<vmem>>, vector<16xf32>,
          tpu.vector_store %arg18[%parallel_loop3A_1080, %parallel_loop3A_1081], %parallel_loop3A_1079 {strides = array<i32>} : memref<32x256xf32, #tpu.memory_space<vmem>>, vector<16xf32>,
        } {sc.loop_unroll_factor = 2 : i64, sc.parallel_access}
        %dma_wait3A_987 = arith.constant 0 : i32
        %dma_wait3A_988 = tpu.memref_slice %arg10[%add3A_968, %dma_wait3A_987] : memref<16x128xi32, #tpu.memory_space<vmem>> -> memref<1x128xi32, #tpu.memory_space<vmem>>
        %dma_wait3A_989 = tpu.memref_squeeze %dma_wait3A_988 : memref<1x128xi32, #tpu.memory_space<vmem>> -> memref<128xi32, #tpu.memory_space<vmem>>
        %dma_wait3A_990 = arith.constant 0 : i32
        %dma_wait3A_991 = arith.constant 0 : i32
        %dma_wait3A_992 = tpu.memref_slice %arg7[%dma_wait3A_990, %dma_wait3A_991] : memref<33792x128xf32, #tpu.memory_space<hbm>> -> memref<33792x128xf32, #tpu.memory_space<hbm>>
        tpu.wait_indirect_dma semaphore(%arg26 : memref<!tpu.dma_semaphore, #tpu.memory_space<semaphore_mem>>) src(%dma_wait3A_992 : memref<33792x128xf32, #tpu.memory_space<hbm>>) dst(%arg17 : memref<128x128xf32, #tpu.memory_space<vmem>>)
        %parallel_loop3A_993 = arith.constant 0 : i32
        %parallel_loop3A_994 = arith.constant 32 : i32
        %parallel_loop3A_995 = arith.constant 1 : i32
        scf.for %parallel_loop3A_1006 = %parallel_loop3A_993 to %parallel_loop3A_994 step %parallel_loop3A_995  : i32 {
          %parallel_loop3A_1007 = arith.constant 2 : i32
          %parallel_loop3A_1008 = arith.muli %parallel_loop3A_1007, %add3A_955 : i32
          %parallel_loop3A_1009 = arith.constant 1 : i32
          %parallel_loop3A_1010 = arith.addi %parallel_loop3A_1008, %parallel_loop3A_1009 : i32
          %parallel_loop3A_1011 = arith.index_cast %parallel_loop3A_1010 : i32 to index
          %parallel_loop3A_1012 = arith.constant 0 : index
          %parallel_loop3A_1013 = tpu.vector_load %arg11[%parallel_loop3A_1011, %parallel_loop3A_1012] {strides = array<i32>} : memref<16x128xi32, #tpu.memory_space<vmem>>, vector<16xi32>,
          %parallel_loop3A_1014 = vector.broadcast %parallel_loop3A_1006 : i32 to vector<16xi32>
          %parallel_loop3A_1015 = arith.addi %parallel_loop3A_1013, %parallel_loop3A_1014 : vector<16xi32>
          %parallel_loop3A_1016 = tpu.vector_load_idx %arg17[%add3A_95, %parallel_loop3A_1015] : memref<128x128xf32, #tpu.memory_space<vmem>>[vector<16xi32>, vector<16xi32>], vector<16xf32>,
          %parallel_loop3A_1017 = arith.index_cast %parallel_loop3A_1006 : i32 to index
          %parallel_loop3A_1018 = arith.constant 128 : index
          %parallel_loop3A_1019 = tpu.vector_load %arg18[%parallel_loop3A_1017, %parallel_loop3A_1018] {strides = array<i32>} : memref<32x256xf32, #tpu.memory_space<vmem>>, vector<16xf32>,
          tpu.vector_store %arg18[%parallel_loop3A_1017, %parallel_loop3A_1018], %parallel_loop3A_1016 {strides = array<i32>} : memref<32x256xf32, #tpu.memory_space<vmem>>, vector<16xf32>,
          %parallel_loop3A_1020 = arith.index_cast %parallel_loop3A_1010 : i32 to index
          %parallel_loop3A_1021 = arith.constant 16 : index
          %parallel_loop3A_1022 = tpu.vector_load %arg11[%parallel_loop3A_1020, %parallel_loop3A_1021] {strides = array<i32>} : memref<16x128xi32, #tpu.memory_space<vmem>>, vector<16xi32>,
          %parallel_loop3A_1023 = vector.broadcast %parallel_loop3A_1006 : i32 to vector<16xi32>
          %parallel_loop3A_1024 = arith.addi %parallel_loop3A_1022, %parallel_loop3A_1023 : vector<16xi32>
          %parallel_loop3A_1025 = tpu.vector_load_idx %arg17[%add3A_98, %parallel_loop3A_1024] : memref<128x128xf32, #tpu.memory_space<vmem>>[vector<16xi32>, vector<16xi32>], vector<16xf32>,
          %parallel_loop3A_1026 = arith.index_cast %parallel_loop3A_1006 : i32 to index
          %parallel_loop3A_1027 = arith.constant 144 : index
          %parallel_loop3A_1028 = tpu.vector_load %arg18[%parallel_loop3A_1026, %parallel_loop3A_1027] {strides = array<i32>} : memref<32x256xf32, #tpu.memory_space<vmem>>, vector<16xf32>,
          tpu.vector_store %arg18[%parallel_loop3A_1026, %parallel_loop3A_1027], %parallel_loop3A_1025 {strides = array<i32>} : memref<32x256xf32, #tpu.memory_space<vmem>>, vector<16xf32>,
          %parallel_loop3A_1029 = arith.index_cast %parallel_loop3A_1010 : i32 to index
          %parallel_loop3A_1030 = arith.constant 32 : index
          %parallel_loop3A_1031 = tpu.vector_load %arg11[%parallel_loop3A_1029, %parallel_loop3A_1030] {strides = array<i32>} : memref<16x128xi32, #tpu.memory_space<vmem>>, vector<16xi32>,
          %parallel_loop3A_1032 = vector.broadcast %parallel_loop3A_1006 : i32 to vector<16xi32>
          %parallel_loop3A_1033 = arith.addi %parallel_loop3A_1031, %parallel_loop3A_1032 : vector<16xi32>
          %parallel_loop3A_1034 = tpu.vector_load_idx %arg17[%add3A_101, %parallel_loop3A_1033] : memref<128x128xf32, #tpu.memory_space<vmem>>[vector<16xi32>, vector<16xi32>], vector<16xf32>,
          %parallel_loop3A_1035 = arith.index_cast %parallel_loop3A_1006 : i32 to index
          %parallel_loop3A_1036 = arith.constant 160 : index
          %parallel_loop3A_1037 = tpu.vector_load %arg18[%parallel_loop3A_1035, %parallel_loop3A_1036] {strides = array<i32>} : memref<32x256xf32, #tpu.memory_space<vmem>>, vector<16xf32>,
          tpu.vector_store %arg18[%parallel_loop3A_1035, %parallel_loop3A_1036], %parallel_loop3A_1034 {strides = array<i32>} : memref<32x256xf32, #tpu.memory_space<vmem>>, vector<16xf32>,
          %parallel_loop3A_1038 = arith.index_cast %parallel_loop3A_1010 : i32 to index
          %parallel_loop3A_1039 = arith.constant 48 : index
          %parallel_loop3A_1040 = tpu.vector_load %arg11[%parallel_loop3A_1038, %parallel_loop3A_1039] {strides = array<i32>} : memref<16x128xi32, #tpu.memory_space<vmem>>, vector<16xi32>,
          %parallel_loop3A_1041 = vector.broadcast %parallel_loop3A_1006 : i32 to vector<16xi32>
          %parallel_loop3A_1042 = arith.addi %parallel_loop3A_1040, %parallel_loop3A_1041 : vector<16xi32>
          %parallel_loop3A_1043 = tpu.vector_load_idx %arg17[%add3A_104, %parallel_loop3A_1042] : memref<128x128xf32, #tpu.memory_space<vmem>>[vector<16xi32>, vector<16xi32>], vector<16xf32>,
          %parallel_loop3A_1044 = arith.index_cast %parallel_loop3A_1006 : i32 to index
          %parallel_loop3A_1045 = arith.constant 176 : index
          %parallel_loop3A_1046 = tpu.vector_load %arg18[%parallel_loop3A_1044, %parallel_loop3A_1045] {strides = array<i32>} : memref<32x256xf32, #tpu.memory_space<vmem>>, vector<16xf32>,
          tpu.vector_store %arg18[%parallel_loop3A_1044, %parallel_loop3A_1045], %parallel_loop3A_1043 {strides = array<i32>} : memref<32x256xf32, #tpu.memory_space<vmem>>, vector<16xf32>,
          %parallel_loop3A_1047 = arith.index_cast %parallel_loop3A_1010 : i32 to index
          %parallel_loop3A_1048 = arith.constant 64 : index
          %parallel_loop3A_1049 = tpu.vector_load %arg11[%parallel_loop3A_1047, %parallel_loop3A_1048] {strides = array<i32>} : memref<16x128xi32, #tpu.memory_space<vmem>>, vector<16xi32>,
          %parallel_loop3A_1050 = vector.broadcast %parallel_loop3A_1006 : i32 to vector<16xi32>
          %parallel_loop3A_1051 = arith.addi %parallel_loop3A_1049, %parallel_loop3A_1050 : vector<16xi32>
          %parallel_loop3A_1052 = tpu.vector_load_idx %arg17[%add3A_107, %parallel_loop3A_1051] : memref<128x128xf32, #tpu.memory_space<vmem>>[vector<16xi32>, vector<16xi32>], vector<16xf32>,
          %parallel_loop3A_1053 = arith.index_cast %parallel_loop3A_1006 : i32 to index
          %parallel_loop3A_1054 = arith.constant 192 : index
          %parallel_loop3A_1055 = tpu.vector_load %arg18[%parallel_loop3A_1053, %parallel_loop3A_1054] {strides = array<i32>} : memref<32x256xf32, #tpu.memory_space<vmem>>, vector<16xf32>,
          tpu.vector_store %arg18[%parallel_loop3A_1053, %parallel_loop3A_1054], %parallel_loop3A_1052 {strides = array<i32>} : memref<32x256xf32, #tpu.memory_space<vmem>>, vector<16xf32>,
          %parallel_loop3A_1056 = arith.index_cast %parallel_loop3A_1010 : i32 to index
          %parallel_loop3A_1057 = arith.constant 80 : index
          %parallel_loop3A_1058 = tpu.vector_load %arg11[%parallel_loop3A_1056, %parallel_loop3A_1057] {strides = array<i32>} : memref<16x128xi32, #tpu.memory_space<vmem>>, vector<16xi32>,
          %parallel_loop3A_1059 = vector.broadcast %parallel_loop3A_1006 : i32 to vector<16xi32>
          %parallel_loop3A_1060 = arith.addi %parallel_loop3A_1058, %parallel_loop3A_1059 : vector<16xi32>
          %parallel_loop3A_1061 = tpu.vector_load_idx %arg17[%add3A_110, %parallel_loop3A_1060] : memref<128x128xf32, #tpu.memory_space<vmem>>[vector<16xi32>, vector<16xi32>], vector<16xf32>,
          %parallel_loop3A_1062 = arith.index_cast %parallel_loop3A_1006 : i32 to index
          %parallel_loop3A_1063 = arith.constant 208 : index
          %parallel_loop3A_1064 = tpu.vector_load %arg18[%parallel_loop3A_1062, %parallel_loop3A_1063] {strides = array<i32>} : memref<32x256xf32, #tpu.memory_space<vmem>>, vector<16xf32>,
          tpu.vector_store %arg18[%parallel_loop3A_1062, %parallel_loop3A_1063], %parallel_loop3A_1061 {strides = array<i32>} : memref<32x256xf32, #tpu.memory_space<vmem>>, vector<16xf32>,
          %parallel_loop3A_1065 = arith.index_cast %parallel_loop3A_1010 : i32 to index
          %parallel_loop3A_1066 = arith.constant 96 : index
          %parallel_loop3A_1067 = tpu.vector_load %arg11[%parallel_loop3A_1065, %parallel_loop3A_1066] {strides = array<i32>} : memref<16x128xi32, #tpu.memory_space<vmem>>, vector<16xi32>,
          %parallel_loop3A_1068 = vector.broadcast %parallel_loop3A_1006 : i32 to vector<16xi32>
          %parallel_loop3A_1069 = arith.addi %parallel_loop3A_1067, %parallel_loop3A_1068 : vector<16xi32>
          %parallel_loop3A_1070 = tpu.vector_load_idx %arg17[%add3A_113, %parallel_loop3A_1069] : memref<128x128xf32, #tpu.memory_space<vmem>>[vector<16xi32>, vector<16xi32>], vector<16xf32>,
          %parallel_loop3A_1071 = arith.index_cast %parallel_loop3A_1006 : i32 to index
          %parallel_loop3A_1072 = arith.constant 224 : index
          %parallel_loop3A_1073 = tpu.vector_load %arg18[%parallel_loop3A_1071, %parallel_loop3A_1072] {strides = array<i32>} : memref<32x256xf32, #tpu.memory_space<vmem>>, vector<16xf32>,
          tpu.vector_store %arg18[%parallel_loop3A_1071, %parallel_loop3A_1072], %parallel_loop3A_1070 {strides = array<i32>} : memref<32x256xf32, #tpu.memory_space<vmem>>, vector<16xf32>,
          %parallel_loop3A_1074 = arith.index_cast %parallel_loop3A_1010 : i32 to index
          %parallel_loop3A_1075 = arith.constant 112 : index
          %parallel_loop3A_1076 = tpu.vector_load %arg11[%parallel_loop3A_1074, %parallel_loop3A_1075] {strides = array<i32>} : memref<16x128xi32, #tpu.memory_space<vmem>>, vector<16xi32>,
          %parallel_loop3A_1077 = vector.broadcast %parallel_loop3A_1006 : i32 to vector<16xi32>
          %parallel_loop3A_1078 = arith.addi %parallel_loop3A_1076, %parallel_loop3A_1077 : vector<16xi32>
          %parallel_loop3A_1079 = tpu.vector_load_idx %arg17[%add3A_116, %parallel_loop3A_1078] : memref<128x128xf32, #tpu.memory_space<vmem>>[vector<16xi32>, vector<16xi32>], vector<16xf32>,
          %parallel_loop3A_1080 = arith.index_cast %parallel_loop3A_1006 : i32 to index
          %parallel_loop3A_1081 = arith.constant 240 : index
          %parallel_loop3A_1082 = tpu.vector_load %arg18[%parallel_loop3A_1080, %parallel_loop3A_1081] {strides = array<i32>} : memref<32x256xf32, #tpu.memory_space<vmem>>, vector<16xf32>,
          tpu.vector_store %arg18[%parallel_loop3A_1080, %parallel_loop3A_1081], %parallel_loop3A_1079 {strides = array<i32>} : memref<32x256xf32, #tpu.memory_space<vmem>>, vector<16xf32>,
        } {sc.loop_unroll_factor = 2 : i64, sc.parallel_access}
        %mul3A_996 = arith.constant 256 : i32
        %mul3A_997 = arith.muli %add3A_955, %mul3A_996 : i32
        %add3A_998 = arith.addi %multiple_of3A_940, %mul3A_997 : i32
        %multiple_of3A_999 = tpu.assume_multiple %add3A_998, 128 : i32
        %dma_start3A_1000 = arith.constant 0 : i32
        %dma_start3A_1001 = tpu.memref_slice %arg5[%select_n3A_922, %dma_start3A_1000, %multiple_of3A_999] : memref<4x32x8192xf32, #tpu.memory_space<hbm>> -> memref<1x32x256xf32, #tpu.memory_space<hbm>>
        %dma_start3A_1002 = tpu.memref_squeeze %dma_start3A_1001 : memref<1x32x256xf32, #tpu.memory_space<hbm>> -> memref<32x256xf32, #tpu.memory_space<hbm>>
        %dma_start3A_1003 = arith.constant 0 : i32
        %dma_start3A_1004 = tpu.memref_slice %arg5[%select_n3A_922, %dma_start3A_1003, %multiple_of3A_999] : memref<4x32x8192xf32, #tpu.memory_space<hbm>> -> memref<1x32x256xf32, #tpu.memory_space<hbm>>
        %dma_start3A_1005 = tpu.memref_squeeze %dma_start3A_1004 : memref<1x32x256xf32, #tpu.memory_space<hbm>> -> memref<32x256xf32, #tpu.memory_space<hbm>>
        tpu.enqueue_dma source(%arg18 : memref<32x256xf32, #tpu.memory_space<vmem>>) target(%dma_start3A_1005 : memref<32x256xf32, #tpu.memory_space<hbm>>) target_semaphore(%arg27 : memref<!tpu.dma_semaphore, #tpu.memory_space<semaphore_mem>>)
      }
      %scan3A_945 = arith.constant 8 : i32
      %dma_wait3A = arith.constant 0 : i32
      %dma_wait3A_946 = tpu.memref_slice %arg5[%select_n3A_922, %dma_wait3A, %multiple_of3A_940] : memref<4x32x8192xf32, #tpu.memory_space<hbm>> -> memref<1x32x256xf32, #tpu.memory_space<hbm>>
      %dma_wait3A_947 = tpu.memref_squeeze %dma_wait3A_946 : memref<1x32x256xf32, #tpu.memory_space<hbm>> -> memref<32x256xf32, #tpu.memory_space<hbm>>
      %dma_wait3A_948 = arith.constant 0 : i32
      %dma_wait3A_949 = tpu.memref_slice %arg5[%select_n3A_922, %dma_wait3A_948, %multiple_of3A_940] : memref<4x32x8192xf32, #tpu.memory_space<hbm>> -> memref<1x32x256xf32, #tpu.memory_space<hbm>>
      %dma_wait3A_950 = tpu.memref_squeeze %dma_wait3A_949 : memref<1x32x256xf32, #tpu.memory_space<hbm>> -> memref<32x256xf32, #tpu.memory_space<hbm>>
      tpu.wait_dma2 semaphore(%arg27 : memref<!tpu.dma_semaphore, #tpu.memory_space<semaphore_mem>>) src(%arg18 : memref<32x256xf32, #tpu.memory_space<vmem>>) dst(%dma_wait3A_950 : memref<32x256xf32, #tpu.memory_space<hbm>>)
    } else {
    }
    %eq3A_899 = arith.constant 1 : i32
    %eq3A_900 = arith.cmpi eq, %arg0, %eq3A_899 : i32
    %convert_element_type3A_901 = arith.extui %eq3A_900 : i1 to i32
    %cond3A_902 = arith.constant 0 : i32
    %cond3A_903 = arith.cmpi ne, %convert_element_type3A_901, %cond3A_902 : i32
    scf.if %cond3A_903 {
      %jit3A_904 = arith.constant 4 : i32
      %div3A = arith.divsi %arg1, %jit3A_904 : i32
      %sign3A = arith.constant 0 : i32
      %sign3A_905 = arith.cmpi sgt, %arg1, %sign3A : i32
      %sign3A_906 = arith.extui %sign3A_905 : i1 to i32
      %sign3A_907 = arith.constant 0 : i32
      %sign3A_908 = arith.cmpi slt, %arg1, %sign3A_907 : i32
      %sign3A_909 = arith.extui %sign3A_908 : i1 to i32
      %sign3A_910 = arith.subi %sign3A_906, %sign3A_909 : i32
      %sign3A_911 = arith.constant 0 : i32
      %sign3A_912 = arith.cmpi sgt, %jit3A_904, %sign3A_911 : i32
      %sign3A_913 = arith.extui %sign3A_912 : i1 to i32
      %sign3A_914 = arith.constant 0 : i32
      %sign3A_915 = arith.cmpi slt, %jit3A_904, %sign3A_914 : i32
      %sign3A_916 = arith.extui %sign3A_915 : i1 to i32
      %sign3A_917 = arith.subi %sign3A_913, %sign3A_916 : i32
      %ne3A = arith.cmpi ne, %sign3A_910, %sign3A_917 : i32
      %rem3A = arith.remsi %arg1, %jit3A_904 : i32
      %ne3A_918 = arith.constant 0 : i32
      %ne3A_919 = arith.cmpi ne, %rem3A, %ne3A_918 : i32
      %and3A_920 = arith.andi %ne3A, %ne3A_919 : i1
      %sub3A = arith.constant 1 : i32
      %sub3A_921 = arith.subi %div3A, %sub3A : i32
      %select_n3A_922 = arith.select %and3A_920, %sub3A_921, %div3A : i32
      %jit3A_923 = arith.constant 4 : i32
      %eq3A_924 = arith.constant 0 : i32
      %eq3A_925 = arith.cmpi eq, %jit3A_923, %eq3A_924 : i32
      %jit3A_926 = arith.constant 1 : i32
      %select_n3A_927 = arith.select %eq3A_925, %jit3A_926, %jit3A_923 : i32
      %rem3A_928 = arith.remsi %arg1, %select_n3A_927 : i32
      %ne3A_929 = arith.constant 0 : i32
      %ne3A_930 = arith.cmpi ne, %rem3A_928, %ne3A_929 : i32
      %lt3A = arith.constant 0 : i32
      %lt3A_931 = arith.cmpi slt, %rem3A_928, %lt3A : i32
      %lt3A_932 = arith.constant 0 : i32
      %lt3A_933 = arith.cmpi slt, %select_n3A_927, %lt3A_932 : i32
      %ne3A_934 = arith.xori %lt3A_931, %lt3A_933 : i1
      %and3A_935 = arith.andi %ne3A_934, %ne3A_930 : i1
      %add3A_936 = arith.addi %rem3A_928, %select_n3A_927 : i32
      %select_n3A_937 = arith.select %and3A_935, %add3A_936, %rem3A_928 : i32
      %mul3A_938 = arith.constant 2048 : i32
      %mul3A_939 = arith.muli %select_n3A_937, %mul3A_938 : i32
      %multiple_of3A_940 = tpu.assume_multiple %mul3A_939, 128 : i32
      %scan3A_941 = arith.constant 0 : i32
      %scan3A_942 = arith.constant 8 : i32
      %scan3A_943 = arith.addi %scan3A_941, %scan3A_942 : i32
      %scan3A_944 = arith.constant 1 : i32
      scf.for %scan3A_951 = %scan3A_941 to %scan3A_943 step %scan3A_944  : i32 {
        %mul3A_952 = arith.constant 1 : i32
        %mul3A_953 = arith.muli %scan3A_951, %mul3A_952 : i32
        %add3A_954 = arith.constant 0 : i32
        %add3A_955 = arith.addi %add3A_954, %mul3A_953 : i32
        %mul3A_956 = arith.constant 2 : i32
        %mul3A_957 = arith.muli %mul3A_956, %add3A_955 : i32
        %add3A_958 = arith.constant 0 : i32
        %add3A_959 = arith.addi %mul3A_957, %add3A_958 : i32
        %dma_start3A = arith.constant 0 : i32
        %dma_start3A_960 = tpu.memref_slice %arg10[%add3A_959, %dma_start3A] : memref<16x128xi32, #tpu.memory_space<vmem>> -> memref<1x128xi32, #tpu.memory_space<vmem>>
        %dma_start3A_961 = tpu.memref_squeeze %dma_start3A_960 : memref<1x128xi32, #tpu.memory_space<vmem>> -> memref<128xi32, #tpu.memory_space<vmem>>
        %dma_start3A_962 = arith.constant 0 : i32
        %dma_start3A_963 = arith.constant 0 : i32
        %dma_start3A_964 = tpu.memref_slice %arg8[%dma_start3A_962, %dma_start3A_963] : memref<33792x128xf32, #tpu.memory_space<hbm>> -> memref<33792x128xf32, #tpu.memory_space<hbm>>
        tpu.enqueue_indirect_dma source(%dma_start3A_964 : memref<33792x128xf32, #tpu.memory_space<hbm>>) target(%arg16 : memref<128x128xf32, #tpu.memory_space<vmem>>) offsets(%dma_start3A_961 : memref<128xi32, #tpu.memory_space<vmem>>) semaphore(%arg26 : memref<!tpu.dma_semaphore, #tpu.memory_space<semaphore_mem>>)
        %mul3A_965 = arith.constant 2 : i32
        %mul3A_966 = arith.muli %mul3A_965, %add3A_955 : i32
        %add3A_967 = arith.constant 1 : i32
        %add3A_968 = arith.addi %mul3A_966, %add3A_967 : i32
        %dma_start3A_969 = arith.constant 0 : i32
        %dma_start3A_970 = tpu.memref_slice %arg10[%add3A_968, %dma_start3A_969] : memref<16x128xi32, #tpu.memory_space<vmem>> -> memref<1x128xi32, #tpu.memory_space<vmem>>
        %dma_start3A_971 = tpu.memref_squeeze %dma_start3A_970 : memref<1x128xi32, #tpu.memory_space<vmem>> -> memref<128xi32, #tpu.memory_space<vmem>>
        %dma_start3A_972 = arith.constant 0 : i32
        %dma_start3A_973 = arith.constant 0 : i32
        %dma_start3A_974 = tpu.memref_slice %arg8[%dma_start3A_972, %dma_start3A_973] : memref<33792x128xf32, #tpu.memory_space<hbm>> -> memref<33792x128xf32, #tpu.memory_space<hbm>>
        tpu.enqueue_indirect_dma source(%dma_start3A_974 : memref<33792x128xf32, #tpu.memory_space<hbm>>) target(%arg17 : memref<128x128xf32, #tpu.memory_space<vmem>>) offsets(%dma_start3A_971 : memref<128xi32, #tpu.memory_space<vmem>>) semaphore(%arg26 : memref<!tpu.dma_semaphore, #tpu.memory_space<semaphore_mem>>)
        %gt3A = arith.constant 0 : i32
        %gt3A_975 = arith.cmpi sgt, %add3A_955, %gt3A : i32
        %convert_element_type3A_976 = arith.extui %gt3A_975 : i1 to i32
        %cond3A_977 = arith.constant 0 : i32
        %cond3A_978 = arith.cmpi ne, %convert_element_type3A_976, %cond3A_977 : i32
        scf.if %cond3A_978 {
          %dma_wait3A_1006 = arith.constant 0 : i32
          %dma_wait3A_1007 = tpu.memref_slice %arg6[%select_n3A_922, %dma_wait3A_1006, %multiple_of3A_940] : memref<4x32x8192xf32, #tpu.memory_space<hbm>> -> memref<1x32x256xf32, #tpu.memory_space<hbm>>
          %dma_wait3A_1008 = tpu.memref_squeeze %dma_wait3A_1007 : memref<1x32x256xf32, #tpu.memory_space<hbm>> -> memref<32x256xf32, #tpu.memory_space<hbm>>
          %dma_wait3A_1009 = arith.constant 0 : i32
          %dma_wait3A_1010 = tpu.memref_slice %arg6[%select_n3A_922, %dma_wait3A_1009, %multiple_of3A_940] : memref<4x32x8192xf32, #tpu.memory_space<hbm>> -> memref<1x32x256xf32, #tpu.memory_space<hbm>>
          %dma_wait3A_1011 = tpu.memref_squeeze %dma_wait3A_1010 : memref<1x32x256xf32, #tpu.memory_space<hbm>> -> memref<32x256xf32, #tpu.memory_space<hbm>>
          tpu.wait_dma2 semaphore(%arg27 : memref<!tpu.dma_semaphore, #tpu.memory_space<semaphore_mem>>) src(%arg18 : memref<32x256xf32, #tpu.memory_space<vmem>>) dst(%dma_wait3A_1011 : memref<32x256xf32, #tpu.memory_space<hbm>>)
        } else {
        }
        %dma_wait3A_979 = arith.constant 0 : i32
        %dma_wait3A_980 = tpu.memref_slice %arg10[%add3A_959, %dma_wait3A_979] : memref<16x128xi32, #tpu.memory_space<vmem>> -> memref<1x128xi32, #tpu.memory_space<vmem>>
        %dma_wait3A_981 = tpu.memref_squeeze %dma_wait3A_980 : memref<1x128xi32, #tpu.memory_space<vmem>> -> memref<128xi32, #tpu.memory_space<vmem>>
        %dma_wait3A_982 = arith.constant 0 : i32
        %dma_wait3A_983 = arith.constant 0 : i32
        %dma_wait3A_984 = tpu.memref_slice %arg8[%dma_wait3A_982, %dma_wait3A_983] : memref<33792x128xf32, #tpu.memory_space<hbm>> -> memref<33792x128xf32, #tpu.memory_space<hbm>>
        tpu.wait_indirect_dma semaphore(%arg26 : memref<!tpu.dma_semaphore, #tpu.memory_space<semaphore_mem>>) src(%dma_wait3A_984 : memref<33792x128xf32, #tpu.memory_space<hbm>>) dst(%arg16 : memref<128x128xf32, #tpu.memory_space<vmem>>)
        %parallel_loop3A = arith.constant 0 : i32
        %parallel_loop3A_985 = arith.constant 32 : i32
        %parallel_loop3A_986 = arith.constant 1 : i32
        scf.for %parallel_loop3A_1006 = %parallel_loop3A to %parallel_loop3A_985 step %parallel_loop3A_986  : i32 {
          %parallel_loop3A_1007 = arith.constant 2 : i32
          %parallel_loop3A_1008 = arith.muli %parallel_loop3A_1007, %add3A_955 : i32
          %parallel_loop3A_1009 = arith.constant 0 : i32
          %parallel_loop3A_1010 = arith.addi %parallel_loop3A_1008, %parallel_loop3A_1009 : i32
          %parallel_loop3A_1011 = arith.index_cast %parallel_loop3A_1010 : i32 to index
          %parallel_loop3A_1012 = arith.constant 0 : index
          %parallel_loop3A_1013 = tpu.vector_load %arg11[%parallel_loop3A_1011, %parallel_loop3A_1012] {strides = array<i32>} : memref<16x128xi32, #tpu.memory_space<vmem>>, vector<16xi32>,
          %parallel_loop3A_1014 = vector.broadcast %parallel_loop3A_1006 : i32 to vector<16xi32>
          %parallel_loop3A_1015 = arith.addi %parallel_loop3A_1013, %parallel_loop3A_1014 : vector<16xi32>
          %parallel_loop3A_1016 = tpu.vector_load_idx %arg16[%add3A_95, %parallel_loop3A_1015] : memref<128x128xf32, #tpu.memory_space<vmem>>[vector<16xi32>, vector<16xi32>], vector<16xf32>,
          %parallel_loop3A_1017 = arith.index_cast %parallel_loop3A_1006 : i32 to index
          %parallel_loop3A_1018 = arith.constant 0 : index
          %parallel_loop3A_1019 = tpu.vector_load %arg18[%parallel_loop3A_1017, %parallel_loop3A_1018] {strides = array<i32>} : memref<32x256xf32, #tpu.memory_space<vmem>>, vector<16xf32>,
          tpu.vector_store %arg18[%parallel_loop3A_1017, %parallel_loop3A_1018], %parallel_loop3A_1016 {strides = array<i32>} : memref<32x256xf32, #tpu.memory_space<vmem>>, vector<16xf32>,
          %parallel_loop3A_1020 = arith.index_cast %parallel_loop3A_1010 : i32 to index
          %parallel_loop3A_1021 = arith.constant 16 : index
          %parallel_loop3A_1022 = tpu.vector_load %arg11[%parallel_loop3A_1020, %parallel_loop3A_1021] {strides = array<i32>} : memref<16x128xi32, #tpu.memory_space<vmem>>, vector<16xi32>,
          %parallel_loop3A_1023 = vector.broadcast %parallel_loop3A_1006 : i32 to vector<16xi32>
          %parallel_loop3A_1024 = arith.addi %parallel_loop3A_1022, %parallel_loop3A_1023 : vector<16xi32>
          %parallel_loop3A_1025 = tpu.vector_load_idx %arg16[%add3A_98, %parallel_loop3A_1024] : memref<128x128xf32, #tpu.memory_space<vmem>>[vector<16xi32>, vector<16xi32>], vector<16xf32>,
          %parallel_loop3A_1026 = arith.index_cast %parallel_loop3A_1006 : i32 to index
          %parallel_loop3A_1027 = arith.constant 16 : index
          %parallel_loop3A_1028 = tpu.vector_load %arg18[%parallel_loop3A_1026, %parallel_loop3A_1027] {strides = array<i32>} : memref<32x256xf32, #tpu.memory_space<vmem>>, vector<16xf32>,
          tpu.vector_store %arg18[%parallel_loop3A_1026, %parallel_loop3A_1027], %parallel_loop3A_1025 {strides = array<i32>} : memref<32x256xf32, #tpu.memory_space<vmem>>, vector<16xf32>,
          %parallel_loop3A_1029 = arith.index_cast %parallel_loop3A_1010 : i32 to index
          %parallel_loop3A_1030 = arith.constant 32 : index
          %parallel_loop3A_1031 = tpu.vector_load %arg11[%parallel_loop3A_1029, %parallel_loop3A_1030] {strides = array<i32>} : memref<16x128xi32, #tpu.memory_space<vmem>>, vector<16xi32>,
          %parallel_loop3A_1032 = vector.broadcast %parallel_loop3A_1006 : i32 to vector<16xi32>
          %parallel_loop3A_1033 = arith.addi %parallel_loop3A_1031, %parallel_loop3A_1032 : vector<16xi32>
          %parallel_loop3A_1034 = tpu.vector_load_idx %arg16[%add3A_101, %parallel_loop3A_1033] : memref<128x128xf32, #tpu.memory_space<vmem>>[vector<16xi32>, vector<16xi32>], vector<16xf32>,
          %parallel_loop3A_1035 = arith.index_cast %parallel_loop3A_1006 : i32 to index
          %parallel_loop3A_1036 = arith.constant 32 : index
          %parallel_loop3A_1037 = tpu.vector_load %arg18[%parallel_loop3A_1035, %parallel_loop3A_1036] {strides = array<i32>} : memref<32x256xf32, #tpu.memory_space<vmem>>, vector<16xf32>,
          tpu.vector_store %arg18[%parallel_loop3A_1035, %parallel_loop3A_1036], %parallel_loop3A_1034 {strides = array<i32>} : memref<32x256xf32, #tpu.memory_space<vmem>>, vector<16xf32>,
          %parallel_loop3A_1038 = arith.index_cast %parallel_loop3A_1010 : i32 to index
          %parallel_loop3A_1039 = arith.constant 48 : index
          %parallel_loop3A_1040 = tpu.vector_load %arg11[%parallel_loop3A_1038, %parallel_loop3A_1039] {strides = array<i32>} : memref<16x128xi32, #tpu.memory_space<vmem>>, vector<16xi32>,
          %parallel_loop3A_1041 = vector.broadcast %parallel_loop3A_1006 : i32 to vector<16xi32>
          %parallel_loop3A_1042 = arith.addi %parallel_loop3A_1040, %parallel_loop3A_1041 : vector<16xi32>
          %parallel_loop3A_1043 = tpu.vector_load_idx %arg16[%add3A_104, %parallel_loop3A_1042] : memref<128x128xf32, #tpu.memory_space<vmem>>[vector<16xi32>, vector<16xi32>], vector<16xf32>,
          %parallel_loop3A_1044 = arith.index_cast %parallel_loop3A_1006 : i32 to index
          %parallel_loop3A_1045 = arith.constant 48 : index
          %parallel_loop3A_1046 = tpu.vector_load %arg18[%parallel_loop3A_1044, %parallel_loop3A_1045] {strides = array<i32>} : memref<32x256xf32, #tpu.memory_space<vmem>>, vector<16xf32>,
          tpu.vector_store %arg18[%parallel_loop3A_1044, %parallel_loop3A_1045], %parallel_loop3A_1043 {strides = array<i32>} : memref<32x256xf32, #tpu.memory_space<vmem>>, vector<16xf32>,
          %parallel_loop3A_1047 = arith.index_cast %parallel_loop3A_1010 : i32 to index
          %parallel_loop3A_1048 = arith.constant 64 : index
          %parallel_loop3A_1049 = tpu.vector_load %arg11[%parallel_loop3A_1047, %parallel_loop3A_1048] {strides = array<i32>} : memref<16x128xi32, #tpu.memory_space<vmem>>, vector<16xi32>,
          %parallel_loop3A_1050 = vector.broadcast %parallel_loop3A_1006 : i32 to vector<16xi32>
          %parallel_loop3A_1051 = arith.addi %parallel_loop3A_1049, %parallel_loop3A_1050 : vector<16xi32>
          %parallel_loop3A_1052 = tpu.vector_load_idx %arg16[%add3A_107, %parallel_loop3A_1051] : memref<128x128xf32, #tpu.memory_space<vmem>>[vector<16xi32>, vector<16xi32>], vector<16xf32>,
          %parallel_loop3A_1053 = arith.index_cast %parallel_loop3A_1006 : i32 to index
          %parallel_loop3A_1054 = arith.constant 64 : index
          %parallel_loop3A_1055 = tpu.vector_load %arg18[%parallel_loop3A_1053, %parallel_loop3A_1054] {strides = array<i32>} : memref<32x256xf32, #tpu.memory_space<vmem>>, vector<16xf32>,
          tpu.vector_store %arg18[%parallel_loop3A_1053, %parallel_loop3A_1054], %parallel_loop3A_1052 {strides = array<i32>} : memref<32x256xf32, #tpu.memory_space<vmem>>, vector<16xf32>,
          %parallel_loop3A_1056 = arith.index_cast %parallel_loop3A_1010 : i32 to index
          %parallel_loop3A_1057 = arith.constant 80 : index
          %parallel_loop3A_1058 = tpu.vector_load %arg11[%parallel_loop3A_1056, %parallel_loop3A_1057] {strides = array<i32>} : memref<16x128xi32, #tpu.memory_space<vmem>>, vector<16xi32>,
          %parallel_loop3A_1059 = vector.broadcast %parallel_loop3A_1006 : i32 to vector<16xi32>
          %parallel_loop3A_1060 = arith.addi %parallel_loop3A_1058, %parallel_loop3A_1059 : vector<16xi32>
          %parallel_loop3A_1061 = tpu.vector_load_idx %arg16[%add3A_110, %parallel_loop3A_1060] : memref<128x128xf32, #tpu.memory_space<vmem>>[vector<16xi32>, vector<16xi32>], vector<16xf32>,
          %parallel_loop3A_1062 = arith.index_cast %parallel_loop3A_1006 : i32 to index
          %parallel_loop3A_1063 = arith.constant 80 : index
          %parallel_loop3A_1064 = tpu.vector_load %arg18[%parallel_loop3A_1062, %parallel_loop3A_1063] {strides = array<i32>} : memref<32x256xf32, #tpu.memory_space<vmem>>, vector<16xf32>,
          tpu.vector_store %arg18[%parallel_loop3A_1062, %parallel_loop3A_1063], %parallel_loop3A_1061 {strides = array<i32>} : memref<32x256xf32, #tpu.memory_space<vmem>>, vector<16xf32>,
          %parallel_loop3A_1065 = arith.index_cast %parallel_loop3A_1010 : i32 to index
          %parallel_loop3A_1066 = arith.constant 96 : index
          %parallel_loop3A_1067 = tpu.vector_load %arg11[%parallel_loop3A_1065, %parallel_loop3A_1066] {strides = array<i32>} : memref<16x128xi32, #tpu.memory_space<vmem>>, vector<16xi32>,
          %parallel_loop3A_1068 = vector.broadcast %parallel_loop3A_1006 : i32 to vector<16xi32>
          %parallel_loop3A_1069 = arith.addi %parallel_loop3A_1067, %parallel_loop3A_1068 : vector<16xi32>
          %parallel_loop3A_1070 = tpu.vector_load_idx %arg16[%add3A_113, %parallel_loop3A_1069] : memref<128x128xf32, #tpu.memory_space<vmem>>[vector<16xi32>, vector<16xi32>], vector<16xf32>,
          %parallel_loop3A_1071 = arith.index_cast %parallel_loop3A_1006 : i32 to index
          %parallel_loop3A_1072 = arith.constant 96 : index
          %parallel_loop3A_1073 = tpu.vector_load %arg18[%parallel_loop3A_1071, %parallel_loop3A_1072] {strides = array<i32>} : memref<32x256xf32, #tpu.memory_space<vmem>>, vector<16xf32>,
          tpu.vector_store %arg18[%parallel_loop3A_1071, %parallel_loop3A_1072], %parallel_loop3A_1070 {strides = array<i32>} : memref<32x256xf32, #tpu.memory_space<vmem>>, vector<16xf32>,
          %parallel_loop3A_1074 = arith.index_cast %parallel_loop3A_1010 : i32 to index
          %parallel_loop3A_1075 = arith.constant 112 : index
          %parallel_loop3A_1076 = tpu.vector_load %arg11[%parallel_loop3A_1074, %parallel_loop3A_1075] {strides = array<i32>} : memref<16x128xi32, #tpu.memory_space<vmem>>, vector<16xi32>,
          %parallel_loop3A_1077 = vector.broadcast %parallel_loop3A_1006 : i32 to vector<16xi32>
          %parallel_loop3A_1078 = arith.addi %parallel_loop3A_1076, %parallel_loop3A_1077 : vector<16xi32>
          %parallel_loop3A_1079 = tpu.vector_load_idx %arg16[%add3A_116, %parallel_loop3A_1078] : memref<128x128xf32, #tpu.memory_space<vmem>>[vector<16xi32>, vector<16xi32>], vector<16xf32>,
          %parallel_loop3A_1080 = arith.index_cast %parallel_loop3A_1006 : i32 to index
          %parallel_loop3A_1081 = arith.constant 112 : index
          %parallel_loop3A_1082 = tpu.vector_load %arg18[%parallel_loop3A_1080, %parallel_loop3A_1081] {strides = array<i32>} : memref<32x256xf32, #tpu.memory_space<vmem>>, vector<16xf32>,
          tpu.vector_store %arg18[%parallel_loop3A_1080, %parallel_loop3A_1081], %parallel_loop3A_1079 {strides = array<i32>} : memref<32x256xf32, #tpu.memory_space<vmem>>, vector<16xf32>,
        } {sc.loop_unroll_factor = 2 : i64, sc.parallel_access}
        %dma_wait3A_987 = arith.constant 0 : i32
        %dma_wait3A_988 = tpu.memref_slice %arg10[%add3A_968, %dma_wait3A_987] : memref<16x128xi32, #tpu.memory_space<vmem>> -> memref<1x128xi32, #tpu.memory_space<vmem>>
        %dma_wait3A_989 = tpu.memref_squeeze %dma_wait3A_988 : memref<1x128xi32, #tpu.memory_space<vmem>> -> memref<128xi32, #tpu.memory_space<vmem>>
        %dma_wait3A_990 = arith.constant 0 : i32
        %dma_wait3A_991 = arith.constant 0 : i32
        %dma_wait3A_992 = tpu.memref_slice %arg8[%dma_wait3A_990, %dma_wait3A_991] : memref<33792x128xf32, #tpu.memory_space<hbm>> -> memref<33792x128xf32, #tpu.memory_space<hbm>>
        tpu.wait_indirect_dma semaphore(%arg26 : memref<!tpu.dma_semaphore, #tpu.memory_space<semaphore_mem>>) src(%dma_wait3A_992 : memref<33792x128xf32, #tpu.memory_space<hbm>>) dst(%arg17 : memref<128x128xf32, #tpu.memory_space<vmem>>)
        %parallel_loop3A_993 = arith.constant 0 : i32
        %parallel_loop3A_994 = arith.constant 32 : i32
        %parallel_loop3A_995 = arith.constant 1 : i32
        scf.for %parallel_loop3A_1006 = %parallel_loop3A_993 to %parallel_loop3A_994 step %parallel_loop3A_995  : i32 {
          %parallel_loop3A_1007 = arith.constant 2 : i32
          %parallel_loop3A_1008 = arith.muli %parallel_loop3A_1007, %add3A_955 : i32
          %parallel_loop3A_1009 = arith.constant 1 : i32
          %parallel_loop3A_1010 = arith.addi %parallel_loop3A_1008, %parallel_loop3A_1009 : i32
          %parallel_loop3A_1011 = arith.index_cast %parallel_loop3A_1010 : i32 to index
          %parallel_loop3A_1012 = arith.constant 0 : index
          %parallel_loop3A_1013 = tpu.vector_load %arg11[%parallel_loop3A_1011, %parallel_loop3A_1012] {strides = array<i32>} : memref<16x128xi32, #tpu.memory_space<vmem>>, vector<16xi32>,
          %parallel_loop3A_1014 = vector.broadcast %parallel_loop3A_1006 : i32 to vector<16xi32>
          %parallel_loop3A_1015 = arith.addi %parallel_loop3A_1013, %parallel_loop3A_1014 : vector<16xi32>
          %parallel_loop3A_1016 = tpu.vector_load_idx %arg17[%add3A_95, %parallel_loop3A_1015] : memref<128x128xf32, #tpu.memory_space<vmem>>[vector<16xi32>, vector<16xi32>], vector<16xf32>,
          %parallel_loop3A_1017 = arith.index_cast %parallel_loop3A_1006 : i32 to index
          %parallel_loop3A_1018 = arith.constant 128 : index
          %parallel_loop3A_1019 = tpu.vector_load %arg18[%parallel_loop3A_1017, %parallel_loop3A_1018] {strides = array<i32>} : memref<32x256xf32, #tpu.memory_space<vmem>>, vector<16xf32>,
          tpu.vector_store %arg18[%parallel_loop3A_1017, %parallel_loop3A_1018], %parallel_loop3A_1016 {strides = array<i32>} : memref<32x256xf32, #tpu.memory_space<vmem>>, vector<16xf32>,
          %parallel_loop3A_1020 = arith.index_cast %parallel_loop3A_1010 : i32 to index
          %parallel_loop3A_1021 = arith.constant 16 : index
          %parallel_loop3A_1022 = tpu.vector_load %arg11[%parallel_loop3A_1020, %parallel_loop3A_1021] {strides = array<i32>} : memref<16x128xi32, #tpu.memory_space<vmem>>, vector<16xi32>,
          %parallel_loop3A_1023 = vector.broadcast %parallel_loop3A_1006 : i32 to vector<16xi32>
          %parallel_loop3A_1024 = arith.addi %parallel_loop3A_1022, %parallel_loop3A_1023 : vector<16xi32>
          %parallel_loop3A_1025 = tpu.vector_load_idx %arg17[%add3A_98, %parallel_loop3A_1024] : memref<128x128xf32, #tpu.memory_space<vmem>>[vector<16xi32>, vector<16xi32>], vector<16xf32>,
          %parallel_loop3A_1026 = arith.index_cast %parallel_loop3A_1006 : i32 to index
          %parallel_loop3A_1027 = arith.constant 144 : index
          %parallel_loop3A_1028 = tpu.vector_load %arg18[%parallel_loop3A_1026, %parallel_loop3A_1027] {strides = array<i32>} : memref<32x256xf32, #tpu.memory_space<vmem>>, vector<16xf32>,
          tpu.vector_store %arg18[%parallel_loop3A_1026, %parallel_loop3A_1027], %parallel_loop3A_1025 {strides = array<i32>} : memref<32x256xf32, #tpu.memory_space<vmem>>, vector<16xf32>,
          %parallel_loop3A_1029 = arith.index_cast %parallel_loop3A_1010 : i32 to index
          %parallel_loop3A_1030 = arith.constant 32 : index
          %parallel_loop3A_1031 = tpu.vector_load %arg11[%parallel_loop3A_1029, %parallel_loop3A_1030] {strides = array<i32>} : memref<16x128xi32, #tpu.memory_space<vmem>>, vector<16xi32>,
          %parallel_loop3A_1032 = vector.broadcast %parallel_loop3A_1006 : i32 to vector<16xi32>
          %parallel_loop3A_1033 = arith.addi %parallel_loop3A_1031, %parallel_loop3A_1032 : vector<16xi32>
          %parallel_loop3A_1034 = tpu.vector_load_idx %arg17[%add3A_101, %parallel_loop3A_1033] : memref<128x128xf32, #tpu.memory_space<vmem>>[vector<16xi32>, vector<16xi32>], vector<16xf32>,
          %parallel_loop3A_1035 = arith.index_cast %parallel_loop3A_1006 : i32 to index
          %parallel_loop3A_1036 = arith.constant 160 : index
          %parallel_loop3A_1037 = tpu.vector_load %arg18[%parallel_loop3A_1035, %parallel_loop3A_1036] {strides = array<i32>} : memref<32x256xf32, #tpu.memory_space<vmem>>, vector<16xf32>,
          tpu.vector_store %arg18[%parallel_loop3A_1035, %parallel_loop3A_1036], %parallel_loop3A_1034 {strides = array<i32>} : memref<32x256xf32, #tpu.memory_space<vmem>>, vector<16xf32>,
          %parallel_loop3A_1038 = arith.index_cast %parallel_loop3A_1010 : i32 to index
          %parallel_loop3A_1039 = arith.constant 48 : index
          %parallel_loop3A_1040 = tpu.vector_load %arg11[%parallel_loop3A_1038, %parallel_loop3A_1039] {strides = array<i32>} : memref<16x128xi32, #tpu.memory_space<vmem>>, vector<16xi32>,
          %parallel_loop3A_1041 = vector.broadcast %parallel_loop3A_1006 : i32 to vector<16xi32>
          %parallel_loop3A_1042 = arith.addi %parallel_loop3A_1040, %parallel_loop3A_1041 : vector<16xi32>
          %parallel_loop3A_1043 = tpu.vector_load_idx %arg17[%add3A_104, %parallel_loop3A_1042] : memref<128x128xf32, #tpu.memory_space<vmem>>[vector<16xi32>, vector<16xi32>], vector<16xf32>,
          %parallel_loop3A_1044 = arith.index_cast %parallel_loop3A_1006 : i32 to index
          %parallel_loop3A_1045 = arith.constant 176 : index
          %parallel_loop3A_1046 = tpu.vector_load %arg18[%parallel_loop3A_1044, %parallel_loop3A_1045] {strides = array<i32>} : memref<32x256xf32, #tpu.memory_space<vmem>>, vector<16xf32>,
          tpu.vector_store %arg18[%parallel_loop3A_1044, %parallel_loop3A_1045], %parallel_loop3A_1043 {strides = array<i32>} : memref<32x256xf32, #tpu.memory_space<vmem>>, vector<16xf32>,
          %parallel_loop3A_1047 = arith.index_cast %parallel_loop3A_1010 : i32 to index
          %parallel_loop3A_1048 = arith.constant 64 : index
          %parallel_loop3A_1049 = tpu.vector_load %arg11[%parallel_loop3A_1047, %parallel_loop3A_1048] {strides = array<i32>} : memref<16x128xi32, #tpu.memory_space<vmem>>, vector<16xi32>,
          %parallel_loop3A_1050 = vector.broadcast %parallel_loop3A_1006 : i32 to vector<16xi32>
          %parallel_loop3A_1051 = arith.addi %parallel_loop3A_1049, %parallel_loop3A_1050 : vector<16xi32>
          %parallel_loop3A_1052 = tpu.vector_load_idx %arg17[%add3A_107, %parallel_loop3A_1051] : memref<128x128xf32, #tpu.memory_space<vmem>>[vector<16xi32>, vector<16xi32>], vector<16xf32>,
          %parallel_loop3A_1053 = arith.index_cast %parallel_loop3A_1006 : i32 to index
          %parallel_loop3A_1054 = arith.constant 192 : index
          %parallel_loop3A_1055 = tpu.vector_load %arg18[%parallel_loop3A_1053, %parallel_loop3A_1054] {strides = array<i32>} : memref<32x256xf32, #tpu.memory_space<vmem>>, vector<16xf32>,
          tpu.vector_store %arg18[%parallel_loop3A_1053, %parallel_loop3A_1054], %parallel_loop3A_1052 {strides = array<i32>} : memref<32x256xf32, #tpu.memory_space<vmem>>, vector<16xf32>,
          %parallel_loop3A_1056 = arith.index_cast %parallel_loop3A_1010 : i32 to index
          %parallel_loop3A_1057 = arith.constant 80 : index
          %parallel_loop3A_1058 = tpu.vector_load %arg11[%parallel_loop3A_1056, %parallel_loop3A_1057] {strides = array<i32>} : memref<16x128xi32, #tpu.memory_space<vmem>>, vector<16xi32>,
          %parallel_loop3A_1059 = vector.broadcast %parallel_loop3A_1006 : i32 to vector<16xi32>
          %parallel_loop3A_1060 = arith.addi %parallel_loop3A_1058, %parallel_loop3A_1059 : vector<16xi32>
          %parallel_loop3A_1061 = tpu.vector_load_idx %arg17[%add3A_110, %parallel_loop3A_1060] : memref<128x128xf32, #tpu.memory_space<vmem>>[vector<16xi32>, vector<16xi32>], vector<16xf32>,
          %parallel_loop3A_1062 = arith.index_cast %parallel_loop3A_1006 : i32 to index
          %parallel_loop3A_1063 = arith.constant 208 : index
          %parallel_loop3A_1064 = tpu.vector_load %arg18[%parallel_loop3A_1062, %parallel_loop3A_1063] {strides = array<i32>} : memref<32x256xf32, #tpu.memory_space<vmem>>, vector<16xf32>,
          tpu.vector_store %arg18[%parallel_loop3A_1062, %parallel_loop3A_1063], %parallel_loop3A_1061 {strides = array<i32>} : memref<32x256xf32, #tpu.memory_space<vmem>>, vector<16xf32>,
          %parallel_loop3A_1065 = arith.index_cast %parallel_loop3A_1010 : i32 to index
          %parallel_loop3A_1066 = arith.constant 96 : index
          %parallel_loop3A_1067 = tpu.vector_load %arg11[%parallel_loop3A_1065, %parallel_loop3A_1066] {strides = array<i32>} : memref<16x128xi32, #tpu.memory_space<vmem>>, vector<16xi32>,
          %parallel_loop3A_1068 = vector.broadcast %parallel_loop3A_1006 : i32 to vector<16xi32>
          %parallel_loop3A_1069 = arith.addi %parallel_loop3A_1067, %parallel_loop3A_1068 : vector<16xi32>
          %parallel_loop3A_1070 = tpu.vector_load_idx %arg17[%add3A_113, %parallel_loop3A_1069] : memref<128x128xf32, #tpu.memory_space<vmem>>[vector<16xi32>, vector<16xi32>], vector<16xf32>,
          %parallel_loop3A_1071 = arith.index_cast %parallel_loop3A_1006 : i32 to index
          %parallel_loop3A_1072 = arith.constant 224 : index
          %parallel_loop3A_1073 = tpu.vector_load %arg18[%parallel_loop3A_1071, %parallel_loop3A_1072] {strides = array<i32>} : memref<32x256xf32, #tpu.memory_space<vmem>>, vector<16xf32>,
          tpu.vector_store %arg18[%parallel_loop3A_1071, %parallel_loop3A_1072], %parallel_loop3A_1070 {strides = array<i32>} : memref<32x256xf32, #tpu.memory_space<vmem>>, vector<16xf32>,
          %parallel_loop3A_1074 = arith.index_cast %parallel_loop3A_1010 : i32 to index
          %parallel_loop3A_1075 = arith.constant 112 : index
          %parallel_loop3A_1076 = tpu.vector_load %arg11[%parallel_loop3A_1074, %parallel_loop3A_1075] {strides = array<i32>} : memref<16x128xi32, #tpu.memory_space<vmem>>, vector<16xi32>,
          %parallel_loop3A_1077 = vector.broadcast %parallel_loop3A_1006 : i32 to vector<16xi32>
          %parallel_loop3A_1078 = arith.addi %parallel_loop3A_1076, %parallel_loop3A_1077 : vector<16xi32>
          %parallel_loop3A_1079 = tpu.vector_load_idx %arg17[%add3A_116, %parallel_loop3A_1078] : memref<128x128xf32, #tpu.memory_space<vmem>>[vector<16xi32>, vector<16xi32>], vector<16xf32>,
          %parallel_loop3A_1080 = arith.index_cast %parallel_loop3A_1006 : i32 to index
          %parallel_loop3A_1081 = arith.constant 240 : index
          %parallel_loop3A_1082 = tpu.vector_load %arg18[%parallel_loop3A_1080, %parallel_loop3A_1081] {strides = array<i32>} : memref<32x256xf32, #tpu.memory_space<vmem>>, vector<16xf32>,
          tpu.vector_store %arg18[%parallel_loop3A_1080, %parallel_loop3A_1081], %parallel_loop3A_1079 {strides = array<i32>} : memref<32x256xf32, #tpu.memory_space<vmem>>, vector<16xf32>,
        } {sc.loop_unroll_factor = 2 : i64, sc.parallel_access}
        %mul3A_996 = arith.constant 256 : i32
        %mul3A_997 = arith.muli %add3A_955, %mul3A_996 : i32
        %add3A_998 = arith.addi %multiple_of3A_940, %mul3A_997 : i32
        %multiple_of3A_999 = tpu.assume_multiple %add3A_998, 128 : i32
        %dma_start3A_1000 = arith.constant 0 : i32
        %dma_start3A_1001 = tpu.memref_slice %arg6[%select_n3A_922, %dma_start3A_1000, %multiple_of3A_999] : memref<4x32x8192xf32, #tpu.memory_space<hbm>> -> memref<1x32x256xf32, #tpu.memory_space<hbm>>
        %dma_start3A_1002 = tpu.memref_squeeze %dma_start3A_1001 : memref<1x32x256xf32, #tpu.memory_space<hbm>> -> memref<32x256xf32, #tpu.memory_space<hbm>>
        %dma_start3A_1003 = arith.constant 0 : i32
        %dma_start3A_1004 = tpu.memref_slice %arg6[%select_n3A_922, %dma_start3A_1003, %multiple_of3A_999] : memref<4x32x8192xf32, #tpu.memory_space<hbm>> -> memref<1x32x256xf32, #tpu.memory_space<hbm>>
        %dma_start3A_1005 = tpu.memref_squeeze %dma_start3A_1004 : memref<1x32x256xf32, #tpu.memory_space<hbm>> -> memref<32x256xf32, #tpu.memory_space<hbm>>
        tpu.enqueue_dma source(%arg18 : memref<32x256xf32, #tpu.memory_space<vmem>>) target(%dma_start3A_1005 : memref<32x256xf32, #tpu.memory_space<hbm>>) target_semaphore(%arg27 : memref<!tpu.dma_semaphore, #tpu.memory_space<semaphore_mem>>)
      }
      %scan3A_945 = arith.constant 8 : i32
      %dma_wait3A = arith.constant 0 : i32
      %dma_wait3A_946 = tpu.memref_slice %arg6[%select_n3A_922, %dma_wait3A, %multiple_of3A_940] : memref<4x32x8192xf32, #tpu.memory_space<hbm>> -> memref<1x32x256xf32, #tpu.memory_space<hbm>>
      %dma_wait3A_947 = tpu.memref_squeeze %dma_wait3A_946 : memref<1x32x256xf32, #tpu.memory_space<hbm>> -> memref<32x256xf32, #tpu.memory_space<hbm>>
      %dma_wait3A_948 = arith.constant 0 : i32
      %dma_wait3A_949 = tpu.memref_slice %arg6[%select_n3A_922, %dma_wait3A_948, %multiple_of3A_940] : memref<4x32x8192xf32, #tpu.memory_space<hbm>> -> memref<1x32x256xf32, #tpu.memory_space<hbm>>
      %dma_wait3A_950 = tpu.memref_squeeze %dma_wait3A_949 : memref<1x32x256xf32, #tpu.memory_space<hbm>> -> memref<32x256xf32, #tpu.memory_space<hbm>>
      tpu.wait_dma2 semaphore(%arg27 : memref<!tpu.dma_semaphore, #tpu.memory_space<semaphore_mem>>) src(%arg18 : memref<32x256xf32, #tpu.memory_space<vmem>>) dst(%dma_wait3A_950 : memref<32x256xf32, #tpu.memory_space<hbm>>)
    } else {
    }
    return
  }
}

</mosaic_0001>

<sc_bundles>
// kernel: kernel.3.cloned.1.call-start
scs
__scs_entry_jumppad:
0x0: {  	(pc) =	sbr.rel $0x88, $3  }
0x1: {  	(tag) =	ssettag $0x0;
	lr =	simm.s32 $0x1  }
0x2: {  	[smem:$0x3F9E] =	sst lr;
	_ =	strace $0xD0000000  }
0x3: {  	_ = 	snop  }
0x4: {  	_ = 	snop  }
0x5: {  	_ = 	snop  }
0x6: {  	_ = 	snop  }
0x7: {  	_ = 	snop  }
__scs_overlays_trampoline_lowered:
0x8: {  	[smem:$0x3FAD] =	sst s0  }
0x9: {  	[smem:$0x3FAE] =	sst s1  }
0xa: {  	[smem:$0x3FAF] =	sst s2  }
0xb: {  	[smem:$0x3FB0] =	sst s3  }
0xc: {  	[smem:$0x3FB1] =	sst s4  }
0xd: {  	[smem:$0x3FB2] =	sst s5  }
0xe: {  	[smem:$0x3FB3] =	sst s6  }
0xf: {  	[smem:$0x3FB4] =	sst s7  }
0x10: {  	[smem:$0x3FB5] =	sst s8  }
0x11: {  	[smem:$0x3FB6] =	sst s9;
	s0 =	simm.s32 @!p0 $0x0  }
0x12: {  	s1 =	sld [smem:$0x3F9C];
	s0 =	simm.s32 @p0 $0x1  }
0x13: {  	[smem:$0x3FB7] =	sst s0;
	s0 =	simm.s32 @!p1 $0x0  }
0x14: {  	s2 =	sld [smem:$0x3F9B];
	s0 =	simm.s32 @p1 $0x1  }
0x15: {  	[smem:$0x3FB8] =	sst s0;
	s0 =	simm.s32 @!p2 $0x0  }
0x16: {  	s3 =	sld [smem:$0x3FDB];
	s0 =	simm.s32 @p2 $0x1  }
0x17: {  	s4 =	simm.s32 $0x1BF5;
	[smem:$0x3FBA] =	sst s0  }
0x18: {  	s0 =	sld [smem:$0x3F9D];
	_ =	swait.ge [sflag:s4], $0x0  }
0x19: {  	s7 =	sld [smem:$0x3F9E]  }
0x1a: {  	s8 =	sadd.s32 $0xFFFFE003, lr  }
0x1b: {  	s9 =	sadd.s32 $0xFFFFFEF7, lr;
	s5 =	simm.s32 $0xFFFFFFFF;
	p2 =	slt.u32 s8, $0xFFFFF086  }
0x1c: {  	p1 =	slt.u32 s9, $0xF7A;
	s5 =	simm.s32 @!p2 $0x0  }
0x1d: {  	s5 =	simm.s32 @p1 $0x1;
	p0 =	seq.s32 s7, s2  }
0x1e: {  	s7 =	smul.u32 @!p0 $0xF7A, s2;
	p2 =	seq.s32 @!p0 s5, $0x0  }
0x1f: {  	s9 =	smul.u32 $0xF7A, s1;
	s8 =	simm.s32 @!p0 $0x1BF5;
	p2 =	por !p2, p0  }
0x20: {  	[sflag:s8] =	ssyncset.s32 @!p0 $0xFFFFF086;
	s6 =	sadd.s32 @!p0 s3, s7;
	s7 =	simm.s32 @!p0 $0x108  }
0x21: {  	s3 =	sadd.s32 s3, s9;
	s6 =	sadd.s32 @!p0 $0x88, s6;
	s7 =	simm.s32 @p2 $0x1082  }
0x22: {  	[simem:s7], [sflag:s8] =	dma.local @!p0 [hbm:s6], $0xF7A  }
0x23: {  	s9 =	sor.u32 $0xD0000000, s2;
	s6 =	simm.s32 $0x108;
	_ =	swait.ge @!p0 [sflag:s8], $0x0  }
0x24: {  	s3 =	sadd.s32 $0x88, s3;
	s6 =	simm.s32 @!p1 $0x1082;
	[sflag:s4] =	ssyncset.s32 $0xFFFFF086  }
0x25: {  	[simem:s6], [sflag:s4] =	dma.local [hbm:s3], $0xF7A  }
0x26: {  	[smem:$0x3F9E] =	sst s1;
	(tag) =	ssettag s2;
	_ =	strace s9  }
0x27: {  	s1 =	sld [smem:$0x3FAE]  }
0x28: {  	s2 =	sld [smem:$0x3FAF]  }
0x29: {  	s4 =	sld [smem:$0x3FB1]  }
0x2a: {  	p0 =	seq.s32 s5, $0x0;
	s5 =	sld [smem:$0x3FB2]  }
0x2b: {  	s6 =	sld [smem:$0x3FB3]  }
0x2c: {  	s7 =	sld [smem:$0x3FB4]  }
0x2d: {  	s3 =	simm.s32 $0x108;
	s8 =	sld [smem:$0x3FB5]  }
0x2e: {  	s3 =	simm.s32 @!p0 $0x1082;
	s9 =	sld [smem:$0x3FB6]  }
0x2f: {  	lr =	sadd.s32 s0, s3;
	s0 =	sld [smem:$0x3FAD]  }
0x30: {  	s3 =	sld [smem:$0x3FB0]  }
0x31: {  	[smem:$0x3FB9] =	sst s10  }
0x32: {  	s10 =	sld [smem:$0x3FB7];
	_ =	sdelay $0x3  }
0x33: {  	p0 =	seq.s32 s10, $0x1;
	s10 =	sld [smem:$0x3FB9];
	_ =	sdelay $0x3  }
0x34: {  	[smem:$0x3FB9] =	sst s10  }
0x35: {  	s10 =	sld [smem:$0x3FB8];
	_ =	sdelay $0x3  }
0x36: {  	p1 =	seq.s32 s10, $0x1;
	s10 =	sld [smem:$0x3FB9];
	_ =	sdelay $0x3  }
0x37: {  	[smem:$0x3FB9] =	sst s10  }
0x38: {  	s10 =	sld [smem:$0x3FBA]  }
0x39: {  	_ = 	snop;
	(pc) =	sbr.ind lr, $3  }
0x3a: {  	_ = 	snop  }
0x3b: {  	_ = 	snop  }
0x3c: {  	p2 =	seq.s32 s10, $0x1;
	s10 =	sld [smem:$0x3FB9]  }
0x3d: {  	_ =	shalt  }
0x3e: {  	_ =	shalt  }
0x3f: {  	_ =	shalt  }
0x40: {  	_ =	shalt  }
0x41: {  	_ =	shalt  }
0x42: {  	_ =	shalt  }
0x43: {  	_ =	shalt  }
0x44: {  	_ =	shalt  }
0x45: {  	_ =	shalt  }
0x46: {  	_ =	shalt  }
0x47: {  	_ =	shalt  }
0x48: {  	_ =	shalt  }
0x49: {  	_ =	shalt  }
0x4a: {  	_ =	shalt  }
0x4b: {  	_ =	shalt  }
0x4c: {  	_ =	shalt  }
0x4d: {  	_ =	shalt  }
0x4e: {  	_ =	shalt  }
0x4f: {  	_ =	shalt  }
0x50: {  	_ =	shalt  }
0x51: {  	_ =	shalt  }
0x52: {  	_ =	shalt  }
0x53: {  	_ =	shalt  }
0x54: {  	_ =	shalt  }
0x55: {  	_ =	shalt  }
0x56: {  	_ =	shalt  }
0x57: {  	_ =	shalt  }
0x58: {  	_ =	shalt  }
0x59: {  	_ =	shalt  }
0x5a: {  	_ =	shalt  }
0x5b: {  	_ =	shalt  }
0x5c: {  	_ =	shalt  }
0x5d: {  	_ =	shalt  }
0x5e: {  	_ =	shalt  }
0x5f: {  	_ =	shalt  }
0x60: {  	_ =	shalt  }
0x61: {  	_ =	shalt  }
0x62: {  	_ =	shalt  }
0x63: {  	_ =	shalt  }
0x64: {  	_ =	shalt  }
0x65: {  	_ =	shalt  }
0x66: {  	_ =	shalt  }
0x67: {  	_ =	shalt  }
0x68: {  	_ =	shalt  }
0x69: {  	_ =	shalt  }
0x6a: {  	_ =	shalt  }
0x6b: {  	_ =	shalt  }
0x6c: {  	_ =	shalt  }
0x6d: {  	_ =	shalt  }
0x6e: {  	_ =	shalt  }
0x6f: {  	_ =	shalt  }
0x70: {  	_ =	shalt  }
0x71: {  	_ =	shalt  }
0x72: {  	_ =	shalt  }
0x73: {  	_ =	shalt  }
0x74: {  	_ =	shalt  }
0x75: {  	_ =	shalt  }
0x76: {  	_ =	shalt  }
0x77: {  	_ =	shalt  }
0x78: {  	_ =	shalt  }
0x79: {  	_ =	shalt  }
0x7a: {  	_ =	shalt  }
0x7b: {  	_ =	shalt  }
0x7c: {  	_ =	shalt  }
0x7d: {  	_ =	shalt  }
0x7e: {  	_ =	shalt  }
0x7f: {  	_ =	shalt  }
0x80: {  	_ =	shalt  }
0x81: {  	_ =	shalt  }
0x82: {  	_ =	shalt  }
0x83: {  	_ =	shalt  }
0x84: {  	_ =	shalt  }
0x85: {  	_ =	shalt  }
0x86: {  	_ =	shalt  }
0x87: {  	_ =	shalt  }
.Lfunc_end0:
.L_simem_size_0:
called_computation_lowered:
.L_overlay_start_0:
0x88: {  	s2 =	sld [smem:$0x3FD9]  }
0x89: {  	s3 =	sld [smem:$0x3FFE];
	_ =	sdelay $0x1  }
0x8a: {  	s1 =	srdreg.scid  }
0x8b: {  	s0 =	sand.u32 $0x1, s1  }
0x8c: {  	s14 =	sshll.u32 s0, $0xA;
	s2 =	sadd.s32 s3, s2  }
0x8d: {  	s2 =	sadd.s32 s2, s14  }
0x8e: {  	[smem:$0x3FC5] =	sst s2  }
0x8f: {  	_ = 	snop  }
0x90: {  	s2 =	sld [smem:$0x3FD0];
	_ =	sdelay $0x1  }
0x91: {  	s15 =	sld [smem:$0x3FC8]  }
0x92: {  	s5 =	simm.s32 $0xA;
	s6 =	simm.s32 $0x10;
	s4 =	sld [smem:$0x3FC7]  }
0x93: {  	[smem:s6], [sflag:s5] =	dma.local [hbm:s2], $0x1  }
0x94: {  	_ =	swait.eq [sflag:s5], $0x1  }
0x95: {  	[sflag:s5] =	ssyncset.done $0x0  }
0x96: {  	s16 =	sld [smem:$0x10];
	[sflag:s5] =	ssyncadd.s32 $0xFFFFFFFF  }
0x97: {  	s17 =	sld [smem:$0x11];
	(tm) =	ssettm $0x1  }
0x98: {  	s18 =	sld [smem:$0x3FFB];
	_ =	sdelay $0x3  }
0x99: {  	_ =	strace s18  }
0x9a: {  	s6 =	sld [smem:$0x3FFC];
	_ =	sdelay $0x3  }
0x9b: {  	_ =	strace s6  }
0x9c: {  	s6 =	sld [smem:$0x3FFD];
	_ =	sdelay $0x3  }
0x9d: {  	_ =	strace s6  }
0x9e: {  	_ =	strace $0x8FFFFFFF  }
0x9f: {  	s19 =	sld [smem:$0x3FDB];
	_ =	sdelay $0x1  }
0xa0: {  	s7 =	simm.s32 $_scs_section_size  }
0xa1: {  	s8 =	simm.s32 $_size__tile_overlayer_lowered;
	s9 =	simm.s32 $_tile_overlayer_lowered  }
0xa2: {  	s22 =	simm.s32 $0x1BFF;
	s21 =	sshll.u32 s9, $0x1;
	s6 =	sadd.s32 s7, s19  }
0xa3: {  	s10 =	simm.s32 $0x0;
	s20 =	sshll.u32 s8, $0x1;
	s8 =	sadd.s32 s21, s6  }
0xa4: {  	[timem:s10], [sflag:s22] =	dma.local [hbm:s8], s20  }
0xa5: {  	_ =	swait.ge [sflag:s22], s20  }
0xa6: {  	s7 =	ssub.s32 $0x0, s20;
	[sflag:s22] =	ssyncset.done $0x0  }
0xa7: {  	[sflag:s22] =	ssyncadd.s32 s7;
	_ =	sdelay $0x1  }
0xa8: {  	s23 =	simm.s32 $0x1B8B  }
0xa9: {  	_ =	swait.ge [sflag:s23], $0x1  }
0xaa: {  	[sflag:s23] =	ssyncset.done $0x0  }
0xab: {  	s25 =	simm.s32 $0x1B8E;
	s24 =	sld [smem:$0x3FFE];
	[sflag:s23] =	ssyncadd.s32 $0xFFFFFFFF  }
0xac: {  	s26 =	simm.s32 $execute0_lowered;
	[smem:$0x3FD2] =	sst s25  }
0xad: {  	s8 =	sshll.u32 s26, $0x1;
	_ =	strace $0x80000046;
	[dreg:$0x1] =	wrdreg $0xFFFFFFFF  }
0xae: {  	s28 =	simm.s32 $_size_execute0_lowered;
	s6 =	sadd.s32 s6, s8;
	[dreg:$0x0] =	wrdreg $0x0  }
0xaf: {  	s8 =	sshll.u32 s28, $0x1;
	[dreg:$0x2] =	wrdreg s6  }
0xb0: {  	[dreg:$0x3] =	wrdreg s8  }
0xb1: {  	[dreg:$0x4] =	wrdreg $0xC0  }
0xb2: {  	_ =	task [dreg:s10], $0x5FFFF  }
0xb3: {  	[dreg:$0x1] =	wrdreg $0xFFFFFFFF  }
0xb4: {  	[dreg:$0x0] =	wrdreg $0x60  }
0xb5: {  	[dreg:$0x2] =	wrdreg s24  }
0xb6: {  	[dreg:$0x3] =	wrdreg s15  }
0xb7: {  	[dreg:$0x4] =	wrdreg s4  }
0xb8: {  	[dreg:$0x5] =	wrdreg s16  }
0xb9: {  	[dreg:$0x6] =	wrdreg s17  }
0xba: {  	[dreg:$0x7] =	wrdreg $0x1A0800  }
0xbb: {  	[dreg:$0x8] =	wrdreg $0x9  }
0xbc: {  	_ =	task.clear_ibuf [dreg:s10], $0x9FFFF;
	_ =	strace $0x90000046  }
0xbd: {  	s29 =	simm.s32 $0x9;
	_ =	strace $0x80000048  }
0xbe: {  	_ =	swait.ge [sflag:s29], $0x1  }
0xbf: {  	[sflag:s29] =	ssyncadd.s32 $0xFFFFFFFF  }
0xc0: {  	_ =	strace $0x90000048  }
0xc1: {  	_ =	sfence  }
0xc2: {  	s30 =	sld [smem:$0x0];
	_ =	sdelay $0x2  }
0xc3: {  	s31 =	sshll.u32 s1, $0xD;
	s1 =	sshrl.u32 s1, $0x2  }
0xc4: {  	s3 =	sand.u32 $0x4000, s31;
	s1 =	sadd.s32 s1, s30  }
0xc5: {  	s0 =	sor.u32 s3, s0;
	s1 =	sshll.u32 s1, $0x11  }
0xc6: {  	s0 =	sor.u32 s1, s0  }
0xc7: {  	s0 =	sadd.s32 $0x8F2B, s0  }
0xc8: {  	[sflag:s0] =	ssyncadd.remote.s32 $0x1  }
0xc9: {  	_ =	sfence.sel $0xFFFF  }
0xca: {  	[dreg:$0x0] =	wrdreg $0xFFFFFFFF;
	(pc) =	sbr.abs _section_cstart, $3  }
0xcb: {  	[dreg:$0x1] =	wrdreg $0xFFFFFFFF  }
0xcc: {  	_ =	task.clear_ibuf [dreg:s10], $0x2FFFF;
	_ =	strace $0x9FFFFFFF  }
0xcd: {  	(tm) =	ssettm $0x7FFFFFFF  }
tec
execute0_lowered:
.L_overlay_start_1:
0x0: {  	(tag) =	ssettag $0x1  }
0x1: {  	s0 =	rddreg [dreg:$0x0]  }
0x2: {  	s14 =	rddreg [dreg:$0x1]  }
0x3: {  	s15 =	rddreg [dreg:$0x2]  }
0x4: {  	s1 =	rddreg [dreg:$0x3]  }
0x5: {  	s2 =	rddreg [dreg:$0x4]  }
0x6: {  	s8 =	rddreg [dreg:$0x5];
	s16 =	simm.s32 $0x0;
	s3 =	srdreg.scid  }
0x7: {  	s13 =	stileid.u32;
	[smem:$0x7FF] =	sst s16;
	s3 =	sand.u32 $0x1, s3  }
0x8: {  	s4 =	sshll.u32 s13, $0x8;
	s7 =	smul.u32 $0x10800, s13;
	s17 =	sadd.s32 $0x1800, s0  }
0x9: {  	s18 =	sadd.s32 $0x85800, s0;
	_ =	strace $0x80000047;
	[dreg:$0x7] =	wrdreg s17  }
0xa: {  	s20 =	smul.u32 $0x2100, s13;
	s29 =	sadd.s32 $0x21000, s14;
	[dreg:$0x8] =	wrdreg s18  }
0xb: {  	s30 =	sadd.s32 $0x42000, s14;
	s31 =	sadd.s32 $0x63000, s14;
	[smem:$0x7FB] =	sst s29  }
0xc: {  	s5 =	ssub.s32 $0x2, s3;
	s4 =	sadd.s32 s4, s0;
	[smem:$0x7FC] =	sst s30  }
0xd: {  	[smem:$0x7FD] =	sst s31;
	s6 =	sshrl.u32 s5, $0x1;
	s4 =	sadd.s32 $0x800, s4  }
0xe: {  	v0 =	vimm.s32 $0x1380;
	s19 =	sadd.s32 $0x300, s20;
	s20 =	sadd.s32 $0x480, s20;
	[dreg:$0x9] =	wrdreg s4  }
0xf: {  	vm5 =	vcmask $0x300;
	vm6 =	vcmask $0x704;
	vm3 =	vcmask $0xB08;
	s0 =	ssub.s32 s5, s6;
	s5 =	sshll.u32 s13, $0x7;
	[dreg:$0x10] =	wrdreg s19  }
0x10: {  	vm2 =	vcmask $0xF0C;
	vm1 =	vcmask $0x1310;
	vm0 =	vcmask $0x1714;
	s6 =	sshrl.u32 s7, $0x3;
	[dreg:$0x11] =	wrdreg s20;
	s4 =	sadd.s32 s5, s8  }
0x11: {  	v1 =	vimm.s32 $0x3380;
	vm4 =	vcmask $0x1B18;
	vm9 =	vcmask $0x1F1C;
	s25 =	sshll.u32 s13, $0xB;
	s7 =	sadd.s32 s15, s6;
	[dreg:$0xa] =	wrdreg s4  }
0x12: {  	vm10 =	vcmask $0x2320;
	vm7 =	vcmask $0x2724;
	vm11 =	vcmask $0x2B28;
	s21 =	sadd.s32 $0x21000, s6;
	s0 =	smax.u32 s0, $0x1;
	[dreg:$0xb] =	wrdreg s7  }
0x13: {  	vm12 =	vcmask $0x2F2C;
	v2 =	vimm.s32 $0x3210FEDC;
	v3 =	vimm.s32 $0xBA987654;
	s23 =	sadd.s32 $0x42000, s6;
	s22 =	sadd.s32 s15, s21;
	[dreg:$0x1f] =	wrdreg s0  }
0x14: {  	vm13 =	vcmask $0x3330;
	v4 =	vimm.s32 $0x10FEDCBA;
	v5 =	vimm.s32 $0x98765432;
	s9 =	sshll.u32 s13, $0xD;
	s24 =	sadd.s32 s15, s23;
	[dreg:$0xc] =	wrdreg s22  }
0x15: {  	vm14 =	vcmask $0x3734;
	v6 =	vimm.s32 $0x76543210;
	v7 =	vimm.s32 $0xFEDCBA98;
	s10 =	sadd.s32 $0x63000, s6;
	s4 =	sadd.s32 s14, s6;
	[dreg:$0xd] =	wrdreg s24  }
0x16: {  	vm15 =	vcmask $0x3B38;
	v0 =	vsel vm5, $0x0, v0;
	v1 =	vsel vm5, $0x2000, v1;
	s11 =	sadd.s32 $0x180, s6;
	s5 =	sadd.s32 s14, s21;
	[dreg:$0x12] =	wrdreg s4  }
0x17: {  	v2 =	vunpack.c.l.s4.s8 v2;
	v3 =	vunpack.c.l.s4.s8 v3;
	v4 =	vunpack.c.l.s4.s8 v4;
	s8 =	sor.u32 s9, s25;
	s7 =	sadd.s32 s15, s10;
	[dreg:$0x13] =	wrdreg s5  }
0x18: {  	v5 =	vunpack.c.l.s4.s8 v5;
	v7 =	vunpack.c.l.s4.s8 v7;
	v0 =	vsel vm6, $0x80, v0;
	s12 =	sadd.s32 $0x42180, s6;
	s21 =	sadd.s32 s14, s11;
	[dreg:$0x15] =	wrdreg s7  }
0x19: {  	v6 =	vunpack.c.l.s4.s8 v6;
	v1 =	vsel vm6, $0x2080, v1;
	v0 =	vsel vm3, $0x100, v0;
	s8 =	sand.u32 $0x19800, s8;
	s25 =	sadd.s32 s14, s12;
	[dreg:$0x18] =	wrdreg s21  }
0x1a: {  	v1 =	vsel vm3, $0x2100, v1;
	v2 =	vunpack.c.0.s8.s32 v2;
	v3 =	vunpack.c.0.s8.s32 v3;
	s2 =	sadd.s32 s2, s8;
	[dreg:$0x1c] =	wrdreg s25  }
0x1b: {  	v4 =	vunpack.c.0.s8.s32 v4;
	v5 =	vunpack.c.0.s8.s32 v5;
	v7 =	vunpack.c.0.s8.s32 v7;
	s1 =	sadd.s32 s1, s8;
	[dreg:$0xe] =	wrdreg s2  }
0x1c: {  	v6 =	vunpack.c.0.s8.s32 v6;
	v0 =	vsel vm2, $0x180, v0;
	v1 =	vsel vm2, $0x2180, v1;
	s8 =	sadd.s32 s14, s10;
	[dreg:$0xf] =	wrdreg s1  }
0x1d: {  	v0 =	vsel vm1, $0x200, v0;
	s26 =	sadd.s32 $0x21180, s6;
	v1 =	vsel vm1, $0x2200, v1;
	v3 =	vcombine.low v3, v2;
	s10 =	sadd.s32 s15, s11;
	[dreg:$0x16] =	wrdreg s8  }
0x1e: {  	v2 =	vimm.s32 $0xFEDCBA9;
	v4 =	vcombine.low v5, v4;
	v5 =	vimm.s32 $0x87654321;
	s22 =	sadd.s32 s15, s26;
	[dreg:$0x17] =	wrdreg s10  }
0x1f: {  	v0 =	vsel vm0, $0x280, v0;
	v1 =	vsel vm0, $0x2280, v1;
	v2 =	vunpack.c.l.s4.s8 v2;
	s24 =	sadd.s32 s15, s12;
	[dreg:$0x19] =	wrdreg s22  }
0x20: {  	v5 =	vunpack.c.l.s4.s8 v5;
	v0 =	vsel vm4, $0x300, v0;
	v1 =	vsel vm4, $0x2300, v1;
	s25 =	sadd.s32 $0x42000, s15;
	[dreg:$0x1b] =	wrdreg s24  }
0x21: {  	v3 =	vand.u32 $0xF, v3;
	v4 =	vand.u32 $0xF, v4;
	v0 =	vsel vm9, $0x380, v0;
	s1 =	sadd.s32 $0x63180, s6;
	s6 =	sadd.s32 s14, s23;
	[smem:$0x7F8] =	sst s25  }
0x22: {  	v1 =	vsel vm9, $0x2380, v1;
	s23 =	sadd.s32 s14, s26;
	v8 =	vunpack.c.0.s8.s32 v2;
	v5 =	vunpack.c.0.s8.s32 v5;
	[dreg:$0x14] =	wrdreg s6  }
0x23: {  	s24 =	sadd.s32 $0x21000, s15;
	v2 =	vand.u32 $0xF, v7;
	v0 =	vsel vm10, $0x1000, v0;
	v1 =	vsel vm10, $0x3000, v1;
	[dreg:$0x1a] =	wrdreg s23  }
0x24: {  	v7 =	vlaneseq.u32;
	s26 =	sadd.s32 s15, s1;
	s23 =	smul.u32 $0x840, s13;
	[smem:$0x7F7] =	sst s24;
	v0 =	vsel vm7, $0x1080, v0;
	v1 =	vsel vm7, $0x3080, v1  }
.Ltmp0:
0x25: {  	s1 =	sadd.s32 s14, s1;
	v2 =	vcombine.low v2, v6;
	[dreg:$0x1d] =	wrdreg s26;
	v0 =	vsel vm11, $0x1100, v0;
	v1 =	vsel vm11, $0x3100, v1;
	(pc) =	sbr.rel .LBB2_1-.Ltmp0, $4  }
0x26: {  	p0 =	sne.s32 s3, $0x0;
	s9 =	simm.s32 $0x13800;
	v6 =	vimm.s32 $0x1000;
	[dreg:$0x1e] =	wrdreg s1;
	v0 =	vsel vm12, $0x1180, v0;
	v1 =	vsel vm12, $0x3180, v1  }
0x27: {  	s21 =	simm.s32 $0x1800;
	s26 =	sadd.s32 $0x63000, s15;
	v5 =	vcombine.low v5, v8;
	[smem:$0x7F6] =	sst s23;
	v0 =	vsel vm13, $0x1200, v0;
	v1 =	vsel vm13, $0x3200, v1  }
0x28: {  	s22 =	simm.s32 $0x5800;
	v7 =	vmul.u32 $0x80, v7;
	s28 =	sadd.s32 $0x60, s23;
	[smem:$0x7F9] =	sst s26;
	v0 =	vsel vm14, $0x1280, v0;
	v1 =	vsel vm14, $0x3280, v1  }
0x29: {  	s8 =	simm.s32 $0xF800;
	s2 =	simm.s32 $0x0;
	v5 =	vand.u32 $0xF, v5;
	[smem:$0x7FA] =	sst s28;
	v0 =	vsel vm15, $0x1300, v0;
	v1 =	vsel vm15, $0x3300, v1  }
.LBB2_27:
0x2a: {  	s1 =	simm.s32 $0x6  }
0x2b: {  	_ =	swait.ge [sflag:s1], $0x2000  }
0x2c: {  	s2 =	sld [smem:$0x7F5]  }
0x2d: {  	s0 =	rddreg [dreg:$0x1f]  }
0x2e: {  	s17 =	rddreg [dreg:$0x7]  }
0x2f: {  	s18 =	rddreg [dreg:$0x8]  }
0x30: {  	s19 =	rddreg [dreg:$0x10]  }
0x31: {  	s20 =	rddreg [dreg:$0x11]  }
0x32: {  	s23 =	sld [smem:$0x7F6]  }
0x33: {  	s24 =	sld [smem:$0x7F7]  }
0x34: {  	s25 =	sld [smem:$0x7F8]  }
0x35: {  	s26 =	sld [smem:$0x7F9];
	s2 =	sadd.s32 $0x1, s2  }
0x36: {  	s28 =	sld [smem:$0x7FA];
	p1 =	sne.s32 s2, s0  }
.Ltmp1:
0x37: {  	s29 =	sld [smem:$0x7FB];
	(pc) =	sbr.rel @!p1 .LBB2_28-.Ltmp1, $4  }
0x38: {  	[sflag:s1] =	ssyncset.done $0x0;
	s30 =	sld [smem:$0x7FC]  }
0x39: {  	s31 =	sld [smem:$0x7FD];
	[sflag:s1] =	ssyncadd.s32 $0xFFFFE000  }
0x3a: {  	s14 =	rddreg [dreg:$0x1]  }
0x3b: {  	s16 =	simm.s32 $0x0;
	s15 =	rddreg [dreg:$0x2]  }
.LBB2_1:
0x3c: {  	[smem:$0x7F5] =	sst s2  }
0x3d: {  	s0 =	rddreg [dreg:$0x9];
	s1 =	simm.s32 $0x7  }
0x3e: {  	[tilespmem:s16], [sflag:$0x7] =	stream.linear.gather [hbm4b:s0+s16], $0x800, $0x38;
	[tilespmem:$0x1A090] =	vst v63  }
0x3f: {  	_ =	swait.ge [sflag:s1], $0x800  }
0x40: {  	[sflag:s1] =	ssyncset.done $0x0  }
0x41: {  	[sflag:s1] =	ssyncadd.s32 $0xFFFFF800  }
0x42: {  	v8 =	vld [tilespmem:$0x0]  }
0x43: {  	v9 =	vld [tilespmem:$0x10];
	_ =	sdelay $0x1  }
0x44: {  	v10 =	vld [tilespmem:$0x20];
	_ =	sdelay $0x1  }
0x45: {  	v11 =	vld [tilespmem:$0x30]  }
0x46: {  	vm0 =	vgt.s32 v8, v9  }
0x47: {  	v44 =	vld [tilespmem:$0x40];
	v8 =	vsel vm0, v8, v9  }
0x48: {  	vm0 =	vgt.s32 v8, v10  }
0x49: {  	v45 =	vld [tilespmem:$0x50];
	v8 =	vsel vm0, v8, v10  }
0x4a: {  	vm0 =	vgt.s32 v8, v11  }
0x4b: {  	v46 =	vld [tilespmem:$0x60];
	v8 =	vsel vm0, v8, v11  }
0x4c: {  	vm0 =	vgt.s32 v8, v44  }
0x4d: {  	v47 =	vld [tilespmem:$0x70];
	v8 =	vsel vm0, v8, v44  }
0x4e: {  	vm0 =	vgt.s32 v8, v45  }
0x4f: {  	v48 =	vld [tilespmem:$0x80];
	v8 =	vsel vm0, v8, v45  }
0x50: {  	vm0 =	vgt.s32 v8, v46  }
0x51: {  	v49 =	vld [tilespmem:$0x90];
	v8 =	vsel vm0, v8, v46  }
0x52: {  	vm0 =	vgt.s32 v8, v47  }
0x53: {  	v50 =	vld [tilespmem:$0xA0];
	v8 =	vsel vm0, v8, v47  }
0x54: {  	vm0 =	vgt.s32 v8, v48  }
0x55: {  	v51 =	vld [tilespmem:$0xB0];
	v8 =	vsel vm0, v8, v48  }
0x56: {  	vm0 =	vgt.s32 v8, v49  }
0x57: {  	v52 =	vld [tilespmem:$0xC0];
	v8 =	vsel vm0, v8, v49  }
0x58: {  	vm0 =	vgt.s32 v8, v50  }
0x59: {  	v53 =	vld [tilespmem:$0xD0];
	v8 =	vsel vm0, v8, v50  }
0x5a: {  	vm0 =	vgt.s32 v8, v51  }
0x5b: {  	v54 =	vld [tilespmem:$0xE0];
	v8 =	vsel vm0, v8, v51  }
0x5c: {  	vm0 =	vgt.s32 v8, v52  }
0x5d: {  	v55 =	vld [tilespmem:$0xF0];
	v8 =	vsel vm0, v8, v52  }
0x5e: {  	vm0 =	vgt.s32 v8, v53  }
0x5f: {  	v56 =	vld [tilespmem:$0x100];
	v8 =	vsel vm0, v8, v53  }
0x60: {  	vm0 =	vgt.s32 v8, v54  }
0x61: {  	v57 =	vld [tilespmem:$0x110];
	v8 =	vsel vm0, v8, v54  }
0x62: {  	vm0 =	vgt.s32 v8, v55  }
0x63: {  	v58 =	vld [tilespmem:$0x120];
	v8 =	vsel vm0, v8, v55  }
0x64: {  	vm0 =	vgt.s32 v8, v56  }
0x65: {  	v59 =	vld [tilespmem:$0x130];
	v8 =	vsel vm0, v8, v56  }
0x66: {  	vm0 =	vgt.s32 v8, v57  }
0x67: {  	v60 =	vld [tilespmem:$0x140];
	v8 =	vsel vm0, v8, v57  }
0x68: {  	vm0 =	vgt.s32 v8, v58  }
0x69: {  	v61 =	vld [tilespmem:$0x150];
	v8 =	vsel vm0, v8, v58  }
0x6a: {  	vm0 =	vgt.s32 v8, v59  }
0x6b: {  	v62 =	vld [tilespmem:$0x160];
	v8 =	vsel vm0, v8, v59  }
0x6c: {  	vm0 =	vgt.s32 v8, v60  }
0x6d: {  	v63 =	vld [tilespmem:$0x170];
	v8 =	vsel vm0, v8, v60  }
0x6e: {  	vm0 =	vgt.s32 v8, v61  }
0x6f: {  	v12 =	vld [tilespmem:$0x180];
	v8 =	vsel vm0, v8, v61  }
0x70: {  	vm0 =	vgt.s32 v8, v62  }
0x71: {  	v13 =	vld [tilespmem:$0x190];
	v8 =	vsel vm0, v8, v62  }
0x72: {  	vm0 =	vgt.s32 v8, v63  }
0x73: {  	v14 =	vld [tilespmem:$0x1A0];
	v8 =	vsel vm0, v8, v63  }
0x74: {  	vm0 =	vgt.s32 v8, v12  }
0x75: {  	v15 =	vld [tilespmem:$0x1B0];
	v8 =	vsel vm0, v8, v12  }
0x76: {  	vm0 =	vgt.s32 v8, v13  }
0x77: {  	v16 =	vld [tilespmem:$0x1C0];
	v8 =	vsel vm0, v8, v13  }
0x78: {  	vm0 =	vgt.s32 v8, v14  }
0x79: {  	v17 =	vld [tilespmem:$0x1D0];
	v8 =	vsel vm0, v8, v14  }
0x7a: {  	vm0 =	vgt.s32 v8, v15  }
0x7b: {  	v18 =	vld [tilespmem:$0x1E0];
	v8 =	vsel vm0, v8, v15  }
0x7c: {  	vm0 =	vgt.s32 v8, v16  }
0x7d: {  	v19 =	vld [tilespmem:$0x1F0];
	v8 =	vsel vm0, v8, v16  }
0x7e: {  	vm0 =	vgt.s32 v8, v17  }
0x7f: {  	v20 =	vld [tilespmem:$0x200];
	v8 =	vsel vm0, v8, v17  }
0x80: {  	vm0 =	vgt.s32 v8, v18  }
0x81: {  	v21 =	vld [tilespmem:$0x210];
	v8 =	vsel vm0, v8, v18  }
0x82: {  	vm0 =	vgt.s32 v8, v19  }
0x83: {  	v22 =	vld [tilespmem:$0x220];
	v8 =	vsel vm0, v8, v19  }
0x84: {  	vm0 =	vgt.s32 v8, v20  }
0x85: {  	v23 =	vld [tilespmem:$0x230];
	v8 =	vsel vm0, v8, v20  }
0x86: {  	vm0 =	vgt.s32 v8, v21  }
0x87: {  	v24 =	vld [tilespmem:$0x240];
	v8 =	vsel vm0, v8, v21  }
0x88: {  	vm0 =	vgt.s32 v8, v22  }
0x89: {  	v25 =	vld [tilespmem:$0x250];
	v8 =	vsel vm0, v8, v22  }
0x8a: {  	vm0 =	vgt.s32 v8, v23  }
0x8b: {  	v26 =	vld [tilespmem:$0x260];
	v8 =	vsel vm0, v8, v23  }
0x8c: {  	vm0 =	vgt.s32 v8, v24  }
0x8d: {  	v27 =	vld [tilespmem:$0x270];
	v8 =	vsel vm0, v8, v24  }
0x8e: {  	vm0 =	vgt.s32 v8, v25  }
0x8f: {  	v28 =	vld [tilespmem:$0x280];
	v8 =	vsel vm0, v8, v25  }
0x90: {  	vm0 =	vgt.s32 v8, v26  }
0x91: {  	v29 =	vld [tilespmem:$0x290];
	v8 =	vsel vm0, v8, v26  }
0x92: {  	vm0 =	vgt.s32 v8, v27  }
0x93: {  	v30 =	vld [tilespmem:$0x2A0];
	v8 =	vsel vm0, v8, v27  }
0x94: {  	vm0 =	vgt.s32 v8, v28  }
0x95: {  	v31 =	vld [tilespmem:$0x2B0];
	v8 =	vsel vm0, v8, v28  }
0x96: {  	vm0 =	vgt.s32 v8, v29  }
0x97: {  	v32 =	vld [tilespmem:$0x2C0];
	v8 =	vsel vm0, v8, v29  }
0x98: {  	vm0 =	vgt.s32 v8, v30  }
0x99: {  	v33 =	vld [tilespmem:$0x2D0];
	v8 =	vsel vm0, v8, v30  }
0x9a: {  	vm0 =	vgt.s32 v8, v31  }
0x9b: {  	v34 =	vld [tilespmem:$0x2E0];
	v8 =	vsel vm0, v8, v31  }
0x9c: {  	vm0 =	vgt.s32 v8, v32  }
0x9d: {  	v35 =	vld [tilespmem:$0x2F0];
	v8 =	vsel vm0, v8, v32  }
0x9e: {  	vm0 =	vgt.s32 v8, v33  }
0x9f: {  	v36 =	vld [tilespmem:$0x300];
	v8 =	vsel vm0, v8, v33  }
0xa0: {  	vm0 =	vgt.s32 v8, v34  }
0xa1: {  	v37 =	vld [tilespmem:$0x310];
	v8 =	vsel vm0, v8, v34  }
0xa2: {  	vm0 =	vgt.s32 v8, v35  }
0xa3: {  	v38 =	vld [tilespmem:$0x320];
	v8 =	vsel vm0, v8, v35  }
0xa4: {  	vm0 =	vgt.s32 v8, v36  }
0xa5: {  	v39 =	vld [tilespmem:$0x330];
	v8 =	vsel vm0, v8, v36  }
0xa6: {  	vm0 =	vgt.s32 v8, v37  }
0xa7: {  	v40 =	vld [tilespmem:$0x340];
	v8 =	vsel vm0, v8, v37  }
0xa8: {  	vm0 =	vgt.s32 v8, v38  }
0xa9: {  	v41 =	vld [tilespmem:$0x350];
	v8 =	vsel vm0, v8, v38  }
0xaa: {  	vm0 =	vgt.s32 v8, v39  }
0xab: {  	v42 =	vld [tilespmem:$0x360];
	v8 =	vsel vm0, v8, v39  }
0xac: {  	vm0 =	vgt.s32 v8, v40  }
0xad: {  	v43 =	vld [tilespmem:$0x370];
	v8 =	vsel vm0, v8, v40  }
0xae: {  	vm0 =	vgt.s32 v8, v41  }
0xaf: {  	v44 =	vld [tilespmem:$0x380];
	v8 =	vsel vm0, v8, v41  }
0xb0: {  	vm0 =	vgt.s32 v8, v42  }
0xb1: {  	v45 =	vld [tilespmem:$0x390];
	v8 =	vsel vm0, v8, v42  }
0xb2: {  	vm0 =	vgt.s32 v8, v43  }
0xb3: {  	v46 =	vld [tilespmem:$0x3A0];
	v8 =	vsel vm0, v8, v43  }
0xb4: {  	vm0 =	vgt.s32 v8, v44  }
0xb5: {  	v47 =	vld [tilespmem:$0x3B0];
	v8 =	vsel vm0, v8, v44  }
0xb6: {  	vm0 =	vgt.s32 v8, v45  }
0xb7: {  	v48 =	vld [tilespmem:$0x3C0];
	v8 =	vsel vm0, v8, v45  }
0xb8: {  	vm0 =	vgt.s32 v8, v46  }
0xb9: {  	v49 =	vld [tilespmem:$0x3D0];
	v8 =	vsel vm0, v8, v46  }
0xba: {  	vm0 =	vgt.s32 v8, v47  }
0xbb: {  	v50 =	vld [tilespmem:$0x3E0];
	v8 =	vsel vm0, v8, v47  }
0xbc: {  	vm0 =	vgt.s32 v8, v48  }
0xbd: {  	v51 =	vld [tilespmem:$0x3F0];
	v8 =	vsel vm0, v8, v48  }
0xbe: {  	vm0 =	vgt.s32 v8, v49  }
0xbf: {  	v52 =	vld [tilespmem:$0x400];
	v8 =	vsel vm0, v8, v49  }
0xc0: {  	vm0 =	vgt.s32 v8, v50  }
0xc1: {  	v53 =	vld [tilespmem:$0x410];
	v8 =	vsel vm0, v8, v50  }
0xc2: {  	vm0 =	vgt.s32 v8, v51  }
0xc3: {  	v54 =	vld [tilespmem:$0x420];
	v8 =	vsel vm0, v8, v51  }
0xc4: {  	vm0 =	vgt.s32 v8, v52  }
0xc5: {  	v55 =	vld [tilespmem:$0x430];
	v8 =	vsel vm0, v8, v52  }
0xc6: {  	vm0 =	vgt.s32 v8, v53  }
0xc7: {  	v56 =	vld [tilespmem:$0x440];
	v8 =	vsel vm0, v8, v53  }
0xc8: {  	vm0 =	vgt.s32 v8, v54  }
0xc9: {  	v57 =	vld [tilespmem:$0x450];
	v8 =	vsel vm0, v8, v54  }
0xca: {  	vm0 =	vgt.s32 v8, v55  }
0xcb: {  	v58 =	vld [tilespmem:$0x460];
	v8 =	vsel vm0, v8, v55  }
0xcc: {  	vm0 =	vgt.s32 v8, v56  }
0xcd: {  	v59 =	vld [tilespmem:$0x470];
	v8 =	vsel vm0, v8, v56  }
0xce: {  	vm0 =	vgt.s32 v8, v57  }
0xcf: {  	v60 =	vld [tilespmem:$0x480];
	v8 =	vsel vm0, v8, v57  }
0xd0: {  	vm0 =	vgt.s32 v8, v58  }
0xd1: {  	v61 =	vld [tilespmem:$0x490];
	v8 =	vsel vm0, v8, v58  }
0xd2: {  	vm0 =	vgt.s32 v8, v59  }
0xd3: {  	v62 =	vld [tilespmem:$0x4A0];
	v8 =	vsel vm0, v8, v59  }
0xd4: {  	vm0 =	vgt.s32 v8, v60  }
0xd5: {  	v63 =	vld [tilespmem:$0x4B0];
	v8 =	vsel vm0, v8, v60  }
0xd6: {  	vm0 =	vgt.s32 v8, v61  }
0xd7: {  	v12 =	vld [tilespmem:$0x4C0];
	v8 =	vsel vm0, v8, v61  }
0xd8: {  	vm0 =	vgt.s32 v8, v62  }
0xd9: {  	v13 =	vld [tilespmem:$0x4D0];
	v8 =	vsel vm0, v8, v62  }
0xda: {  	vm0 =	vgt.s32 v8, v63  }
0xdb: {  	v14 =	vld [tilespmem:$0x4E0];
	v8 =	vsel vm0, v8, v63  }
0xdc: {  	vm0 =	vgt.s32 v8, v12  }
0xdd: {  	v15 =	vld [tilespmem:$0x4F0];
	v8 =	vsel vm0, v8, v12  }
0xde: {  	vm0 =	vgt.s32 v8, v13  }
0xdf: {  	v16 =	vld [tilespmem:$0x500];
	v8 =	vsel vm0, v8, v13  }
0xe0: {  	vm0 =	vgt.s32 v8, v14  }
0xe1: {  	v17 =	vld [tilespmem:$0x510];
	v8 =	vsel vm0, v8, v14  }
0xe2: {  	vm0 =	vgt.s32 v8, v15  }
0xe3: {  	v18 =	vld [tilespmem:$0x520];
	v8 =	vsel vm0, v8, v15  }
0xe4: {  	vm0 =	vgt.s32 v8, v16  }
0xe5: {  	v19 =	vld [tilespmem:$0x530];
	v8 =	vsel vm0, v8, v16  }
0xe6: {  	vm0 =	vgt.s32 v8, v17  }
0xe7: {  	v20 =	vld [tilespmem:$0x540];
	v8 =	vsel vm0, v8, v17  }
0xe8: {  	vm0 =	vgt.s32 v8, v18  }
0xe9: {  	v21 =	vld [tilespmem:$0x550];
	v8 =	vsel vm0, v8, v18  }
0xea: {  	vm0 =	vgt.s32 v8, v19  }
0xeb: {  	v22 =	vld [tilespmem:$0x560];
	v8 =	vsel vm0, v8, v19  }
0xec: {  	vm0 =	vgt.s32 v8, v20  }
0xed: {  	v23 =	vld [tilespmem:$0x570];
	v8 =	vsel vm0, v8, v20  }
0xee: {  	vm0 =	vgt.s32 v8, v21  }
0xef: {  	v24 =	vld [tilespmem:$0x580];
	v8 =	vsel vm0, v8, v21  }
0xf0: {  	vm0 =	vgt.s32 v8, v22  }
0xf1: {  	v25 =	vld [tilespmem:$0x590];
	v8 =	vsel vm0, v8, v22  }
0xf2: {  	vm0 =	vgt.s32 v8, v23  }
0xf3: {  	v26 =	vld [tilespmem:$0x5A0];
	v8 =	vsel vm0, v8, v23  }
0xf4: {  	vm0 =	vgt.s32 v8, v24  }
0xf5: {  	v27 =	vld [tilespmem:$0x5B0];
	v8 =	vsel vm0, v8, v24  }
0xf6: {  	vm0 =	vgt.s32 v8, v25  }
0xf7: {  	v28 =	vld [tilespmem:$0x5C0];
	v8 =	vsel vm0, v8, v25  }
0xf8: {  	vm0 =	vgt.s32 v8, v26  }
0xf9: {  	v29 =	vld [tilespmem:$0x5D0];
	v8 =	vsel vm0, v8, v26  }
0xfa: {  	vm0 =	vgt.s32 v8, v27  }
0xfb: {  	v30 =	vld [tilespmem:$0x5E0];
	v8 =	vsel vm0, v8, v27  }
0xfc: {  	vm0 =	vgt.s32 v8, v28  }
0xfd: {  	v31 =	vld [tilespmem:$0x5F0];
	v8 =	vsel vm0, v8, v28  }
0xfe: {  	vm0 =	vgt.s32 v8, v29  }
0xff: {  	v32 =	vld [tilespmem:$0x600];
	v8 =	vsel vm0, v8, v29  }
0x100: {  	vm0 =	vgt.s32 v8, v30  }
0x101: {  	v33 =	vld [tilespmem:$0x610];
	v8 =	vsel vm0, v8, v30  }
0x102: {  	vm0 =	vgt.s32 v8, v31  }
0x103: {  	v34 =	vld [tilespmem:$0x620];
	v8 =	vsel vm0, v8, v31  }
0x104: {  	vm0 =	vgt.s32 v8, v32  }
0x105: {  	v35 =	vld [tilespmem:$0x630];
	v8 =	vsel vm0, v8, v32  }
0x106: {  	vm0 =	vgt.s32 v8, v33  }
0x107: {  	v36 =	vld [tilespmem:$0x640];
	v8 =	vsel vm0, v8, v33  }
0x108: {  	vm0 =	vgt.s32 v8, v34  }
0x109: {  	v37 =	vld [tilespmem:$0x650];
	v8 =	vsel vm0, v8, v34  }
0x10a: {  	vm0 =	vgt.s32 v8, v35  }
0x10b: {  	v38 =	vld [tilespmem:$0x660];
	v8 =	vsel vm0, v8, v35  }
0x10c: {  	vm0 =	vgt.s32 v8, v36  }
0x10d: {  	v39 =	vld [tilespmem:$0x670];
	v8 =	vsel vm0, v8, v36  }
0x10e: {  	vm0 =	vgt.s32 v8, v37  }
0x10f: {  	v40 =	vld [tilespmem:$0x680];
	v8 =	vsel vm0, v8, v37  }
0x110: {  	vm0 =	vgt.s32 v8, v38  }
0x111: {  	v41 =	vld [tilespmem:$0x690];
	v8 =	vsel vm0, v8, v38  }
0x112: {  	vm0 =	vgt.s32 v8, v39  }
0x113: {  	v42 =	vld [tilespmem:$0x6A0];
	v8 =	vsel vm0, v8, v39  }
0x114: {  	vm0 =	vgt.s32 v8, v40  }
0x115: {  	v43 =	vld [tilespmem:$0x6B0];
	v8 =	vsel vm0, v8, v40  }
0x116: {  	vm0 =	vgt.s32 v8, v41  }
0x117: {  	v44 =	vld [tilespmem:$0x6C0];
	v8 =	vsel vm0, v8, v41  }
0x118: {  	vm0 =	vgt.s32 v8, v42  }
0x119: {  	v45 =	vld [tilespmem:$0x6D0];
	v8 =	vsel vm0, v8, v42  }
0x11a: {  	vm0 =	vgt.s32 v8, v43  }
0x11b: {  	v46 =	vld [tilespmem:$0x6E0];
	v8 =	vsel vm0, v8, v43  }
0x11c: {  	vm0 =	vgt.s32 v8, v44  }
0x11d: {  	v47 =	vld [tilespmem:$0x6F0];
	v8 =	vsel vm0, v8, v44  }
0x11e: {  	vm0 =	vgt.s32 v8, v45  }
0x11f: {  	v48 =	vld [tilespmem:$0x700];
	v8 =	vsel vm0, v8, v45  }
0x120: {  	vm0 =	vgt.s32 v8, v46  }
0x121: {  	v49 =	vld [tilespmem:$0x710];
	v8 =	vsel vm0, v8, v46  }
0x122: {  	vm0 =	vgt.s32 v8, v47  }
0x123: {  	v50 =	vld [tilespmem:$0x720];
	v8 =	vsel vm0, v8, v47  }
0x124: {  	vm0 =	vgt.s32 v8, v48  }
0x125: {  	v51 =	vld [tilespmem:$0x730];
	v8 =	vsel vm0, v8, v48  }
0x126: {  	vm0 =	vgt.s32 v8, v49  }
0x127: {  	v52 =	vld [tilespmem:$0x740];
	v8 =	vsel vm0, v8, v49  }
0x128: {  	vm0 =	vgt.s32 v8, v50  }
0x129: {  	v53 =	vld [tilespmem:$0x750];
	v8 =	vsel vm0, v8, v50  }
0x12a: {  	vm0 =	vgt.s32 v8, v51  }
0x12b: {  	v54 =	vld [tilespmem:$0x760];
	v8 =	vsel vm0, v8, v51  }
0x12c: {  	vm0 =	vgt.s32 v8, v52  }
0x12d: {  	v55 =	vld [tilespmem:$0x770];
	v8 =	vsel vm0, v8, v52  }
0x12e: {  	vm0 =	vgt.s32 v8, v53  }
0x12f: {  	v56 =	vld [tilespmem:$0x780];
	v8 =	vsel vm0, v8, v53  }
0x130: {  	vm0 =	vgt.s32 v8, v54  }
0x131: {  	v57 =	vld [tilespmem:$0x790];
	v8 =	vsel vm0, v8, v54  }
0x132: {  	vm0 =	vgt.s32 v8, v55  }
0x133: {  	v58 =	vld [tilespmem:$0x7A0];
	v8 =	vsel vm0, v8, v55  }
0x134: {  	vm0 =	vgt.s32 v8, v56  }
0x135: {  	v59 =	vld [tilespmem:$0x7B0];
	v8 =	vsel vm0, v8, v56  }
0x136: {  	vm0 =	vgt.s32 v8, v57  }
0x137: {  	v60 =	vld [tilespmem:$0x7C0];
	v8 =	vsel vm0, v8, v57  }
0x138: {  	vm0 =	vgt.s32 v8, v58  }
0x139: {  	v61 =	vld [tilespmem:$0x7D0];
	v8 =	vsel vm0, v8, v58  }
0x13a: {  	vm0 =	vgt.s32 v8, v59  }
0x13b: {  	v62 =	vld [tilespmem:$0x7E0];
	v8 =	vsel vm0, v8, v59  }
0x13c: {  	vm0 =	vgt.s32 v8, v60  }
0x13d: {  	v63 =	vld [tilespmem:$0x7F0];
	v8 =	vsel vm0, v8, v60  }
0x13e: {  	vm0 =	vgt.s32 v8, v61  }
0x13f: {  	v8 =	vsel vm0, v8, v61  }
0x140: {  	vm0 =	vgt.s32 v8, v62  }
0x141: {  	v8 =	vsel vm0, v8, v62  }
0x142: {  	vm0 =	vgt.s32 v8, v63  }
0x143: {  	v8 =	vsel vm0, v8, v63  }
.Ltmp2:
0x144: {  	s13 =	simm.s32 $0x19800;
	s12 =	rddreg [dreg:$0xa];
	[tilespmem:$0x19800] =	vst v8;
	(pc) =	sbr.rel @p0 .LBB2_8-.Ltmp2, $4  }
0x145: {  	[spmem:s12] =	stream.linear.scatter [tilespmem:s13], [sflag:$0x7], $0x80, $0x38;
	[tilespmem:$0x1A090] =	vst v63  }
0x146: {  	_ =	swait.ge [sflag:s1], $0x80  }
0x147: {  	[sflag:s1] =	ssyncset.done $0x0  }
0x148: {  	s0 =	simm.s32 $0x0;
	[sflag:s1] =	ssyncadd.s32 $0xFFFFFF80  }
0x149: {  	s1 =	rddreg [dreg:$0x12]  }
0x14a: {  	[tilespmem:s21], [sflag:$0x1] =	stream.linear.gather [hbm4b:s1+s0], $0xC00, $0x38;
	[tilespmem:$0x1A090] =	vst v63  }
0x14b: {  	s5 =	rddreg [dreg:$0x13];
	s2 =	simm.s32 $0x2800  }
0x14c: {  	[tilespmem:s2], [sflag:$0x1] =	stream.linear.gather [hbm4b:s5+s0], $0xC00, $0x38;
	[tilespmem:$0x1A090] =	vst v63  }
0x14d: {  	s6 =	rddreg [dreg:$0x14];
	s7 =	simm.s32 $0x3800  }
0x14e: {  	[tilespmem:s7], [sflag:$0x1] =	stream.linear.gather [hbm4b:s6+s0], $0xC00, $0x38;
	[tilespmem:$0x1A090] =	vst v63  }
0x14f: {  	s10 =	rddreg [dreg:$0x16];
	s11 =	simm.s32 $0x4800  }
0x150: {  	[tilespmem:s11], [sflag:$0x1] =	stream.linear.gather [hbm4b:s10+s0], $0xC00, $0x38;
	[tilespmem:$0x1A090] =	vst v63  }
0x151: {  	s12 =	rddreg [dreg:$0x18]  }
0x152: {  	[tilespmem:s22], [sflag:$0x2] =	stream.linear.gather [hbm4b:s12+s0], $0xC00, $0x38;
	[tilespmem:$0x1A090] =	vst v63  }
0x153: {  	s13 =	rddreg [dreg:$0x1a];
	s15 =	simm.s32 $0x6800  }
0x154: {  	[tilespmem:s15], [sflag:$0x2] =	stream.linear.gather [hbm4b:s13+s0], $0xC00, $0x38;
	[tilespmem:$0x1A090] =	vst v63  }
0x155: {  	s18 =	rddreg [dreg:$0x1c];
	s24 =	simm.s32 $0x7800  }
0x156: {  	[tilespmem:s24], [sflag:$0x2] =	stream.linear.gather [hbm4b:s18+s0], $0xC00, $0x38;
	[tilespmem:$0x1A090] =	vst v63  }
0x157: {  	s25 =	rddreg [dreg:$0x1e];
	s26 =	simm.s32 $0x8800;
	s1 =	simm.s32 $0x0  }
0x158: {  	[tilespmem:s26], [sflag:$0x2] =	stream.linear.gather [hbm4b:s25+s0], $0xC00, $0x38;
	[tilespmem:$0x1A090] =	vst v63  }
.LBB2_3:
0x159: {  	s3 =	simm.s32 $0x1  }
0x15a: {  	_ =	swait.ge [sflag:s3], $0xC00  }
0x15b: {  	[sflag:s3] =	ssyncset.done $0x0  }
0x15c: {  	[sflag:s3] =	ssyncadd.s32 $0xFFFFF400  }
0x15d: {  	_ =	swait.ge [sflag:s3], $0xC00  }
0x15e: {  	[sflag:s3] =	ssyncset.done $0x0  }
0x15f: {  	s2 =	simm.s32 $0x1;
	[sflag:s3] =	ssyncadd.s32 $0xFFFFF400  }
0x160: {  	v8 =	vmov s2;
	_ =	swait.ge [sflag:s3], $0xC00  }
0x161: {  	s18 =	simm.s32 $0x0;
	v9 =	vshll.u32 v8, $0x3;
	[sflag:s3] =	ssyncset.done $0x0  }
0x162: {  	v10 =	vmov s18;
	v8 =	vand.u32 $0x7F, v8;
	v9 =	vand.u32 $0xC00, v9;
	[sflag:s3] =	ssyncadd.s32 $0xFFFFF400  }
0x163: {  	v11 =	vshll.u32 v10, $0x3;
	v8 =	vor.u32 v8, v9;
	_ =	swait.ge [sflag:s3], $0xC00  }
0x164: {  	p2 =	seq.s32 s1, $0x0;
	v9 =	vand.u32 $0x7E, v10;
	v10 =	vand.u32 $0xC00, v11;
	v11 =	vor.u32 v0, v8;
	[sflag:s3] =	ssyncset.done $0x0  }
0x165: {  	s24 =	simm.s32 $0x3;
	s2 =	simm.s32 @!p2 $0x3;
	v9 =	vor.u32 v9, v10;
	v8 =	vor.u32 v1, v8;
	[sflag:s3] =	ssyncadd.s32 $0xFFFFF400  }
0x166: {  	s4 =	simm.s32 $0x2;
	v10 =	vmov s24;
	v12 =	vor.u32 v1, v9;
	v16 =	vor.u32 v0, v9;
	_ =	swait.ge @!p2 [sflag:s2], $0x3000  }
0x167: {  	v9 =	vmov s4;
	v14 =	vand.u32 $0x7F, v10;
	v10 =	vshll.u32 v10, $0x3;
	[sflag:s2] =	ssyncset.done @!p2 $0x0  }
0x168: {  	v13 =	vshll.u32 v9, $0x3;
	v10 =	vand.u32 $0xC00, v10;
	[sflag:s2] =	ssyncadd.s32 @!p2 $0xFFFFD000  }
0x169: {  	v9 =	vand.u32 $0x7E, v9;
	v15 =	vand.u32 $0xC00, v13;
	v14 =	vor.u32 v14, v10;
	v13 =	vld.idx.msk [tilespmem:v11+s21+$0x0], $0xffff  }
0x16a: {  	s25 =	sand.u32 $0x3F80, s0;
	v9 =	vor.u32 v9, v15;
	v15 =	vor.u32 v0, v14;
	v10 =	vld.idx.msk [tilespmem:v8+s21+$0x0], $0xffff  }
0x16b: {  	s5 =	simm.s32 $0x20;
	s7 =	simm.s32 $0x4;
	v14 =	vor.u32 v1, v14;
	s3 =	simm.s32 $0x5  }
0x16c: {  	s6 =	sadd.s32 $0x9800, s25;
	s26 =	sand.u32 $0x60, s5;
	s5 =	simm.s32 $0x0;
	v17 =	vmov s3;
	v11 =	vld.idx.msk [tilespmem:v12+s21+$0x0], $0xffff  }
0x16d: {  	s4 =	simm.s32 $0x0;
	s2 =	simm.s32 $0x8;
	v8 =	vor.u32 v0, v9;
	v9 =	vor.u32 v1, v9;
	v12 =	vld.idx.msk [tilespmem:v16+s21+$0x0], $0xffff;
	v16 =	vmov s7;
	s7 =	sor.u32 s26, s6  }
.LBB2_4:
0x16e: {  	s2 =	sadd.s32 $0x4, s2;
	v18 =	vshll.u32 v16, $0x3;
	v19 =	vand.u32 $0x7F, v17;
	v17 =	vshll.u32 v17, $0x3;
	[tilespmem:s7+$0x0] =	vst v13;
	s4 =	sadd.s32 $0x40, s4  }
0x16f: {  	v16 =	vand.u32 $0x7E, v16;
	s10 =	sand.u32 $0x40, s5;
	p1 =	slt.u32 s2, $0x2FC;
	v18 =	vand.u32 $0xC00, v18;
	v17 =	vand.u32 $0xC00, v17;
	v13 =	vld.idx.msk [tilespmem:v15+s21+$0x0], $0xffff;
	[tilespmem:s7+$0x10] =	vst v10;
	s5 =	smov.u32 s4  }
.Ltmp3:
0x170: {  	s6 =	sor.u32 s10, s6;
	v15 =	vor.u32 v16, v18;
	v16 =	vor.u32 v19, v17;
	v10 =	vld.idx.msk [tilespmem:v14+s21+$0x0], $0xffff;
	(pc) =	sbr.rel @p1 .LBB2_4-.Ltmp3, $4  }
0x171: {  	v17 =	vor.u32 v0, v15;
	v18 =	vor.u32 v1, v15;
	v15 =	vor.u32 v0, v16;
	[tilespmem:s6+$0x10] =	vst v11  }
0x172: {  	s3 =	sadd.s32 $0x2, s3;
	s7 =	sand.u32 $0x3F80, s4;
	s10 =	sadd.s32 $0x20, s4;
	v14 =	vor.u32 v1, v16;
	v11 =	vld.idx.msk [tilespmem:v9+s21+$0x0], $0xffff;
	[tilespmem:s6+$0x0] =	vst v12;
	v9 =	vmov v18  }
0x173: {  	s11 =	sadd.s32 $0xFFFFFFFF, s3;
	s6 =	sadd.s32 $0x9800, s7;
	s7 =	sand.u32 $0x60, s10;
	v12 =	vld.idx.msk [tilespmem:v8+s21+$0x0], $0xffff;
	v8 =	vmov v17  }
0x174: {  	v16 =	vmov s11;
	v17 =	vmov s3;
	s7 =	sor.u32 s7, s6  }
0x175: {  	v18 =	vshll.u32 v17, $0x3  }
0x176: {  	v17 =	vand.u32 $0x7F, v17;
	v18 =	vand.u32 $0xC00, v18  }
0x177: {  	v19 =	vshll.u32 v16, $0x3;
	v17 =	vor.u32 v17, v18  }
0x178: {  	v16 =	vand.u32 $0x7E, v16;
	v18 =	vand.u32 $0xC00, v19;
	v19 =	vor.u32 v0, v17  }
0x179: {  	v15 =	vld.idx.msk [tilespmem:v15+s21+$0x0], $0xffff;
	v16 =	vor.u32 v16, v18;
	v17 =	vor.u32 v1, v17  }
0x17a: {  	[tilespmem:s7+$0x0] =	vst v13;
	s2 =	sadd.s32 $0x40, s4;
	s3 =	sand.u32 $0x40, s5;
	v13 =	vld.idx.msk [tilespmem:v14+s21+$0x0], $0xffff;
	v14 =	vor.u32 v1, v16  }
0x17b: {  	[tilespmem:s7+$0x10] =	vst v10;
	v9 =	vld.idx.msk [tilespmem:v9+s21+$0x0], $0xffff;
	s3 =	sor.u32 s3, s6;
	s4 =	sand.u32 $0x3F80, s2;
	s24 =	sadd.s32 $0x20, s2;
	v10 =	vor.u32 v0, v16  }
0x17c: {  	v8 =	vld.idx.msk [tilespmem:v8+s21+$0x0], $0xffff;
	[tilespmem:s3+$0x10] =	vst v11;
	s4 =	sadd.s32 $0x9800, s4;
	s5 =	sand.u32 $0x60, s24  }
0x17d: {  	[tilespmem:s3+$0x0] =	vst v12;
	s25 =	sor.u32 s5, s4;
	v11 =	vld.idx.msk [tilespmem:v19+s21+$0x0], $0xffff  }
0x17e: {  	s26 =	sadd.s32 $0x40, s2;
	s2 =	sand.u32 $0x40, s2;
	[tilespmem:s25+$0x0] =	vst v15;
	v12 =	vld.idx.msk [tilespmem:v17+s21+$0x0], $0xffff  }
0x17f: {  	s6 =	sand.u32 $0x3F80, s26;
	s7 =	sadd.s32 $0x20, s26;
	s2 =	sor.u32 s2, s4;
	[tilespmem:s25+$0x10] =	vst v13;
	v13 =	vld.idx.msk [tilespmem:v14+s21+$0x0], $0xffff  }
0x180: {  	s3 =	sadd.s32 $0x9800, s6;
	s4 =	sand.u32 $0x60, s7;
	[tilespmem:s2+$0x10] =	vst v9;
	v9 =	vld.idx.msk [tilespmem:v10+s21+$0x0], $0xffff  }
0x181: {  	s4 =	sor.u32 s4, s3;
	[tilespmem:s2+$0x0] =	vst v8;
	s2 =	smul.u32 $0xC0, s1  }
0x182: {  	s5 =	sand.u32 $0x40, s26;
	[tilespmem:s4+$0x0] =	vst v11  }
0x183: {  	s3 =	sor.u32 s5, s3;
	s10 =	sadd.s32 s23, s2;
	[tilespmem:s4+$0x10] =	vst v12  }
0x184: {  	p1 =	seq.s32 s1, $0xA;
	s4 =	sshll.u32 s10, $0x4;
	[tilespmem:s3+$0x10] =	vst v13  }
0x185: {  	s11 =	simm.s32 $0x9800;
	[tilespmem:s3+$0x0] =	vst v9;
	s4 =	sadd.s32 s17, s4;
	s3 =	smul.u32 @!p1 $0x300, s1  }
0x186: {  	[hbm4b:s4+s16] =	stream.linear.scatter [tilespmem:s11], [sflag:$0x3], $0x3000, $0x38;
	[tilespmem:$0x1A090] =	vst v63  }
0x187: {  	s4 =	sadd.s32 @!p1 s3, s19  }
0x188: {  	s6 =	simm.s32 @!p1 $0x0;
	s7 =	simm.s32 @!p1 $0x1800;
	s5 =	sadd.s32 @!p1 s14, s4  }
0x189: {  	[tilespmem:s7], [sflag:$0x1] =	stream.linear.gather @!p1 [hbm4b:s5+s6], $0xC00, $0x38;
	[tilespmem:$0x1A090] =	vst v63  }
0x18a: {  	s5 =	sadd.s32 @!p1 s4, s29;
	s7 =	simm.s32 @!p1 $0x2800  }
0x18b: {  	[tilespmem:s7], [sflag:$0x1] =	stream.linear.gather @!p1 [hbm4b:s5+s6], $0xC00, $0x38;
	[tilespmem:$0x1A090] =	vst v63  }
0x18c: {  	s5 =	sadd.s32 @!p1 s4, s30;
	s7 =	simm.s32 @!p1 $0x3800  }
0x18d: {  	[tilespmem:s7], [sflag:$0x1] =	stream.linear.gather @!p1 [hbm4b:s5+s6], $0xC00, $0x38;
	[tilespmem:$0x1A090] =	vst v63  }
0x18e: {  	s12 =	simm.s32 $0x2;
	s4 =	sadd.s32 @!p1 s4, s31;
	s5 =	simm.s32 @!p1 $0x4800  }
0x18f: {  	[tilespmem:s5], [sflag:$0x1] =	stream.linear.gather @!p1 [hbm4b:s4+s6], $0xC00, $0x38;
	[tilespmem:$0x1A090] =	vst v63  }
0x190: {  	_ =	swait.ge [sflag:s12], $0xC00  }
0x191: {  	[sflag:s12] =	ssyncset.done $0x0  }
0x192: {  	[sflag:s12] =	ssyncadd.s32 $0xFFFFF400  }
0x193: {  	_ =	swait.ge [sflag:s12], $0xC00  }
0x194: {  	[sflag:s12] =	ssyncset.done $0x0  }
0x195: {  	s13 =	simm.s32 $0x1;
	[sflag:s12] =	ssyncadd.s32 $0xFFFFF400  }
0x196: {  	v8 =	vmov s13;
	_ =	swait.ge [sflag:s12], $0xC00  }
0x197: {  	s15 =	simm.s32 $0x0;
	v9 =	vshll.u32 v8, $0x3;
	[sflag:s12] =	ssyncset.done $0x0  }
0x198: {  	v10 =	vmov s15;
	v8 =	vand.u32 $0x7F, v8;
	v9 =	vand.u32 $0xC00, v9;
	[sflag:s12] =	ssyncadd.s32 $0xFFFFF400  }
0x199: {  	v11 =	vshll.u32 v10, $0x3;
	v8 =	vor.u32 v8, v9;
	_ =	swait.ge [sflag:s12], $0xC00  }
0x19a: {  	v9 =	vand.u32 $0x7E, v10;
	v10 =	vand.u32 $0xC00, v11;
	v11 =	vor.u32 v0, v8;
	[sflag:s12] =	ssyncset.done $0x0  }
0x19b: {  	s18 =	simm.s32 $0x3;
	v9 =	vor.u32 v9, v10;
	v8 =	vor.u32 v1, v8;
	s4 =	simm.s32 @!p2 $0x4;
	[sflag:s12] =	ssyncadd.s32 $0xFFFFF400  }
0x19c: {  	s24 =	simm.s32 $0x2;
	v10 =	vmov s18;
	v12 =	vor.u32 v1, v9;
	v16 =	vor.u32 v0, v9;
	_ =	swait.ge @!p2 [sflag:s4], $0x3000  }
0x19d: {  	v9 =	vmov s24;
	v14 =	vand.u32 $0x7F, v10;
	v10 =	vshll.u32 v10, $0x3;
	[sflag:s4] =	ssyncset.done @!p2 $0x0  }
0x19e: {  	v13 =	vshll.u32 v9, $0x3;
	v10 =	vand.u32 $0xC00, v10;
	[sflag:s4] =	ssyncadd.s32 @!p2 $0xFFFFD000  }
0x19f: {  	v9 =	vand.u32 $0x7E, v9;
	v15 =	vand.u32 $0xC00, v13;
	v14 =	vor.u32 v14, v10;
	v13 =	vld.idx.msk [tilespmem:v11+s22+$0x0], $0xffff  }
0x1a0: {  	s10 =	simm.s32 $0x20;
	v9 =	vor.u32 v9, v15;
	v15 =	vor.u32 v0, v14;
	s4 =	simm.s32 $0x0;
	v10 =	vld.idx.msk [tilespmem:v8+s22+$0x0], $0xffff  }
0x1a1: {  	s1 =	sadd.s32 $0x1, s1;
	v14 =	vor.u32 v1, v14;
	s5 =	simm.s32 $0x5;
	s25 =	sand.u32 $0x3F80, s4  }
0x1a2: {  	s26 =	sand.u32 $0x60, s10;
	s11 =	simm.s32 $0x4;
	v17 =	vmov s5;
	v11 =	vld.idx.msk [tilespmem:v12+s22+$0x0], $0xffff;
	s7 =	sadd.s32 $0xC800, s25  }
0x1a3: {  	s10 =	simm.s32 $0x8;
	s6 =	simm.s32 $0x0;
	v8 =	vor.u32 v0, v9;
	v9 =	vor.u32 v1, v9;
	v12 =	vld.idx.msk [tilespmem:v16+s22+$0x0], $0xffff;
	v16 =	vmov s11;
	s11 =	sor.u32 s26, s7  }
.LBB2_6:
0x1a4: {  	s10 =	sadd.s32 $0x4, s10;
	v18 =	vshll.u32 v16, $0x3;
	v19 =	vand.u32 $0x7F, v17;
	v17 =	vshll.u32 v17, $0x3;
	[tilespmem:s11+$0x0] =	vst v13;
	s4 =	sadd.s32 $0x40, s4  }
0x1a5: {  	v16 =	vand.u32 $0x7E, v16;
	s12 =	sand.u32 $0x40, s6;
	p2 =	slt.u32 s10, $0x2FC;
	v18 =	vand.u32 $0xC00, v18;
	v17 =	vand.u32 $0xC00, v17;
	v13 =	vld.idx.msk [tilespmem:v15+s22+$0x0], $0xffff;
	[tilespmem:s11+$0x10] =	vst v10;
	s6 =	smov.u32 s4  }
.Ltmp4:
0x1a6: {  	s7 =	sor.u32 s12, s7;
	v15 =	vor.u32 v16, v18;
	v16 =	vor.u32 v19, v17;
	v10 =	vld.idx.msk [tilespmem:v14+s22+$0x0], $0xffff;
	(pc) =	sbr.rel @p2 .LBB2_6-.Ltmp4, $4  }
0x1a7: {  	v17 =	vor.u32 v0, v15;
	v18 =	vor.u32 v1, v15;
	v15 =	vor.u32 v0, v16;
	[tilespmem:s7+$0x10] =	vst v11  }
0x1a8: {  	s5 =	sadd.s32 $0x2, s5;
	s11 =	sand.u32 $0x3F80, s4;
	s12 =	sadd.s32 $0x20, s4;
	v14 =	vor.u32 v1, v16;
	v11 =	vld.idx.msk [tilespmem:v9+s22+$0x0], $0xffff;
	[tilespmem:s7+$0x0] =	vst v12;
	v9 =	vmov v18  }
0x1a9: {  	s13 =	sadd.s32 $0xFFFFFFFF, s5;
	s7 =	sadd.s32 $0xC800, s11;
	s11 =	sand.u32 $0x60, s12;
	v12 =	vld.idx.msk [tilespmem:v8+s22+$0x0], $0xffff;
	v8 =	vmov v17  }
0x1aa: {  	v16 =	vmov s13;
	v17 =	vmov s5;
	s11 =	sor.u32 s11, s7  }
0x1ab: {  	v18 =	vshll.u32 v17, $0x3  }
0x1ac: {  	v53 =	vand.u32 $0x7F, v17;
	v18 =	vand.u32 $0xC00, v18  }
0x1ad: {  	v19 =	vshll.u32 v16, $0x3;
	v17 =	vor.u32 v53, v18  }
0x1ae: {  	v54 =	vand.u32 $0x7E, v16;
	v55 =	vand.u32 $0xC00, v19;
	v56 =	vor.u32 v0, v17  }
0x1af: {  	v15 =	vld.idx.msk [tilespmem:v15+s22+$0x0], $0xffff;
	v16 =	vor.u32 v54, v55;
	v17 =	vor.u32 v1, v17  }
0x1b0: {  	[tilespmem:s11+$0x0] =	vst v13;
	s4 =	sadd.s32 $0x40, s4;
	s5 =	sand.u32 $0x40, s6;
	v57 =	vld.idx.msk [tilespmem:v14+s22+$0x0], $0xffff;
	v58 =	vor.u32 v1, v16  }
0x1b1: {  	[tilespmem:s11+$0x10] =	vst v10;
	v9 =	vld.idx.msk [tilespmem:v9+s22+$0x0], $0xffff;
	s5 =	sor.u32 s5, s7;
	s7 =	sand.u32 $0x3F80, s4;
	s10 =	sadd.s32 $0x20, s4;
	v59 =	vor.u32 v0, v16  }
0x1b2: {  	v8 =	vld.idx.msk [tilespmem:v8+s22+$0x0], $0xffff;
	[tilespmem:s5+$0x10] =	vst v11;
	s6 =	sadd.s32 $0xC800, s7;
	s7 =	sand.u32 $0x60, s10  }
0x1b3: {  	[tilespmem:s5+$0x0] =	vst v12;
	s11 =	sor.u32 s7, s6;
	v60 =	vld.idx.msk [tilespmem:v56+s22+$0x0], $0xffff  }
0x1b4: {  	s12 =	sadd.s32 $0x40, s4;
	s4 =	sand.u32 $0x40, s4;
	[tilespmem:s11+$0x0] =	vst v15;
	v61 =	vld.idx.msk [tilespmem:v17+s22+$0x0], $0xffff  }
0x1b5: {  	s13 =	sand.u32 $0x3F80, s12;
	s15 =	sadd.s32 $0x20, s12;
	s4 =	sor.u32 s4, s6;
	[tilespmem:s11+$0x10] =	vst v57;
	v62 =	vld.idx.msk [tilespmem:v58+s22+$0x0], $0xffff  }
0x1b6: {  	s5 =	sadd.s32 $0xC800, s13;
	s6 =	sand.u32 $0x60, s15;
	[tilespmem:s4+$0x10] =	vst v9;
	v63 =	vld.idx.msk [tilespmem:v59+s22+$0x0], $0xffff  }
0x1b7: {  	s18 =	sor.u32 s6, s5;
	[tilespmem:s4+$0x0] =	vst v8  }
0x1b8: {  	s24 =	sand.u32 $0x40, s12;
	[tilespmem:s18+$0x0] =	vst v60  }
0x1b9: {  	s2 =	sadd.s32 s2, s28;
	s25 =	sor.u32 s24, s5;
	[tilespmem:s18+$0x10] =	vst v61  }
0x1ba: {  	s2 =	sshll.u32 s2, $0x4;
	[tilespmem:s25+$0x10] =	vst v62  }
0x1bb: {  	s26 =	simm.s32 $0xC800;
	s2 =	sadd.s32 s17, s2;
	[tilespmem:s25+$0x0] =	vst v63  }
0x1bc: {  	[hbm4b:s2+s16] =	stream.linear.scatter [tilespmem:s26], [sflag:$0x4], $0x3000, $0x38;
	[tilespmem:$0x1A090] =	vst v63  }
0x1bd: {  	s2 =	sadd.s32 @!p1 s3, s20  }
0x1be: {  	s5 =	simm.s32 @!p1 $0x5800;
	s4 =	simm.s32 @!p1 $0x0;
	s3 =	sadd.s32 @!p1 s14, s2  }
0x1bf: {  	[tilespmem:s5], [sflag:$0x2] =	stream.linear.gather @!p1 [hbm4b:s3+s4], $0xC00, $0x38;
	[tilespmem:$0x1A090] =	vst v63  }
0x1c0: {  	s3 =	sadd.s32 @!p1 s2, s29;
	s5 =	simm.s32 @!p1 $0x6800  }
0x1c1: {  	[tilespmem:s5], [sflag:$0x2] =	stream.linear.gather @!p1 [hbm4b:s3+s4], $0xC00, $0x38;
	[tilespmem:$0x1A090] =	vst v63  }
0x1c2: {  	s3 =	sadd.s32 @!p1 s2, s30;
	s5 =	simm.s32 @!p1 $0x7800  }
0x1c3: {  	[tilespmem:s5], [sflag:$0x2] =	stream.linear.gather @!p1 [hbm4b:s3+s4], $0xC00, $0x38;
	[tilespmem:$0x1A090] =	vst v63  }
0x1c4: {  	p2 =	seq.s32 @!p1 s1, $0xB;
	s2 =	sadd.s32 @!p1 s2, s31;
	s3 =	simm.s32 @!p1 $0x8800  }
0x1c5: {  	[tilespmem:s3], [sflag:$0x2] =	stream.linear.gather @!p1 [hbm4b:s2+s4], $0xC00, $0x38;
	[tilespmem:$0x1A090] =	vst v63  }
0x1c6: {  	p1 =	por p1, p2  }
.Ltmp5:
0x1c7: {  	_ = 	snop;
	(pc) =	sbr.rel @!p1 .LBB2_3-.Ltmp5, $4  }
.Ltmp6:
0x1c8: {  	_ = 	snop;
	(pc) =	sbr.rel @p1 .LBB2_14-.Ltmp6, $4  }
0x1c9: {  	_ = 	snop  }
0x1ca: {  	_ = 	snop  }
0x1cb: {  	_ = 	snop  }
0x1cc: {  	_ = 	snop  }
.LBB2_8:
0x1cd: {  	s1 =	rddreg [dreg:$0xb]  }
0x1ce: {  	[tilespmem:s21], [sflag:$0x1] =	stream.linear.gather [hbm4b:s1+s0], $0xC00, $0x38;
	[tilespmem:$0x1A090] =	vst v63  }
0x1cf: {  	s5 =	rddreg [dreg:$0xc];
	s2 =	simm.s32 $0x2800  }
0x1d0: {  	[tilespmem:s2], [sflag:$0x1] =	stream.linear.gather [hbm4b:s5+s0], $0xC00, $0x38;
	[tilespmem:$0x1A090] =	vst v63  }
0x1d1: {  	s6 =	rddreg [dreg:$0xd];
	s7 =	simm.s32 $0x3800  }
0x1d2: {  	[tilespmem:s7], [sflag:$0x1] =	stream.linear.gather [hbm4b:s6+s0], $0xC00, $0x38;
	[tilespmem:$0x1A090] =	vst v63  }
0x1d3: {  	s10 =	rddreg [dreg:$0x15];
	s11 =	simm.s32 $0x4800  }
0x1d4: {  	[tilespmem:s11], [sflag:$0x1] =	stream.linear.gather [hbm4b:s10+s0], $0xC00, $0x38;
	[tilespmem:$0x1A090] =	vst v63  }
0x1d5: {  	s12 =	rddreg [dreg:$0x17]  }
0x1d6: {  	[tilespmem:s22], [sflag:$0x2] =	stream.linear.gather [hbm4b:s12+s0], $0xC00, $0x38;
	[tilespmem:$0x1A090] =	vst v63  }
0x1d7: {  	s13 =	rddreg [dreg:$0x19];
	s14 =	simm.s32 $0x6800  }
0x1d8: {  	[tilespmem:s14], [sflag:$0x2] =	stream.linear.gather [hbm4b:s13+s0], $0xC00, $0x38;
	[tilespmem:$0x1A090] =	vst v63  }
0x1d9: {  	s17 =	rddreg [dreg:$0x1b];
	s29 =	simm.s32 $0x7800  }
0x1da: {  	[tilespmem:s29], [sflag:$0x2] =	stream.linear.gather [hbm4b:s17+s0], $0xC00, $0x38;
	[tilespmem:$0x1A090] =	vst v63  }
0x1db: {  	s30 =	rddreg [dreg:$0x1d];
	s31 =	simm.s32 $0x8800;
	s1 =	simm.s32 $0x0  }
0x1dc: {  	[tilespmem:s31], [sflag:$0x2] =	stream.linear.gather [hbm4b:s30+s0], $0xC00, $0x38;
	[tilespmem:$0x1A090] =	vst v63  }
.LBB2_9:
0x1dd: {  	s3 =	simm.s32 $0x1  }
0x1de: {  	_ =	swait.ge [sflag:s3], $0xC00  }
0x1df: {  	[sflag:s3] =	ssyncset.done $0x0  }
0x1e0: {  	[sflag:s3] =	ssyncadd.s32 $0xFFFFF400  }
0x1e1: {  	_ =	swait.ge [sflag:s3], $0xC00  }
0x1e2: {  	[sflag:s3] =	ssyncset.done $0x0  }
0x1e3: {  	s2 =	simm.s32 $0x1;
	[sflag:s3] =	ssyncadd.s32 $0xFFFFF400  }
0x1e4: {  	v8 =	vmov s2;
	_ =	swait.ge [sflag:s3], $0xC00  }
0x1e5: {  	s17 =	simm.s32 $0x0;
	v9 =	vshll.u32 v8, $0x3;
	[sflag:s3] =	ssyncset.done $0x0  }
0x1e6: {  	v10 =	vmov s17;
	v8 =	vand.u32 $0x7F, v8;
	v9 =	vand.u32 $0xC00, v9;
	[sflag:s3] =	ssyncadd.s32 $0xFFFFF400  }
0x1e7: {  	v11 =	vshll.u32 v10, $0x3;
	v8 =	vor.u32 v8, v9;
	_ =	swait.ge [sflag:s3], $0xC00  }
0x1e8: {  	p2 =	seq.s32 s1, $0x0;
	v9 =	vand.u32 $0x7E, v10;
	v10 =	vand.u32 $0xC00, v11;
	v11 =	vor.u32 v0, v8;
	[sflag:s3] =	ssyncset.done $0x0  }
0x1e9: {  	s29 =	simm.s32 $0x3;
	s2 =	simm.s32 @!p2 $0x3;
	v9 =	vor.u32 v9, v10;
	v8 =	vor.u32 v1, v8;
	[sflag:s3] =	ssyncadd.s32 $0xFFFFF400  }
0x1ea: {  	s4 =	simm.s32 $0x2;
	v10 =	vmov s29;
	v12 =	vor.u32 v1, v9;
	v16 =	vor.u32 v0, v9;
	_ =	swait.ge @!p2 [sflag:s2], $0x3000  }
0x1eb: {  	v9 =	vmov s4;
	v14 =	vand.u32 $0x7F, v10;
	v10 =	vshll.u32 v10, $0x3;
	[sflag:s2] =	ssyncset.done @!p2 $0x0  }
0x1ec: {  	v13 =	vshll.u32 v9, $0x3;
	v10 =	vand.u32 $0xC00, v10;
	[sflag:s2] =	ssyncadd.s32 @!p2 $0xFFFFD000  }
0x1ed: {  	v9 =	vand.u32 $0x7E, v9;
	v15 =	vand.u32 $0xC00, v13;
	v14 =	vor.u32 v14, v10;
	v13 =	vld.idx.msk [tilespmem:v11+s21+$0x0], $0xffff  }
0x1ee: {  	s30 =	sand.u32 $0x3F80, s0;
	v9 =	vor.u32 v9, v15;
	v15 =	vor.u32 v0, v14;
	v10 =	vld.idx.msk [tilespmem:v8+s21+$0x0], $0xffff  }
0x1ef: {  	s5 =	simm.s32 $0x20;
	s7 =	simm.s32 $0x4;
	v14 =	vor.u32 v1, v14;
	s3 =	simm.s32 $0x5  }
0x1f0: {  	s6 =	sadd.s32 $0x9800, s30;
	s31 =	sand.u32 $0x60, s5;
	s5 =	simm.s32 $0x0;
	v17 =	vmov s3;
	v11 =	vld.idx.msk [tilespmem:v12+s21+$0x0], $0xffff  }
0x1f1: {  	s4 =	simm.s32 $0x0;
	s2 =	simm.s32 $0x8;
	v8 =	vor.u32 v0, v9;
	v9 =	vor.u32 v1, v9;
	v12 =	vld.idx.msk [tilespmem:v16+s21+$0x0], $0xffff;
	v16 =	vmov s7;
	s7 =	sor.u32 s31, s6  }
.LBB2_10:
0x1f2: {  	s2 =	sadd.s32 $0x4, s2;
	v18 =	vshll.u32 v16, $0x3;
	v19 =	vand.u32 $0x7F, v17;
	v17 =	vshll.u32 v17, $0x3;
	[tilespmem:s7+$0x0] =	vst v13;
	s4 =	sadd.s32 $0x40, s4  }
0x1f3: {  	v16 =	vand.u32 $0x7E, v16;
	s10 =	sand.u32 $0x40, s5;
	p1 =	slt.u32 s2, $0x2FC;
	v18 =	vand.u32 $0xC00, v18;
	v17 =	vand.u32 $0xC00, v17;
	v13 =	vld.idx.msk [tilespmem:v15+s21+$0x0], $0xffff;
	[tilespmem:s7+$0x10] =	vst v10;
	s5 =	smov.u32 s4  }
.Ltmp7:
0x1f4: {  	s6 =	sor.u32 s10, s6;
	v15 =	vor.u32 v16, v18;
	v16 =	vor.u32 v19, v17;
	v10 =	vld.idx.msk [tilespmem:v14+s21+$0x0], $0xffff;
	(pc) =	sbr.rel @p1 .LBB2_10-.Ltmp7, $4  }
0x1f5: {  	v17 =	vor.u32 v0, v15;
	v18 =	vor.u32 v1, v15;
	v15 =	vor.u32 v0, v16;
	[tilespmem:s6+$0x10] =	vst v11  }
0x1f6: {  	s3 =	sadd.s32 $0x2, s3;
	s7 =	sand.u32 $0x3F80, s4;
	s10 =	sadd.s32 $0x20, s4;
	v14 =	vor.u32 v1, v16;
	v11 =	vld.idx.msk [tilespmem:v9+s21+$0x0], $0xffff;
	[tilespmem:s6+$0x0] =	vst v12;
	v9 =	vmov v18  }
0x1f7: {  	s11 =	sadd.s32 $0xFFFFFFFF, s3;
	s6 =	sadd.s32 $0x9800, s7;
	s7 =	sand.u32 $0x60, s10;
	v12 =	vld.idx.msk [tilespmem:v8+s21+$0x0], $0xffff;
	v8 =	vmov v17  }
0x1f8: {  	v16 =	vmov s11;
	v17 =	vmov s3;
	s7 =	sor.u32 s7, s6  }
0x1f9: {  	v18 =	vshll.u32 v17, $0x3  }
0x1fa: {  	v17 =	vand.u32 $0x7F, v17;
	v18 =	vand.u32 $0xC00, v18  }
0x1fb: {  	v19 =	vshll.u32 v16, $0x3;
	v17 =	vor.u32 v17, v18  }
0x1fc: {  	v16 =	vand.u32 $0x7E, v16;
	v18 =	vand.u32 $0xC00, v19;
	v19 =	vor.u32 v0, v17  }
0x1fd: {  	v15 =	vld.idx.msk [tilespmem:v15+s21+$0x0], $0xffff;
	v16 =	vor.u32 v16, v18;
	v17 =	vor.u32 v1, v17  }
0x1fe: {  	[tilespmem:s7+$0x0] =	vst v13;
	s2 =	sadd.s32 $0x40, s4;
	s3 =	sand.u32 $0x40, s5;
	v13 =	vld.idx.msk [tilespmem:v14+s21+$0x0], $0xffff;
	v14 =	vor.u32 v1, v16  }
0x1ff: {  	[tilespmem:s7+$0x10] =	vst v10;
	v9 =	vld.idx.msk [tilespmem:v9+s21+$0x0], $0xffff;
	s3 =	sor.u32 s3, s6;
	s4 =	sand.u32 $0x3F80, s2;
	s29 =	sadd.s32 $0x20, s2;
	v10 =	vor.u32 v0, v16  }
0x200: {  	v8 =	vld.idx.msk [tilespmem:v8+s21+$0x0], $0xffff;
	[tilespmem:s3+$0x10] =	vst v11;
	s4 =	sadd.s32 $0x9800, s4;
	s5 =	sand.u32 $0x60, s29  }
0x201: {  	[tilespmem:s3+$0x0] =	vst v12;
	s30 =	sor.u32 s5, s4;
	v11 =	vld.idx.msk [tilespmem:v19+s21+$0x0], $0xffff  }
0x202: {  	s31 =	sadd.s32 $0x40, s2;
	s2 =	sand.u32 $0x40, s2;
	[tilespmem:s30+$0x0] =	vst v15;
	v12 =	vld.idx.msk [tilespmem:v17+s21+$0x0], $0xffff  }
0x203: {  	s6 =	sand.u32 $0x3F80, s31;
	s7 =	sadd.s32 $0x20, s31;
	s2 =	sor.u32 s2, s4;
	[tilespmem:s30+$0x10] =	vst v13;
	v13 =	vld.idx.msk [tilespmem:v14+s21+$0x0], $0xffff  }
0x204: {  	s3 =	sadd.s32 $0x9800, s6;
	s4 =	sand.u32 $0x60, s7;
	[tilespmem:s2+$0x10] =	vst v9;
	v9 =	vld.idx.msk [tilespmem:v10+s21+$0x0], $0xffff  }
0x205: {  	s4 =	sor.u32 s4, s3;
	[tilespmem:s2+$0x0] =	vst v8;
	s2 =	smul.u32 $0xC0, s1  }
0x206: {  	s5 =	sand.u32 $0x40, s31;
	[tilespmem:s4+$0x0] =	vst v11  }
0x207: {  	s3 =	sor.u32 s5, s3;
	s10 =	sadd.s32 s23, s2;
	[tilespmem:s4+$0x10] =	vst v12  }
0x208: {  	p1 =	seq.s32 s1, $0xA;
	s4 =	sshll.u32 s10, $0x4;
	[tilespmem:s3+$0x10] =	vst v13  }
0x209: {  	s11 =	simm.s32 $0x9800;
	[tilespmem:s3+$0x0] =	vst v9;
	s4 =	sadd.s32 s18, s4;
	s3 =	smul.u32 @!p1 $0x300, s1  }
0x20a: {  	[hbm4b:s4+s16] =	stream.linear.scatter [tilespmem:s11], [sflag:$0x3], $0x3000, $0x38;
	[tilespmem:$0x1A090] =	vst v63  }
0x20b: {  	s4 =	sadd.s32 @!p1 s3, s19  }
0x20c: {  	s6 =	simm.s32 @!p1 $0x0;
	s7 =	simm.s32 @!p1 $0x1800;
	s5 =	sadd.s32 @!p1 s15, s4  }
0x20d: {  	[tilespmem:s7], [sflag:$0x1] =	stream.linear.gather @!p1 [hbm4b:s5+s6], $0xC00, $0x38;
	[tilespmem:$0x1A090] =	vst v63  }
0x20e: {  	s5 =	sadd.s32 @!p1 s4, s24;
	s7 =	simm.s32 @!p1 $0x2800  }
0x20f: {  	[tilespmem:s7], [sflag:$0x1] =	stream.linear.gather @!p1 [hbm4b:s5+s6], $0xC00, $0x38;
	[tilespmem:$0x1A090] =	vst v63  }
0x210: {  	s5 =	sadd.s32 @!p1 s4, s25;
	s7 =	simm.s32 @!p1 $0x3800  }
0x211: {  	[tilespmem:s7], [sflag:$0x1] =	stream.linear.gather @!p1 [hbm4b:s5+s6], $0xC00, $0x38;
	[tilespmem:$0x1A090] =	vst v63  }
0x212: {  	s12 =	simm.s32 $0x2;
	s4 =	sadd.s32 @!p1 s4, s26;
	s5 =	simm.s32 @!p1 $0x4800  }
0x213: {  	[tilespmem:s5], [sflag:$0x1] =	stream.linear.gather @!p1 [hbm4b:s4+s6], $0xC00, $0x38;
	[tilespmem:$0x1A090] =	vst v63  }
0x214: {  	_ =	swait.ge [sflag:s12], $0xC00  }
0x215: {  	[sflag:s12] =	ssyncset.done $0x0  }
0x216: {  	[sflag:s12] =	ssyncadd.s32 $0xFFFFF400  }
0x217: {  	_ =	swait.ge [sflag:s12], $0xC00  }
0x218: {  	[sflag:s12] =	ssyncset.done $0x0  }
0x219: {  	s13 =	simm.s32 $0x1;
	[sflag:s12] =	ssyncadd.s32 $0xFFFFF400  }
0x21a: {  	v8 =	vmov s13;
	_ =	swait.ge [sflag:s12], $0xC00  }
0x21b: {  	s14 =	simm.s32 $0x0;
	v9 =	vshll.u32 v8, $0x3;
	[sflag:s12] =	ssyncset.done $0x0  }
0x21c: {  	v10 =	vmov s14;
	v8 =	vand.u32 $0x7F, v8;
	v9 =	vand.u32 $0xC00, v9;
	[sflag:s12] =	ssyncadd.s32 $0xFFFFF400  }
0x21d: {  	v11 =	vshll.u32 v10, $0x3;
	v8 =	vor.u32 v8, v9;
	_ =	swait.ge [sflag:s12], $0xC00  }
0x21e: {  	v9 =	vand.u32 $0x7E, v10;
	v10 =	vand.u32 $0xC00, v11;
	v11 =	vor.u32 v0, v8;
	[sflag:s12] =	ssyncset.done $0x0  }
0x21f: {  	s17 =	simm.s32 $0x3;
	v9 =	vor.u32 v9, v10;
	v8 =	vor.u32 v1, v8;
	s4 =	simm.s32 @!p2 $0x4;
	[sflag:s12] =	ssyncadd.s32 $0xFFFFF400  }
0x220: {  	s29 =	simm.s32 $0x2;
	v10 =	vmov s17;
	v12 =	vor.u32 v1, v9;
	v16 =	vor.u32 v0, v9;
	_ =	swait.ge @!p2 [sflag:s4], $0x3000  }
0x221: {  	v9 =	vmov s29;
	v14 =	vand.u32 $0x7F, v10;
	v10 =	vshll.u32 v10, $0x3;
	[sflag:s4] =	ssyncset.done @!p2 $0x0  }
0x222: {  	v13 =	vshll.u32 v9, $0x3;
	v10 =	vand.u32 $0xC00, v10;
	[sflag:s4] =	ssyncadd.s32 @!p2 $0xFFFFD000  }
0x223: {  	v9 =	vand.u32 $0x7E, v9;
	v15 =	vand.u32 $0xC00, v13;
	v14 =	vor.u32 v14, v10;
	v13 =	vld.idx.msk [tilespmem:v11+s22+$0x0], $0xffff  }
0x224: {  	s10 =	simm.s32 $0x20;
	v9 =	vor.u32 v9, v15;
	v15 =	vor.u32 v0, v14;
	s4 =	simm.s32 $0x0;
	v10 =	vld.idx.msk [tilespmem:v8+s22+$0x0], $0xffff  }
0x225: {  	s1 =	sadd.s32 $0x1, s1;
	v14 =	vor.u32 v1, v14;
	s5 =	simm.s32 $0x5;
	s30 =	sand.u32 $0x3F80, s4  }
0x226: {  	s31 =	sand.u32 $0x60, s10;
	s11 =	simm.s32 $0x4;
	v17 =	vmov s5;
	v11 =	vld.idx.msk [tilespmem:v12+s22+$0x0], $0xffff;
	s7 =	sadd.s32 $0xC800, s30  }
0x227: {  	s10 =	simm.s32 $0x8;
	s6 =	simm.s32 $0x0;
	v8 =	vor.u32 v0, v9;
	v9 =	vor.u32 v1, v9;
	v12 =	vld.idx.msk [tilespmem:v16+s22+$0x0], $0xffff;
	v16 =	vmov s11;
	s11 =	sor.u32 s31, s7  }
.LBB2_12:
0x228: {  	s10 =	sadd.s32 $0x4, s10;
	v18 =	vshll.u32 v16, $0x3;
	v19 =	vand.u32 $0x7F, v17;
	v17 =	vshll.u32 v17, $0x3;
	[tilespmem:s11+$0x0] =	vst v13;
	s4 =	sadd.s32 $0x40, s4  }
0x229: {  	v16 =	vand.u32 $0x7E, v16;
	s12 =	sand.u32 $0x40, s6;
	p2 =	slt.u32 s10, $0x2FC;
	v18 =	vand.u32 $0xC00, v18;
	v17 =	vand.u32 $0xC00, v17;
	v13 =	vld.idx.msk [tilespmem:v15+s22+$0x0], $0xffff;
	[tilespmem:s11+$0x10] =	vst v10;
	s6 =	smov.u32 s4  }
.Ltmp8:
0x22a: {  	s7 =	sor.u32 s12, s7;
	v15 =	vor.u32 v16, v18;
	v16 =	vor.u32 v19, v17;
	v10 =	vld.idx.msk [tilespmem:v14+s22+$0x0], $0xffff;
	(pc) =	sbr.rel @p2 .LBB2_12-.Ltmp8, $4  }
0x22b: {  	v17 =	vor.u32 v0, v15;
	v18 =	vor.u32 v1, v15;
	v15 =	vor.u32 v0, v16;
	[tilespmem:s7+$0x10] =	vst v11  }
0x22c: {  	s5 =	sadd.s32 $0x2, s5;
	s11 =	sand.u32 $0x3F80, s4;
	s12 =	sadd.s32 $0x20, s4;
	v14 =	vor.u32 v1, v16;
	v11 =	vld.idx.msk [tilespmem:v9+s22+$0x0], $0xffff;
	[tilespmem:s7+$0x0] =	vst v12;
	v9 =	vmov v18  }
0x22d: {  	s13 =	sadd.s32 $0xFFFFFFFF, s5;
	s7 =	sadd.s32 $0xC800, s11;
	s11 =	sand.u32 $0x60, s12;
	v12 =	vld.idx.msk [tilespmem:v8+s22+$0x0], $0xffff;
	v8 =	vmov v17  }
0x22e: {  	v16 =	vmov s13;
	v17 =	vmov s5;
	s11 =	sor.u32 s11, s7  }
0x22f: {  	v18 =	vshll.u32 v17, $0x3  }
0x230: {  	v53 =	vand.u32 $0x7F, v17;
	v18 =	vand.u32 $0xC00, v18  }
0x231: {  	v19 =	vshll.u32 v16, $0x3;
	v17 =	vor.u32 v53, v18  }
0x232: {  	v54 =	vand.u32 $0x7E, v16;
	v55 =	vand.u32 $0xC00, v19;
	v56 =	vor.u32 v0, v17  }
0x233: {  	v15 =	vld.idx.msk [tilespmem:v15+s22+$0x0], $0xffff;
	v16 =	vor.u32 v54, v55;
	v17 =	vor.u32 v1, v17  }
0x234: {  	[tilespmem:s11+$0x0] =	vst v13;
	s4 =	sadd.s32 $0x40, s4;
	s5 =	sand.u32 $0x40, s6;
	v57 =	vld.idx.msk [tilespmem:v14+s22+$0x0], $0xffff;
	v58 =	vor.u32 v1, v16  }
0x235: {  	[tilespmem:s11+$0x10] =	vst v10;
	v9 =	vld.idx.msk [tilespmem:v9+s22+$0x0], $0xffff;
	s5 =	sor.u32 s5, s7;
	s7 =	sand.u32 $0x3F80, s4;
	s10 =	sadd.s32 $0x20, s4;
	v59 =	vor.u32 v0, v16  }
0x236: {  	v8 =	vld.idx.msk [tilespmem:v8+s22+$0x0], $0xffff;
	[tilespmem:s5+$0x10] =	vst v11;
	s6 =	sadd.s32 $0xC800, s7;
	s7 =	sand.u32 $0x60, s10  }
0x237: {  	[tilespmem:s5+$0x0] =	vst v12;
	s11 =	sor.u32 s7, s6;
	v60 =	vld.idx.msk [tilespmem:v56+s22+$0x0], $0xffff  }
0x238: {  	s12 =	sadd.s32 $0x40, s4;
	s4 =	sand.u32 $0x40, s4;
	[tilespmem:s11+$0x0] =	vst v15;
	v61 =	vld.idx.msk [tilespmem:v17+s22+$0x0], $0xffff  }
0x239: {  	s13 =	sand.u32 $0x3F80, s12;
	s14 =	sadd.s32 $0x20, s12;
	s4 =	sor.u32 s4, s6;
	[tilespmem:s11+$0x10] =	vst v57;
	v62 =	vld.idx.msk [tilespmem:v58+s22+$0x0], $0xffff  }
0x23a: {  	s5 =	sadd.s32 $0xC800, s13;
	s6 =	sand.u32 $0x60, s14;
	[tilespmem:s4+$0x10] =	vst v9;
	v63 =	vld.idx.msk [tilespmem:v59+s22+$0x0], $0xffff  }
0x23b: {  	s17 =	sor.u32 s6, s5;
	[tilespmem:s4+$0x0] =	vst v8  }
0x23c: {  	s29 =	sand.u32 $0x40, s12;
	[tilespmem:s17+$0x0] =	vst v60  }
0x23d: {  	s2 =	sadd.s32 s2, s28;
	s30 =	sor.u32 s29, s5;
	[tilespmem:s17+$0x10] =	vst v61  }
0x23e: {  	s2 =	sshll.u32 s2, $0x4;
	[tilespmem:s30+$0x10] =	vst v62  }
0x23f: {  	s31 =	simm.s32 $0xC800;
	s2 =	sadd.s32 s18, s2;
	[tilespmem:s30+$0x0] =	vst v63  }
0x240: {  	[hbm4b:s2+s16] =	stream.linear.scatter [tilespmem:s31], [sflag:$0x4], $0x3000, $0x38;
	[tilespmem:$0x1A090] =	vst v63  }
0x241: {  	s2 =	sadd.s32 @!p1 s3, s20  }
0x242: {  	s5 =	simm.s32 @!p1 $0x5800;
	s4 =	simm.s32 @!p1 $0x0;
	s3 =	sadd.s32 @!p1 s15, s2  }
0x243: {  	[tilespmem:s5], [sflag:$0x2] =	stream.linear.gather @!p1 [hbm4b:s3+s4], $0xC00, $0x38;
	[tilespmem:$0x1A090] =	vst v63  }
0x244: {  	s3 =	sadd.s32 @!p1 s2, s24;
	s5 =	simm.s32 @!p1 $0x6800  }
0x245: {  	[tilespmem:s5], [sflag:$0x2] =	stream.linear.gather @!p1 [hbm4b:s3+s4], $0xC00, $0x38;
	[tilespmem:$0x1A090] =	vst v63  }
0x246: {  	s3 =	sadd.s32 @!p1 s2, s25;
	s5 =	simm.s32 @!p1 $0x7800  }
0x247: {  	[tilespmem:s5], [sflag:$0x2] =	stream.linear.gather @!p1 [hbm4b:s3+s4], $0xC00, $0x38;
	[tilespmem:$0x1A090] =	vst v63  }
0x248: {  	p2 =	sne.s32 @!p1 s1, $0xB;
	s2 =	sadd.s32 @!p1 s2, s26;
	s3 =	simm.s32 @!p1 $0x8800  }
0x249: {  	[tilespmem:s3], [sflag:$0x2] =	stream.linear.gather @!p1 [hbm4b:s2+s4], $0xC00, $0x38;
	[tilespmem:$0x1A090] =	vst v63  }
0x24a: {  	p1 =	por p1, !p2  }
.Ltmp9:
0x24b: {  	_ = 	snop;
	(pc) =	sbr.rel @!p1 .LBB2_9-.Ltmp9, $1  }
0x24c: {  	_ =	sdelay $0x3  }
.LBB2_14:
0x24d: {  	s0 =	simm.s32 $0x3  }
0x24e: {  	_ =	swait.ge [sflag:s0], $0x3000  }
0x24f: {  	[sflag:s0] =	ssyncset.done $0x0  }
0x250: {  	s28 =	simm.s32 $0x4;
	[sflag:s0] =	ssyncadd.s32 $0xFFFFD000  }
0x251: {  	_ =	swait.ge [sflag:s28], $0x3000  }
0x252: {  	[sflag:s28] =	ssyncset.done $0x0  }
0x253: {  	[sflag:s28] =	ssyncadd.s32 $0xFFFFD000  }
0x254: {  	[bflag:$0x0] =	sbarrier.arrive $0xFFFF  }
0x255: {  	s1 =	simm.s32 $0x19880;
	s30 =	simm.s32 $0x7;
	s29 =	rddreg [dreg:$0x5]  }
0x256: {  	[tilespmem:s1], [sflag:$0x7] =	stream.linear.gather [spmem:s29], $0x800, $0x38;
	[tilespmem:$0x1A090] =	vst v63  }
0x257: {  	_ =	swait.ge [sflag:s30], $0x800  }
0x258: {  	[sflag:s30] =	ssyncset.done $0x0  }
0x259: {  	[sflag:s30] =	ssyncadd.s32 $0xFFFFF800  }
0x25a: {  	v8 =	vld [tilespmem:$0x19880]  }
0x25b: {  	v9 =	vld [tilespmem:$0x19900];
	_ =	sdelay $0x1  }
0x25c: {  	v10 =	vld [tilespmem:$0x19980];
	_ =	sdelay $0x1  }
0x25d: {  	v11 =	vld [tilespmem:$0x19A00]  }
0x25e: {  	vm0 =	vgt.s32 v8, v9  }
0x25f: {  	v8 =	vsel vm0, v8, v9;
	v9 =	vld [tilespmem:$0x19A80]  }
0x260: {  	vm0 =	vgt.s32 v8, v10  }
0x261: {  	v8 =	vsel vm0, v8, v10;
	v10 =	vld [tilespmem:$0x19B00]  }
0x262: {  	vm0 =	vgt.s32 v8, v11  }
0x263: {  	v8 =	vsel vm0, v8, v11;
	v11 =	vld [tilespmem:$0x19B80]  }
0x264: {  	vm0 =	vgt.s32 v8, v9  }
0x265: {  	v8 =	vsel vm0, v8, v9;
	v9 =	vld [tilespmem:$0x19C00]  }
0x266: {  	vm0 =	vgt.s32 v8, v10  }
0x267: {  	v8 =	vsel vm0, v8, v10;
	v10 =	vld [tilespmem:$0x19C80]  }
0x268: {  	vm0 =	vgt.s32 v8, v11  }
0x269: {  	v8 =	vsel vm0, v8, v11;
	v11 =	vld [tilespmem:$0x19D00]  }
0x26a: {  	vm0 =	vgt.s32 v8, v9  }
0x26b: {  	v8 =	vsel vm0, v8, v9;
	v9 =	vld [tilespmem:$0x19D80]  }
0x26c: {  	vm0 =	vgt.s32 v8, v10  }
0x26d: {  	v8 =	vsel vm0, v8, v10;
	v10 =	vld [tilespmem:$0x19E00]  }
0x26e: {  	vm0 =	vgt.s32 v8, v11  }
0x26f: {  	v8 =	vsel vm0, v8, v11;
	v11 =	vld [tilespmem:$0x19E80]  }
0x270: {  	vm0 =	vgt.s32 v8, v9  }
0x271: {  	v8 =	vsel vm0, v8, v9;
	v9 =	vld [tilespmem:$0x19F00]  }
0x272: {  	vm0 =	vgt.s32 v8, v10  }
0x273: {  	v8 =	vsel vm0, v8, v10;
	v10 =	vld [tilespmem:$0x19F80]  }
0x274: {  	vm0 =	vgt.s32 v8, v11  }
0x275: {  	v8 =	vsel vm0, v8, v11;
	v11 =	vld [tilespmem:$0x1A000]  }
0x276: {  	vm0 =	vgt.s32 v8, v9  }
0x277: {  	v8 =	vsel vm0, v8, v9  }
0x278: {  	vm0 =	vgt.s32 v8, v10  }
0x279: {  	v8 =	vsel vm0, v8, v10  }
0x27a: {  	vm0 =	vgt.s32 v8, v11  }
0x27b: {  	v8 =	vsel vm0, v8, v11  }
0x27c: {  	s31 =	simm.s32 $0x19800;
	[tilespmem:$0x19800] =	vst v8  }
0x27d: {  	v9 =	vld.idx.msk [tilespmem:v2+s31+$0x0], $0xffff;
	_ =	sdelay $0x4  }
0x27e: {  	vm0 =	vgt.s32 v8, v9  }
0x27f: {  	v8 =	vsel vm0, v8, v9  }
0x280: {  	[tilespmem:$0x19800] =	vst v8  }
0x281: {  	v9 =	vld.idx.msk [tilespmem:v3+s31+$0x0], $0xffff;
	_ =	sdelay $0x4  }
0x282: {  	vm0 =	vgt.s32 v8, v9  }
0x283: {  	v8 =	vsel vm0, v8, v9  }
0x284: {  	[tilespmem:$0x19800] =	vst v8  }
0x285: {  	v9 =	vld.idx.msk [tilespmem:v4+s31+$0x0], $0xffff;
	_ =	sdelay $0x4  }
0x286: {  	vm0 =	vgt.s32 v8, v9  }
0x287: {  	v8 =	vsel vm0, v8, v9  }
0x288: {  	[tilespmem:$0x19800] =	vst v8  }
0x289: {  	v9 =	vld.idx.msk [tilespmem:v5+s31+$0x0], $0xffff;
	_ =	sdelay $0x1  }
0x28a: {  	s0 =	simm.s32 $0x0  }
0x28b: {  	v10 =	vld [tilespmem:s0+$0x70]  }
0x28c: {  	v11 =	vld [tilespmem:s0+$0x0]  }
0x28d: {  	v14 =	vld [tilespmem:s0+$0x40];
	vm0 =	vgt.s32 v8, v9  }
0x28e: {  	v15 =	vld [tilespmem:s0+$0x50];
	v8 =	vsel vm0, v8, v9  }
0x28f: {  	v12 =	vld [tilespmem:s0+$0x10];
	vm0 =	vlt.s32 v8, $0x1000  }
0x290: {  	v9 =	vld [tilespmem:s0+$0x20];
	v8 =	vsel vm0, $0x0, v6  }
0x291: {  	v13 =	vld [tilespmem:s0+$0x30];
	v16 =	vadd.s32 v8, v10;
	v10 =	vshll.u32 v10, $0x5  }
0x292: {  	v63 =	vshll.u32 v14, $0x5;
	v17 =	vadd.s32 v8, v11;
	v10 =	vand.u32 $0x60, v10  }
0x293: {  	v20 =	vshll.u32 v15, $0x5;
	v11 =	vshll.u32 v11, $0x5;
	v17 =	vshrl.u32 v17, $0x2;
	[tilespmem:s0+$0x1070] =	vst v10  }
0x294: {  	v19 =	vadd.s32 v8, v12;
	v12 =	vshll.u32 v12, $0x5;
	[tilespmem:s0+$0x800] =	vst v17;
	v10 =	vand.u32 $0x60, v11  }
0x295: {  	v18 =	vld [tilespmem:s0+$0x60];
	v11 =	vadd.s32 v8, v9;
	v9 =	vshll.u32 v9, $0x5;
	[tilespmem:s0+$0x1000] =	vst v10;
	v10 =	vshrl.u32 v19, $0x2  }
0x296: {  	v17 =	vadd.s32 v8, v13;
	v13 =	vshll.u32 v13, $0x5;
	v9 =	vand.u32 $0x60, v9;
	[tilespmem:s0+$0x810] =	vst v10  }
0x297: {  	v13 =	vand.u32 $0x60, v13;
	v10 =	vand.u32 $0x60, v12;
	v12 =	vadd.s32 v8, v14;
	[tilespmem:s0+$0x1020] =	vst v9  }
0x298: {  	v9 =	vshrl.u32 v17, $0x2;
	[tilespmem:s0+$0x1010] =	vst v10;
	v10 =	vshrl.u32 v11, $0x2;
	v11 =	vadd.s32 v8, v15  }
0x299: {  	v14 =	vshrl.u32 v12, $0x2;
	[tilespmem:s0+$0x830] =	vst v9;
	v15 =	vand.u32 $0x60, v63;
	v9 =	vshrl.u32 v16, $0x2  }
0x29a: {  	[tilespmem:s0+$0x820] =	vst v10;
	v10 =	vadd.s32 v8, v18;
	v18 =	vshll.u32 v18, $0x5;
	v12 =	vshrl.u32 v11, $0x2  }
0x29b: {  	s2 =	simm.s32 $0x400;
	s1 =	simm.s32 $0x80;
	[tilespmem:s0+$0x1030] =	vst v13;
	v11 =	vand.u32 $0x60, v20;
	v13 =	vshrl.u32 v10, $0x2;
	v10 =	vand.u32 $0x60, v18  }
.LBB2_15:
0x29c: {  	p1 =	sne.s32 s2, $0x1E00;
	v16 =	vld [tilespmem:s1+$0x70];
	[tilespmem:s0+$0x840] =	vst v14  }
0x29d: {  	v14 =	vld [tilespmem:s1+$0x0];
	[tilespmem:s0+$0x1040] =	vst v15  }
0x29e: {  	v15 =	vld [tilespmem:s1+$0x10];
	[tilespmem:s0+$0x850] =	vst v12  }
0x29f: {  	v12 =	vld [tilespmem:s1+$0x20];
	[tilespmem:s0+$0x1050] =	vst v11  }
0x2a0: {  	v11 =	vld [tilespmem:s1+$0x30];
	[tilespmem:s0+$0x860] =	vst v13  }
0x2a1: {  	v13 =	vld [tilespmem:s1+$0x40];
	v17 =	vadd.s32 v8, v16;
	v16 =	vshll.u32 v16, $0x5;
	[tilespmem:s0+$0x1060] =	vst v10  }
0x2a2: {  	v10 =	vadd.s32 v8, v14;
	v14 =	vshll.u32 v14, $0x5;
	v18 =	vld [tilespmem:s1+$0x50];
	v16 =	vand.u32 $0x60, v16;
	[tilespmem:s0+$0x870] =	vst v9;
	s0 =	smov.u32 s1  }
0x2a3: {  	v9 =	vshrl.u32 v10, $0x2;
	v10 =	vadd.s32 v8, v15;
	v15 =	vshll.u32 v15, $0x5;
	v19 =	vld [tilespmem:s0+$0x60];
	[tilespmem:s0+$0x1070] =	vst v16  }
0x2a4: {  	[tilespmem:s0+$0x800] =	vst v9;
	v9 =	vand.u32 $0x60, v14;
	v14 =	vadd.s32 v8, v12;
	v12 =	vshll.u32 v12, $0x5  }
0x2a5: {  	[tilespmem:s0+$0x1000] =	vst v9;
	v9 =	vshrl.u32 v10, $0x2;
	v10 =	vadd.s32 v8, v11;
	v11 =	vshll.u32 v11, $0x5  }
0x2a6: {  	[tilespmem:s0+$0x810] =	vst v9;
	v9 =	vand.u32 $0x60, v15;
	v15 =	vadd.s32 v8, v13;
	v13 =	vshll.u32 v13, $0x5  }
.Ltmp10:
0x2a7: {  	[tilespmem:s0+$0x1010] =	vst v9;
	v9 =	vshrl.u32 v14, $0x2;
	v16 =	vadd.s32 v8, v18;
	v18 =	vshll.u32 v18, $0x5;
	(pc) =	sbr.rel @p1 .LBB2_15-.Ltmp10, $4  }
0x2a8: {  	[tilespmem:s0+$0x820] =	vst v9;
	v9 =	vand.u32 $0x60, v12;
	v20 =	vadd.s32 v8, v19;
	v19 =	vshll.u32 v19, $0x5  }
0x2a9: {  	v14 =	vshrl.u32 v15, $0x2;
	[tilespmem:s0+$0x1020] =	vst v9;
	v9 =	vshrl.u32 v10, $0x2;
	v10 =	vand.u32 $0x60, v11  }
0x2aa: {  	v15 =	vand.u32 $0x60, v13;
	v12 =	vshrl.u32 v16, $0x2;
	v11 =	vand.u32 $0x60, v18;
	[tilespmem:s0+$0x830] =	vst v9  }
0x2ab: {  	s1 =	sshra.s32 s2, $0x2;
	s2 =	sadd.s32 $0x200, s2;
	v13 =	vshrl.u32 v20, $0x2;
	v9 =	vshrl.u32 v17, $0x2;
	[tilespmem:s0+$0x1030] =	vst v10;
	v10 =	vand.u32 $0x60, v19  }
0x2ac: {  	v16 =	vld [tilespmem:s1+$0x70];
	[tilespmem:s0+$0x840] =	vst v14  }
0x2ad: {  	v14 =	vld [tilespmem:s1+$0x0];
	[tilespmem:s0+$0x1040] =	vst v15  }
0x2ae: {  	v15 =	vld [tilespmem:s1+$0x10];
	[tilespmem:s0+$0x850] =	vst v12  }
0x2af: {  	v12 =	vld [tilespmem:s1+$0x20];
	[tilespmem:s0+$0x1050] =	vst v11  }
0x2b0: {  	v11 =	vld [tilespmem:s1+$0x30];
	[tilespmem:s0+$0x860] =	vst v13  }
0x2b1: {  	v13 =	vld [tilespmem:s1+$0x40];
	[tilespmem:s0+$0x1060] =	vst v10;
	v17 =	vshll.u32 v16, $0x5  }
0x2b2: {  	v10 =	vld [tilespmem:s1+$0x50];
	[tilespmem:s0+$0x870] =	vst v9;
	v47 =	vadd.s32 v8, v14;
	v17 =	vand.u32 $0x60, v17  }
0x2b3: {  	v14 =	vshll.u32 v14, $0x5;
	v9 =	vshrl.u32 v47, $0x2;
	[tilespmem:s1+$0x1070] =	vst v17  }
0x2b4: {  	v48 =	vadd.s32 v8, v15;
	v49 =	vand.u32 $0x60, v14;
	[tilespmem:s1+$0x800] =	vst v9  }
0x2b5: {  	v50 =	vshll.u32 v15, $0x5;
	[tilespmem:s1+$0x1000] =	vst v49;
	v51 =	vshrl.u32 v48, $0x2  }
0x2b6: {  	v52 =	vadd.s32 v8, v12;
	v53 =	vand.u32 $0x60, v50;
	[tilespmem:s1+$0x810] =	vst v51  }
0x2b7: {  	v12 =	vshll.u32 v12, $0x5;
	[tilespmem:s1+$0x1010] =	vst v53;
	v54 =	vshrl.u32 v52, $0x2  }
0x2b8: {  	v55 =	vadd.s32 v8, v11;
	v56 =	vand.u32 $0x60, v12;
	[tilespmem:s1+$0x820] =	vst v54  }
0x2b9: {  	v18 =	vld [tilespmem:s1+$0x60];
	v11 =	vshll.u32 v11, $0x5;
	[tilespmem:s1+$0x1020] =	vst v56;
	v57 =	vshrl.u32 v55, $0x2  }
0x2ba: {  	v58 =	vadd.s32 v8, v13;
	v11 =	vand.u32 $0x60, v11;
	[tilespmem:s1+$0x830] =	vst v57  }
0x2bb: {  	v59 =	vshll.u32 v13, $0x5;
	v12 =	vshrl.u32 v58, $0x2;
	[tilespmem:s1+$0x1030] =	vst v11  }
0x2bc: {  	v60 =	vadd.s32 v8, v10;
	v9 =	vand.u32 $0x60, v59;
	[tilespmem:s1+$0x840] =	vst v12  }
0x2bd: {  	v10 =	vshll.u32 v10, $0x5;
	v11 =	vshrl.u32 v60, $0x2;
	[tilespmem:s1+$0x1040] =	vst v9  }
.Ltmp11:
0x2be: {  	v61 =	vadd.s32 v8, v18;
	v10 =	vand.u32 $0x60, v10;
	[tilespmem:s1+$0x850] =	vst v11;
	(pc) =	sbr.rel @p0 .LBB2_22-.Ltmp11, $4  }
0x2bf: {  	v62 =	vshll.u32 v18, $0x5;
	v9 =	vshrl.u32 v61, $0x2;
	[tilespmem:s1+$0x1050] =	vst v10  }
0x2c0: {  	v8 =	vadd.s32 v8, v16;
	v63 =	vand.u32 $0x60, v62;
	[tilespmem:s1+$0x860] =	vst v9  }
0x2c1: {  	v8 =	vshrl.u32 v8, $0x2;
	[tilespmem:s1+$0x1060] =	vst v63  }
0x2c2: {  	s2 =	simm.s32 $0x0;
	[tilespmem:s1+$0x870] =	vst v8;
	s1 =	simm.s32 $0x0  }
.LBB2_17:
0x2c3: {  	s2 =	sshll.u32 s1, $0x8;
	s3 =	rddreg [dreg:$0x7]  }
0x2c4: {  	s4 =	simm.s32 $0x80;
	p1 =	seq.s32 s1, $0x0;
	s0 =	sadd.s32 $0x800, s2  }
0x2c5: {  	[tilespmem:s8], [sflag:$0x5] =	stream.indirect.gather [hbm4b:s3+s4], $0x80, s0, s4, $0xb8;
	[tilespmem:$0x1A090] =	vst v63  }
0x2c6: {  	s26 =	sadd.s32 $0x880, s2;
	s0 =	simm.s32 @!p1 $0x6  }
0x2c7: {  	[tilespmem:s9], [sflag:$0x5] =	stream.indirect.gather [hbm4b:s3+s4], $0x80, s26, s4, $0xb8;
	[tilespmem:$0x1A090] =	vst v63  }
0x2c8: {  	_ =	swait.ge @!p1 [sflag:s0], $0x2000  }
0x2c9: {  	[sflag:s0] =	ssyncset.done @!p1 $0x0  }
0x2ca: {  	s4 =	simm.s32 $0x5;
	[sflag:s0] =	ssyncadd.s32 @!p1 $0xFFFFE000  }
0x2cb: {  	_ =	swait.ge [sflag:s4], $0x4000  }
0x2cc: {  	[sflag:s4] =	ssyncset.done $0x0  }
0x2cd: {  	[sflag:s4] =	ssyncadd.s32 $0xFFFFC000  }
0x2ce: {  	v8 =	vld [tilespmem:s2+$0x1000];
	_ =	sdelay $0x3  }
0x2cf: {  	s6 =	simm.s32 $0x1  }
0x2d0: {  	v9 =	vadd.s32 s6, v8  }
0x2d1: {  	v9 =	vadd.s32 v7, v9;
	_ =	sdelay $0x2  }
0x2d2: {  	s19 =	simm.s32 $0x0  }
0x2d3: {  	v8 =	vadd.s32 s19, v8  }
0x2d4: {  	v8 =	vadd.s32 v7, v8;
	v9 =	vld.idx.msk [tilespmem:v9+s8+$0x0], $0xffff;
	_ =	sdelay $0x1  }
0x2d5: {  	s5 =	simm.s32 $0x80;
	s7 =	sand.u32 $0x1800, s19  }
0x2d6: {  	s3 =	sadd.s32 $0x17800, s7;
	s0 =	sand.u32 $0x380, s5  }
0x2d7: {  	s13 =	sor.u32 s0, s3  }
0x2d8: {  	v10 =	vld.idx.msk [tilespmem:v8+s8+$0x0], $0xffff;
	[tilespmem:s13+$0x0] =	vst v9  }
0x2d9: {  	v9 =	vld [tilespmem:s2+$0x1010]  }
0x2da: {  	s10 =	simm.s32 $0x0  }
0x2db: {  	s0 =	sand.u32 $0x300, s10  }
0x2dc: {  	s14 =	sor.u32 s0, s3  }
0x2dd: {  	[tilespmem:s14+$0x0] =	vst v10  }
0x2de: {  	v8 =	vor.u32 $0x800, v7;
	v10 =	vld [tilespmem:s2+$0x1010];
	v9 =	vadd.s32 s6, v9  }
0x2df: {  	v9 =	vadd.s32 v8, v9;
	_ =	sdelay $0x3  }
0x2e0: {  	v10 =	vadd.s32 s19, v10  }
0x2e1: {  	v10 =	vadd.s32 v8, v10;
	v9 =	vld.idx.msk [tilespmem:v9+s8+$0x0], $0xffff  }
0x2e2: {  	v11 =	vld [tilespmem:s2+$0x1000];
	_ =	sdelay $0x3  }
0x2e3: {  	s28 =	simm.s32 $0x3;
	v10 =	vld.idx.msk [tilespmem:v10+s8+$0x0], $0xffff;
	[tilespmem:s13+$0x10] =	vst v9  }
0x2e4: {  	v9 =	vadd.s32 s28, v11;
	v12 =	vld [tilespmem:s2+$0x1020]  }
0x2e5: {  	v13 =	vadd.s32 v7, v9  }
0x2e6: {  	s29 =	simm.s32 $0x2  }
0x2e7: {  	v9 =	vadd.s32 s29, v11  }
0x2e8: {  	[tilespmem:s14+$0x10] =	vst v10;
	v11 =	vadd.s32 v7, v9  }
0x2e9: {  	v10 =	vld [tilespmem:s2+$0x1020];
	v9 =	vor.u32 $0x1000, v7;
	v12 =	vadd.s32 s6, v12  }
0x2ea: {  	v13 =	vld.idx.msk [tilespmem:v13+s8+$0x0], $0xffff;
	v12 =	vadd.s32 v9, v12  }
0x2eb: {  	s11 =	simm.s32 $0x200  }
0x2ec: {  	s12 =	simm.s32 $0x180;
	s0 =	sand.u32 $0x1800, s11  }
0x2ed: {  	s3 =	sand.u32 $0x380, s12;
	s0 =	sadd.s32 $0x17800, s0;
	v11 =	vld.idx.msk [tilespmem:v11+s8+$0x0], $0xffff  }
0x2ee: {  	s24 =	sor.u32 s3, s0;
	v10 =	vadd.s32 s19, v10  }
0x2ef: {  	s15 =	simm.s32 $0x100;
	v10 =	vadd.s32 v9, v10;
	[tilespmem:s24+$0x0] =	vst v13;
	v12 =	vld.idx.msk [tilespmem:v12+s8+$0x0], $0xffff  }
0x2f0: {  	s3 =	sand.u32 $0x300, s15;
	v13 =	vld [tilespmem:s2+$0x1010]  }
0x2f1: {  	s26 =	sor.u32 s3, s0  }
0x2f2: {  	[tilespmem:s26+$0x0] =	vst v11  }
0x2f3: {  	v11 =	vld [tilespmem:s2+$0x1010]  }
0x2f4: {  	v10 =	vld.idx.msk [tilespmem:v10+s8+$0x0], $0xffff  }
0x2f5: {  	[tilespmem:s13+$0x20] =	vst v12;
	v12 =	vadd.s32 s28, v13  }
0x2f6: {  	v13 =	vld [tilespmem:s2+$0x1030];
	v14 =	vadd.s32 v8, v12;
	_ =	sdelay $0x1  }
0x2f7: {  	v11 =	vadd.s32 s29, v11  }
0x2f8: {  	v15 =	vld [tilespmem:s2+$0x1000];
	[tilespmem:s14+$0x20] =	vst v10;
	v11 =	vadd.s32 v8, v11  }
0x2f9: {  	v10 =	vld [tilespmem:s2+$0x1030]  }
0x2fa: {  	v12 =	vor.u32 $0x1800, v7;
	v13 =	vadd.s32 s6, v13;
	v14 =	vld.idx.msk [tilespmem:v14+s8+$0x0], $0xffff  }
0x2fb: {  	v13 =	vadd.s32 v12, v13;
	_ =	sdelay $0x1  }
0x2fc: {  	v11 =	vld.idx.msk [tilespmem:v11+s8+$0x0], $0xffff  }
0x2fd: {  	s20 =	simm.s32 $0x4;
	s4 =	simm.s32 $0x5;
	v10 =	vadd.s32 s19, v10  }
0x2fe: {  	v10 =	vadd.s32 v12, v10;
	[tilespmem:s24+$0x10] =	vst v14;
	v14 =	vadd.s32 s4, v15;
	v15 =	vadd.s32 s20, v15  }
0x2ff: {  	v13 =	vld.idx.msk [tilespmem:v13+s8+$0x0], $0xffff;
	v15 =	vadd.s32 v7, v15  }
0x300: {  	v16 =	vld [tilespmem:s2+$0x1020]  }
0x301: {  	v14 =	vadd.s32 v7, v14;
	[tilespmem:s26+$0x10] =	vst v11  }
0x302: {  	v11 =	vld [tilespmem:s2+$0x1020]  }
0x303: {  	v10 =	vld.idx.msk [tilespmem:v10+s8+$0x0], $0xffff  }
0x304: {  	[tilespmem:s13+$0x30] =	vst v13;
	v15 =	vld.idx.msk [tilespmem:v15+s8+$0x0], $0xffff  }
0x305: {  	s16 =	simm.s32 $0x400;
	v13 =	vadd.s32 s28, v16;
	v16 =	vld [tilespmem:s2+$0x1040]  }
0x306: {  	s5 =	simm.s32 $0x200;
	s0 =	sand.u32 $0x1800, s16;
	v14 =	vld.idx.msk [tilespmem:v14+s8+$0x0], $0xffff;
	v13 =	vadd.s32 v9, v13  }
0x307: {  	s5 =	sand.u32 $0x300, s5;
	s0 =	sadd.s32 $0x17800, s0;
	v11 =	vadd.s32 s29, v11  }
0x308: {  	s17 =	simm.s32 $0x280;
	s16 =	sor.u32 s5, s0;
	v17 =	vadd.s32 v9, v11  }
0x309: {  	s3 =	sand.u32 $0x380, s17;
	[tilespmem:s16+$0x0] =	vst v15  }
0x30a: {  	s15 =	sor.u32 s3, s0;
	[tilespmem:s14+$0x30] =	vst v10;
	v11 =	vor.u32 $0x2000, v7;
	v16 =	vadd.s32 s6, v16;
	v10 =	vld [tilespmem:s2+$0x1010]  }
0x30b: {  	[tilespmem:s15+$0x0] =	vst v14;
	v13 =	vld.idx.msk [tilespmem:v13+s8+$0x0], $0xffff;
	v16 =	vadd.s32 v11, v16  }
0x30c: {  	v14 =	vld [tilespmem:s2+$0x1010]  }
0x30d: {  	v17 =	vld.idx.msk [tilespmem:v17+s8+$0x0], $0xffff;
	_ =	sdelay $0x1  }
0x30e: {  	v15 =	vld [tilespmem:s2+$0x1040];
	v10 =	vadd.s32 s20, v10  }
0x30f: {  	[tilespmem:s24+$0x20] =	vst v13;
	v16 =	vld.idx.msk [tilespmem:v16+s8+$0x0], $0xffff;
	v10 =	vadd.s32 v8, v10  }
0x310: {  	v13 =	vadd.s32 s4, v14;
	v14 =	vld [tilespmem:s2+$0x1030]  }
0x311: {  	v13 =	vadd.s32 v8, v13;
	[tilespmem:s26+$0x20] =	vst v17  }
0x312: {  	v17 =	vld [tilespmem:s2+$0x1030]  }
0x313: {  	v19 =	vld [tilespmem:s2+$0x1000]  }
0x314: {  	v15 =	vadd.s32 s19, v15;
	[tilespmem:s13+$0x40] =	vst v16;
	v18 =	vld.idx.msk [tilespmem:v10+s8+$0x0], $0xffff  }
0x315: {  	v15 =	vadd.s32 v11, v15;
	v14 =	vadd.s32 s28, v14;
	v16 =	vld [tilespmem:s2+$0x1050]  }
0x316: {  	v13 =	vld.idx.msk [tilespmem:v13+s8+$0x0], $0xffff;
	v14 =	vadd.s32 v12, v14  }
0x317: {  	v10 =	vadd.s32 s29, v17  }
0x318: {  	s5 =	simm.s32 $0x7;
	v17 =	vadd.s32 v12, v10  }
0x319: {  	[tilespmem:s16+$0x10] =	vst v18;
	v18 =	vadd.s32 s5, v19  }
0x31a: {  	v15 =	vld.idx.msk [tilespmem:v15+s8+$0x0], $0xffff;
	v10 =	vor.u32 $0x2800, v7;
	v16 =	vadd.s32 s6, v16;
	v18 =	vadd.s32 v7, v18  }
0x31b: {  	s0 =	simm.s32 $0x6;
	[tilespmem:s15+$0x10] =	vst v13;
	v14 =	vld.idx.msk [tilespmem:v14+s8+$0x0], $0xffff;
	v16 =	vadd.s32 v10, v16  }
0x31c: {  	v19 =	vadd.s32 s0, v19;
	v13 =	vld [tilespmem:s2+$0x1020]  }
0x31d: {  	v19 =	vadd.s32 v7, v19;
	v17 =	vld.idx.msk [tilespmem:v17+s8+$0x0], $0xffff  }
0x31e: {  	v20 =	vld [tilespmem:s2+$0x1020]  }
0x31f: {  	v18 =	vld.idx.msk [tilespmem:v18+s8+$0x0], $0xffff  }
0x320: {  	[tilespmem:s14+$0x40] =	vst v15;
	v15 =	vld.idx.msk [tilespmem:v16+s8+$0x0], $0xffff  }
0x321: {  	s18 =	simm.s32 $0x600;
	[tilespmem:s24+$0x30] =	vst v14;
	v16 =	vld [tilespmem:s2+$0x1050]  }
0x322: {  	s7 =	simm.s32 $0x380;
	s3 =	sand.u32 $0x1800, s18;
	[tilespmem:s26+$0x30] =	vst v17;
	v17 =	vld.idx.msk [tilespmem:v19+s8+$0x0], $0xffff  }
0x323: {  	s23 =	sand.u32 $0x380, s7;
	s11 =	sadd.s32 $0x17800, s3;
	v13 =	vadd.s32 s4, v13;
	v14 =	vld [tilespmem:s2+$0x1040]  }
0x324: {  	s10 =	simm.s32 $0x300;
	s3 =	sor.u32 s23, s11;
	v20 =	vadd.s32 s20, v20;
	v13 =	vadd.s32 v9, v13  }
0x325: {  	s25 =	sand.u32 $0x300, s10;
	v20 =	vadd.s32 v9, v20;
	[tilespmem:s3+$0x0] =	vst v18  }
0x326: {  	s10 =	sor.u32 s25, s11;
	v19 =	vld [tilespmem:s2+$0x1040];
	[tilespmem:s13+$0x50] =	vst v15  }
0x327: {  	v15 =	vadd.s32 s19, v16;
	[tilespmem:s10+$0x0] =	vst v17;
	v17 =	vld [tilespmem:s2+$0x1010]  }
0x328: {  	v14 =	vadd.s32 s28, v14;
	v16 =	vld [tilespmem:s2+$0x1060];
	v15 =	vadd.s32 v10, v15  }
0x329: {  	v21 =	vld.idx.msk [tilespmem:v13+s8+$0x0], $0xffff;
	v14 =	vadd.s32 v11, v14  }
0x32a: {  	v18 =	vld.idx.msk [tilespmem:v20+s8+$0x0], $0xffff  }
0x32b: {  	v13 =	vadd.s32 s29, v19  }
0x32c: {  	v20 =	vld [tilespmem:s2+$0x1010];
	v19 =	vadd.s32 v11, v13;
	v17 =	vadd.s32 s5, v17  }
0x32d: {  	v13 =	vor.u32 $0x3000, v7;
	v16 =	vadd.s32 s6, v16;
	v15 =	vld.idx.msk [tilespmem:v15+s8+$0x0], $0xffff;
	v17 =	vadd.s32 v8, v17  }
0x32e: {  	[tilespmem:s15+$0x20] =	vst v21;
	v14 =	vld.idx.msk [tilespmem:v14+s8+$0x0], $0xffff;
	v16 =	vadd.s32 v13, v16  }
0x32f: {  	[tilespmem:s16+$0x20] =	vst v18;
	v18 =	vld [tilespmem:s2+$0x1030]  }
0x330: {  	v21 =	vld [tilespmem:s2+$0x1030]  }
0x331: {  	v20 =	vadd.s32 s0, v20;
	v19 =	vld.idx.msk [tilespmem:v19+s8+$0x0], $0xffff  }
0x332: {  	v20 =	vadd.s32 v8, v20;
	v17 =	vld.idx.msk [tilespmem:v17+s8+$0x0], $0xffff  }
0x333: {  	[tilespmem:s14+$0x50] =	vst v15;
	v15 =	vld.idx.msk [tilespmem:v16+s8+$0x0], $0xffff  }
0x334: {  	[tilespmem:s24+$0x40] =	vst v14;
	v14 =	vld [tilespmem:s2+$0x1060]  }
0x335: {  	v18 =	vadd.s32 s4, v18;
	v16 =	vld [tilespmem:s2+$0x1050]  }
0x336: {  	v22 =	vld [tilespmem:s2+$0x1000];
	v18 =	vadd.s32 v12, v18  }
0x337: {  	v20 =	vld.idx.msk [tilespmem:v20+s8+$0x0], $0xffff  }
0x338: {  	v21 =	vadd.s32 s20, v21;
	[tilespmem:s3+$0x10] =	vst v17  }
0x339: {  	[tilespmem:s13+$0x60] =	vst v15;
	v15 =	vadd.s32 v12, v21;
	v14 =	vadd.s32 s19, v14;
	v17 =	vld [tilespmem:s2+$0x1020]  }
0x33a: {  	[tilespmem:s26+$0x40] =	vst v19;
	v16 =	vadd.s32 s28, v16;
	v19 =	vld [tilespmem:s2+$0x1070];
	v23 =	vadd.s32 v13, v14  }
0x33b: {  	s11 =	simm.s32 $0x8;
	v18 =	vld.idx.msk [tilespmem:v18+s8+$0x0], $0xffff;
	v16 =	vadd.s32 v10, v16  }
0x33c: {  	s12 =	simm.s32 $0x9;
	v21 =	vld [tilespmem:s2+$0x1050];
	[tilespmem:s10+$0x10] =	vst v20;
	v20 =	vadd.s32 s11, v22  }
0x33d: {  	v14 =	vadd.s32 s12, v22;
	v24 =	vld [tilespmem:s2+$0x1020];
	v20 =	vadd.s32 v7, v20  }
0x33e: {  	v22 =	vadd.s32 v7, v14;
	v15 =	vld.idx.msk [tilespmem:v15+s8+$0x0], $0xffff;
	v17 =	vadd.s32 s5, v17  }
0x33f: {  	v14 =	vor.u32 $0x3800, v7;
	v19 =	vadd.s32 s6, v19;
	v23 =	vld.idx.msk [tilespmem:v23+s8+$0x0], $0xffff;
	v17 =	vadd.s32 v9, v17  }
0x340: {  	[tilespmem:s15+$0x30] =	vst v18;
	v16 =	vld.idx.msk [tilespmem:v16+s8+$0x0], $0xffff;
	v19 =	vadd.s32 v14, v19  }
0x341: {  	v18 =	vld [tilespmem:s2+$0x1040]  }
0x342: {  	v24 =	vadd.s32 s0, v24;
	v20 =	vld.idx.msk [tilespmem:v20+s8+$0x0], $0xffff  }
0x343: {  	s6 =	simm.s32 $0x800;
	v22 =	vld.idx.msk [tilespmem:v22+s8+$0x0], $0xffff;
	v24 =	vadd.s32 v9, v24  }
0x344: {  	s7 =	simm.s32 $0x480;
	s18 =	simm.s32 $0x400;
	s17 =	sand.u32 $0x1800, s6;
	v17 =	vld.idx.msk [tilespmem:v17+s8+$0x0], $0xffff  }
0x345: {  	s30 =	sand.u32 $0x380, s7;
	s31 =	sand.u32 $0x300, s18;
	s17 =	sadd.s32 $0x17800, s17;
	[tilespmem:s16+$0x30] =	vst v15;
	v15 =	vld.idx.msk [tilespmem:v19+s8+$0x0], $0xffff  }
0x346: {  	s18 =	sor.u32 s30, s17;
	s17 =	sor.u32 s31, s17;
	[tilespmem:s24+$0x50] =	vst v16;
	v19 =	vadd.s32 s29, v21;
	v21 =	vld [tilespmem:s2+$0x1040]  }
0x347: {  	[tilespmem:s17+$0x0] =	vst v20;
	v16 =	vadd.s32 v10, v19;
	v19 =	vld [tilespmem:s2+$0x1060]  }
0x348: {  	v18 =	vadd.s32 s4, v18;
	[tilespmem:s18+$0x0] =	vst v22;
	v22 =	vld.idx.msk [tilespmem:v24+s8+$0x0], $0xffff  }
0x349: {  	v18 =	vadd.s32 v11, v18;
	v62 =	vld [tilespmem:s2+$0x1010]  }
0x34a: {  	v20 =	vld [tilespmem:s2+$0x1010]  }
0x34b: {  	[tilespmem:s14+$0x60] =	vst v23;
	v21 =	vadd.s32 s20, v21  }
0x34c: {  	v23 =	vld [tilespmem:s2+$0x1070];
	v21 =	vadd.s32 v11, v21;
	v19 =	vadd.s32 s28, v19  }
0x34d: {  	v16 =	vld.idx.msk [tilespmem:v16+s8+$0x0], $0xffff;
	v19 =	vadd.s32 v13, v19  }
0x34e: {  	[tilespmem:s3+$0x20] =	vst v17;
	v18 =	vld.idx.msk [tilespmem:v18+s8+$0x0], $0xffff  }
0x34f: {  	[tilespmem:s10+$0x20] =	vst v22;
	v22 =	vadd.s32 s11, v62;
	v17 =	vadd.s32 s12, v20;
	v20 =	vld [tilespmem:s2+$0x1030]  }
0x350: {  	v25 =	vld [tilespmem:s2+$0x1030];
	v22 =	vadd.s32 v8, v22  }
0x351: {  	v63 =	vadd.s32 v8, v17;
	v26 =	vld.idx.msk [tilespmem:v21+s8+$0x0], $0xffff  }
0x352: {  	[tilespmem:s26+$0x50] =	vst v16;
	v16 =	vld.idx.msk [tilespmem:v19+s8+$0x0], $0xffff  }
0x353: {  	[tilespmem:s15+$0x40] =	vst v18;
	v17 =	vld [tilespmem:s2+$0x1060]  }
0x354: {  	v18 =	vld [tilespmem:s2+$0x1050];
	v19 =	vadd.s32 s5, v20  }
0x355: {  	[tilespmem:s13+$0x70] =	vst v15;
	v15 =	vadd.s32 s19, v23;
	v23 =	vadd.s32 s0, v25;
	v22 =	vld.idx.msk [tilespmem:v22+s8+$0x0], $0xffff;
	v20 =	vadd.s32 v12, v19  }
0x356: {  	v21 =	vld.idx.msk [tilespmem:v63+s8+$0x0], $0xffff;
	v19 =	vadd.s32 v12, v23  }
0x357: {  	s30 =	simm.s32 $0xA;
	s31 =	simm.s32 $0xC;
	s13 =	sor.u32 $0x80, s2;
	v15 =	vadd.s32 v14, v15;
	v23 =	vld [tilespmem:s2+$0x1000];
	[tilespmem:s16+$0x40] =	vst v26  }
.LBB2_18:
0x358: {  	p1 =	slt.u32 s31, $0x1E;
	v24 =	vld [tilespmem:s2+$0x1050];
	v17 =	vadd.s32 s29, v17;
	[tilespmem:s24+$0x60] =	vst v16  }
0x359: {  	v16 =	vadd.s32 s4, v18;
	v17 =	vadd.s32 v13, v17;
	v18 =	vld [tilespmem:s2+$0x1070]  }
0x35a: {  	v20 =	vld.idx.msk [tilespmem:v20+s8+$0x0], $0xffff;
	v16 =	vadd.s32 v10, v16  }
0x35b: {  	s23 =	sadd.s32 $0x1, s30;
	[tilespmem:s18+$0x10] =	vst v21;
	v19 =	vld.idx.msk [tilespmem:v19+s8+$0x0], $0xffff  }
0x35c: {  	v21 =	vadd.s32 s30, v23;
	v23 =	vadd.s32 s23, v23;
	[tilespmem:s17+$0x10] =	vst v22;
	v22 =	vld [tilespmem:s2+$0x1020]  }
0x35d: {  	v21 =	vadd.s32 v7, v21;
	v23 =	vadd.s32 v7, v23;
	v25 =	vld [tilespmem:s2+$0x1020];
	v24 =	vadd.s32 s20, v24  }
0x35e: {  	v24 =	vadd.s32 v10, v24;
	v17 =	vld.idx.msk [tilespmem:v17+s8+$0x0], $0xffff;
	v18 =	vadd.s32 s28, v18;
	s28 =	smov.u32 s4;
	s4 =	smov.u32 s5;
	s5 =	smov.u32 s12  }
0x35f: {  	s12 =	smov.u32 s23;
	v16 =	vld.idx.msk [tilespmem:v16+s8+$0x0], $0xffff;
	v18 =	vadd.s32 v14, v18  }
0x360: {  	[tilespmem:s3+$0x30] =	vst v20;
	v15 =	vld.idx.msk [tilespmem:v15+s8+$0x0], $0xffff  }
0x361: {  	v20 =	vadd.s32 s5, v22;
	[tilespmem:s10+$0x30] =	vst v19;
	v19 =	vld [tilespmem:s2+$0x1040]  }
0x362: {  	v22 =	vld.idx.msk [tilespmem:v23+s8+$0x0], $0xffff;
	v23 =	vadd.s32 s11, v25;
	v20 =	vadd.s32 v9, v20  }
0x363: {  	v21 =	vld.idx.msk [tilespmem:v21+s8+$0x0], $0xffff;
	v23 =	vadd.s32 v9, v23  }
0x364: {  	s6 =	sadd.s32 $0x200, s6;
	[tilespmem:s26+$0x60] =	vst v17;
	v17 =	vld.idx.msk [tilespmem:v18+s8+$0x0], $0xffff  }
0x365: {  	s7 =	sadd.s32 $0x100, s7;
	s23 =	sand.u32 $0x1800, s6;
	v18 =	vld [tilespmem:s2+$0x1040];
	[tilespmem:s15+$0x50] =	vst v16  }
0x366: {  	s25 =	sadd.s32 $0xFFFFFF80, s7;
	s19 =	sand.u32 $0x380, s7;
	s23 =	sadd.s32 $0x17800, s23;
	v16 =	vadd.s32 s4, v19;
	v19 =	vld [tilespmem:s2+$0x1060];
	[tilespmem:s14+$0x70] =	vst v15  }
0x367: {  	s25 =	sand.u32 $0x300, s25;
	s19 =	sor.u32 s19, s23;
	s14 =	smov.u32 s26;
	v15 =	vld.idx.msk [tilespmem:v20+s8+$0x0], $0xffff;
	v16 =	vadd.s32 v11, v16  }
0x368: {  	s23 =	sor.u32 s25, s23;
	s26 =	smov.u32 s16;
	s16 =	smov.u32 s10;
	[tilespmem:s19+$0x0] =	vst v22;
	v20 =	vld.idx.msk [tilespmem:v23+s8+$0x0], $0xffff  }
0x369: {  	s10 =	smov.u32 s17;
	s17 =	smov.u32 s23;
	[tilespmem:s23+$0x0] =	vst v21;
	v21 =	vld [tilespmem:s2+$0x1010]  }
0x36a: {  	v22 =	vld [tilespmem:s2+$0x1010];
	v18 =	vadd.s32 s0, v18;
	[tilespmem:s24+$0x70] =	vst v17;
	s24 =	smov.u32 s15;
	s15 =	smov.u32 s3;
	s3 =	smov.u32 s18  }
0x36b: {  	s18 =	smov.u32 s19;
	v17 =	vadd.s32 v11, v18;
	v18 =	vld.idx.msk [tilespmem:v24+s8+$0x0], $0xffff;
	v19 =	vadd.s32 s28, v19  }
0x36c: {  	v23 =	vld.idx.msk [tilespmem:v16+s8+$0x0], $0xffff;
	v16 =	vadd.s32 v13, v19  }
0x36d: {  	[tilespmem:s3+$0x20] =	vst v15;
	v15 =	vld [tilespmem:s2+$0x1070]  }
0x36e: {  	v19 =	vadd.s32 s12, v21;
	[tilespmem:s10+$0x20] =	vst v20;
	v20 =	vld [tilespmem:s2+$0x1030]  }
0x36f: {  	v21 =	vadd.s32 s30, v22;
	v19 =	vadd.s32 v8, v19;
	v22 =	vld [tilespmem:s2+$0x1030]  }
0x370: {  	v24 =	vadd.s32 v8, v21;
	v25 =	vld.idx.msk [tilespmem:v17+s8+$0x0], $0xffff  }
0x371: {  	[tilespmem:s26+$0x50] =	vst v18;
	v16 =	vld.idx.msk [tilespmem:v16+s8+$0x0], $0xffff  }
.Ltmp12:
0x372: {  	[tilespmem:s15+$0x40] =	vst v23;
	v17 =	vld [tilespmem:s2+$0x1060];
	v15 =	vadd.s32 s29, v15;
	s29 =	smov.u32 s20;
	s20 =	smov.u32 s0;
	(pc) =	sbr.rel @p1 .LBB2_18-.Ltmp12, $4  }
0x373: {  	s0 =	smov.u32 s11;
	s11 =	smov.u32 s30;
	s30 =	smov.u32 s31;
	v20 =	vadd.s32 s5, v20;
	v18 =	vld [tilespmem:s2+$0x1050];
	v15 =	vadd.s32 v14, v15  }
0x374: {  	v21 =	vld.idx.msk [tilespmem:v19+s8+$0x0], $0xffff;
	v19 =	vadd.s32 s0, v22;
	v20 =	vadd.s32 v12, v20  }
0x375: {  	v22 =	vld.idx.msk [tilespmem:v24+s8+$0x0], $0xffff;
	v19 =	vadd.s32 v12, v19  }
0x376: {  	s31 =	sadd.s32 $0x2, s31;
	v23 =	vld [tilespmem:s2+$0x1000];
	[tilespmem:s16+$0x40] =	vst v25  }
0x377: {  	_ =	sdelay $0x2  }
0x378: {  	s31 =	sadd.s32 $0x1, s30  }
0x379: {  	v24 =	vadd.s32 s31, v23  }
0x37a: {  	v23 =	vadd.s32 s30, v23;
	v24 =	vadd.s32 v7, v24  }
0x37b: {  	v23 =	vadd.s32 v7, v23;
	_ =	sdelay $0x3  }
0x37c: {  	v24 =	vld.idx.msk [tilespmem:v24+s8+$0x0], $0xffff  }
0x37d: {  	s6 =	sadd.s32 $0x200, s6;
	v23 =	vld.idx.msk [tilespmem:v23+s8+$0x0], $0xffff  }
0x37e: {  	s7 =	sadd.s32 $0x100, s7;
	s6 =	sand.u32 $0x1800, s6  }
0x37f: {  	s19 =	sadd.s32 $0xFFFFFF80, s7;
	s7 =	sand.u32 $0x380, s7;
	s23 =	sadd.s32 $0x17800, s6  }
0x380: {  	s19 =	sand.u32 $0x300, s19;
	s6 =	sor.u32 s7, s23  }
0x381: {  	s7 =	sor.u32 s19, s23;
	[tilespmem:s6+$0x0] =	vst v24  }
0x382: {  	[tilespmem:s7+$0x0] =	vst v23;
	v23 =	vld [tilespmem:s2+$0x1010]  }
0x383: {  	v48 =	vld [tilespmem:s2+$0x1010];
	_ =	sdelay $0x2  }
0x384: {  	[tilespmem:s18+$0x10] =	vst v21  }
0x385: {  	v21 =	vld [tilespmem:s2+$0x1020];
	v23 =	vadd.s32 s31, v23  }
0x386: {  	v24 =	vadd.s32 s30, v48;
	v23 =	vadd.s32 v8, v23  }
0x387: {  	v24 =	vadd.s32 v8, v24;
	_ =	sdelay $0x1  }
0x388: {  	[tilespmem:s17+$0x10] =	vst v22  }
0x389: {  	v22 =	vld [tilespmem:s2+$0x1020];
	v21 =	vadd.s32 s12, v21  }
0x38a: {  	v21 =	vadd.s32 v9, v21;
	v23 =	vld.idx.msk [tilespmem:v23+s8+$0x0], $0xffff  }
0x38b: {  	v24 =	vld.idx.msk [tilespmem:v24+s8+$0x0], $0xffff;
	_ =	sdelay $0x2  }
0x38c: {  	v22 =	vadd.s32 s11, v22  }
0x38d: {  	v22 =	vadd.s32 v9, v22;
	v21 =	vld.idx.msk [tilespmem:v21+s8+$0x0], $0xffff;
	[tilespmem:s6+$0x10] =	vst v23  }
0x38e: {  	[tilespmem:s7+$0x10] =	vst v24;
	v23 =	vld [tilespmem:s2+$0x1020]  }
0x38f: {  	v24 =	vld [tilespmem:s2+$0x1020];
	_ =	sdelay $0x2  }
0x390: {  	v22 =	vld.idx.msk [tilespmem:v22+s8+$0x0], $0xffff;
	[tilespmem:s18+$0x20] =	vst v21  }
0x391: {  	v21 =	vld [tilespmem:s2+$0x1030];
	v23 =	vadd.s32 s31, v23  }
0x392: {  	v24 =	vadd.s32 s30, v24;
	v23 =	vadd.s32 v9, v23  }
0x393: {  	v24 =	vadd.s32 v9, v24;
	_ =	sdelay $0x1  }
0x394: {  	[tilespmem:s17+$0x20] =	vst v22  }
0x395: {  	v22 =	vld [tilespmem:s2+$0x1030];
	v21 =	vadd.s32 s12, v21  }
0x396: {  	v21 =	vadd.s32 v12, v21;
	v23 =	vld.idx.msk [tilespmem:v23+s8+$0x0], $0xffff  }
0x397: {  	v24 =	vld.idx.msk [tilespmem:v24+s8+$0x0], $0xffff;
	_ =	sdelay $0x2  }
0x398: {  	v22 =	vadd.s32 s11, v22  }
0x399: {  	v22 =	vadd.s32 v12, v22;
	v21 =	vld.idx.msk [tilespmem:v21+s8+$0x0], $0xffff;
	[tilespmem:s6+$0x20] =	vst v23  }
0x39a: {  	v18 =	vadd.s32 s4, v18;
	[tilespmem:s7+$0x20] =	vst v24;
	v23 =	vld [tilespmem:s2+$0x1030]  }
0x39b: {  	v18 =	vadd.s32 v10, v18;
	v24 =	vld [tilespmem:s2+$0x1030]  }
0x39c: {  	v20 =	vld.idx.msk [tilespmem:v20+s8+$0x0], $0xffff;
	_ =	sdelay $0x1  }
0x39d: {  	v22 =	vld.idx.msk [tilespmem:v22+s8+$0x0], $0xffff;
	[tilespmem:s18+$0x30] =	vst v21  }
0x39e: {  	v21 =	vld [tilespmem:s2+$0x1040];
	v23 =	vadd.s32 s31, v23  }
0x39f: {  	v18 =	vld.idx.msk [tilespmem:v18+s8+$0x0], $0xffff;
	v24 =	vadd.s32 s30, v24;
	v23 =	vadd.s32 v12, v23  }
0x3a0: {  	v19 =	vld.idx.msk [tilespmem:v19+s8+$0x0], $0xffff;
	[tilespmem:s3+$0x30] =	vst v20;
	v20 =	vadd.s32 v12, v24  }
0x3a1: {  	v25 =	vld [tilespmem:s2+$0x1050]  }
0x3a2: {  	[tilespmem:s17+$0x30] =	vst v22  }
0x3a3: {  	v22 =	vld [tilespmem:s2+$0x1040];
	v21 =	vadd.s32 s12, v21  }
0x3a4: {  	[tilespmem:s15+$0x50] =	vst v18;
	v18 =	vadd.s32 v11, v21;
	v23 =	vld.idx.msk [tilespmem:v23+s8+$0x0], $0xffff  }
0x3a5: {  	[tilespmem:s10+$0x30] =	vst v19;
	v19 =	vld.idx.msk [tilespmem:v20+s8+$0x0], $0xffff  }
0x3a6: {  	v49 =	vld [tilespmem:s2+$0x1040];
	v20 =	vadd.s32 s20, v25  }
0x3a7: {  	v20 =	vadd.s32 v10, v20  }
0x3a8: {  	v50 =	vld [tilespmem:s2+$0x1040];
	v21 =	vadd.s32 s11, v22  }
0x3a9: {  	v21 =	vadd.s32 v11, v21;
	v18 =	vld.idx.msk [tilespmem:v18+s8+$0x0], $0xffff;
	[tilespmem:s6+$0x30] =	vst v23  }
0x3aa: {  	[tilespmem:s7+$0x30] =	vst v19;
	v19 =	vld [tilespmem:s2+$0x1040]  }
0x3ab: {  	v23 =	vadd.s32 s5, v49;
	v52 =	vld [tilespmem:s2+$0x1040]  }
0x3ac: {  	v23 =	vadd.s32 v11, v23;
	v20 =	vld.idx.msk [tilespmem:v20+s8+$0x0], $0xffff  }
0x3ad: {  	v51 =	vadd.s32 s0, v50  }
0x3ae: {  	v21 =	vld.idx.msk [tilespmem:v21+s8+$0x0], $0xffff;
	v24 =	vadd.s32 v11, v51  }
0x3af: {  	v22 =	vld [tilespmem:s2+$0x1060];
	v19 =	vadd.s32 s31, v19  }
0x3b0: {  	[tilespmem:s18+$0x40] =	vst v18;
	v25 =	vadd.s32 s30, v52;
	v19 =	vadd.s32 v11, v19  }
0x3b1: {  	v23 =	vld.idx.msk [tilespmem:v23+s8+$0x0], $0xffff;
	[tilespmem:s16+$0x50] =	vst v20;
	v20 =	vadd.s32 v11, v25  }
0x3b2: {  	v18 =	vld [tilespmem:s2+$0x1050]  }
0x3b3: {  	[tilespmem:s17+$0x40] =	vst v21;
	v24 =	vld.idx.msk [tilespmem:v24+s8+$0x0], $0xffff  }
0x3b4: {  	v21 =	vadd.s32 s4, v22;
	v22 =	vld [tilespmem:s2+$0x1050]  }
0x3b5: {  	v19 =	vld.idx.msk [tilespmem:v19+s8+$0x0], $0xffff  }
0x3b6: {  	[tilespmem:s3+$0x40] =	vst v23;
	v20 =	vld.idx.msk [tilespmem:v20+s8+$0x0], $0xffff  }
0x3b7: {  	v18 =	vadd.s32 s12, v18;
	v23 =	vld [tilespmem:s2+$0x1050]  }
0x3b8: {  	v18 =	vadd.s32 v10, v18;
	[tilespmem:s10+$0x40] =	vst v24  }
0x3b9: {  	v22 =	vadd.s32 s11, v22;
	v24 =	vld [tilespmem:s2+$0x1050]  }
0x3ba: {  	v22 =	vadd.s32 v10, v22;
	[tilespmem:s6+$0x40] =	vst v19  }
0x3bb: {  	v17 =	vadd.s32 s29, v17;
	[tilespmem:s7+$0x40] =	vst v20;
	v54 =	vld [tilespmem:s2+$0x1050]  }
0x3bc: {  	v17 =	vadd.s32 v13, v17;
	v20 =	vadd.s32 s5, v23;
	v23 =	vld [tilespmem:s2+$0x1050]  }
0x3bd: {  	v18 =	vld.idx.msk [tilespmem:v18+s8+$0x0], $0xffff;
	v20 =	vadd.s32 v10, v20  }
0x3be: {  	v24 =	vadd.s32 s0, v24  }
0x3bf: {  	v22 =	vld.idx.msk [tilespmem:v22+s8+$0x0], $0xffff;
	v24 =	vadd.s32 v10, v24  }
0x3c0: {  	v53 =	vld [tilespmem:s2+$0x1060];
	v25 =	vadd.s32 s31, v54  }
0x3c1: {  	v17 =	vld.idx.msk [tilespmem:v17+s8+$0x0], $0xffff;
	v23 =	vadd.s32 s30, v23;
	v25 =	vadd.s32 v10, v25  }
0x3c2: {  	[tilespmem:s18+$0x50] =	vst v18;
	v20 =	vld.idx.msk [tilespmem:v20+s8+$0x0], $0xffff;
	v23 =	vadd.s32 v10, v23  }
0x3c3: {  	v18 =	vld [tilespmem:s2+$0x1060]  }
0x3c4: {  	[tilespmem:s17+$0x50] =	vst v22;
	v24 =	vld.idx.msk [tilespmem:v24+s8+$0x0], $0xffff;
	v19 =	vadd.s32 v13, v21  }
0x3c5: {  	v22 =	vld [tilespmem:s2+$0x1060];
	v21 =	vadd.s32 s20, v53  }
0x3c6: {  	v21 =	vadd.s32 v13, v21;
	v25 =	vld.idx.msk [tilespmem:v25+s8+$0x0], $0xffff  }
0x3c7: {  	[tilespmem:s3+$0x50] =	vst v20;
	v20 =	vld.idx.msk [tilespmem:v23+s8+$0x0], $0xffff  }
0x3c8: {  	v23 =	vld [tilespmem:s2+$0x1060]  }
0x3c9: {  	[tilespmem:s10+$0x50] =	vst v24;
	v19 =	vld.idx.msk [tilespmem:v19+s8+$0x0], $0xffff  }
0x3ca: {  	v18 =	vadd.s32 s12, v18;
	v24 =	vld [tilespmem:s2+$0x1060]  }
0x3cb: {  	v18 =	vadd.s32 v13, v18;
	v21 =	vld.idx.msk [tilespmem:v21+s8+$0x0], $0xffff;
	[tilespmem:s6+$0x50] =	vst v25  }
0x3cc: {  	[tilespmem:s7+$0x50] =	vst v20;
	v25 =	vld [tilespmem:s2+$0x1060]  }
0x3cd: {  	[tilespmem:s24+$0x60] =	vst v16;
	v20 =	vadd.s32 s5, v23;
	v23 =	vld [tilespmem:s2+$0x1060]  }
0x3ce: {  	[tilespmem:s15+$0x60] =	vst v19;
	v19 =	vadd.s32 s11, v22;
	v16 =	vadd.s32 v13, v20  }
0x3cf: {  	v55 =	vld [tilespmem:s2+$0x1070];
	v19 =	vadd.s32 v13, v19  }
0x3d0: {  	[tilespmem:s26+$0x60] =	vst v17;
	v18 =	vld.idx.msk [tilespmem:v18+s8+$0x0], $0xffff;
	v20 =	vadd.s32 s0, v24  }
0x3d1: {  	v22 =	vld [tilespmem:s2+$0x1070];
	[tilespmem:s16+$0x60] =	vst v21;
	v17 =	vadd.s32 v13, v20;
	v21 =	vadd.s32 s31, v25  }
0x3d2: {  	v56 =	vld [tilespmem:s2+$0x1070];
	v23 =	vadd.s32 s30, v23;
	v21 =	vadd.s32 v13, v21  }
0x3d3: {  	v16 =	vld.idx.msk [tilespmem:v16+s8+$0x0], $0xffff;
	v23 =	vadd.s32 v13, v23  }
0x3d4: {  	v19 =	vld.idx.msk [tilespmem:v19+s8+$0x0], $0xffff  }
0x3d5: {  	v20 =	vld [tilespmem:s2+$0x1070]  }
0x3d6: {  	v17 =	vld.idx.msk [tilespmem:v17+s8+$0x0], $0xffff  }
0x3d7: {  	v21 =	vld.idx.msk [tilespmem:v21+s8+$0x0], $0xffff  }
0x3d8: {  	[tilespmem:s3+$0x60] =	vst v16;
	v16 =	vld.idx.msk [tilespmem:v23+s8+$0x0], $0xffff  }
0x3d9: {  	[tilespmem:s17+$0x60] =	vst v19;
	v23 =	vld [tilespmem:s2+$0x1070]  }
0x3da: {  	[tilespmem:s18+$0x60] =	vst v18;
	v19 =	vadd.s32 s4, v22;
	v22 =	vld [tilespmem:s2+$0x1070]  }
0x3db: {  	v19 =	vadd.s32 v14, v19;
	v18 =	vadd.s32 s29, v20;
	v20 =	vld [tilespmem:s2+$0x1070];
	[tilespmem:s10+$0x60] =	vst v17  }
0x3dc: {  	v18 =	vadd.s32 v14, v18;
	v17 =	vadd.s32 s28, v55;
	v57 =	vld [tilespmem:s2+$0x1070];
	[tilespmem:s6+$0x60] =	vst v21  }
0x3dd: {  	v17 =	vadd.s32 v14, v17;
	v21 =	vadd.s32 s20, v56;
	[tilespmem:s7+$0x60] =	vst v16;
	v58 =	vld [tilespmem:s2+$0x1070]  }
0x3de: {  	v16 =	vadd.s32 v14, v21;
	v21 =	vadd.s32 s5, v23;
	v23 =	vld [tilespmem:s2+$0x1070]  }
0x3df: {  	v15 =	vld.idx.msk [tilespmem:v15+s8+$0x0], $0xffff;
	v22 =	vadd.s32 s11, v22;
	v21 =	vadd.s32 v14, v21  }
0x3e0: {  	v19 =	vld.idx.msk [tilespmem:v19+s8+$0x0], $0xffff;
	v22 =	vadd.s32 v14, v22;
	v20 =	vadd.s32 s12, v20  }
0x3e1: {  	v18 =	vld.idx.msk [tilespmem:v18+s8+$0x0], $0xffff;
	v20 =	vadd.s32 v14, v20;
	v24 =	vadd.s32 s0, v57  }
0x3e2: {  	v17 =	vld.idx.msk [tilespmem:v17+s8+$0x0], $0xffff;
	v24 =	vadd.s32 v14, v24;
	v25 =	vadd.s32 s31, v58  }
0x3e3: {  	v16 =	vld.idx.msk [tilespmem:v16+s8+$0x0], $0xffff;
	v23 =	vadd.s32 s30, v23;
	v25 =	vadd.s32 v14, v25  }
0x3e4: {  	[tilespmem:s14+$0x70] =	vst v15;
	v15 =	vld.idx.msk [tilespmem:v21+s8+$0x0], $0xffff;
	v21 =	vadd.s32 v14, v23  }
0x3e5: {  	[tilespmem:s15+$0x70] =	vst v19;
	v19 =	vld.idx.msk [tilespmem:v22+s8+$0x0], $0xffff  }
0x3e6: {  	[tilespmem:s26+$0x70] =	vst v18;
	v18 =	vld.idx.msk [tilespmem:v20+s8+$0x0], $0xffff  }
0x3e7: {  	[tilespmem:s24+$0x70] =	vst v17;
	v17 =	vld.idx.msk [tilespmem:v24+s8+$0x0], $0xffff  }
0x3e8: {  	[tilespmem:s16+$0x70] =	vst v16;
	v16 =	vld.idx.msk [tilespmem:v25+s8+$0x0], $0xffff  }
0x3e9: {  	[tilespmem:s3+$0x70] =	vst v15;
	v15 =	vld.idx.msk [tilespmem:v21+s8+$0x0], $0xffff  }
0x3ea: {  	[tilespmem:s17+$0x70] =	vst v19  }
0x3eb: {  	[tilespmem:s18+$0x70] =	vst v18  }
0x3ec: {  	[tilespmem:s10+$0x70] =	vst v17  }
0x3ed: {  	[tilespmem:s6+$0x70] =	vst v16  }
0x3ee: {  	s23 =	simm.s32 $0x5;
	[tilespmem:s7+$0x70] =	vst v15  }
0x3ef: {  	_ =	swait.ge [sflag:s23], $0x4000  }
0x3f0: {  	[sflag:s23] =	ssyncset.done $0x0  }
0x3f1: {  	[sflag:s23] =	ssyncadd.s32 $0xFFFFC000  }
0x3f2: {  	v15 =	vld [tilespmem:s13+$0x1000];
	_ =	sdelay $0x3  }
0x3f3: {  	s17 =	simm.s32 $0x1  }
0x3f4: {  	v16 =	vadd.s32 s17, v15  }
0x3f5: {  	v16 =	vadd.s32 v7, v16;
	_ =	sdelay $0x2  }
0x3f6: {  	s30 =	simm.s32 $0x0  }
0x3f7: {  	v15 =	vadd.s32 s30, v15  }
0x3f8: {  	v15 =	vadd.s32 v7, v15;
	v16 =	vld.idx.msk [tilespmem:v16+s9+$0x0], $0xffff;
	_ =	sdelay $0x1  }
0x3f9: {  	s24 =	simm.s32 $0x80;
	s25 =	sand.u32 $0x1800, s30  }
0x3fa: {  	s0 =	sand.u32 $0x380, s24;
	s3 =	sadd.s32 $0x17800, s25  }
0x3fb: {  	s6 =	sor.u32 s0, s3  }
0x3fc: {  	v15 =	vld.idx.msk [tilespmem:v15+s9+$0x0], $0xffff;
	[tilespmem:s6+$0x400] =	vst v16  }
0x3fd: {  	v16 =	vld [tilespmem:s2+$0x1090]  }
0x3fe: {  	s26 =	simm.s32 $0x0  }
0x3ff: {  	s0 =	sand.u32 $0x300, s26  }
0x400: {  	s14 =	sor.u32 s0, s3  }
0x401: {  	[tilespmem:s14+$0x400] =	vst v15  }
0x402: {  	v15 =	vld [tilespmem:s2+$0x1090];
	v16 =	vadd.s32 s17, v16  }
0x403: {  	v16 =	vadd.s32 v8, v16;
	_ =	sdelay $0x3  }
0x404: {  	v15 =	vadd.s32 s30, v15  }
0x405: {  	v15 =	vadd.s32 v8, v15;
	v16 =	vld.idx.msk [tilespmem:v16+s9+$0x0], $0xffff  }
0x406: {  	v17 =	vld [tilespmem:s13+$0x1000];
	_ =	sdelay $0x3  }
0x407: {  	s28 =	simm.s32 $0x3;
	v15 =	vld.idx.msk [tilespmem:v15+s9+$0x0], $0xffff;
	[tilespmem:s6+$0x410] =	vst v16  }
0x408: {  	v16 =	vadd.s32 s28, v17;
	v18 =	vld [tilespmem:s2+$0x10A0]  }
0x409: {  	s29 =	simm.s32 $0x2;
	v16 =	vadd.s32 v7, v16  }
0x40a: {  	v17 =	vadd.s32 s29, v17  }
0x40b: {  	v17 =	vadd.s32 v7, v17  }
0x40c: {  	[tilespmem:s14+$0x410] =	vst v15  }
0x40d: {  	v15 =	vld [tilespmem:s2+$0x10A0];
	v18 =	vadd.s32 s17, v18  }
0x40e: {  	v16 =	vld.idx.msk [tilespmem:v16+s9+$0x0], $0xffff;
	v18 =	vadd.s32 v9, v18  }
0x40f: {  	s4 =	simm.s32 $0x200  }
0x410: {  	s5 =	simm.s32 $0x180;
	s0 =	sand.u32 $0x1800, s4;
	v17 =	vld.idx.msk [tilespmem:v17+s9+$0x0], $0xffff  }
0x411: {  	s3 =	sand.u32 $0x380, s5;
	s0 =	sadd.s32 $0x17800, s0  }
0x412: {  	s7 =	simm.s32 $0x100;
	s24 =	sor.u32 s3, s0;
	v15 =	vadd.s32 s30, v15  }
0x413: {  	s3 =	sand.u32 $0x300, s7;
	v15 =	vadd.s32 v9, v15;
	[tilespmem:s24+$0x400] =	vst v16;
	v18 =	vld.idx.msk [tilespmem:v18+s9+$0x0], $0xffff  }
0x414: {  	s26 =	sor.u32 s3, s0;
	v16 =	vld [tilespmem:s2+$0x1090]  }
0x415: {  	[tilespmem:s26+$0x400] =	vst v17  }
0x416: {  	v17 =	vld [tilespmem:s2+$0x1090];
	_ =	sdelay $0x1  }
0x417: {  	v15 =	vld.idx.msk [tilespmem:v15+s9+$0x0], $0xffff  }
0x418: {  	[tilespmem:s6+$0x420] =	vst v18;
	v16 =	vadd.s32 s28, v16  }
0x419: {  	v18 =	vld [tilespmem:s2+$0x10B0];
	v16 =	vadd.s32 v8, v16  }
0x41a: {  	v17 =	vadd.s32 s29, v17  }
0x41b: {  	v17 =	vadd.s32 v8, v17  }
0x41c: {  	v19 =	vld [tilespmem:s13+$0x1000];
	[tilespmem:s14+$0x420] =	vst v15  }
0x41d: {  	v15 =	vld [tilespmem:s2+$0x10B0]  }
0x41e: {  	v18 =	vadd.s32 s17, v18;
	v16 =	vld.idx.msk [tilespmem:v16+s9+$0x0], $0xffff  }
0x41f: {  	v18 =	vadd.s32 v12, v18  }
0x420: {  	v17 =	vld.idx.msk [tilespmem:v17+s9+$0x0], $0xffff;
	_ =	sdelay $0x1  }
0x421: {  	s20 =	simm.s32 $0x5;
	v15 =	vadd.s32 s30, v15  }
0x422: {  	s16 =	simm.s32 $0x4;
	v15 =	vadd.s32 v12, v15;
	[tilespmem:s24+$0x410] =	vst v16;
	v16 =	vadd.s32 s20, v19  }
0x423: {  	v19 =	vadd.s32 s16, v19;
	v18 =	vld.idx.msk [tilespmem:v18+s9+$0x0], $0xffff;
	v16 =	vadd.s32 v7, v16  }
0x424: {  	[tilespmem:s26+$0x410] =	vst v17;
	v20 =	vld [tilespmem:s2+$0x10A0];
	v19 =	vadd.s32 v7, v19  }
0x425: {  	v17 =	vld [tilespmem:s2+$0x10A0];
	_ =	sdelay $0x1  }
0x426: {  	v15 =	vld.idx.msk [tilespmem:v15+s9+$0x0], $0xffff  }
0x427: {  	v16 =	vld.idx.msk [tilespmem:v16+s9+$0x0], $0xffff  }
0x428: {  	s10 =	simm.s32 $0x400;
	[tilespmem:s6+$0x430] =	vst v18;
	v19 =	vld.idx.msk [tilespmem:v19+s9+$0x0], $0xffff  }
0x429: {  	s11 =	simm.s32 $0x280;
	s0 =	sand.u32 $0x1800, s10;
	v18 =	vadd.s32 s28, v20;
	v17 =	vadd.s32 s29, v17;
	v20 =	vld [tilespmem:s2+$0x10C0]  }
0x42a: {  	s12 =	simm.s32 $0x200;
	s3 =	sand.u32 $0x380, s11;
	s0 =	sadd.s32 $0x17800, s0;
	v17 =	vadd.s32 v9, v17  }
0x42b: {  	s15 =	sand.u32 $0x300, s12;
	s4 =	sor.u32 s3, s0  }
0x42c: {  	s15 =	sor.u32 s15, s0;
	v18 =	vadd.s32 v9, v18;
	[tilespmem:s4+$0x400] =	vst v16  }
0x42d: {  	[tilespmem:s15+$0x400] =	vst v19;
	v16 =	vld [tilespmem:s2+$0x1090]  }
0x42e: {  	[tilespmem:s14+$0x430] =	vst v15;
	v20 =	vadd.s32 s17, v20;
	v15 =	vld [tilespmem:s2+$0x1090]  }
0x42f: {  	v17 =	vld.idx.msk [tilespmem:v17+s9+$0x0], $0xffff;
	v20 =	vadd.s32 v11, v20  }
0x430: {  	v19 =	vld [tilespmem:s2+$0x10C0]  }
0x431: {  	v18 =	vld.idx.msk [tilespmem:v18+s9+$0x0], $0xffff  }
0x432: {  	v16 =	vadd.s32 s20, v16  }
0x433: {  	v15 =	vadd.s32 s16, v15;
	v16 =	vadd.s32 v8, v16  }
0x434: {  	[tilespmem:s26+$0x420] =	vst v17;
	v20 =	vld.idx.msk [tilespmem:v20+s9+$0x0], $0xffff;
	v15 =	vadd.s32 v8, v15  }
0x435: {  	v17 =	vadd.s32 s30, v19;
	v19 =	vld [tilespmem:s2+$0x10B0]  }
0x436: {  	v21 =	vld [tilespmem:s13+$0x1000];
	[tilespmem:s24+$0x420] =	vst v18  }
0x437: {  	v18 =	vld [tilespmem:s2+$0x10B0]  }
0x438: {  	v16 =	vld.idx.msk [tilespmem:v16+s9+$0x0], $0xffff  }
0x439: {  	v15 =	vld.idx.msk [tilespmem:v15+s9+$0x0], $0xffff  }
0x43a: {  	[tilespmem:s6+$0x440] =	vst v20;
	v19 =	vadd.s32 s29, v19  }
0x43b: {  	v20 =	vld [tilespmem:s2+$0x10D0];
	v19 =	vadd.s32 v12, v19  }
0x43c: {  	v17 =	vadd.s32 v11, v17  }
0x43d: {  	s0 =	simm.s32 $0x7;
	v18 =	vadd.s32 s28, v18;
	[tilespmem:s4+$0x410] =	vst v16  }
0x43e: {  	s3 =	simm.s32 $0x6;
	v18 =	vadd.s32 v12, v18;
	[tilespmem:s15+$0x410] =	vst v15;
	v16 =	vadd.s32 s0, v21;
	v15 =	vld [tilespmem:s2+$0x10A0]  }
0x43f: {  	v21 =	vadd.s32 s3, v21;
	v22 =	vld [tilespmem:s2+$0x10A0];
	v16 =	vadd.s32 v7, v16  }
0x440: {  	v20 =	vadd.s32 s17, v20;
	v19 =	vld.idx.msk [tilespmem:v19+s9+$0x0], $0xffff;
	v21 =	vadd.s32 v7, v21  }
0x441: {  	v17 =	vld.idx.msk [tilespmem:v17+s9+$0x0], $0xffff;
	v20 =	vadd.s32 v10, v20;
	_ =	sdelay $0x1  }
0x442: {  	v18 =	vld.idx.msk [tilespmem:v18+s9+$0x0], $0xffff  }
0x443: {  	v15 =	vadd.s32 s20, v15;
	v16 =	vld.idx.msk [tilespmem:v16+s9+$0x0], $0xffff  }
0x444: {  	v22 =	vadd.s32 s16, v22;
	[tilespmem:s26+$0x430] =	vst v19;
	v19 =	vld.idx.msk [tilespmem:v21+s9+$0x0], $0xffff;
	v15 =	vadd.s32 v9, v15  }
0x445: {  	s18 =	simm.s32 $0x600;
	[tilespmem:s14+$0x440] =	vst v17;
	v17 =	vld.idx.msk [tilespmem:v20+s9+$0x0], $0xffff;
	v22 =	vadd.s32 v9, v22  }
0x446: {  	s19 =	simm.s32 $0x380;
	s5 =	sand.u32 $0x1800, s18;
	v20 =	vld [tilespmem:s2+$0x10D0]  }
0x447: {  	s25 =	sadd.s32 $0x17800, s5;
	s23 =	simm.s32 $0x300;
	s7 =	sand.u32 $0x380, s19;
	[tilespmem:s24+$0x430] =	vst v18  }
0x448: {  	s12 =	sand.u32 $0x300, s23;
	s5 =	sor.u32 s7, s25;
	v18 =	vld [tilespmem:s2+$0x10C0]  }
0x449: {  	s10 =	sor.u32 s12, s25;
	[tilespmem:s5+$0x400] =	vst v16;
	v15 =	vld.idx.msk [tilespmem:v15+s9+$0x0], $0xffff  }
0x44a: {  	[tilespmem:s10+$0x400] =	vst v19;
	v16 =	vld.idx.msk [tilespmem:v22+s9+$0x0], $0xffff  }
0x44b: {  	[tilespmem:s6+$0x450] =	vst v17;
	v17 =	vadd.s32 s30, v20;
	v19 =	vld [tilespmem:s2+$0x1090]  }
0x44c: {  	v22 =	vld [tilespmem:s2+$0x1090];
	v17 =	vadd.s32 v10, v17  }
0x44d: {  	v18 =	vadd.s32 s28, v18;
	v20 =	vld [tilespmem:s2+$0x10E0]  }
0x44e: {  	v18 =	vadd.s32 v11, v18  }
0x44f: {  	v21 =	vld [tilespmem:s2+$0x10C0]  }
0x450: {  	[tilespmem:s4+$0x420] =	vst v15;
	v15 =	vadd.s32 s0, v19  }
0x451: {  	v19 =	vadd.s32 s3, v22;
	v17 =	vld.idx.msk [tilespmem:v17+s9+$0x0], $0xffff;
	v15 =	vadd.s32 v8, v15  }
0x452: {  	[tilespmem:s15+$0x420] =	vst v16;
	v20 =	vadd.s32 s17, v20;
	v16 =	vld [tilespmem:s2+$0x10B0];
	v19 =	vadd.s32 v8, v19  }
0x453: {  	v18 =	vld.idx.msk [tilespmem:v18+s9+$0x0], $0xffff;
	v20 =	vadd.s32 v13, v20  }
0x454: {  	v23 =	vld [tilespmem:s13+$0x1000];
	v21 =	vadd.s32 s29, v21  }
0x455: {  	v21 =	vadd.s32 v11, v21;
	v22 =	vld [tilespmem:s2+$0x10B0]  }
0x456: {  	v15 =	vld.idx.msk [tilespmem:v15+s9+$0x0], $0xffff  }
0x457: {  	[tilespmem:s14+$0x450] =	vst v17;
	v16 =	vadd.s32 s20, v16;
	v19 =	vld.idx.msk [tilespmem:v19+s9+$0x0], $0xffff  }
0x458: {  	[tilespmem:s24+$0x440] =	vst v18;
	v17 =	vld.idx.msk [tilespmem:v20+s9+$0x0], $0xffff;
	v16 =	vadd.s32 v12, v16  }
0x459: {  	v20 =	vld [tilespmem:s2+$0x10D0]  }
0x45a: {  	v21 =	vld.idx.msk [tilespmem:v21+s9+$0x0], $0xffff;
	_ =	sdelay $0x1  }
0x45b: {  	s12 =	simm.s32 $0x9;
	v22 =	vadd.s32 s16, v22;
	v18 =	vld [tilespmem:s2+$0x10E0];
	[tilespmem:s5+$0x410] =	vst v15  }
0x45c: {  	v15 =	vadd.s32 s12, v23;
	[tilespmem:s6+$0x460] =	vst v17;
	v17 =	vadd.s32 v12, v22;
	v16 =	vld.idx.msk [tilespmem:v16+s9+$0x0], $0xffff  }
0x45d: {  	[tilespmem:s10+$0x410] =	vst v19;
	v20 =	vadd.s32 s28, v20;
	v19 =	vld [tilespmem:s2+$0x10A0];
	v15 =	vadd.s32 v7, v15  }
0x45e: {  	s11 =	simm.s32 $0x8;
	[tilespmem:s26+$0x440] =	vst v21;
	v59 =	vld [tilespmem:s2+$0x10A0];
	v20 =	vadd.s32 v10, v20  }
0x45f: {  	v23 =	vadd.s32 s11, v23;
	v22 =	vld [tilespmem:s2+$0x10D0]  }
0x460: {  	v18 =	vadd.s32 s30, v18;
	v23 =	vadd.s32 v7, v23;
	v21 =	vld [tilespmem:s2+$0x10F0]  }
0x461: {  	v18 =	vadd.s32 v13, v18;
	v17 =	vld.idx.msk [tilespmem:v17+s9+$0x0], $0xffff  }
0x462: {  	[tilespmem:s4+$0x430] =	vst v16;
	v16 =	vadd.s32 s0, v19;
	v15 =	vld.idx.msk [tilespmem:v15+s9+$0x0], $0xffff  }
0x463: {  	v24 =	vadd.s32 s3, v59;
	v20 =	vld.idx.msk [tilespmem:v20+s9+$0x0], $0xffff;
	v16 =	vadd.s32 v9, v16  }
0x464: {  	s7 =	simm.s32 $0x800;
	v19 =	vld [tilespmem:s2+$0x10C0];
	v24 =	vadd.s32 v9, v24  }
0x465: {  	s31 =	simm.s32 $0x480;
	s18 =	sand.u32 $0x1800, s7;
	v23 =	vld.idx.msk [tilespmem:v23+s9+$0x0], $0xffff  }
0x466: {  	s23 =	sand.u32 $0x380, s31;
	v21 =	vadd.s32 s17, v21;
	v18 =	vld.idx.msk [tilespmem:v18+s9+$0x0], $0xffff;
	s17 =	sadd.s32 $0x17800, s18;
	[tilespmem:s15+$0x430] =	vst v17  }
0x467: {  	s18 =	sor.u32 s23, s17;
	v17 =	vadd.s32 s29, v22;
	v22 =	vld [tilespmem:s2+$0x10C0]  }
0x468: {  	s19 =	simm.s32 $0x400;
	v21 =	vadd.s32 v14, v21;
	[tilespmem:s18+$0x400] =	vst v15;
	v16 =	vld.idx.msk [tilespmem:v16+s9+$0x0], $0xffff  }
0x469: {  	s25 =	sand.u32 $0x300, s19;
	[tilespmem:s24+$0x450] =	vst v20;
	v17 =	vadd.s32 v10, v17;
	v19 =	vadd.s32 s20, v19;
	v15 =	vld.idx.msk [tilespmem:v24+s9+$0x0], $0xffff  }
0x46a: {  	s17 =	sor.u32 s25, s17;
	v20 =	vld [tilespmem:s2+$0x10E0];
	v19 =	vadd.s32 v11, v19  }
0x46b: {  	[tilespmem:s17+$0x400] =	vst v23;
	v23 =	vld [tilespmem:s2+$0x1090]  }
0x46c: {  	v60 =	vld [tilespmem:s2+$0x1090]  }
0x46d: {  	v21 =	vld.idx.msk [tilespmem:v21+s9+$0x0], $0xffff;
	v22 =	vadd.s32 s16, v22  }
0x46e: {  	[tilespmem:s14+$0x460] =	vst v18;
	v17 =	vld.idx.msk [tilespmem:v17+s9+$0x0], $0xffff;
	v22 =	vadd.s32 v11, v22  }
0x46f: {  	[tilespmem:s5+$0x420] =	vst v16;
	v20 =	vadd.s32 s28, v20;
	v18 =	vld.idx.msk [tilespmem:v19+s9+$0x0], $0xffff  }
0x470: {  	[tilespmem:s10+$0x420] =	vst v15;
	v15 =	vld [tilespmem:s2+$0x10B0];
	v19 =	vadd.s32 v13, v20  }
0x471: {  	v16 =	vadd.s32 s12, v23;
	v20 =	vld [tilespmem:s2+$0x10F0]  }
0x472: {  	v23 =	vadd.s32 s11, v60;
	v61 =	vadd.s32 v8, v16;
	v62 =	vld [tilespmem:s2+$0x10B0]  }
0x473: {  	v23 =	vadd.s32 v8, v23;
	[tilespmem:s26+$0x450] =	vst v17;
	v26 =	vld.idx.msk [tilespmem:v22+s9+$0x0], $0xffff  }
0x474: {  	v17 =	vld [tilespmem:s2+$0x10E0]  }
0x475: {  	[tilespmem:s4+$0x440] =	vst v18;
	v16 =	vld.idx.msk [tilespmem:v19+s9+$0x0], $0xffff  }
0x476: {  	v18 =	vld [tilespmem:s2+$0x10D0];
	v19 =	vadd.s32 s30, v20;
	v20 =	vadd.s32 s0, v15  }
0x477: {  	[tilespmem:s6+$0x470] =	vst v21;
	v21 =	vld.idx.msk [tilespmem:v61+s9+$0x0], $0xffff;
	v63 =	vadd.s32 s3, v62;
	v20 =	vadd.s32 v12, v20  }
0x478: {  	v22 =	vld.idx.msk [tilespmem:v23+s9+$0x0], $0xffff;
	v15 =	vadd.s32 v14, v19;
	v19 =	vadd.s32 v12, v63  }
0x479: {  	s6 =	simm.s32 $0xC;
	v23 =	vld [tilespmem:s13+$0x1000];
	s30 =	simm.s32 $0xA;
	[tilespmem:s15+$0x440] =	vst v26  }
.LBB2_20:
0x47a: {  	p1 =	slt.u32 s6, $0x1E;
	v24 =	vld [tilespmem:s2+$0x10D0];
	v17 =	vadd.s32 s29, v17;
	[tilespmem:s24+$0x460] =	vst v16  }
0x47b: {  	v16 =	vadd.s32 s20, v18;
	v17 =	vadd.s32 v13, v17;
	v18 =	vld [tilespmem:s2+$0x10F0]  }
0x47c: {  	v20 =	vld.idx.msk [tilespmem:v20+s9+$0x0], $0xffff;
	v16 =	vadd.s32 v10, v16  }
0x47d: {  	s19 =	sadd.s32 $0x1, s30;
	[tilespmem:s18+$0x410] =	vst v21;
	v19 =	vld.idx.msk [tilespmem:v19+s9+$0x0], $0xffff  }
0x47e: {  	v21 =	vadd.s32 s30, v23;
	v23 =	vadd.s32 s19, v23;
	[tilespmem:s17+$0x410] =	vst v22;
	v22 =	vld [tilespmem:s2+$0x10A0]  }
0x47f: {  	v21 =	vadd.s32 v7, v21;
	v23 =	vadd.s32 v7, v23;
	v25 =	vld [tilespmem:s2+$0x10A0];
	v24 =	vadd.s32 s16, v24  }
0x480: {  	v24 =	vadd.s32 v10, v24;
	v17 =	vld.idx.msk [tilespmem:v17+s9+$0x0], $0xffff;
	v18 =	vadd.s32 s28, v18;
	s28 =	smov.u32 s20;
	s20 =	smov.u32 s0;
	s0 =	smov.u32 s12  }
0x481: {  	s12 =	smov.u32 s19;
	v16 =	vld.idx.msk [tilespmem:v16+s9+$0x0], $0xffff;
	v18 =	vadd.s32 v14, v18  }
0x482: {  	[tilespmem:s5+$0x430] =	vst v20;
	v15 =	vld.idx.msk [tilespmem:v15+s9+$0x0], $0xffff  }
0x483: {  	v20 =	vadd.s32 s0, v22;
	[tilespmem:s10+$0x430] =	vst v19;
	v19 =	vld [tilespmem:s2+$0x10C0]  }
0x484: {  	v22 =	vld.idx.msk [tilespmem:v23+s9+$0x0], $0xffff;
	v23 =	vadd.s32 s11, v25;
	v20 =	vadd.s32 v9, v20  }
0x485: {  	v21 =	vld.idx.msk [tilespmem:v21+s9+$0x0], $0xffff;
	v23 =	vadd.s32 v9, v23  }
0x486: {  	s7 =	sadd.s32 $0x200, s7;
	[tilespmem:s26+$0x460] =	vst v17;
	v17 =	vld.idx.msk [tilespmem:v18+s9+$0x0], $0xffff  }
0x487: {  	s31 =	sadd.s32 $0x100, s31;
	s19 =	sand.u32 $0x1800, s7;
	v18 =	vld [tilespmem:s2+$0x10C0];
	[tilespmem:s4+$0x450] =	vst v16  }
0x488: {  	s23 =	sadd.s32 $0xFFFFFF80, s31;
	s25 =	sand.u32 $0x380, s31;
	s19 =	sadd.s32 $0x17800, s19;
	v16 =	vadd.s32 s20, v19;
	v19 =	vld [tilespmem:s2+$0x10E0];
	[tilespmem:s14+$0x470] =	vst v15  }
0x489: {  	s23 =	sand.u32 $0x300, s23;
	s25 =	sor.u32 s25, s19;
	s14 =	smov.u32 s26;
	v15 =	vld.idx.msk [tilespmem:v20+s9+$0x0], $0xffff;
	v16 =	vadd.s32 v11, v16  }
0x48a: {  	s19 =	sor.u32 s23, s19;
	s26 =	smov.u32 s15;
	s15 =	smov.u32 s10;
	[tilespmem:s25+$0x400] =	vst v22;
	v20 =	vld.idx.msk [tilespmem:v23+s9+$0x0], $0xffff  }
0x48b: {  	s10 =	smov.u32 s17;
	s17 =	smov.u32 s19;
	[tilespmem:s19+$0x400] =	vst v21;
	v21 =	vld [tilespmem:s2+$0x1090]  }
0x48c: {  	v22 =	vld [tilespmem:s2+$0x1090];
	v18 =	vadd.s32 s3, v18;
	[tilespmem:s24+$0x470] =	vst v17;
	s24 =	smov.u32 s4;
	s4 =	smov.u32 s5;
	s5 =	smov.u32 s18  }
0x48d: {  	s18 =	smov.u32 s25;
	v17 =	vadd.s32 v11, v18;
	v18 =	vld.idx.msk [tilespmem:v24+s9+$0x0], $0xffff;
	v19 =	vadd.s32 s28, v19  }
0x48e: {  	v23 =	vld.idx.msk [tilespmem:v16+s9+$0x0], $0xffff;
	v16 =	vadd.s32 v13, v19  }
0x48f: {  	[tilespmem:s5+$0x420] =	vst v15;
	v15 =	vld [tilespmem:s2+$0x10F0]  }
0x490: {  	v19 =	vadd.s32 s12, v21;
	[tilespmem:s10+$0x420] =	vst v20;
	v20 =	vld [tilespmem:s2+$0x10B0]  }
0x491: {  	v21 =	vadd.s32 s30, v22;
	v19 =	vadd.s32 v8, v19;
	v22 =	vld [tilespmem:s2+$0x10B0]  }
0x492: {  	v24 =	vadd.s32 v8, v21;
	v25 =	vld.idx.msk [tilespmem:v17+s9+$0x0], $0xffff  }
0x493: {  	[tilespmem:s26+$0x450] =	vst v18;
	v16 =	vld.idx.msk [tilespmem:v16+s9+$0x0], $0xffff  }
.Ltmp13:
0x494: {  	[tilespmem:s4+$0x440] =	vst v23;
	v17 =	vld [tilespmem:s2+$0x10E0];
	v15 =	vadd.s32 s29, v15;
	s29 =	smov.u32 s16;
	s16 =	smov.u32 s3;
	(pc) =	sbr.rel @p1 .LBB2_20-.Ltmp13, $4  }
0x495: {  	s3 =	smov.u32 s11;
	s11 =	smov.u32 s30;
	s30 =	smov.u32 s6;
	v20 =	vadd.s32 s0, v20;
	v18 =	vld [tilespmem:s2+$0x10D0];
	v15 =	vadd.s32 v14, v15  }
0x496: {  	v21 =	vld.idx.msk [tilespmem:v19+s9+$0x0], $0xffff;
	v19 =	vadd.s32 s3, v22;
	v20 =	vadd.s32 v12, v20  }
0x497: {  	v22 =	vld.idx.msk [tilespmem:v24+s9+$0x0], $0xffff;
	v19 =	vadd.s32 v12, v19  }
0x498: {  	s6 =	sadd.s32 $0x2, s6;
	v23 =	vld [tilespmem:s13+$0x1000];
	[tilespmem:s15+$0x440] =	vst v25  }
0x499: {  	_ =	sdelay $0x2  }
0x49a: {  	s13 =	sadd.s32 $0x1, s30  }
0x49b: {  	v24 =	vadd.s32 s13, v23  }
0x49c: {  	v45 =	vadd.s32 s30, v23;
	v24 =	vadd.s32 v7, v24  }
0x49d: {  	v23 =	vadd.s32 v7, v45;
	_ =	sdelay $0x3  }
0x49e: {  	v24 =	vld.idx.msk [tilespmem:v24+s9+$0x0], $0xffff  }
0x49f: {  	s6 =	sadd.s32 $0x200, s7;
	v23 =	vld.idx.msk [tilespmem:v23+s9+$0x0], $0xffff  }
0x4a0: {  	s31 =	sadd.s32 $0x100, s31;
	s6 =	sand.u32 $0x1800, s6  }
0x4a1: {  	s19 =	sadd.s32 $0xFFFFFF80, s31;
	s7 =	sand.u32 $0x380, s31;
	s23 =	sadd.s32 $0x17800, s6  }
0x4a2: {  	s25 =	sand.u32 $0x300, s19;
	s6 =	sor.u32 s7, s23  }
0x4a3: {  	s7 =	sor.u32 s25, s23;
	[tilespmem:s6+$0x400] =	vst v24  }
0x4a4: {  	[tilespmem:s7+$0x400] =	vst v23;
	v46 =	vld [tilespmem:s2+$0x1090]  }
0x4a5: {  	v47 =	vld [tilespmem:s2+$0x1090];
	_ =	sdelay $0x3  }
0x4a6: {  	v23 =	vadd.s32 s13, v46  }
0x4a7: {  	v24 =	vadd.s32 s30, v47;
	v23 =	vadd.s32 v8, v23  }
0x4a8: {  	v8 =	vadd.s32 v8, v24  }
0x4a9: {  	[tilespmem:s18+$0x410] =	vst v21  }
0x4aa: {  	[tilespmem:s17+$0x410] =	vst v22;
	v21 =	vld [tilespmem:s2+$0x10A0]  }
0x4ab: {  	v22 =	vld [tilespmem:s2+$0x10A0]  }
0x4ac: {  	v23 =	vld.idx.msk [tilespmem:v23+s9+$0x0], $0xffff  }
0x4ad: {  	v8 =	vld.idx.msk [tilespmem:v8+s9+$0x0], $0xffff;
	_ =	sdelay $0x1  }
0x4ae: {  	v21 =	vadd.s32 s12, v21  }
0x4af: {  	v22 =	vadd.s32 s11, v22;
	v21 =	vadd.s32 v9, v21  }
0x4b0: {  	v22 =	vadd.s32 v9, v22;
	[tilespmem:s6+$0x410] =	vst v23  }
0x4b1: {  	[tilespmem:s7+$0x410] =	vst v8;
	v8 =	vld [tilespmem:s2+$0x10A0]  }
0x4b2: {  	v48 =	vld [tilespmem:s2+$0x10A0];
	_ =	sdelay $0x1  }
0x4b3: {  	v21 =	vld.idx.msk [tilespmem:v21+s9+$0x0], $0xffff  }
0x4b4: {  	v22 =	vld.idx.msk [tilespmem:v22+s9+$0x0], $0xffff  }
0x4b5: {  	v8 =	vadd.s32 s13, v8  }
0x4b6: {  	v23 =	vadd.s32 s30, v48;
	v8 =	vadd.s32 v9, v8  }
0x4b7: {  	v49 =	vadd.s32 v9, v23  }
0x4b8: {  	[tilespmem:s18+$0x420] =	vst v21  }
0x4b9: {  	[tilespmem:s17+$0x420] =	vst v22;
	v21 =	vld [tilespmem:s2+$0x10B0]  }
0x4ba: {  	v22 =	vld [tilespmem:s2+$0x10B0]  }
0x4bb: {  	v8 =	vld.idx.msk [tilespmem:v8+s9+$0x0], $0xffff  }
0x4bc: {  	v9 =	vld.idx.msk [tilespmem:v49+s9+$0x0], $0xffff;
	_ =	sdelay $0x1  }
0x4bd: {  	v21 =	vadd.s32 s12, v21  }
0x4be: {  	v22 =	vadd.s32 s11, v22;
	v21 =	vadd.s32 v12, v21  }
0x4bf: {  	v19 =	vld.idx.msk [tilespmem:v19+s9+$0x0], $0xffff;
	v22 =	vadd.s32 v12, v22;
	[tilespmem:s6+$0x420] =	vst v8  }
0x4c0: {  	[tilespmem:s7+$0x420] =	vst v9;
	v8 =	vld [tilespmem:s2+$0x10B0]  }
0x4c1: {  	v9 =	vld [tilespmem:s2+$0x10B0]  }
0x4c2: {  	v20 =	vld.idx.msk [tilespmem:v20+s9+$0x0], $0xffff  }
0x4c3: {  	v53 =	vld.idx.msk [tilespmem:v21+s9+$0x0], $0xffff  }
0x4c4: {  	[tilespmem:s10+$0x430] =	vst v19;
	v54 =	vld.idx.msk [tilespmem:v22+s9+$0x0], $0xffff  }
0x4c5: {  	v56 =	vld [tilespmem:s2+$0x10C0];
	v8 =	vadd.s32 s13, v8  }
0x4c6: {  	v9 =	vadd.s32 s30, v9;
	v8 =	vadd.s32 v12, v8  }
0x4c7: {  	[tilespmem:s5+$0x430] =	vst v20;
	v9 =	vadd.s32 v12, v9  }
0x4c8: {  	[tilespmem:s18+$0x430] =	vst v53  }
0x4c9: {  	[tilespmem:s17+$0x430] =	vst v54;
	v20 =	vld [tilespmem:s2+$0x10C0]  }
0x4ca: {  	v58 =	vadd.s32 s3, v56;
	v21 =	vld [tilespmem:s2+$0x10C0]  }
0x4cb: {  	v51 =	vadd.s32 s20, v18;
	v18 =	vadd.s32 v11, v58;
	v8 =	vld.idx.msk [tilespmem:v8+s9+$0x0], $0xffff  }
0x4cc: {  	v9 =	vld.idx.msk [tilespmem:v9+s9+$0x0], $0xffff  }
0x4cd: {  	v52 =	vld [tilespmem:s2+$0x10C0];
	_ =	sdelay $0x1  }
0x4ce: {  	v50 =	vld [tilespmem:s2+$0x10D0];
	v20 =	vadd.s32 s12, v20;
	v61 =	vadd.s32 s11, v21;
	v12 =	vadd.s32 v10, v51  }
0x4cf: {  	v18 =	vld.idx.msk [tilespmem:v18+s9+$0x0], $0xffff;
	v60 =	vadd.s32 v11, v20;
	v20 =	vadd.s32 v11, v61;
	[tilespmem:s6+$0x430] =	vst v8  }
0x4d0: {  	[tilespmem:s7+$0x430] =	vst v9;
	v57 =	vld [tilespmem:s2+$0x10C0]  }
0x4d1: {  	v8 =	vadd.s32 s0, v52;
	v59 =	vld [tilespmem:s2+$0x10C0]  }
0x4d2: {  	v8 =	vadd.s32 v11, v8  }
0x4d3: {  	v55 =	vadd.s32 s16, v50;
	v12 =	vld.idx.msk [tilespmem:v12+s9+$0x0], $0xffff  }
0x4d4: {  	v19 =	vadd.s32 v10, v55;
	[tilespmem:s10+$0x440] =	vst v18;
	v20 =	vld.idx.msk [tilespmem:v20+s9+$0x0], $0xffff  }
0x4d5: {  	v18 =	vld [tilespmem:s2+$0x10D0];
	v9 =	vadd.s32 s13, v57  }
0x4d6: {  	v22 =	vadd.s32 s30, v59;
	v9 =	vadd.s32 v11, v9  }
0x4d7: {  	v8 =	vld.idx.msk [tilespmem:v8+s9+$0x0], $0xffff;
	v63 =	vadd.s32 v11, v22  }
0x4d8: {  	[tilespmem:s4+$0x450] =	vst v12;
	v12 =	vld.idx.msk [tilespmem:v60+s9+$0x0], $0xffff  }
0x4d9: {  	v19 =	vld.idx.msk [tilespmem:v19+s9+$0x0], $0xffff;
	[tilespmem:s17+$0x440] =	vst v20  }
0x4da: {  	v18 =	vadd.s32 s3, v18;
	v28 =	vld [tilespmem:s2+$0x10D0]  }
0x4db: {  	v18 =	vadd.s32 v10, v18;
	v9 =	vld.idx.msk [tilespmem:v9+s9+$0x0], $0xffff  }
0x4dc: {  	[tilespmem:s5+$0x440] =	vst v8;
	v8 =	vld.idx.msk [tilespmem:v63+s9+$0x0], $0xffff  }
0x4dd: {  	[tilespmem:s18+$0x440] =	vst v12;
	v24 =	vld [tilespmem:s2+$0x10D0]  }
0x4de: {  	[tilespmem:s15+$0x450] =	vst v19;
	v26 =	vld [tilespmem:s2+$0x10D0]  }
0x4df: {  	v19 =	vld [tilespmem:s2+$0x10E0]  }
0x4e0: {  	v18 =	vld.idx.msk [tilespmem:v18+s9+$0x0], $0xffff;
	[tilespmem:s6+$0x440] =	vst v9  }
0x4e1: {  	v21 =	vadd.s32 s11, v28;
	[tilespmem:s7+$0x440] =	vst v8;
	v30 =	vld [tilespmem:s2+$0x10D0]  }
0x4e2: {  	v21 =	vadd.s32 v10, v21;
	v8 =	vadd.s32 s0, v24;
	v32 =	vld [tilespmem:s2+$0x10D0]  }
0x4e3: {  	v25 =	vadd.s32 s29, v17;
	v17 =	vadd.s32 s12, v26;
	v8 =	vadd.s32 v10, v8  }
0x4e4: {  	v17 =	vadd.s32 v10, v17  }
0x4e5: {  	v19 =	vadd.s32 s16, v19;
	[tilespmem:s10+$0x450] =	vst v18  }
0x4e6: {  	v31 =	vadd.s32 v13, v19;
	v18 =	vld [tilespmem:s2+$0x10E0];
	v20 =	vadd.s32 s13, v30  }
0x4e7: {  	v34 =	vld.idx.msk [tilespmem:v21+s9+$0x0], $0xffff;
	v19 =	vadd.s32 s30, v32;
	v20 =	vadd.s32 v10, v20  }
0x4e8: {  	v8 =	vld.idx.msk [tilespmem:v8+s9+$0x0], $0xffff;
	v33 =	vadd.s32 v10, v19  }
0x4e9: {  	v17 =	vld.idx.msk [tilespmem:v17+s9+$0x0], $0xffff  }
0x4ea: {  	v62 =	vld [tilespmem:s2+$0x10E0]  }
0x4eb: {  	v12 =	vadd.s32 v13, v25;
	v11 =	vld.idx.msk [tilespmem:v31+s9+$0x0], $0xffff  }
0x4ec: {  	v20 =	vld.idx.msk [tilespmem:v20+s9+$0x0], $0xffff  }
0x4ed: {  	[tilespmem:s5+$0x450] =	vst v8;
	v8 =	vld.idx.msk [tilespmem:v33+s9+$0x0], $0xffff  }
0x4ee: {  	[tilespmem:s18+$0x450] =	vst v17;
	v35 =	vld [tilespmem:s2+$0x10E0]  }
0x4ef: {  	v27 =	vadd.s32 s20, v62;
	v17 =	vld [tilespmem:s2+$0x10E0]  }
0x4f0: {  	[tilespmem:s17+$0x450] =	vst v34;
	v29 =	vadd.s32 v13, v27;
	v12 =	vld.idx.msk [tilespmem:v12+s9+$0x0], $0xffff  }
0x4f1: {  	v37 =	vadd.s32 s3, v18;
	v19 =	vld [tilespmem:s2+$0x10E0];
	[tilespmem:s6+$0x450] =	vst v20  }
0x4f2: {  	v39 =	vadd.s32 v13, v37;
	[tilespmem:s7+$0x450] =	vst v8;
	v20 =	vld [tilespmem:s2+$0x10E0]  }
0x4f3: {  	[tilespmem:s24+$0x460] =	vst v16;
	v8 =	vadd.s32 s0, v35;
	v36 =	vld [tilespmem:s2+$0x10E0]  }
0x4f4: {  	v38 =	vld [tilespmem:s2+$0x10F0];
	v40 =	vadd.s32 s12, v17;
	v8 =	vadd.s32 v13, v8  }
0x4f5: {  	[tilespmem:s15+$0x460] =	vst v11;
	v9 =	vld.idx.msk [tilespmem:v29+s9+$0x0], $0xffff;
	v42 =	vadd.s32 v13, v40  }
0x4f6: {  	v47 =	vld [tilespmem:s2+$0x10F0];
	v43 =	vadd.s32 s11, v19  }
0x4f7: {  	[tilespmem:s26+$0x460] =	vst v12;
	v12 =	vld.idx.msk [tilespmem:v39+s9+$0x0], $0xffff;
	v45 =	vadd.s32 v13, v43;
	v46 =	vadd.s32 s13, v20  }
0x4f8: {  	v41 =	vld [tilespmem:s2+$0x10F0];
	v10 =	vadd.s32 s30, v36;
	v16 =	vadd.s32 v13, v46  }
0x4f9: {  	v8 =	vld.idx.msk [tilespmem:v8+s9+$0x0], $0xffff;
	v10 =	vadd.s32 v13, v10  }
0x4fa: {  	[tilespmem:s4+$0x460] =	vst v9;
	v9 =	vld.idx.msk [tilespmem:v42+s9+$0x0], $0xffff  }
0x4fb: {  	v44 =	vld [tilespmem:s2+$0x10F0]  }
0x4fc: {  	v11 =	vld.idx.msk [tilespmem:v45+s9+$0x0], $0xffff  }
0x4fd: {  	v48 =	vld.idx.msk [tilespmem:v16+s9+$0x0], $0xffff  }
0x4fe: {  	[tilespmem:s5+$0x460] =	vst v8;
	v8 =	vld.idx.msk [tilespmem:v10+s9+$0x0], $0xffff  }
0x4ff: {  	[tilespmem:s18+$0x460] =	vst v9;
	v49 =	vld [tilespmem:s2+$0x10F0]  }
0x500: {  	v50 =	vadd.s32 s28, v38;
	[tilespmem:s10+$0x460] =	vst v12;
	v53 =	vld [tilespmem:s2+$0x10F0]  }
0x501: {  	v12 =	vadd.s32 v14, v50;
	v51 =	vld [tilespmem:s2+$0x10F0];
	v52 =	vadd.s32 s29, v41;
	[tilespmem:s17+$0x460] =	vst v11  }
0x502: {  	v54 =	vadd.s32 s20, v44;
	v9 =	vadd.s32 v14, v52;
	v55 =	vld [tilespmem:s2+$0x10F0];
	[tilespmem:s6+$0x460] =	vst v48  }
0x503: {  	v56 =	vadd.s32 s16, v47;
	v11 =	vadd.s32 v14, v54;
	[tilespmem:s7+$0x460] =	vst v8;
	v57 =	vld [tilespmem:s2+$0x10F0]  }
0x504: {  	v58 =	vadd.s32 v14, v56;
	v8 =	vadd.s32 s0, v49;
	v59 =	vld [tilespmem:s2+$0x10F0]  }
0x505: {  	v15 =	vld.idx.msk [tilespmem:v15+s9+$0x0], $0xffff;
	v17 =	vadd.s32 s12, v53;
	v8 =	vadd.s32 v14, v8  }
0x506: {  	v12 =	vld.idx.msk [tilespmem:v12+s9+$0x0], $0xffff;
	v16 =	vadd.s32 s3, v51;
	v17 =	vadd.s32 v14, v17  }
0x507: {  	v9 =	vld.idx.msk [tilespmem:v9+s9+$0x0], $0xffff;
	v18 =	vadd.s32 s11, v55;
	v16 =	vadd.s32 v14, v16  }
0x508: {  	v11 =	vld.idx.msk [tilespmem:v11+s9+$0x0], $0xffff;
	v18 =	vadd.s32 v14, v18;
	v19 =	vadd.s32 s13, v57  }
0x509: {  	v10 =	vld.idx.msk [tilespmem:v58+s9+$0x0], $0xffff;
	v13 =	vadd.s32 s30, v59;
	v19 =	vadd.s32 v14, v19  }
0x50a: {  	[tilespmem:s14+$0x470] =	vst v15;
	v8 =	vld.idx.msk [tilespmem:v8+s9+$0x0], $0xffff;
	v13 =	vadd.s32 v14, v13  }
0x50b: {  	[tilespmem:s24+$0x470] =	vst v12;
	v61 =	vld.idx.msk [tilespmem:v17+s9+$0x0], $0xffff  }
0x50c: {  	[tilespmem:s26+$0x470] =	vst v9;
	v60 =	vld.idx.msk [tilespmem:v16+s9+$0x0], $0xffff  }
0x50d: {  	[tilespmem:s4+$0x470] =	vst v11;
	v62 =	vld.idx.msk [tilespmem:v18+s9+$0x0], $0xffff  }
0x50e: {  	[tilespmem:s15+$0x470] =	vst v10;
	v63 =	vld.idx.msk [tilespmem:v19+s9+$0x0], $0xffff  }
0x50f: {  	[tilespmem:s5+$0x470] =	vst v8;
	v8 =	vld.idx.msk [tilespmem:v13+s9+$0x0], $0xffff  }
0x510: {  	[tilespmem:s18+$0x470] =	vst v61  }
0x511: {  	s1 =	sadd.s32 $0x1, s1;
	[tilespmem:s10+$0x470] =	vst v60  }
0x512: {  	p1 =	seq.s32 s1, $0x8;
	[tilespmem:s17+$0x470] =	vst v62  }
.Ltmp14:
0x513: {  	[tilespmem:s6+$0x470] =	vst v63;
	(pc) =	sbr.rel @!p1 .LBB2_17-.Ltmp14, $4  }
.Ltmp15:
0x514: {  	[tilespmem:s7+$0x470] =	vst v8;
	(pc) =	sbr.rel @p1 .LBB2_27-.Ltmp15, $4  }
0x515: {  	s31 =	simm.s32 $0x17800;
	s28 =	rddreg [dreg:$0xf]  }
0x516: {  	s29 =	simm.s32 $0x800;
	s30 =	simm.s32 $0x10000;
	s0 =	sadd.s32 s2, s28  }
0x517: {  	[hbm4b:s0+s29] =	stream.strided.scatter [tilespmem:s31], [sflag:$0x6], $0x2000, s30, s29, $0x38;
	[tilespmem:$0x1A090] =	vst v63  }
0x518: {  	_ = 	snop  }
.LBB2_22:
0x519: {  	s1 =	sshll.u32 s2, $0x8;
	s3 =	rddreg [dreg:$0x8]  }
0x51a: {  	s4 =	simm.s32 $0x80;
	p1 =	seq.s32 s2, $0x0;
	s0 =	sadd.s32 $0x800, s1  }
0x51b: {  	[tilespmem:s8], [sflag:$0x5] =	stream.indirect.gather [hbm4b:s3+s4], $0x80, s0, s4, $0xb8;
	[tilespmem:$0x1A090] =	vst v63  }
0x51c: {  	s26 =	sadd.s32 $0x880, s1;
	s0 =	simm.s32 @!p1 $0x6  }
0x51d: {  	[tilespmem:s9], [sflag:$0x5] =	stream.indirect.gather [hbm4b:s3+s4], $0x80, s26, s4, $0xb8;
	[tilespmem:$0x1A090] =	vst v63  }
0x51e: {  	_ =	swait.ge @!p1 [sflag:s0], $0x2000  }
0x51f: {  	[sflag:s0] =	ssyncset.done @!p1 $0x0  }
0x520: {  	s4 =	simm.s32 $0x5;
	[sflag:s0] =	ssyncadd.s32 @!p1 $0xFFFFE000  }
0x521: {  	_ =	swait.ge [sflag:s4], $0x4000  }
0x522: {  	[sflag:s4] =	ssyncset.done $0x0  }
0x523: {  	[sflag:s4] =	ssyncadd.s32 $0xFFFFC000  }
0x524: {  	v8 =	vld [tilespmem:s1+$0x1000];
	_ =	sdelay $0x3  }
0x525: {  	s6 =	simm.s32 $0x1  }
0x526: {  	v9 =	vadd.s32 s6, v8  }
0x527: {  	v9 =	vadd.s32 v7, v9;
	_ =	sdelay $0x2  }
0x528: {  	s25 =	simm.s32 $0x0  }
0x529: {  	v8 =	vadd.s32 s25, v8  }
0x52a: {  	v8 =	vadd.s32 v7, v8;
	v9 =	vld.idx.msk [tilespmem:v9+s8+$0x0], $0xffff;
	_ =	sdelay $0x1  }
0x52b: {  	s5 =	simm.s32 $0x80;
	s7 =	sand.u32 $0x1800, s25  }
0x52c: {  	s3 =	sadd.s32 $0x17800, s7;
	s0 =	sand.u32 $0x380, s5  }
0x52d: {  	s13 =	sor.u32 s0, s3  }
0x52e: {  	v10 =	vld.idx.msk [tilespmem:v8+s8+$0x0], $0xffff;
	[tilespmem:s13+$0x0] =	vst v9  }
0x52f: {  	v9 =	vld [tilespmem:s1+$0x1010]  }
0x530: {  	s10 =	simm.s32 $0x0  }
0x531: {  	s0 =	sand.u32 $0x300, s10  }
0x532: {  	s14 =	sor.u32 s0, s3  }
0x533: {  	[tilespmem:s14+$0x0] =	vst v10  }
0x534: {  	v8 =	vor.u32 $0x800, v7;
	v10 =	vld [tilespmem:s1+$0x1010];
	v9 =	vadd.s32 s6, v9  }
0x535: {  	v9 =	vadd.s32 v8, v9;
	_ =	sdelay $0x3  }
0x536: {  	v10 =	vadd.s32 s25, v10  }
0x537: {  	v10 =	vadd.s32 v8, v10;
	v9 =	vld.idx.msk [tilespmem:v9+s8+$0x0], $0xffff  }
0x538: {  	v11 =	vld [tilespmem:s1+$0x1000];
	_ =	sdelay $0x3  }
0x539: {  	s28 =	simm.s32 $0x3;
	v10 =	vld.idx.msk [tilespmem:v10+s8+$0x0], $0xffff;
	[tilespmem:s13+$0x10] =	vst v9  }
0x53a: {  	v9 =	vadd.s32 s28, v11;
	v12 =	vld [tilespmem:s1+$0x1020]  }
0x53b: {  	v13 =	vadd.s32 v7, v9  }
0x53c: {  	s29 =	simm.s32 $0x2  }
0x53d: {  	v9 =	vadd.s32 s29, v11  }
0x53e: {  	[tilespmem:s14+$0x10] =	vst v10;
	v11 =	vadd.s32 v7, v9  }
0x53f: {  	v10 =	vld [tilespmem:s1+$0x1020];
	v9 =	vor.u32 $0x1000, v7;
	v12 =	vadd.s32 s6, v12  }
0x540: {  	v13 =	vld.idx.msk [tilespmem:v13+s8+$0x0], $0xffff;
	v12 =	vadd.s32 v9, v12  }
0x541: {  	s11 =	simm.s32 $0x200  }
0x542: {  	s12 =	simm.s32 $0x180;
	s0 =	sand.u32 $0x1800, s11  }
0x543: {  	s3 =	sand.u32 $0x380, s12;
	s0 =	sadd.s32 $0x17800, s0;
	v11 =	vld.idx.msk [tilespmem:v11+s8+$0x0], $0xffff  }
0x544: {  	s24 =	sor.u32 s3, s0;
	v10 =	vadd.s32 s25, v10  }
0x545: {  	s15 =	simm.s32 $0x100;
	v10 =	vadd.s32 v9, v10;
	[tilespmem:s24+$0x0] =	vst v13;
	v12 =	vld.idx.msk [tilespmem:v12+s8+$0x0], $0xffff  }
0x546: {  	s3 =	sand.u32 $0x300, s15;
	v13 =	vld [tilespmem:s1+$0x1010]  }
0x547: {  	s26 =	sor.u32 s3, s0  }
0x548: {  	[tilespmem:s26+$0x0] =	vst v11  }
0x549: {  	v11 =	vld [tilespmem:s1+$0x1010]  }
0x54a: {  	v10 =	vld.idx.msk [tilespmem:v10+s8+$0x0], $0xffff  }
0x54b: {  	[tilespmem:s13+$0x20] =	vst v12;
	v12 =	vadd.s32 s28, v13  }
0x54c: {  	v13 =	vld [tilespmem:s1+$0x1030];
	v14 =	vadd.s32 v8, v12;
	_ =	sdelay $0x1  }
0x54d: {  	v11 =	vadd.s32 s29, v11  }
0x54e: {  	v15 =	vld [tilespmem:s1+$0x1000];
	[tilespmem:s14+$0x20] =	vst v10;
	v11 =	vadd.s32 v8, v11  }
0x54f: {  	v10 =	vld [tilespmem:s1+$0x1030]  }
0x550: {  	v12 =	vor.u32 $0x1800, v7;
	v13 =	vadd.s32 s6, v13;
	v14 =	vld.idx.msk [tilespmem:v14+s8+$0x0], $0xffff  }
0x551: {  	v13 =	vadd.s32 v12, v13;
	_ =	sdelay $0x1  }
0x552: {  	v11 =	vld.idx.msk [tilespmem:v11+s8+$0x0], $0xffff  }
0x553: {  	s4 =	simm.s32 $0x5;
	s15 =	simm.s32 $0x4;
	v10 =	vadd.s32 s25, v10  }
0x554: {  	v10 =	vadd.s32 v12, v10;
	[tilespmem:s24+$0x10] =	vst v14;
	v14 =	vadd.s32 s4, v15;
	v15 =	vadd.s32 s15, v15  }
0x555: {  	v13 =	vld.idx.msk [tilespmem:v13+s8+$0x0], $0xffff;
	v15 =	vadd.s32 v7, v15  }
0x556: {  	v16 =	vld [tilespmem:s1+$0x1020]  }
0x557: {  	v14 =	vadd.s32 v7, v14;
	[tilespmem:s26+$0x10] =	vst v11  }
0x558: {  	v11 =	vld [tilespmem:s1+$0x1020]  }
0x559: {  	v10 =	vld.idx.msk [tilespmem:v10+s8+$0x0], $0xffff  }
0x55a: {  	[tilespmem:s13+$0x30] =	vst v13;
	v15 =	vld.idx.msk [tilespmem:v15+s8+$0x0], $0xffff  }
0x55b: {  	s16 =	simm.s32 $0x400;
	v13 =	vadd.s32 s28, v16;
	v16 =	vld [tilespmem:s1+$0x1040]  }
0x55c: {  	s5 =	simm.s32 $0x200;
	s0 =	sand.u32 $0x1800, s16;
	v14 =	vld.idx.msk [tilespmem:v14+s8+$0x0], $0xffff;
	v13 =	vadd.s32 v9, v13  }
0x55d: {  	s5 =	sand.u32 $0x300, s5;
	s0 =	sadd.s32 $0x17800, s0;
	v11 =	vadd.s32 s29, v11  }
0x55e: {  	s17 =	simm.s32 $0x280;
	s16 =	sor.u32 s5, s0;
	v17 =	vadd.s32 v9, v11  }
0x55f: {  	s3 =	sand.u32 $0x380, s17;
	[tilespmem:s16+$0x0] =	vst v15  }
0x560: {  	s20 =	sor.u32 s3, s0;
	[tilespmem:s14+$0x30] =	vst v10;
	v11 =	vor.u32 $0x2000, v7;
	v16 =	vadd.s32 s6, v16;
	v10 =	vld [tilespmem:s1+$0x1010]  }
0x561: {  	[tilespmem:s20+$0x0] =	vst v14;
	v13 =	vld.idx.msk [tilespmem:v13+s8+$0x0], $0xffff;
	v16 =	vadd.s32 v11, v16  }
0x562: {  	v14 =	vld [tilespmem:s1+$0x1010]  }
0x563: {  	v17 =	vld.idx.msk [tilespmem:v17+s8+$0x0], $0xffff;
	_ =	sdelay $0x1  }
0x564: {  	v15 =	vld [tilespmem:s1+$0x1040];
	v10 =	vadd.s32 s15, v10  }
0x565: {  	[tilespmem:s24+$0x20] =	vst v13;
	v16 =	vld.idx.msk [tilespmem:v16+s8+$0x0], $0xffff;
	v10 =	vadd.s32 v8, v10  }
0x566: {  	v13 =	vadd.s32 s4, v14;
	v14 =	vld [tilespmem:s1+$0x1030]  }
0x567: {  	v13 =	vadd.s32 v8, v13;
	[tilespmem:s26+$0x20] =	vst v17  }
0x568: {  	v17 =	vld [tilespmem:s1+$0x1030]  }
0x569: {  	v19 =	vld [tilespmem:s1+$0x1000]  }
0x56a: {  	v15 =	vadd.s32 s25, v15;
	[tilespmem:s13+$0x40] =	vst v16;
	v18 =	vld.idx.msk [tilespmem:v10+s8+$0x0], $0xffff  }
0x56b: {  	v15 =	vadd.s32 v11, v15;
	v14 =	vadd.s32 s28, v14;
	v16 =	vld [tilespmem:s1+$0x1050]  }
0x56c: {  	v13 =	vld.idx.msk [tilespmem:v13+s8+$0x0], $0xffff;
	v14 =	vadd.s32 v12, v14  }
0x56d: {  	v10 =	vadd.s32 s29, v17  }
0x56e: {  	s5 =	simm.s32 $0x7;
	v17 =	vadd.s32 v12, v10  }
0x56f: {  	[tilespmem:s16+$0x10] =	vst v18;
	v18 =	vadd.s32 s5, v19  }
0x570: {  	v15 =	vld.idx.msk [tilespmem:v15+s8+$0x0], $0xffff;
	v10 =	vor.u32 $0x2800, v7;
	v16 =	vadd.s32 s6, v16;
	v18 =	vadd.s32 v7, v18  }
0x571: {  	s0 =	simm.s32 $0x6;
	[tilespmem:s20+$0x10] =	vst v13;
	v14 =	vld.idx.msk [tilespmem:v14+s8+$0x0], $0xffff;
	v16 =	vadd.s32 v10, v16  }
0x572: {  	v19 =	vadd.s32 s0, v19;
	v13 =	vld [tilespmem:s1+$0x1020]  }
0x573: {  	v19 =	vadd.s32 v7, v19;
	v17 =	vld.idx.msk [tilespmem:v17+s8+$0x0], $0xffff  }
0x574: {  	v20 =	vld [tilespmem:s1+$0x1020]  }
0x575: {  	v18 =	vld.idx.msk [tilespmem:v18+s8+$0x0], $0xffff  }
0x576: {  	[tilespmem:s14+$0x40] =	vst v15;
	v15 =	vld.idx.msk [tilespmem:v16+s8+$0x0], $0xffff  }
0x577: {  	s18 =	simm.s32 $0x600;
	[tilespmem:s24+$0x30] =	vst v14;
	v16 =	vld [tilespmem:s1+$0x1050]  }
0x578: {  	s7 =	simm.s32 $0x380;
	s3 =	sand.u32 $0x1800, s18;
	[tilespmem:s26+$0x30] =	vst v17;
	v17 =	vld.idx.msk [tilespmem:v19+s8+$0x0], $0xffff  }
0x579: {  	s19 =	sand.u32 $0x380, s7;
	s11 =	sadd.s32 $0x17800, s3;
	v13 =	vadd.s32 s4, v13;
	v14 =	vld [tilespmem:s1+$0x1040]  }
0x57a: {  	s10 =	simm.s32 $0x300;
	s3 =	sor.u32 s19, s11;
	v20 =	vadd.s32 s15, v20;
	v13 =	vadd.s32 v9, v13  }
0x57b: {  	s23 =	sand.u32 $0x300, s10;
	v20 =	vadd.s32 v9, v20;
	[tilespmem:s3+$0x0] =	vst v18  }
0x57c: {  	s10 =	sor.u32 s23, s11;
	v19 =	vld [tilespmem:s1+$0x1040];
	[tilespmem:s13+$0x50] =	vst v15  }
0x57d: {  	v15 =	vadd.s32 s25, v16;
	[tilespmem:s10+$0x0] =	vst v17;
	v17 =	vld [tilespmem:s1+$0x1010]  }
0x57e: {  	v14 =	vadd.s32 s28, v14;
	v16 =	vld [tilespmem:s1+$0x1060];
	v15 =	vadd.s32 v10, v15  }
0x57f: {  	v21 =	vld.idx.msk [tilespmem:v13+s8+$0x0], $0xffff;
	v14 =	vadd.s32 v11, v14  }
0x580: {  	v18 =	vld.idx.msk [tilespmem:v20+s8+$0x0], $0xffff  }
0x581: {  	v13 =	vadd.s32 s29, v19  }
0x582: {  	v20 =	vld [tilespmem:s1+$0x1010];
	v19 =	vadd.s32 v11, v13;
	v17 =	vadd.s32 s5, v17  }
0x583: {  	v13 =	vor.u32 $0x3000, v7;
	v16 =	vadd.s32 s6, v16;
	v15 =	vld.idx.msk [tilespmem:v15+s8+$0x0], $0xffff;
	v17 =	vadd.s32 v8, v17  }
0x584: {  	[tilespmem:s20+$0x20] =	vst v21;
	v14 =	vld.idx.msk [tilespmem:v14+s8+$0x0], $0xffff;
	v16 =	vadd.s32 v13, v16  }
0x585: {  	[tilespmem:s16+$0x20] =	vst v18;
	v18 =	vld [tilespmem:s1+$0x1030]  }
0x586: {  	v21 =	vld [tilespmem:s1+$0x1030]  }
0x587: {  	v20 =	vadd.s32 s0, v20;
	v19 =	vld.idx.msk [tilespmem:v19+s8+$0x0], $0xffff  }
0x588: {  	v20 =	vadd.s32 v8, v20;
	v17 =	vld.idx.msk [tilespmem:v17+s8+$0x0], $0xffff  }
0x589: {  	[tilespmem:s14+$0x50] =	vst v15;
	v15 =	vld.idx.msk [tilespmem:v16+s8+$0x0], $0xffff  }
0x58a: {  	[tilespmem:s24+$0x40] =	vst v14;
	v14 =	vld [tilespmem:s1+$0x1060]  }
0x58b: {  	v18 =	vadd.s32 s4, v18;
	v16 =	vld [tilespmem:s1+$0x1050]  }
0x58c: {  	v22 =	vld [tilespmem:s1+$0x1000];
	v18 =	vadd.s32 v12, v18  }
0x58d: {  	v20 =	vld.idx.msk [tilespmem:v20+s8+$0x0], $0xffff  }
0x58e: {  	v21 =	vadd.s32 s15, v21;
	[tilespmem:s3+$0x10] =	vst v17  }
0x58f: {  	[tilespmem:s13+$0x60] =	vst v15;
	v15 =	vadd.s32 v12, v21;
	v14 =	vadd.s32 s25, v14;
	v17 =	vld [tilespmem:s1+$0x1020]  }
0x590: {  	[tilespmem:s26+$0x40] =	vst v19;
	v16 =	vadd.s32 s28, v16;
	v19 =	vld [tilespmem:s1+$0x1070];
	v23 =	vadd.s32 v13, v14  }
0x591: {  	s11 =	simm.s32 $0x8;
	v18 =	vld.idx.msk [tilespmem:v18+s8+$0x0], $0xffff;
	v16 =	vadd.s32 v10, v16  }
0x592: {  	s12 =	simm.s32 $0x9;
	v21 =	vld [tilespmem:s1+$0x1050];
	[tilespmem:s10+$0x10] =	vst v20;
	v20 =	vadd.s32 s11, v22  }
0x593: {  	v14 =	vadd.s32 s12, v22;
	v24 =	vld [tilespmem:s1+$0x1020];
	v20 =	vadd.s32 v7, v20  }
0x594: {  	v22 =	vadd.s32 v7, v14;
	v15 =	vld.idx.msk [tilespmem:v15+s8+$0x0], $0xffff;
	v17 =	vadd.s32 s5, v17  }
0x595: {  	v14 =	vor.u32 $0x3800, v7;
	v19 =	vadd.s32 s6, v19;
	v23 =	vld.idx.msk [tilespmem:v23+s8+$0x0], $0xffff;
	v17 =	vadd.s32 v9, v17  }
0x596: {  	[tilespmem:s20+$0x30] =	vst v18;
	v16 =	vld.idx.msk [tilespmem:v16+s8+$0x0], $0xffff;
	v19 =	vadd.s32 v14, v19  }
0x597: {  	v18 =	vld [tilespmem:s1+$0x1040]  }
0x598: {  	v24 =	vadd.s32 s0, v24;
	v20 =	vld.idx.msk [tilespmem:v20+s8+$0x0], $0xffff  }
0x599: {  	s6 =	simm.s32 $0x800;
	v22 =	vld.idx.msk [tilespmem:v22+s8+$0x0], $0xffff;
	v24 =	vadd.s32 v9, v24  }
0x59a: {  	s7 =	simm.s32 $0x480;
	s18 =	simm.s32 $0x400;
	s17 =	sand.u32 $0x1800, s6;
	v17 =	vld.idx.msk [tilespmem:v17+s8+$0x0], $0xffff  }
0x59b: {  	s19 =	sand.u32 $0x380, s7;
	s23 =	sand.u32 $0x300, s18;
	s17 =	sadd.s32 $0x17800, s17;
	[tilespmem:s16+$0x30] =	vst v15;
	v15 =	vld.idx.msk [tilespmem:v19+s8+$0x0], $0xffff  }
0x59c: {  	s18 =	sor.u32 s19, s17;
	s17 =	sor.u32 s23, s17;
	[tilespmem:s24+$0x50] =	vst v16;
	v19 =	vadd.s32 s29, v21;
	v21 =	vld [tilespmem:s1+$0x1040]  }
0x59d: {  	[tilespmem:s17+$0x0] =	vst v20;
	v16 =	vadd.s32 v10, v19;
	v19 =	vld [tilespmem:s1+$0x1060]  }
0x59e: {  	v18 =	vadd.s32 s4, v18;
	[tilespmem:s18+$0x0] =	vst v22;
	v22 =	vld.idx.msk [tilespmem:v24+s8+$0x0], $0xffff  }
0x59f: {  	v18 =	vadd.s32 v11, v18;
	v62 =	vld [tilespmem:s1+$0x1010]  }
0x5a0: {  	v20 =	vld [tilespmem:s1+$0x1010]  }
0x5a1: {  	[tilespmem:s14+$0x60] =	vst v23;
	v21 =	vadd.s32 s15, v21  }
0x5a2: {  	v23 =	vld [tilespmem:s1+$0x1070];
	v21 =	vadd.s32 v11, v21;
	v19 =	vadd.s32 s28, v19  }
0x5a3: {  	v16 =	vld.idx.msk [tilespmem:v16+s8+$0x0], $0xffff;
	v19 =	vadd.s32 v13, v19  }
0x5a4: {  	[tilespmem:s3+$0x20] =	vst v17;
	v18 =	vld.idx.msk [tilespmem:v18+s8+$0x0], $0xffff  }
0x5a5: {  	[tilespmem:s10+$0x20] =	vst v22;
	v22 =	vadd.s32 s11, v62;
	v17 =	vadd.s32 s12, v20;
	v20 =	vld [tilespmem:s1+$0x1030]  }
0x5a6: {  	v25 =	vld [tilespmem:s1+$0x1030];
	v22 =	vadd.s32 v8, v22  }
0x5a7: {  	v63 =	vadd.s32 v8, v17;
	v26 =	vld.idx.msk [tilespmem:v21+s8+$0x0], $0xffff  }
0x5a8: {  	[tilespmem:s26+$0x50] =	vst v16;
	v16 =	vld.idx.msk [tilespmem:v19+s8+$0x0], $0xffff  }
0x5a9: {  	[tilespmem:s20+$0x40] =	vst v18;
	v17 =	vld [tilespmem:s1+$0x1060]  }
0x5aa: {  	v18 =	vld [tilespmem:s1+$0x1050];
	v19 =	vadd.s32 s5, v20  }
0x5ab: {  	[tilespmem:s13+$0x70] =	vst v15;
	v15 =	vadd.s32 s25, v23;
	v23 =	vadd.s32 s0, v25;
	v22 =	vld.idx.msk [tilespmem:v22+s8+$0x0], $0xffff;
	v20 =	vadd.s32 v12, v19  }
0x5ac: {  	v21 =	vld.idx.msk [tilespmem:v63+s8+$0x0], $0xffff;
	v19 =	vadd.s32 v12, v23  }
0x5ad: {  	s30 =	simm.s32 $0xA;
	s31 =	simm.s32 $0xC;
	s13 =	sor.u32 $0x80, s1;
	v15 =	vadd.s32 v14, v15;
	v23 =	vld [tilespmem:s1+$0x1000];
	[tilespmem:s16+$0x40] =	vst v26  }
.LBB2_23:
0x5ae: {  	p1 =	slt.u32 s31, $0x1E;
	v24 =	vld [tilespmem:s1+$0x1050];
	v17 =	vadd.s32 s29, v17;
	[tilespmem:s24+$0x60] =	vst v16  }
0x5af: {  	v16 =	vadd.s32 s4, v18;
	v17 =	vadd.s32 v13, v17;
	v18 =	vld [tilespmem:s1+$0x1070]  }
0x5b0: {  	v20 =	vld.idx.msk [tilespmem:v20+s8+$0x0], $0xffff;
	v16 =	vadd.s32 v10, v16  }
0x5b1: {  	s19 =	sadd.s32 $0x1, s30;
	[tilespmem:s18+$0x10] =	vst v21;
	v19 =	vld.idx.msk [tilespmem:v19+s8+$0x0], $0xffff  }
0x5b2: {  	v21 =	vadd.s32 s30, v23;
	v23 =	vadd.s32 s19, v23;
	[tilespmem:s17+$0x10] =	vst v22;
	v22 =	vld [tilespmem:s1+$0x1020]  }
0x5b3: {  	v21 =	vadd.s32 v7, v21;
	v23 =	vadd.s32 v7, v23;
	v25 =	vld [tilespmem:s1+$0x1020];
	v24 =	vadd.s32 s15, v24  }
0x5b4: {  	v24 =	vadd.s32 v10, v24;
	v17 =	vld.idx.msk [tilespmem:v17+s8+$0x0], $0xffff;
	v18 =	vadd.s32 s28, v18;
	s28 =	smov.u32 s4;
	s4 =	smov.u32 s5;
	s5 =	smov.u32 s12  }
0x5b5: {  	s12 =	smov.u32 s19;
	v16 =	vld.idx.msk [tilespmem:v16+s8+$0x0], $0xffff;
	v18 =	vadd.s32 v14, v18  }
0x5b6: {  	[tilespmem:s3+$0x30] =	vst v20;
	v15 =	vld.idx.msk [tilespmem:v15+s8+$0x0], $0xffff  }
0x5b7: {  	v20 =	vadd.s32 s5, v22;
	[tilespmem:s10+$0x30] =	vst v19;
	v19 =	vld [tilespmem:s1+$0x1040]  }
0x5b8: {  	v22 =	vld.idx.msk [tilespmem:v23+s8+$0x0], $0xffff;
	v23 =	vadd.s32 s11, v25;
	v20 =	vadd.s32 v9, v20  }
0x5b9: {  	v21 =	vld.idx.msk [tilespmem:v21+s8+$0x0], $0xffff;
	v23 =	vadd.s32 v9, v23  }
0x5ba: {  	s6 =	sadd.s32 $0x200, s6;
	[tilespmem:s26+$0x60] =	vst v17;
	v17 =	vld.idx.msk [tilespmem:v18+s8+$0x0], $0xffff  }
0x5bb: {  	s7 =	sadd.s32 $0x100, s7;
	s19 =	sand.u32 $0x1800, s6;
	v18 =	vld [tilespmem:s1+$0x1040];
	[tilespmem:s20+$0x50] =	vst v16  }
0x5bc: {  	s23 =	sadd.s32 $0xFFFFFF80, s7;
	s25 =	sand.u32 $0x380, s7;
	s19 =	sadd.s32 $0x17800, s19;
	v16 =	vadd.s32 s4, v19;
	v19 =	vld [tilespmem:s1+$0x1060];
	[tilespmem:s14+$0x70] =	vst v15  }
0x5bd: {  	s23 =	sand.u32 $0x300, s23;
	s25 =	sor.u32 s25, s19;
	s14 =	smov.u32 s26;
	v15 =	vld.idx.msk [tilespmem:v20+s8+$0x0], $0xffff;
	v16 =	vadd.s32 v11, v16  }
0x5be: {  	s19 =	sor.u32 s23, s19;
	s26 =	smov.u32 s16;
	s16 =	smov.u32 s10;
	[tilespmem:s25+$0x0] =	vst v22;
	v20 =	vld.idx.msk [tilespmem:v23+s8+$0x0], $0xffff  }
0x5bf: {  	s10 =	smov.u32 s17;
	s17 =	smov.u32 s19;
	[tilespmem:s19+$0x0] =	vst v21;
	v21 =	vld [tilespmem:s1+$0x1010]  }
0x5c0: {  	v22 =	vld [tilespmem:s1+$0x1010];
	v18 =	vadd.s32 s0, v18;
	[tilespmem:s24+$0x70] =	vst v17;
	s24 =	smov.u32 s20;
	s20 =	smov.u32 s3;
	s3 =	smov.u32 s18  }
0x5c1: {  	s18 =	smov.u32 s25;
	v17 =	vadd.s32 v11, v18;
	v18 =	vld.idx.msk [tilespmem:v24+s8+$0x0], $0xffff;
	v19 =	vadd.s32 s28, v19  }
0x5c2: {  	v23 =	vld.idx.msk [tilespmem:v16+s8+$0x0], $0xffff;
	v16 =	vadd.s32 v13, v19  }
0x5c3: {  	[tilespmem:s3+$0x20] =	vst v15;
	v15 =	vld [tilespmem:s1+$0x1070]  }
0x5c4: {  	v19 =	vadd.s32 s12, v21;
	[tilespmem:s10+$0x20] =	vst v20;
	v20 =	vld [tilespmem:s1+$0x1030]  }
0x5c5: {  	v21 =	vadd.s32 s30, v22;
	v19 =	vadd.s32 v8, v19;
	v22 =	vld [tilespmem:s1+$0x1030]  }
0x5c6: {  	v24 =	vadd.s32 v8, v21;
	v25 =	vld.idx.msk [tilespmem:v17+s8+$0x0], $0xffff  }
0x5c7: {  	[tilespmem:s26+$0x50] =	vst v18;
	v16 =	vld.idx.msk [tilespmem:v16+s8+$0x0], $0xffff  }
.Ltmp16:
0x5c8: {  	[tilespmem:s20+$0x40] =	vst v23;
	v17 =	vld [tilespmem:s1+$0x1060];
	v15 =	vadd.s32 s29, v15;
	s29 =	smov.u32 s15;
	s15 =	smov.u32 s0;
	(pc) =	sbr.rel @p1 .LBB2_23-.Ltmp16, $4  }
0x5c9: {  	s0 =	smov.u32 s11;
	s11 =	smov.u32 s30;
	s30 =	smov.u32 s31;
	v20 =	vadd.s32 s5, v20;
	v18 =	vld [tilespmem:s1+$0x1050];
	v15 =	vadd.s32 v14, v15  }
0x5ca: {  	v21 =	vld.idx.msk [tilespmem:v19+s8+$0x0], $0xffff;
	v19 =	vadd.s32 s0, v22;
	v20 =	vadd.s32 v12, v20  }
0x5cb: {  	v22 =	vld.idx.msk [tilespmem:v24+s8+$0x0], $0xffff;
	v19 =	vadd.s32 v12, v19  }
0x5cc: {  	s31 =	sadd.s32 $0x2, s31;
	v23 =	vld [tilespmem:s1+$0x1000];
	[tilespmem:s16+$0x40] =	vst v25  }
0x5cd: {  	_ =	sdelay $0x2  }
0x5ce: {  	s31 =	sadd.s32 $0x1, s30  }
0x5cf: {  	v24 =	vadd.s32 s31, v23  }
0x5d0: {  	v23 =	vadd.s32 s30, v23;
	v24 =	vadd.s32 v7, v24  }
0x5d1: {  	v23 =	vadd.s32 v7, v23;
	_ =	sdelay $0x3  }
0x5d2: {  	v24 =	vld.idx.msk [tilespmem:v24+s8+$0x0], $0xffff  }
0x5d3: {  	s6 =	sadd.s32 $0x200, s6;
	v23 =	vld.idx.msk [tilespmem:v23+s8+$0x0], $0xffff  }
0x5d4: {  	s7 =	sadd.s32 $0x100, s7;
	s6 =	sand.u32 $0x1800, s6  }
0x5d5: {  	s19 =	sadd.s32 $0xFFFFFF80, s7;
	s7 =	sand.u32 $0x380, s7;
	s23 =	sadd.s32 $0x17800, s6  }
0x5d6: {  	s19 =	sand.u32 $0x300, s19;
	s6 =	sor.u32 s7, s23  }
0x5d7: {  	s7 =	sor.u32 s19, s23;
	[tilespmem:s6+$0x0] =	vst v24  }
0x5d8: {  	[tilespmem:s7+$0x0] =	vst v23;
	v23 =	vld [tilespmem:s1+$0x1010]  }
0x5d9: {  	v48 =	vld [tilespmem:s1+$0x1010];
	_ =	sdelay $0x2  }
0x5da: {  	[tilespmem:s18+$0x10] =	vst v21  }
0x5db: {  	v21 =	vld [tilespmem:s1+$0x1020];
	v23 =	vadd.s32 s31, v23  }
0x5dc: {  	v24 =	vadd.s32 s30, v48;
	v23 =	vadd.s32 v8, v23  }
0x5dd: {  	v24 =	vadd.s32 v8, v24;
	_ =	sdelay $0x1  }
0x5de: {  	[tilespmem:s17+$0x10] =	vst v22  }
0x5df: {  	v22 =	vld [tilespmem:s1+$0x1020];
	v21 =	vadd.s32 s12, v21  }
0x5e0: {  	v21 =	vadd.s32 v9, v21;
	v23 =	vld.idx.msk [tilespmem:v23+s8+$0x0], $0xffff  }
0x5e1: {  	v24 =	vld.idx.msk [tilespmem:v24+s8+$0x0], $0xffff;
	_ =	sdelay $0x2  }
0x5e2: {  	v22 =	vadd.s32 s11, v22  }
0x5e3: {  	v22 =	vadd.s32 v9, v22;
	v21 =	vld.idx.msk [tilespmem:v21+s8+$0x0], $0xffff;
	[tilespmem:s6+$0x10] =	vst v23  }
0x5e4: {  	[tilespmem:s7+$0x10] =	vst v24;
	v23 =	vld [tilespmem:s1+$0x1020]  }
0x5e5: {  	v24 =	vld [tilespmem:s1+$0x1020];
	_ =	sdelay $0x2  }
0x5e6: {  	v22 =	vld.idx.msk [tilespmem:v22+s8+$0x0], $0xffff;
	[tilespmem:s18+$0x20] =	vst v21  }
0x5e7: {  	v21 =	vld [tilespmem:s1+$0x1030];
	v23 =	vadd.s32 s31, v23  }
0x5e8: {  	v24 =	vadd.s32 s30, v24;
	v23 =	vadd.s32 v9, v23  }
0x5e9: {  	v24 =	vadd.s32 v9, v24;
	_ =	sdelay $0x1  }
0x5ea: {  	[tilespmem:s17+$0x20] =	vst v22  }
0x5eb: {  	v22 =	vld [tilespmem:s1+$0x1030];
	v21 =	vadd.s32 s12, v21  }
0x5ec: {  	v21 =	vadd.s32 v12, v21;
	v23 =	vld.idx.msk [tilespmem:v23+s8+$0x0], $0xffff  }
0x5ed: {  	v24 =	vld.idx.msk [tilespmem:v24+s8+$0x0], $0xffff;
	_ =	sdelay $0x2  }
0x5ee: {  	v22 =	vadd.s32 s11, v22  }
0x5ef: {  	v22 =	vadd.s32 v12, v22;
	v21 =	vld.idx.msk [tilespmem:v21+s8+$0x0], $0xffff;
	[tilespmem:s6+$0x20] =	vst v23  }
0x5f0: {  	v18 =	vadd.s32 s4, v18;
	[tilespmem:s7+$0x20] =	vst v24;
	v23 =	vld [tilespmem:s1+$0x1030]  }
0x5f1: {  	v18 =	vadd.s32 v10, v18;
	v24 =	vld [tilespmem:s1+$0x1030]  }
0x5f2: {  	v20 =	vld.idx.msk [tilespmem:v20+s8+$0x0], $0xffff;
	_ =	sdelay $0x1  }
0x5f3: {  	v22 =	vld.idx.msk [tilespmem:v22+s8+$0x0], $0xffff;
	[tilespmem:s18+$0x30] =	vst v21  }
0x5f4: {  	v21 =	vld [tilespmem:s1+$0x1040];
	v23 =	vadd.s32 s31, v23  }
0x5f5: {  	v18 =	vld.idx.msk [tilespmem:v18+s8+$0x0], $0xffff;
	v24 =	vadd.s32 s30, v24;
	v23 =	vadd.s32 v12, v23  }
0x5f6: {  	v19 =	vld.idx.msk [tilespmem:v19+s8+$0x0], $0xffff;
	[tilespmem:s3+$0x30] =	vst v20;
	v20 =	vadd.s32 v12, v24  }
0x5f7: {  	v25 =	vld [tilespmem:s1+$0x1050]  }
0x5f8: {  	[tilespmem:s17+$0x30] =	vst v22  }
0x5f9: {  	v22 =	vld [tilespmem:s1+$0x1040];
	v21 =	vadd.s32 s12, v21  }
0x5fa: {  	[tilespmem:s20+$0x50] =	vst v18;
	v18 =	vadd.s32 v11, v21;
	v23 =	vld.idx.msk [tilespmem:v23+s8+$0x0], $0xffff  }
0x5fb: {  	[tilespmem:s10+$0x30] =	vst v19;
	v19 =	vld.idx.msk [tilespmem:v20+s8+$0x0], $0xffff  }
0x5fc: {  	v49 =	vld [tilespmem:s1+$0x1040];
	v20 =	vadd.s32 s15, v25  }
0x5fd: {  	v20 =	vadd.s32 v10, v20  }
0x5fe: {  	v50 =	vld [tilespmem:s1+$0x1040];
	v21 =	vadd.s32 s11, v22  }
0x5ff: {  	v21 =	vadd.s32 v11, v21;
	v18 =	vld.idx.msk [tilespmem:v18+s8+$0x0], $0xffff;
	[tilespmem:s6+$0x30] =	vst v23  }
0x600: {  	[tilespmem:s7+$0x30] =	vst v19;
	v19 =	vld [tilespmem:s1+$0x1040]  }
0x601: {  	v23 =	vadd.s32 s5, v49;
	v52 =	vld [tilespmem:s1+$0x1040]  }
0x602: {  	v23 =	vadd.s32 v11, v23;
	v20 =	vld.idx.msk [tilespmem:v20+s8+$0x0], $0xffff  }
0x603: {  	v51 =	vadd.s32 s0, v50  }
0x604: {  	v21 =	vld.idx.msk [tilespmem:v21+s8+$0x0], $0xffff;
	v24 =	vadd.s32 v11, v51  }
0x605: {  	v22 =	vld [tilespmem:s1+$0x1060];
	v19 =	vadd.s32 s31, v19  }
0x606: {  	[tilespmem:s18+$0x40] =	vst v18;
	v25 =	vadd.s32 s30, v52;
	v19 =	vadd.s32 v11, v19  }
0x607: {  	v23 =	vld.idx.msk [tilespmem:v23+s8+$0x0], $0xffff;
	[tilespmem:s16+$0x50] =	vst v20;
	v20 =	vadd.s32 v11, v25  }
0x608: {  	v18 =	vld [tilespmem:s1+$0x1050]  }
0x609: {  	[tilespmem:s17+$0x40] =	vst v21;
	v24 =	vld.idx.msk [tilespmem:v24+s8+$0x0], $0xffff  }
0x60a: {  	v21 =	vadd.s32 s4, v22;
	v22 =	vld [tilespmem:s1+$0x1050]  }
0x60b: {  	v19 =	vld.idx.msk [tilespmem:v19+s8+$0x0], $0xffff  }
0x60c: {  	[tilespmem:s3+$0x40] =	vst v23;
	v20 =	vld.idx.msk [tilespmem:v20+s8+$0x0], $0xffff  }
0x60d: {  	v18 =	vadd.s32 s12, v18;
	v23 =	vld [tilespmem:s1+$0x1050]  }
0x60e: {  	v18 =	vadd.s32 v10, v18;
	[tilespmem:s10+$0x40] =	vst v24  }
0x60f: {  	v22 =	vadd.s32 s11, v22;
	v24 =	vld [tilespmem:s1+$0x1050]  }
0x610: {  	v22 =	vadd.s32 v10, v22;
	[tilespmem:s6+$0x40] =	vst v19  }
0x611: {  	v17 =	vadd.s32 s29, v17;
	[tilespmem:s7+$0x40] =	vst v20;
	v54 =	vld [tilespmem:s1+$0x1050]  }
0x612: {  	v17 =	vadd.s32 v13, v17;
	v20 =	vadd.s32 s5, v23;
	v23 =	vld [tilespmem:s1+$0x1050]  }
0x613: {  	v18 =	vld.idx.msk [tilespmem:v18+s8+$0x0], $0xffff;
	v20 =	vadd.s32 v10, v20  }
0x614: {  	v24 =	vadd.s32 s0, v24  }
0x615: {  	v22 =	vld.idx.msk [tilespmem:v22+s8+$0x0], $0xffff;
	v24 =	vadd.s32 v10, v24  }
0x616: {  	v53 =	vld [tilespmem:s1+$0x1060];
	v25 =	vadd.s32 s31, v54  }
0x617: {  	v17 =	vld.idx.msk [tilespmem:v17+s8+$0x0], $0xffff;
	v23 =	vadd.s32 s30, v23;
	v25 =	vadd.s32 v10, v25  }
0x618: {  	[tilespmem:s18+$0x50] =	vst v18;
	v20 =	vld.idx.msk [tilespmem:v20+s8+$0x0], $0xffff;
	v23 =	vadd.s32 v10, v23  }
0x619: {  	v18 =	vld [tilespmem:s1+$0x1060]  }
0x61a: {  	[tilespmem:s17+$0x50] =	vst v22;
	v24 =	vld.idx.msk [tilespmem:v24+s8+$0x0], $0xffff;
	v19 =	vadd.s32 v13, v21  }
0x61b: {  	v22 =	vld [tilespmem:s1+$0x1060];
	v21 =	vadd.s32 s15, v53  }
0x61c: {  	v21 =	vadd.s32 v13, v21;
	v25 =	vld.idx.msk [tilespmem:v25+s8+$0x0], $0xffff  }
0x61d: {  	[tilespmem:s3+$0x50] =	vst v20;
	v20 =	vld.idx.msk [tilespmem:v23+s8+$0x0], $0xffff  }
0x61e: {  	v23 =	vld [tilespmem:s1+$0x1060]  }
0x61f: {  	[tilespmem:s10+$0x50] =	vst v24;
	v19 =	vld.idx.msk [tilespmem:v19+s8+$0x0], $0xffff  }
0x620: {  	v18 =	vadd.s32 s12, v18;
	v24 =	vld [tilespmem:s1+$0x1060]  }
0x621: {  	v18 =	vadd.s32 v13, v18;
	v21 =	vld.idx.msk [tilespmem:v21+s8+$0x0], $0xffff;
	[tilespmem:s6+$0x50] =	vst v25  }
0x622: {  	[tilespmem:s7+$0x50] =	vst v20;
	v25 =	vld [tilespmem:s1+$0x1060]  }
0x623: {  	[tilespmem:s24+$0x60] =	vst v16;
	v20 =	vadd.s32 s5, v23;
	v23 =	vld [tilespmem:s1+$0x1060]  }
0x624: {  	[tilespmem:s20+$0x60] =	vst v19;
	v19 =	vadd.s32 s11, v22;
	v16 =	vadd.s32 v13, v20  }
0x625: {  	v55 =	vld [tilespmem:s1+$0x1070];
	v19 =	vadd.s32 v13, v19  }
0x626: {  	[tilespmem:s26+$0x60] =	vst v17;
	v18 =	vld.idx.msk [tilespmem:v18+s8+$0x0], $0xffff;
	v20 =	vadd.s32 s0, v24  }
0x627: {  	v22 =	vld [tilespmem:s1+$0x1070];
	[tilespmem:s16+$0x60] =	vst v21;
	v17 =	vadd.s32 v13, v20;
	v21 =	vadd.s32 s31, v25  }
0x628: {  	v56 =	vld [tilespmem:s1+$0x1070];
	v23 =	vadd.s32 s30, v23;
	v21 =	vadd.s32 v13, v21  }
0x629: {  	v16 =	vld.idx.msk [tilespmem:v16+s8+$0x0], $0xffff;
	v23 =	vadd.s32 v13, v23  }
0x62a: {  	v19 =	vld.idx.msk [tilespmem:v19+s8+$0x0], $0xffff  }
0x62b: {  	v20 =	vld [tilespmem:s1+$0x1070]  }
0x62c: {  	v17 =	vld.idx.msk [tilespmem:v17+s8+$0x0], $0xffff  }
0x62d: {  	v21 =	vld.idx.msk [tilespmem:v21+s8+$0x0], $0xffff  }
0x62e: {  	[tilespmem:s3+$0x60] =	vst v16;
	v16 =	vld.idx.msk [tilespmem:v23+s8+$0x0], $0xffff  }
0x62f: {  	[tilespmem:s17+$0x60] =	vst v19;
	v23 =	vld [tilespmem:s1+$0x1070]  }
0x630: {  	[tilespmem:s18+$0x60] =	vst v18;
	v19 =	vadd.s32 s4, v22;
	v22 =	vld [tilespmem:s1+$0x1070]  }
0x631: {  	v19 =	vadd.s32 v14, v19;
	v18 =	vadd.s32 s29, v20;
	v20 =	vld [tilespmem:s1+$0x1070];
	[tilespmem:s10+$0x60] =	vst v17  }
0x632: {  	v18 =	vadd.s32 v14, v18;
	v17 =	vadd.s32 s28, v55;
	v57 =	vld [tilespmem:s1+$0x1070];
	[tilespmem:s6+$0x60] =	vst v21  }
0x633: {  	v17 =	vadd.s32 v14, v17;
	v21 =	vadd.s32 s15, v56;
	[tilespmem:s7+$0x60] =	vst v16;
	v58 =	vld [tilespmem:s1+$0x1070]  }
0x634: {  	v16 =	vadd.s32 v14, v21;
	v21 =	vadd.s32 s5, v23;
	v23 =	vld [tilespmem:s1+$0x1070]  }
0x635: {  	v15 =	vld.idx.msk [tilespmem:v15+s8+$0x0], $0xffff;
	v22 =	vadd.s32 s11, v22;
	v21 =	vadd.s32 v14, v21  }
0x636: {  	v19 =	vld.idx.msk [tilespmem:v19+s8+$0x0], $0xffff;
	v22 =	vadd.s32 v14, v22;
	v20 =	vadd.s32 s12, v20  }
0x637: {  	v18 =	vld.idx.msk [tilespmem:v18+s8+$0x0], $0xffff;
	v20 =	vadd.s32 v14, v20;
	v24 =	vadd.s32 s0, v57  }
0x638: {  	v17 =	vld.idx.msk [tilespmem:v17+s8+$0x0], $0xffff;
	v24 =	vadd.s32 v14, v24;
	v25 =	vadd.s32 s31, v58  }
0x639: {  	v16 =	vld.idx.msk [tilespmem:v16+s8+$0x0], $0xffff;
	v23 =	vadd.s32 s30, v23;
	v25 =	vadd.s32 v14, v25  }
0x63a: {  	[tilespmem:s14+$0x70] =	vst v15;
	v15 =	vld.idx.msk [tilespmem:v21+s8+$0x0], $0xffff;
	v21 =	vadd.s32 v14, v23  }
0x63b: {  	[tilespmem:s20+$0x70] =	vst v19;
	v19 =	vld.idx.msk [tilespmem:v22+s8+$0x0], $0xffff  }
0x63c: {  	[tilespmem:s26+$0x70] =	vst v18;
	v18 =	vld.idx.msk [tilespmem:v20+s8+$0x0], $0xffff  }
0x63d: {  	[tilespmem:s24+$0x70] =	vst v17;
	v17 =	vld.idx.msk [tilespmem:v24+s8+$0x0], $0xffff  }
0x63e: {  	[tilespmem:s16+$0x70] =	vst v16;
	v16 =	vld.idx.msk [tilespmem:v25+s8+$0x0], $0xffff  }
0x63f: {  	[tilespmem:s3+$0x70] =	vst v15;
	v15 =	vld.idx.msk [tilespmem:v21+s8+$0x0], $0xffff  }
0x640: {  	[tilespmem:s17+$0x70] =	vst v19  }
0x641: {  	[tilespmem:s18+$0x70] =	vst v18  }
0x642: {  	[tilespmem:s10+$0x70] =	vst v17  }
0x643: {  	[tilespmem:s6+$0x70] =	vst v16  }
0x644: {  	s23 =	simm.s32 $0x5;
	[tilespmem:s7+$0x70] =	vst v15  }
0x645: {  	_ =	swait.ge [sflag:s23], $0x4000  }
0x646: {  	[sflag:s23] =	ssyncset.done $0x0  }
0x647: {  	[sflag:s23] =	ssyncadd.s32 $0xFFFFC000  }
0x648: {  	v15 =	vld [tilespmem:s13+$0x1000];
	_ =	sdelay $0x3  }
0x649: {  	s17 =	simm.s32 $0x1  }
0x64a: {  	v16 =	vadd.s32 s17, v15  }
0x64b: {  	v16 =	vadd.s32 v7, v16;
	_ =	sdelay $0x2  }
0x64c: {  	s30 =	simm.s32 $0x0  }
0x64d: {  	v15 =	vadd.s32 s30, v15  }
0x64e: {  	v15 =	vadd.s32 v7, v15;
	v16 =	vld.idx.msk [tilespmem:v16+s9+$0x0], $0xffff;
	_ =	sdelay $0x1  }
0x64f: {  	s24 =	simm.s32 $0x80;
	s25 =	sand.u32 $0x1800, s30  }
0x650: {  	s0 =	sand.u32 $0x380, s24;
	s3 =	sadd.s32 $0x17800, s25  }
0x651: {  	s6 =	sor.u32 s0, s3  }
0x652: {  	v15 =	vld.idx.msk [tilespmem:v15+s9+$0x0], $0xffff;
	[tilespmem:s6+$0x400] =	vst v16  }
0x653: {  	v16 =	vld [tilespmem:s1+$0x1090]  }
0x654: {  	s26 =	simm.s32 $0x0  }
0x655: {  	s0 =	sand.u32 $0x300, s26  }
0x656: {  	s14 =	sor.u32 s0, s3  }
0x657: {  	[tilespmem:s14+$0x400] =	vst v15  }
0x658: {  	v15 =	vld [tilespmem:s1+$0x1090];
	v16 =	vadd.s32 s17, v16  }
0x659: {  	v16 =	vadd.s32 v8, v16;
	_ =	sdelay $0x3  }
0x65a: {  	v15 =	vadd.s32 s30, v15  }
0x65b: {  	v15 =	vadd.s32 v8, v15;
	v16 =	vld.idx.msk [tilespmem:v16+s9+$0x0], $0xffff  }
0x65c: {  	v17 =	vld [tilespmem:s13+$0x1000];
	_ =	sdelay $0x3  }
0x65d: {  	s28 =	simm.s32 $0x3;
	v15 =	vld.idx.msk [tilespmem:v15+s9+$0x0], $0xffff;
	[tilespmem:s6+$0x410] =	vst v16  }
0x65e: {  	v16 =	vadd.s32 s28, v17;
	v18 =	vld [tilespmem:s1+$0x10A0]  }
0x65f: {  	s29 =	simm.s32 $0x2;
	v16 =	vadd.s32 v7, v16  }
0x660: {  	v17 =	vadd.s32 s29, v17  }
0x661: {  	v17 =	vadd.s32 v7, v17  }
0x662: {  	[tilespmem:s14+$0x410] =	vst v15  }
0x663: {  	v15 =	vld [tilespmem:s1+$0x10A0];
	v18 =	vadd.s32 s17, v18  }
0x664: {  	v16 =	vld.idx.msk [tilespmem:v16+s9+$0x0], $0xffff;
	v18 =	vadd.s32 v9, v18  }
0x665: {  	s4 =	simm.s32 $0x200  }
0x666: {  	s5 =	simm.s32 $0x180;
	s0 =	sand.u32 $0x1800, s4;
	v17 =	vld.idx.msk [tilespmem:v17+s9+$0x0], $0xffff  }
0x667: {  	s3 =	sand.u32 $0x380, s5;
	s0 =	sadd.s32 $0x17800, s0  }
0x668: {  	s7 =	simm.s32 $0x100;
	s24 =	sor.u32 s3, s0;
	v15 =	vadd.s32 s30, v15  }
0x669: {  	s3 =	sand.u32 $0x300, s7;
	v15 =	vadd.s32 v9, v15;
	[tilespmem:s24+$0x400] =	vst v16;
	v18 =	vld.idx.msk [tilespmem:v18+s9+$0x0], $0xffff  }
0x66a: {  	s26 =	sor.u32 s3, s0;
	v16 =	vld [tilespmem:s1+$0x1090]  }
0x66b: {  	[tilespmem:s26+$0x400] =	vst v17  }
0x66c: {  	v17 =	vld [tilespmem:s1+$0x1090];
	_ =	sdelay $0x1  }
0x66d: {  	v15 =	vld.idx.msk [tilespmem:v15+s9+$0x0], $0xffff  }
0x66e: {  	[tilespmem:s6+$0x420] =	vst v18;
	v16 =	vadd.s32 s28, v16  }
0x66f: {  	v18 =	vld [tilespmem:s1+$0x10B0];
	v16 =	vadd.s32 v8, v16  }
0x670: {  	v17 =	vadd.s32 s29, v17  }
0x671: {  	v17 =	vadd.s32 v8, v17  }
0x672: {  	v19 =	vld [tilespmem:s13+$0x1000];
	[tilespmem:s14+$0x420] =	vst v15  }
0x673: {  	v15 =	vld [tilespmem:s1+$0x10B0]  }
0x674: {  	v18 =	vadd.s32 s17, v18;
	v16 =	vld.idx.msk [tilespmem:v16+s9+$0x0], $0xffff  }
0x675: {  	v18 =	vadd.s32 v12, v18  }
0x676: {  	v17 =	vld.idx.msk [tilespmem:v17+s9+$0x0], $0xffff;
	_ =	sdelay $0x1  }
0x677: {  	s20 =	simm.s32 $0x5;
	v15 =	vadd.s32 s30, v15  }
0x678: {  	s16 =	simm.s32 $0x4;
	v15 =	vadd.s32 v12, v15;
	[tilespmem:s24+$0x410] =	vst v16;
	v16 =	vadd.s32 s20, v19  }
0x679: {  	v19 =	vadd.s32 s16, v19;
	v18 =	vld.idx.msk [tilespmem:v18+s9+$0x0], $0xffff;
	v16 =	vadd.s32 v7, v16  }
0x67a: {  	[tilespmem:s26+$0x410] =	vst v17;
	v20 =	vld [tilespmem:s1+$0x10A0];
	v19 =	vadd.s32 v7, v19  }
0x67b: {  	v17 =	vld [tilespmem:s1+$0x10A0];
	_ =	sdelay $0x1  }
0x67c: {  	v15 =	vld.idx.msk [tilespmem:v15+s9+$0x0], $0xffff  }
0x67d: {  	v16 =	vld.idx.msk [tilespmem:v16+s9+$0x0], $0xffff  }
0x67e: {  	s10 =	simm.s32 $0x400;
	[tilespmem:s6+$0x430] =	vst v18;
	v19 =	vld.idx.msk [tilespmem:v19+s9+$0x0], $0xffff  }
0x67f: {  	s11 =	simm.s32 $0x280;
	s0 =	sand.u32 $0x1800, s10;
	v18 =	vadd.s32 s28, v20;
	v17 =	vadd.s32 s29, v17;
	v20 =	vld [tilespmem:s1+$0x10C0]  }
0x680: {  	s12 =	simm.s32 $0x200;
	s3 =	sand.u32 $0x380, s11;
	s0 =	sadd.s32 $0x17800, s0;
	v17 =	vadd.s32 v9, v17  }
0x681: {  	s15 =	sand.u32 $0x300, s12;
	s4 =	sor.u32 s3, s0  }
0x682: {  	s15 =	sor.u32 s15, s0;
	v18 =	vadd.s32 v9, v18;
	[tilespmem:s4+$0x400] =	vst v16  }
0x683: {  	[tilespmem:s15+$0x400] =	vst v19;
	v16 =	vld [tilespmem:s1+$0x1090]  }
0x684: {  	[tilespmem:s14+$0x430] =	vst v15;
	v20 =	vadd.s32 s17, v20;
	v15 =	vld [tilespmem:s1+$0x1090]  }
0x685: {  	v17 =	vld.idx.msk [tilespmem:v17+s9+$0x0], $0xffff;
	v20 =	vadd.s32 v11, v20  }
0x686: {  	v19 =	vld [tilespmem:s1+$0x10C0]  }
0x687: {  	v18 =	vld.idx.msk [tilespmem:v18+s9+$0x0], $0xffff  }
0x688: {  	v16 =	vadd.s32 s20, v16  }
0x689: {  	v15 =	vadd.s32 s16, v15;
	v16 =	vadd.s32 v8, v16  }
0x68a: {  	[tilespmem:s26+$0x420] =	vst v17;
	v20 =	vld.idx.msk [tilespmem:v20+s9+$0x0], $0xffff;
	v15 =	vadd.s32 v8, v15  }
0x68b: {  	v17 =	vadd.s32 s30, v19;
	v19 =	vld [tilespmem:s1+$0x10B0]  }
0x68c: {  	v21 =	vld [tilespmem:s13+$0x1000];
	[tilespmem:s24+$0x420] =	vst v18  }
0x68d: {  	v18 =	vld [tilespmem:s1+$0x10B0]  }
0x68e: {  	v16 =	vld.idx.msk [tilespmem:v16+s9+$0x0], $0xffff  }
0x68f: {  	v15 =	vld.idx.msk [tilespmem:v15+s9+$0x0], $0xffff  }
0x690: {  	[tilespmem:s6+$0x440] =	vst v20;
	v19 =	vadd.s32 s29, v19  }
0x691: {  	v20 =	vld [tilespmem:s1+$0x10D0];
	v19 =	vadd.s32 v12, v19  }
0x692: {  	v17 =	vadd.s32 v11, v17  }
0x693: {  	s0 =	simm.s32 $0x7;
	v18 =	vadd.s32 s28, v18;
	[tilespmem:s4+$0x410] =	vst v16  }
0x694: {  	s3 =	simm.s32 $0x6;
	v18 =	vadd.s32 v12, v18;
	[tilespmem:s15+$0x410] =	vst v15;
	v16 =	vadd.s32 s0, v21;
	v15 =	vld [tilespmem:s1+$0x10A0]  }
0x695: {  	v21 =	vadd.s32 s3, v21;
	v22 =	vld [tilespmem:s1+$0x10A0];
	v16 =	vadd.s32 v7, v16  }
0x696: {  	v20 =	vadd.s32 s17, v20;
	v19 =	vld.idx.msk [tilespmem:v19+s9+$0x0], $0xffff;
	v21 =	vadd.s32 v7, v21  }
0x697: {  	v17 =	vld.idx.msk [tilespmem:v17+s9+$0x0], $0xffff;
	v20 =	vadd.s32 v10, v20;
	_ =	sdelay $0x1  }
0x698: {  	v18 =	vld.idx.msk [tilespmem:v18+s9+$0x0], $0xffff  }
0x699: {  	v15 =	vadd.s32 s20, v15;
	v16 =	vld.idx.msk [tilespmem:v16+s9+$0x0], $0xffff  }
0x69a: {  	v22 =	vadd.s32 s16, v22;
	[tilespmem:s26+$0x430] =	vst v19;
	v19 =	vld.idx.msk [tilespmem:v21+s9+$0x0], $0xffff;
	v15 =	vadd.s32 v9, v15  }
0x69b: {  	s18 =	simm.s32 $0x600;
	[tilespmem:s14+$0x440] =	vst v17;
	v17 =	vld.idx.msk [tilespmem:v20+s9+$0x0], $0xffff;
	v22 =	vadd.s32 v9, v22  }
0x69c: {  	s19 =	simm.s32 $0x380;
	s5 =	sand.u32 $0x1800, s18;
	v20 =	vld [tilespmem:s1+$0x10D0]  }
0x69d: {  	s25 =	sadd.s32 $0x17800, s5;
	s23 =	simm.s32 $0x300;
	s7 =	sand.u32 $0x380, s19;
	[tilespmem:s24+$0x430] =	vst v18  }
0x69e: {  	s12 =	sand.u32 $0x300, s23;
	s5 =	sor.u32 s7, s25;
	v18 =	vld [tilespmem:s1+$0x10C0]  }
0x69f: {  	s10 =	sor.u32 s12, s25;
	[tilespmem:s5+$0x400] =	vst v16;
	v15 =	vld.idx.msk [tilespmem:v15+s9+$0x0], $0xffff  }
0x6a0: {  	[tilespmem:s10+$0x400] =	vst v19;
	v16 =	vld.idx.msk [tilespmem:v22+s9+$0x0], $0xffff  }
0x6a1: {  	[tilespmem:s6+$0x450] =	vst v17;
	v17 =	vadd.s32 s30, v20;
	v19 =	vld [tilespmem:s1+$0x1090]  }
0x6a2: {  	v22 =	vld [tilespmem:s1+$0x1090];
	v17 =	vadd.s32 v10, v17  }
0x6a3: {  	v18 =	vadd.s32 s28, v18;
	v20 =	vld [tilespmem:s1+$0x10E0]  }
0x6a4: {  	v18 =	vadd.s32 v11, v18  }
0x6a5: {  	v21 =	vld [tilespmem:s1+$0x10C0]  }
0x6a6: {  	[tilespmem:s4+$0x420] =	vst v15;
	v15 =	vadd.s32 s0, v19  }
0x6a7: {  	v19 =	vadd.s32 s3, v22;
	v17 =	vld.idx.msk [tilespmem:v17+s9+$0x0], $0xffff;
	v15 =	vadd.s32 v8, v15  }
0x6a8: {  	[tilespmem:s15+$0x420] =	vst v16;
	v20 =	vadd.s32 s17, v20;
	v16 =	vld [tilespmem:s1+$0x10B0];
	v19 =	vadd.s32 v8, v19  }
0x6a9: {  	v18 =	vld.idx.msk [tilespmem:v18+s9+$0x0], $0xffff;
	v20 =	vadd.s32 v13, v20  }
0x6aa: {  	v23 =	vld [tilespmem:s13+$0x1000];
	v21 =	vadd.s32 s29, v21  }
0x6ab: {  	v21 =	vadd.s32 v11, v21;
	v22 =	vld [tilespmem:s1+$0x10B0]  }
0x6ac: {  	v15 =	vld.idx.msk [tilespmem:v15+s9+$0x0], $0xffff  }
0x6ad: {  	[tilespmem:s14+$0x450] =	vst v17;
	v16 =	vadd.s32 s20, v16;
	v19 =	vld.idx.msk [tilespmem:v19+s9+$0x0], $0xffff  }
0x6ae: {  	[tilespmem:s24+$0x440] =	vst v18;
	v17 =	vld.idx.msk [tilespmem:v20+s9+$0x0], $0xffff;
	v16 =	vadd.s32 v12, v16  }
0x6af: {  	v20 =	vld [tilespmem:s1+$0x10D0]  }
0x6b0: {  	v21 =	vld.idx.msk [tilespmem:v21+s9+$0x0], $0xffff;
	_ =	sdelay $0x1  }
0x6b1: {  	s12 =	simm.s32 $0x9;
	v22 =	vadd.s32 s16, v22;
	v18 =	vld [tilespmem:s1+$0x10E0];
	[tilespmem:s5+$0x410] =	vst v15  }
0x6b2: {  	v15 =	vadd.s32 s12, v23;
	[tilespmem:s6+$0x460] =	vst v17;
	v17 =	vadd.s32 v12, v22;
	v16 =	vld.idx.msk [tilespmem:v16+s9+$0x0], $0xffff  }
0x6b3: {  	[tilespmem:s10+$0x410] =	vst v19;
	v20 =	vadd.s32 s28, v20;
	v19 =	vld [tilespmem:s1+$0x10A0];
	v15 =	vadd.s32 v7, v15  }
0x6b4: {  	s11 =	simm.s32 $0x8;
	[tilespmem:s26+$0x440] =	vst v21;
	v59 =	vld [tilespmem:s1+$0x10A0];
	v20 =	vadd.s32 v10, v20  }
0x6b5: {  	v23 =	vadd.s32 s11, v23;
	v22 =	vld [tilespmem:s1+$0x10D0]  }
0x6b6: {  	v18 =	vadd.s32 s30, v18;
	v23 =	vadd.s32 v7, v23;
	v21 =	vld [tilespmem:s1+$0x10F0]  }
0x6b7: {  	v18 =	vadd.s32 v13, v18;
	v17 =	vld.idx.msk [tilespmem:v17+s9+$0x0], $0xffff  }
0x6b8: {  	[tilespmem:s4+$0x430] =	vst v16;
	v16 =	vadd.s32 s0, v19;
	v15 =	vld.idx.msk [tilespmem:v15+s9+$0x0], $0xffff  }
0x6b9: {  	v24 =	vadd.s32 s3, v59;
	v20 =	vld.idx.msk [tilespmem:v20+s9+$0x0], $0xffff;
	v16 =	vadd.s32 v9, v16  }
0x6ba: {  	s7 =	simm.s32 $0x800;
	v19 =	vld [tilespmem:s1+$0x10C0];
	v24 =	vadd.s32 v9, v24  }
0x6bb: {  	s31 =	simm.s32 $0x480;
	s18 =	sand.u32 $0x1800, s7;
	v23 =	vld.idx.msk [tilespmem:v23+s9+$0x0], $0xffff  }
0x6bc: {  	s23 =	sand.u32 $0x380, s31;
	v21 =	vadd.s32 s17, v21;
	v18 =	vld.idx.msk [tilespmem:v18+s9+$0x0], $0xffff;
	s17 =	sadd.s32 $0x17800, s18;
	[tilespmem:s15+$0x430] =	vst v17  }
0x6bd: {  	s18 =	sor.u32 s23, s17;
	v17 =	vadd.s32 s29, v22;
	v22 =	vld [tilespmem:s1+$0x10C0]  }
0x6be: {  	s19 =	simm.s32 $0x400;
	v21 =	vadd.s32 v14, v21;
	[tilespmem:s18+$0x400] =	vst v15;
	v16 =	vld.idx.msk [tilespmem:v16+s9+$0x0], $0xffff  }
0x6bf: {  	s25 =	sand.u32 $0x300, s19;
	[tilespmem:s24+$0x450] =	vst v20;
	v17 =	vadd.s32 v10, v17;
	v19 =	vadd.s32 s20, v19;
	v15 =	vld.idx.msk [tilespmem:v24+s9+$0x0], $0xffff  }
0x6c0: {  	s17 =	sor.u32 s25, s17;
	v20 =	vld [tilespmem:s1+$0x10E0];
	v19 =	vadd.s32 v11, v19  }
0x6c1: {  	[tilespmem:s17+$0x400] =	vst v23;
	v23 =	vld [tilespmem:s1+$0x1090]  }
0x6c2: {  	v60 =	vld [tilespmem:s1+$0x1090]  }
0x6c3: {  	v21 =	vld.idx.msk [tilespmem:v21+s9+$0x0], $0xffff;
	v22 =	vadd.s32 s16, v22  }
0x6c4: {  	[tilespmem:s14+$0x460] =	vst v18;
	v17 =	vld.idx.msk [tilespmem:v17+s9+$0x0], $0xffff;
	v22 =	vadd.s32 v11, v22  }
0x6c5: {  	[tilespmem:s5+$0x420] =	vst v16;
	v20 =	vadd.s32 s28, v20;
	v18 =	vld.idx.msk [tilespmem:v19+s9+$0x0], $0xffff  }
0x6c6: {  	[tilespmem:s10+$0x420] =	vst v15;
	v15 =	vld [tilespmem:s1+$0x10B0];
	v19 =	vadd.s32 v13, v20  }
0x6c7: {  	v16 =	vadd.s32 s12, v23;
	v20 =	vld [tilespmem:s1+$0x10F0]  }
0x6c8: {  	v23 =	vadd.s32 s11, v60;
	v61 =	vadd.s32 v8, v16;
	v62 =	vld [tilespmem:s1+$0x10B0]  }
0x6c9: {  	v23 =	vadd.s32 v8, v23;
	[tilespmem:s26+$0x450] =	vst v17;
	v26 =	vld.idx.msk [tilespmem:v22+s9+$0x0], $0xffff  }
0x6ca: {  	v17 =	vld [tilespmem:s1+$0x10E0]  }
0x6cb: {  	[tilespmem:s4+$0x440] =	vst v18;
	v16 =	vld.idx.msk [tilespmem:v19+s9+$0x0], $0xffff  }
0x6cc: {  	v18 =	vld [tilespmem:s1+$0x10D0];
	v19 =	vadd.s32 s30, v20;
	v20 =	vadd.s32 s0, v15  }
0x6cd: {  	[tilespmem:s6+$0x470] =	vst v21;
	v21 =	vld.idx.msk [tilespmem:v61+s9+$0x0], $0xffff;
	v63 =	vadd.s32 s3, v62;
	v20 =	vadd.s32 v12, v20  }
0x6ce: {  	v22 =	vld.idx.msk [tilespmem:v23+s9+$0x0], $0xffff;
	v15 =	vadd.s32 v14, v19;
	v19 =	vadd.s32 v12, v63  }
0x6cf: {  	s6 =	simm.s32 $0xC;
	v23 =	vld [tilespmem:s13+$0x1000];
	s30 =	simm.s32 $0xA;
	[tilespmem:s15+$0x440] =	vst v26  }
.LBB2_25:
0x6d0: {  	p1 =	slt.u32 s6, $0x1E;
	v24 =	vld [tilespmem:s1+$0x10D0];
	v17 =	vadd.s32 s29, v17;
	[tilespmem:s24+$0x460] =	vst v16  }
0x6d1: {  	v16 =	vadd.s32 s20, v18;
	v17 =	vadd.s32 v13, v17;
	v18 =	vld [tilespmem:s1+$0x10F0]  }
0x6d2: {  	v20 =	vld.idx.msk [tilespmem:v20+s9+$0x0], $0xffff;
	v16 =	vadd.s32 v10, v16  }
0x6d3: {  	s19 =	sadd.s32 $0x1, s30;
	[tilespmem:s18+$0x410] =	vst v21;
	v19 =	vld.idx.msk [tilespmem:v19+s9+$0x0], $0xffff  }
0x6d4: {  	v21 =	vadd.s32 s30, v23;
	v23 =	vadd.s32 s19, v23;
	[tilespmem:s17+$0x410] =	vst v22;
	v22 =	vld [tilespmem:s1+$0x10A0]  }
0x6d5: {  	v21 =	vadd.s32 v7, v21;
	v23 =	vadd.s32 v7, v23;
	v25 =	vld [tilespmem:s1+$0x10A0];
	v24 =	vadd.s32 s16, v24  }
0x6d6: {  	v24 =	vadd.s32 v10, v24;
	v17 =	vld.idx.msk [tilespmem:v17+s9+$0x0], $0xffff;
	v18 =	vadd.s32 s28, v18;
	s28 =	smov.u32 s20;
	s20 =	smov.u32 s0;
	s0 =	smov.u32 s12  }
0x6d7: {  	s12 =	smov.u32 s19;
	v16 =	vld.idx.msk [tilespmem:v16+s9+$0x0], $0xffff;
	v18 =	vadd.s32 v14, v18  }
0x6d8: {  	[tilespmem:s5+$0x430] =	vst v20;
	v15 =	vld.idx.msk [tilespmem:v15+s9+$0x0], $0xffff  }
0x6d9: {  	v20 =	vadd.s32 s0, v22;
	[tilespmem:s10+$0x430] =	vst v19;
	v19 =	vld [tilespmem:s1+$0x10C0]  }
0x6da: {  	v22 =	vld.idx.msk [tilespmem:v23+s9+$0x0], $0xffff;
	v23 =	vadd.s32 s11, v25;
	v20 =	vadd.s32 v9, v20  }
0x6db: {  	v21 =	vld.idx.msk [tilespmem:v21+s9+$0x0], $0xffff;
	v23 =	vadd.s32 v9, v23  }
0x6dc: {  	s7 =	sadd.s32 $0x200, s7;
	[tilespmem:s26+$0x460] =	vst v17;
	v17 =	vld.idx.msk [tilespmem:v18+s9+$0x0], $0xffff  }
0x6dd: {  	s31 =	sadd.s32 $0x100, s31;
	s19 =	sand.u32 $0x1800, s7;
	v18 =	vld [tilespmem:s1+$0x10C0];
	[tilespmem:s4+$0x450] =	vst v16  }
0x6de: {  	s23 =	sadd.s32 $0xFFFFFF80, s31;
	s25 =	sand.u32 $0x380, s31;
	s19 =	sadd.s32 $0x17800, s19;
	v16 =	vadd.s32 s20, v19;
	v19 =	vld [tilespmem:s1+$0x10E0];
	[tilespmem:s14+$0x470] =	vst v15  }
0x6df: {  	s23 =	sand.u32 $0x300, s23;
	s25 =	sor.u32 s25, s19;
	s14 =	smov.u32 s26;
	v15 =	vld.idx.msk [tilespmem:v20+s9+$0x0], $0xffff;
	v16 =	vadd.s32 v11, v16  }
0x6e0: {  	s19 =	sor.u32 s23, s19;
	s26 =	smov.u32 s15;
	s15 =	smov.u32 s10;
	[tilespmem:s25+$0x400] =	vst v22;
	v20 =	vld.idx.msk [tilespmem:v23+s9+$0x0], $0xffff  }
0x6e1: {  	s10 =	smov.u32 s17;
	s17 =	smov.u32 s19;
	[tilespmem:s19+$0x400] =	vst v21;
	v21 =	vld [tilespmem:s1+$0x1090]  }
0x6e2: {  	v22 =	vld [tilespmem:s1+$0x1090];
	v18 =	vadd.s32 s3, v18;
	[tilespmem:s24+$0x470] =	vst v17;
	s24 =	smov.u32 s4;
	s4 =	smov.u32 s5;
	s5 =	smov.u32 s18  }
0x6e3: {  	s18 =	smov.u32 s25;
	v17 =	vadd.s32 v11, v18;
	v18 =	vld.idx.msk [tilespmem:v24+s9+$0x0], $0xffff;
	v19 =	vadd.s32 s28, v19  }
0x6e4: {  	v23 =	vld.idx.msk [tilespmem:v16+s9+$0x0], $0xffff;
	v16 =	vadd.s32 v13, v19  }
0x6e5: {  	[tilespmem:s5+$0x420] =	vst v15;
	v15 =	vld [tilespmem:s1+$0x10F0]  }
0x6e6: {  	v19 =	vadd.s32 s12, v21;
	[tilespmem:s10+$0x420] =	vst v20;
	v20 =	vld [tilespmem:s1+$0x10B0]  }
0x6e7: {  	v21 =	vadd.s32 s30, v22;
	v19 =	vadd.s32 v8, v19;
	v22 =	vld [tilespmem:s1+$0x10B0]  }
0x6e8: {  	v24 =	vadd.s32 v8, v21;
	v25 =	vld.idx.msk [tilespmem:v17+s9+$0x0], $0xffff  }
0x6e9: {  	[tilespmem:s26+$0x450] =	vst v18;
	v16 =	vld.idx.msk [tilespmem:v16+s9+$0x0], $0xffff  }
.Ltmp17:
0x6ea: {  	[tilespmem:s4+$0x440] =	vst v23;
	v17 =	vld [tilespmem:s1+$0x10E0];
	v15 =	vadd.s32 s29, v15;
	s29 =	smov.u32 s16;
	s16 =	smov.u32 s3;
	(pc) =	sbr.rel @p1 .LBB2_25-.Ltmp17, $4  }
0x6eb: {  	s3 =	smov.u32 s11;
	s11 =	smov.u32 s30;
	s30 =	smov.u32 s6;
	v20 =	vadd.s32 s0, v20;
	v18 =	vld [tilespmem:s1+$0x10D0];
	v15 =	vadd.s32 v14, v15  }
0x6ec: {  	v21 =	vld.idx.msk [tilespmem:v19+s9+$0x0], $0xffff;
	v19 =	vadd.s32 s3, v22;
	v20 =	vadd.s32 v12, v20  }
0x6ed: {  	v22 =	vld.idx.msk [tilespmem:v24+s9+$0x0], $0xffff;
	v19 =	vadd.s32 v12, v19  }
0x6ee: {  	s6 =	sadd.s32 $0x2, s6;
	v23 =	vld [tilespmem:s13+$0x1000];
	[tilespmem:s15+$0x440] =	vst v25  }
0x6ef: {  	_ =	sdelay $0x2  }
0x6f0: {  	s13 =	sadd.s32 $0x1, s30  }
0x6f1: {  	v24 =	vadd.s32 s13, v23  }
0x6f2: {  	v45 =	vadd.s32 s30, v23;
	v24 =	vadd.s32 v7, v24  }
0x6f3: {  	v23 =	vadd.s32 v7, v45;
	_ =	sdelay $0x3  }
0x6f4: {  	v24 =	vld.idx.msk [tilespmem:v24+s9+$0x0], $0xffff  }
0x6f5: {  	s6 =	sadd.s32 $0x200, s7;
	v23 =	vld.idx.msk [tilespmem:v23+s9+$0x0], $0xffff  }
0x6f6: {  	s31 =	sadd.s32 $0x100, s31;
	s6 =	sand.u32 $0x1800, s6  }
0x6f7: {  	s19 =	sadd.s32 $0xFFFFFF80, s31;
	s7 =	sand.u32 $0x380, s31;
	s23 =	sadd.s32 $0x17800, s6  }
0x6f8: {  	s25 =	sand.u32 $0x300, s19;
	s6 =	sor.u32 s7, s23  }
0x6f9: {  	s7 =	sor.u32 s25, s23;
	[tilespmem:s6+$0x400] =	vst v24  }
0x6fa: {  	[tilespmem:s7+$0x400] =	vst v23;
	v46 =	vld [tilespmem:s1+$0x1090]  }
0x6fb: {  	v47 =	vld [tilespmem:s1+$0x1090];
	_ =	sdelay $0x3  }
0x6fc: {  	v23 =	vadd.s32 s13, v46  }
0x6fd: {  	v24 =	vadd.s32 s30, v47;
	v23 =	vadd.s32 v8, v23  }
0x6fe: {  	v8 =	vadd.s32 v8, v24  }
0x6ff: {  	[tilespmem:s18+$0x410] =	vst v21  }
0x700: {  	[tilespmem:s17+$0x410] =	vst v22;
	v21 =	vld [tilespmem:s1+$0x10A0]  }
0x701: {  	v22 =	vld [tilespmem:s1+$0x10A0]  }
0x702: {  	v23 =	vld.idx.msk [tilespmem:v23+s9+$0x0], $0xffff  }
0x703: {  	v8 =	vld.idx.msk [tilespmem:v8+s9+$0x0], $0xffff;
	_ =	sdelay $0x1  }
0x704: {  	v21 =	vadd.s32 s12, v21  }
0x705: {  	v22 =	vadd.s32 s11, v22;
	v21 =	vadd.s32 v9, v21  }
0x706: {  	v22 =	vadd.s32 v9, v22;
	[tilespmem:s6+$0x410] =	vst v23  }
0x707: {  	[tilespmem:s7+$0x410] =	vst v8;
	v8 =	vld [tilespmem:s1+$0x10A0]  }
0x708: {  	v48 =	vld [tilespmem:s1+$0x10A0];
	_ =	sdelay $0x1  }
0x709: {  	v21 =	vld.idx.msk [tilespmem:v21+s9+$0x0], $0xffff  }
0x70a: {  	v22 =	vld.idx.msk [tilespmem:v22+s9+$0x0], $0xffff  }
0x70b: {  	v8 =	vadd.s32 s13, v8  }
0x70c: {  	v23 =	vadd.s32 s30, v48;
	v8 =	vadd.s32 v9, v8  }
0x70d: {  	v49 =	vadd.s32 v9, v23  }
0x70e: {  	[tilespmem:s18+$0x420] =	vst v21  }
0x70f: {  	[tilespmem:s17+$0x420] =	vst v22;
	v21 =	vld [tilespmem:s1+$0x10B0]  }
0x710: {  	v22 =	vld [tilespmem:s1+$0x10B0]  }
0x711: {  	v8 =	vld.idx.msk [tilespmem:v8+s9+$0x0], $0xffff  }
0x712: {  	v9 =	vld.idx.msk [tilespmem:v49+s9+$0x0], $0xffff;
	_ =	sdelay $0x1  }
0x713: {  	v21 =	vadd.s32 s12, v21  }
0x714: {  	v22 =	vadd.s32 s11, v22;
	v21 =	vadd.s32 v12, v21  }
0x715: {  	v19 =	vld.idx.msk [tilespmem:v19+s9+$0x0], $0xffff;
	v22 =	vadd.s32 v12, v22;
	[tilespmem:s6+$0x420] =	vst v8  }
0x716: {  	[tilespmem:s7+$0x420] =	vst v9;
	v8 =	vld [tilespmem:s1+$0x10B0]  }
0x717: {  	v9 =	vld [tilespmem:s1+$0x10B0]  }
0x718: {  	v20 =	vld.idx.msk [tilespmem:v20+s9+$0x0], $0xffff  }
0x719: {  	v53 =	vld.idx.msk [tilespmem:v21+s9+$0x0], $0xffff  }
0x71a: {  	[tilespmem:s10+$0x430] =	vst v19;
	v54 =	vld.idx.msk [tilespmem:v22+s9+$0x0], $0xffff  }
0x71b: {  	v56 =	vld [tilespmem:s1+$0x10C0];
	v8 =	vadd.s32 s13, v8  }
0x71c: {  	v9 =	vadd.s32 s30, v9;
	v8 =	vadd.s32 v12, v8  }
0x71d: {  	[tilespmem:s5+$0x430] =	vst v20;
	v9 =	vadd.s32 v12, v9  }
0x71e: {  	[tilespmem:s18+$0x430] =	vst v53  }
0x71f: {  	[tilespmem:s17+$0x430] =	vst v54;
	v20 =	vld [tilespmem:s1+$0x10C0]  }
0x720: {  	v58 =	vadd.s32 s3, v56;
	v21 =	vld [tilespmem:s1+$0x10C0]  }
0x721: {  	v51 =	vadd.s32 s20, v18;
	v18 =	vadd.s32 v11, v58;
	v8 =	vld.idx.msk [tilespmem:v8+s9+$0x0], $0xffff  }
0x722: {  	v9 =	vld.idx.msk [tilespmem:v9+s9+$0x0], $0xffff  }
0x723: {  	v52 =	vld [tilespmem:s1+$0x10C0];
	_ =	sdelay $0x1  }
0x724: {  	v50 =	vld [tilespmem:s1+$0x10D0];
	v20 =	vadd.s32 s12, v20;
	v61 =	vadd.s32 s11, v21;
	v12 =	vadd.s32 v10, v51  }
0x725: {  	v18 =	vld.idx.msk [tilespmem:v18+s9+$0x0], $0xffff;
	v60 =	vadd.s32 v11, v20;
	v20 =	vadd.s32 v11, v61;
	[tilespmem:s6+$0x430] =	vst v8  }
0x726: {  	[tilespmem:s7+$0x430] =	vst v9;
	v57 =	vld [tilespmem:s1+$0x10C0]  }
0x727: {  	v8 =	vadd.s32 s0, v52;
	v59 =	vld [tilespmem:s1+$0x10C0]  }
0x728: {  	v8 =	vadd.s32 v11, v8  }
0x729: {  	v55 =	vadd.s32 s16, v50;
	v12 =	vld.idx.msk [tilespmem:v12+s9+$0x0], $0xffff  }
0x72a: {  	v19 =	vadd.s32 v10, v55;
	[tilespmem:s10+$0x440] =	vst v18;
	v20 =	vld.idx.msk [tilespmem:v20+s9+$0x0], $0xffff  }
0x72b: {  	v18 =	vld [tilespmem:s1+$0x10D0];
	v9 =	vadd.s32 s13, v57  }
0x72c: {  	v22 =	vadd.s32 s30, v59;
	v9 =	vadd.s32 v11, v9  }
0x72d: {  	v8 =	vld.idx.msk [tilespmem:v8+s9+$0x0], $0xffff;
	v63 =	vadd.s32 v11, v22  }
0x72e: {  	[tilespmem:s4+$0x450] =	vst v12;
	v12 =	vld.idx.msk [tilespmem:v60+s9+$0x0], $0xffff  }
0x72f: {  	v19 =	vld.idx.msk [tilespmem:v19+s9+$0x0], $0xffff;
	[tilespmem:s17+$0x440] =	vst v20  }
0x730: {  	v18 =	vadd.s32 s3, v18;
	v28 =	vld [tilespmem:s1+$0x10D0]  }
0x731: {  	v18 =	vadd.s32 v10, v18;
	v9 =	vld.idx.msk [tilespmem:v9+s9+$0x0], $0xffff  }
0x732: {  	[tilespmem:s5+$0x440] =	vst v8;
	v8 =	vld.idx.msk [tilespmem:v63+s9+$0x0], $0xffff  }
0x733: {  	[tilespmem:s18+$0x440] =	vst v12;
	v24 =	vld [tilespmem:s1+$0x10D0]  }
0x734: {  	[tilespmem:s15+$0x450] =	vst v19;
	v26 =	vld [tilespmem:s1+$0x10D0]  }
0x735: {  	v19 =	vld [tilespmem:s1+$0x10E0]  }
0x736: {  	v18 =	vld.idx.msk [tilespmem:v18+s9+$0x0], $0xffff;
	[tilespmem:s6+$0x440] =	vst v9  }
0x737: {  	v21 =	vadd.s32 s11, v28;
	[tilespmem:s7+$0x440] =	vst v8;
	v30 =	vld [tilespmem:s1+$0x10D0]  }
0x738: {  	v21 =	vadd.s32 v10, v21;
	v8 =	vadd.s32 s0, v24;
	v32 =	vld [tilespmem:s1+$0x10D0]  }
0x739: {  	v25 =	vadd.s32 s29, v17;
	v17 =	vadd.s32 s12, v26;
	v8 =	vadd.s32 v10, v8  }
0x73a: {  	v17 =	vadd.s32 v10, v17  }
0x73b: {  	v19 =	vadd.s32 s16, v19;
	[tilespmem:s10+$0x450] =	vst v18  }
0x73c: {  	v31 =	vadd.s32 v13, v19;
	v18 =	vld [tilespmem:s1+$0x10E0];
	v20 =	vadd.s32 s13, v30  }
0x73d: {  	v34 =	vld.idx.msk [tilespmem:v21+s9+$0x0], $0xffff;
	v19 =	vadd.s32 s30, v32;
	v20 =	vadd.s32 v10, v20  }
0x73e: {  	v8 =	vld.idx.msk [tilespmem:v8+s9+$0x0], $0xffff;
	v33 =	vadd.s32 v10, v19  }
0x73f: {  	v17 =	vld.idx.msk [tilespmem:v17+s9+$0x0], $0xffff  }
0x740: {  	v62 =	vld [tilespmem:s1+$0x10E0]  }
0x741: {  	v12 =	vadd.s32 v13, v25;
	v11 =	vld.idx.msk [tilespmem:v31+s9+$0x0], $0xffff  }
0x742: {  	v20 =	vld.idx.msk [tilespmem:v20+s9+$0x0], $0xffff  }
0x743: {  	[tilespmem:s5+$0x450] =	vst v8;
	v8 =	vld.idx.msk [tilespmem:v33+s9+$0x0], $0xffff  }
0x744: {  	[tilespmem:s18+$0x450] =	vst v17;
	v35 =	vld [tilespmem:s1+$0x10E0]  }
0x745: {  	v27 =	vadd.s32 s20, v62;
	v17 =	vld [tilespmem:s1+$0x10E0]  }
0x746: {  	[tilespmem:s17+$0x450] =	vst v34;
	v29 =	vadd.s32 v13, v27;
	v12 =	vld.idx.msk [tilespmem:v12+s9+$0x0], $0xffff  }
0x747: {  	v37 =	vadd.s32 s3, v18;
	v19 =	vld [tilespmem:s1+$0x10E0];
	[tilespmem:s6+$0x450] =	vst v20  }
0x748: {  	v39 =	vadd.s32 v13, v37;
	[tilespmem:s7+$0x450] =	vst v8;
	v20 =	vld [tilespmem:s1+$0x10E0]  }
0x749: {  	[tilespmem:s24+$0x460] =	vst v16;
	v8 =	vadd.s32 s0, v35;
	v36 =	vld [tilespmem:s1+$0x10E0]  }
0x74a: {  	v38 =	vld [tilespmem:s1+$0x10F0];
	v40 =	vadd.s32 s12, v17;
	v8 =	vadd.s32 v13, v8  }
0x74b: {  	[tilespmem:s15+$0x460] =	vst v11;
	v9 =	vld.idx.msk [tilespmem:v29+s9+$0x0], $0xffff;
	v42 =	vadd.s32 v13, v40  }
0x74c: {  	v47 =	vld [tilespmem:s1+$0x10F0];
	v43 =	vadd.s32 s11, v19  }
0x74d: {  	[tilespmem:s26+$0x460] =	vst v12;
	v12 =	vld.idx.msk [tilespmem:v39+s9+$0x0], $0xffff;
	v45 =	vadd.s32 v13, v43;
	v46 =	vadd.s32 s13, v20  }
0x74e: {  	v41 =	vld [tilespmem:s1+$0x10F0];
	v10 =	vadd.s32 s30, v36;
	v16 =	vadd.s32 v13, v46  }
0x74f: {  	v8 =	vld.idx.msk [tilespmem:v8+s9+$0x0], $0xffff;
	v10 =	vadd.s32 v13, v10  }
0x750: {  	[tilespmem:s4+$0x460] =	vst v9;
	v9 =	vld.idx.msk [tilespmem:v42+s9+$0x0], $0xffff  }
0x751: {  	v44 =	vld [tilespmem:s1+$0x10F0]  }
0x752: {  	v11 =	vld.idx.msk [tilespmem:v45+s9+$0x0], $0xffff  }
0x753: {  	v48 =	vld.idx.msk [tilespmem:v16+s9+$0x0], $0xffff  }
0x754: {  	[tilespmem:s5+$0x460] =	vst v8;
	v8 =	vld.idx.msk [tilespmem:v10+s9+$0x0], $0xffff  }
0x755: {  	[tilespmem:s18+$0x460] =	vst v9;
	v49 =	vld [tilespmem:s1+$0x10F0]  }
0x756: {  	v50 =	vadd.s32 s28, v38;
	[tilespmem:s10+$0x460] =	vst v12;
	v53 =	vld [tilespmem:s1+$0x10F0]  }
0x757: {  	v12 =	vadd.s32 v14, v50;
	v51 =	vld [tilespmem:s1+$0x10F0];
	v52 =	vadd.s32 s29, v41;
	[tilespmem:s17+$0x460] =	vst v11  }
0x758: {  	v54 =	vadd.s32 s20, v44;
	v9 =	vadd.s32 v14, v52;
	v55 =	vld [tilespmem:s1+$0x10F0];
	[tilespmem:s6+$0x460] =	vst v48  }
0x759: {  	v56 =	vadd.s32 s16, v47;
	v11 =	vadd.s32 v14, v54;
	[tilespmem:s7+$0x460] =	vst v8;
	v57 =	vld [tilespmem:s1+$0x10F0]  }
0x75a: {  	v58 =	vadd.s32 v14, v56;
	v8 =	vadd.s32 s0, v49;
	v59 =	vld [tilespmem:s1+$0x10F0]  }
0x75b: {  	v15 =	vld.idx.msk [tilespmem:v15+s9+$0x0], $0xffff;
	v17 =	vadd.s32 s12, v53;
	v8 =	vadd.s32 v14, v8  }
0x75c: {  	v12 =	vld.idx.msk [tilespmem:v12+s9+$0x0], $0xffff;
	v16 =	vadd.s32 s3, v51;
	v17 =	vadd.s32 v14, v17  }
0x75d: {  	v9 =	vld.idx.msk [tilespmem:v9+s9+$0x0], $0xffff;
	v18 =	vadd.s32 s11, v55;
	v16 =	vadd.s32 v14, v16  }
0x75e: {  	v11 =	vld.idx.msk [tilespmem:v11+s9+$0x0], $0xffff;
	v18 =	vadd.s32 v14, v18;
	v19 =	vadd.s32 s13, v57  }
0x75f: {  	v10 =	vld.idx.msk [tilespmem:v58+s9+$0x0], $0xffff;
	v13 =	vadd.s32 s30, v59;
	v19 =	vadd.s32 v14, v19  }
0x760: {  	[tilespmem:s14+$0x470] =	vst v15;
	v8 =	vld.idx.msk [tilespmem:v8+s9+$0x0], $0xffff;
	v13 =	vadd.s32 v14, v13  }
0x761: {  	[tilespmem:s24+$0x470] =	vst v12;
	v61 =	vld.idx.msk [tilespmem:v17+s9+$0x0], $0xffff  }
0x762: {  	[tilespmem:s26+$0x470] =	vst v9;
	v60 =	vld.idx.msk [tilespmem:v16+s9+$0x0], $0xffff  }
0x763: {  	[tilespmem:s4+$0x470] =	vst v11;
	v62 =	vld.idx.msk [tilespmem:v18+s9+$0x0], $0xffff  }
0x764: {  	[tilespmem:s15+$0x470] =	vst v10;
	v63 =	vld.idx.msk [tilespmem:v19+s9+$0x0], $0xffff  }
0x765: {  	[tilespmem:s5+$0x470] =	vst v8;
	v8 =	vld.idx.msk [tilespmem:v13+s9+$0x0], $0xffff  }
0x766: {  	[tilespmem:s18+$0x470] =	vst v61  }
0x767: {  	s2 =	sadd.s32 $0x1, s2;
	[tilespmem:s10+$0x470] =	vst v60  }
0x768: {  	p1 =	sne.s32 s2, $0x8;
	[tilespmem:s17+$0x470] =	vst v62  }
.Ltmp18:
0x769: {  	[tilespmem:s6+$0x470] =	vst v63;
	(pc) =	sbr.rel @p1 .LBB2_22-.Ltmp18, $4  }
.Ltmp19:
0x76a: {  	[tilespmem:s7+$0x470] =	vst v8;
	(pc) =	sbr.rel @!p1 .LBB2_27-.Ltmp19, $4  }
0x76b: {  	s31 =	simm.s32 $0x17800;
	s28 =	rddreg [dreg:$0xe]  }
0x76c: {  	s29 =	simm.s32 $0x800;
	s30 =	simm.s32 $0x10000;
	s0 =	sadd.s32 s1, s28  }
0x76d: {  	[hbm4b:s0+s29] =	stream.strided.scatter [tilespmem:s31], [sflag:$0x6], $0x2000, s30, s29, $0x38;
	[tilespmem:$0x1A090] =	vst v63  }
0x76e: {  	_ = 	snop  }
.LBB2_28:
0x76f: {  	_ =	sfence.sel $0x180000  }
0x770: {  	[bflag:$0x0] =	sbarrier.arrive $0xFFFF  }
0x771: {  	_ =	strace $0x90000047  }
0x772: {  	s0 =	stileid.u32;
	[bflag:$0x2] =	sbarrier.arrive $0xFFFF  }
0x773: {  	p0 =	sne.s32 s0, $0x0;
	s0 =	rddreg [dreg:$0x6]  }
0x774: {  	s0 =	sadd.s32 @!p0 $0x100000, s0  }
0x775: {  	[sflag:s0] =	ssyncadd.tile.s32 @!p0 $0x1;
	_ =	shalt  }
.Lfunc_end2:
_tile_overlayer_lowered:
.L_overlay_start_2:
0x776: {  	(tag) =	ssettag $0x2  }
0x777: {  	s0 =	rddreg [dreg:$0x0];
	s2 =	stileid.u32  }
0x778: {  	s1 =	rddreg [dreg:$0x1];
	p0 =	sne.s32 s2, $0x0  }
0x779: {  	s3 =	rddreg [dreg:$0x2];
	[bflag:$0x3] =	sbarrier.arrive $0xFFFF;
	s2 =	simm.s32 @!p0 $0x1C07  }
0x77a: {  	[timem:s3], [sflag:s2] =	dma.local @!p0 [hbm:s0], s1  }
0x77b: {  	s0 =	simm.s32 @!p0 $0x7  }
0x77c: {  	_ =	swait.ge @!p0 [sflag:s0], s1  }
0x77d: {  	s1 =	ssub.s32 @!p0 $0x0, s1;
	[sflag:s0] =	ssyncset.done @!p0 $0x0  }
0x77e: {  	[sflag:s0] =	ssyncadd.s32 @!p0 s1  }
0x77f: {  	[bflag:$0x3] =	sbarrier.arrive $0xFFFF  }
0x780: {  	_ =	shalt  }

</sc_bundles>
